<compile_context>
chip_gen: v7x
topology: tpu7x:2x2x1
jax: 0.10.2.dev20260603
libtpu: 0.0.44.dev20260713+nightly
codegen_flags: <defaults>
</compile_context>

<pallas_src>
import functools

import jax
import jax.numpy as jnp
from jax import lax
from jax.experimental import pallas as pl
from jax.experimental.pallas import tpu as pltpu
from jax.experimental.pallas import tpu_sc as plsc

_NUM_CLASSES = 1000
_BATCH = 16384
_D = 1000
_DPAD = 1024
_DMAIN = 896
_DTAIL = _D - _DMAIN

_NC = 2
_NS = 16
_NW = _NC * _NS
_SBATCH = _BATCH
_BPW = _SBATCH // _NW
_CHUNK = 32
_NCHUNK = _BPW // _CHUNK
_NBUF = 3
_K = 2


def _emb_body(idx_hbm, table_hbm, out_hbm, idx_v, rows_v, tail_v,
              gat_sem, out_sem, tail_sem):
    wid = lax.axis_index("s") * _NC + lax.axis_index("c")
    base = wid * _BPW
    pltpu.sync_copy(idx_hbm.at[wid], idx_v)

    gats = [None] * _NBUF
    outs = [None] * _NBUF
    touts = [None] * _NBUF

    def _repack_tail(b):
        def body(r, carry):
            for j in range(6):
                tail_v[b, r, pl.ds(16 * j, 16)] = rows_v[b, r, pl.ds(_DMAIN + 16 * j, 16)]
            tail_v[b, r, pl.ds(_DTAIL - 16, 16)] = rows_v[b, r, pl.ds(_DMAIN + _DTAIL - 16, 16)]
            return carry
        lax.fori_loop(0, _CHUNK, body, 0)

    for g in range(_NCHUNK + _K):
        if g < _NCHUNK:
            b = g % _NBUF
            if outs[b] is not None:
                outs[b].wait()
                touts[b].wait()
            gats[b] = pltpu.async_copy(
                table_hbm.at[idx_v.at[g]],
                rows_v.at[b],
                gat_sem.at[b],
            )
        if g >= _K:
            pb = (g - _K) % _NBUF
            row0 = base + (g - _K) * _CHUNK
            gats[pb].wait()
            outs[pb] = pltpu.async_copy(
                rows_v.at[pb, :, pl.ds(0, _DMAIN)],
                out_hbm.at[pl.ds(row0, _CHUNK), pl.ds(0, _DMAIN)],
                out_sem.at[pb],
            )
            _repack_tail(pb)
            touts[pb] = pltpu.async_copy(
                tail_v.at[pb],
                out_hbm.at[pl.ds(row0, _CHUNK), pl.ds(_DMAIN, _DTAIL)],
                tail_sem.at[pb],
            )
    for b in range(_NBUF):
        if outs[b] is not None:
            outs[b].wait()
            touts[b].wait()


@functools.partial(
    pl.kernel,
    mesh=plsc.VectorSubcoreMesh(core_axis_name="c", subcore_axis_name="s"),
    out_type=jax.ShapeDtypeStruct((_SBATCH, _D), jnp.float32),
    scratch_types=[
        pltpu.VMEM((_NCHUNK, _CHUNK), jnp.int32),
        pltpu.VMEM((_NBUF, _CHUNK, _DPAD), jnp.float32),
        pltpu.VMEM((_NBUF, _CHUNK, _DTAIL), jnp.float32),
        pltpu.SemaphoreType.DMA((_NBUF,)),
        pltpu.SemaphoreType.DMA((_NBUF,)),
        pltpu.SemaphoreType.DMA((_NBUF,)),
    ],
)
def _emb(idx_hbm, table_hbm, out_hbm, idx_v, rows_v, tail_v,
         gat_sem, out_sem, tail_sem):
    _emb_body(idx_hbm, table_hbm, out_hbm, idx_v, rows_v, tail_v,
              gat_sem, out_sem, tail_sem)


def kernel(knowledge, embedding_weight):
    idx = knowledge.astype(jnp.int32).reshape(_NW, _NCHUNK, _CHUNK)
    table = jnp.pad(embedding_weight, ((0, 0), (0, _DPAD - _D)))
    return _emb(idx, table)

# --- scband reference (transcript-rebuilt; emitter-appended) ---
"""Pipeline reference for scband-simple-embedding-21303037788370 (READ-ONLY COPY).

The authoritative reference and input builder live on the scoring server;
editing this copy changes nothing except your own understanding.
"""

import jax, jax.numpy as jnp
import numpy as np

NUM_CLASSES = 1000
BATCH = 16384

def setup_inputs(seed: int = 0) -> dict:
    key = jax.random.key(seed)
    k_idx, k_tab = jax.random.split(key)
    knowledge = jax.random.randint(k_idx, (BATCH,), 0, NUM_CLASSES, dtype=jnp.int64 if jax.config.jax_enable_x64 else jnp.int32)
    embedding_weight = jax.random.normal(k_tab, (NUM_CLASSES, NUM_CLASSES), dtype=jnp.float32)
    return {"knowledge": knowledge, "embedding_weight": embedding_weight}

def reference(knowledge, embedding_weight):
    # torch: self.embedding(knowledge) -> row gather from the table
    return jnp.take(embedding_weight, knowledge, axis=0)

if __name__ == "__main__":
    import jax
    _d = setup_inputs()
    print(jax.jit(kernel)(*tuple(_d.values())))

</pallas_src>

<mosaic_0001>
#map = affine_map<(d0, d1) -> (0, 0, 0)>
#map1 = affine_map<(d0, d1) -> (0, 0)>
module attributes {stable_mosaic.version = 14 : i64} {
  func.func @_emb(%arg0: i32, %arg1: i32, %arg2: memref<32x16x32xi32, #tpu.memory_space<hbm>>, %arg3: memref<1000x1024xf32, #tpu.memory_space<hbm>>, %arg4: memref<16384x1000xf32, #tpu.memory_space<hbm>>, %arg5: memref<16x32xi32, #tpu.memory_space<vmem>>, %arg6: memref<3x32x1024xf32, #tpu.memory_space<vmem>>, %arg7: memref<3x32x104xf32, #tpu.memory_space<vmem>>, %arg8: memref<3x!tpu.dma_semaphore, #tpu.memory_space<semaphore_mem>>, %arg9: memref<3x!tpu.dma_semaphore, #tpu.memory_space<semaphore_mem>>, %arg10: memref<3x!tpu.dma_semaphore, #tpu.memory_space<semaphore_mem>>) attributes {dimension_semantics = [#tpu.dimension_semantics<core_parallel>, #tpu.dimension_semantics<subcore_parallel>], iteration_bounds = array<i64: 2, 16>, scalar_prefetch = 0 : i64, scratch_operands = 6 : i64, tpu.core_type = #tpu.core_type<sc_vector_subcore>, window_params = [{transform_indices = #map}, {transform_indices = #map1}, {transform_indices = #map1}]} {
    %mul3A = arith.constant 2 : i32
    %mul3A_0 = arith.muli %arg1, %mul3A : i32
    %add3A = arith.addi %mul3A_0, %arg0 : i32
    %mul3A_1 = arith.constant 512 : i32
    %mul3A_2 = arith.muli %add3A, %mul3A_1 : i32
    "tpu.region"() ({
      %run_scoped3A = tpu.sem_alloc : memref<!tpu.dma_semaphore, #tpu.memory_space<semaphore_mem>>
      %dma_start3A_1632 = arith.constant 0 : i32
      %dma_start3A_1633 = arith.constant 0 : i32
      %dma_start3A_1634 = tpu.memref_slice %arg2[%add3A, %dma_start3A_1632, %dma_start3A_1633] : memref<32x16x32xi32, #tpu.memory_space<hbm>> -> memref<1x16x32xi32, #tpu.memory_space<hbm>>
      %dma_start3A_1635 = tpu.memref_squeeze %dma_start3A_1634 : memref<1x16x32xi32, #tpu.memory_space<hbm>> -> memref<16x32xi32, #tpu.memory_space<hbm>>
      %dma_start3A_1636 = arith.constant 0 : i32
      %dma_start3A_1637 = arith.constant 0 : i32
      %dma_start3A_1638 = tpu.memref_slice %arg2[%add3A, %dma_start3A_1636, %dma_start3A_1637] : memref<32x16x32xi32, #tpu.memory_space<hbm>> -> memref<1x16x32xi32, #tpu.memory_space<hbm>>
      %dma_start3A_1639 = tpu.memref_squeeze %dma_start3A_1638 : memref<1x16x32xi32, #tpu.memory_space<hbm>> -> memref<16x32xi32, #tpu.memory_space<hbm>>
      tpu.enqueue_dma source(%dma_start3A_1639 : memref<16x32xi32, #tpu.memory_space<hbm>>) target(%arg5 : memref<16x32xi32, #tpu.memory_space<vmem>>) target_semaphore(%run_scoped3A : memref<!tpu.dma_semaphore, #tpu.memory_space<semaphore_mem>>)
      %dma_wait3A_1640 = arith.constant 0 : i32
      %dma_wait3A_1641 = arith.constant 0 : i32
      %dma_wait3A_1642 = tpu.memref_slice %arg2[%add3A, %dma_wait3A_1640, %dma_wait3A_1641] : memref<32x16x32xi32, #tpu.memory_space<hbm>> -> memref<1x16x32xi32, #tpu.memory_space<hbm>>
      %dma_wait3A_1643 = tpu.memref_squeeze %dma_wait3A_1642 : memref<1x16x32xi32, #tpu.memory_space<hbm>> -> memref<16x32xi32, #tpu.memory_space<hbm>>
      %dma_wait3A_1644 = arith.constant 0 : i32
      %dma_wait3A_1645 = arith.constant 0 : i32
      %dma_wait3A_1646 = tpu.memref_slice %arg2[%add3A, %dma_wait3A_1644, %dma_wait3A_1645] : memref<32x16x32xi32, #tpu.memory_space<hbm>> -> memref<1x16x32xi32, #tpu.memory_space<hbm>>
      %dma_wait3A_1647 = tpu.memref_squeeze %dma_wait3A_1646 : memref<1x16x32xi32, #tpu.memory_space<hbm>> -> memref<16x32xi32, #tpu.memory_space<hbm>>
      tpu.wait_dma2 semaphore(%run_scoped3A : memref<!tpu.dma_semaphore, #tpu.memory_space<semaphore_mem>>) src(%dma_wait3A_1647 : memref<16x32xi32, #tpu.memory_space<hbm>>) dst(%arg5 : memref<16x32xi32, #tpu.memory_space<vmem>>)
      tpu.yield
    }) : () -> ()
    %dma_start3A = arith.constant 0 : i32
    %dma_start3A_3 = arith.constant 0 : i32
    %dma_start3A_4 = arith.constant 0 : i32
    %dma_start3A_5 = arith.constant 0 : i32
    %dma_start3A_6 = arith.constant 0 : i32
    %dma_start3A_7 = tpu.memref_slice %arg6[%dma_start3A_3, %dma_start3A_5, %dma_start3A_6] : memref<3x32x1024xf32, #tpu.memory_space<vmem>> -> memref<1x32x1024xf32, #tpu.memory_space<vmem>>
    %dma_start3A_8 = tpu.memref_squeeze %dma_start3A_7 : memref<1x32x1024xf32, #tpu.memory_space<vmem>> -> memref<32x1024xf32, #tpu.memory_space<vmem>>
    %dma_start3A_9 = arith.constant 0 : i32
    %dma_start3A_10 = tpu.memref_slice %arg5[%dma_start3A, %dma_start3A_9] : memref<16x32xi32, #tpu.memory_space<vmem>> -> memref<1x32xi32, #tpu.memory_space<vmem>>
    %dma_start3A_11 = tpu.memref_squeeze %dma_start3A_10 : memref<1x32xi32, #tpu.memory_space<vmem>> -> memref<32xi32, #tpu.memory_space<vmem>>
    %dma_start3A_12 = arith.constant 0 : i32
    %dma_start3A_13 = arith.constant 0 : i32
    %dma_start3A_14 = tpu.memref_slice %arg3[%dma_start3A_12, %dma_start3A_13] : memref<1000x1024xf32, #tpu.memory_space<hbm>> -> memref<1000x1024xf32, #tpu.memory_space<hbm>>
    %dma_start3A_15 = tpu.memref_slice %arg8[%dma_start3A_4] : memref<3x!tpu.dma_semaphore, #tpu.memory_space<semaphore_mem>> -> memref<1x!tpu.dma_semaphore, #tpu.memory_space<semaphore_mem>>
    %dma_start3A_16 = tpu.memref_squeeze %dma_start3A_15 : memref<1x!tpu.dma_semaphore, #tpu.memory_space<semaphore_mem>> -> memref<!tpu.dma_semaphore, #tpu.memory_space<semaphore_mem>>
    tpu.enqueue_indirect_dma source(%dma_start3A_14 : memref<1000x1024xf32, #tpu.memory_space<hbm>>) target(%dma_start3A_8 : memref<32x1024xf32, #tpu.memory_space<vmem>>) offsets(%dma_start3A_11 : memref<32xi32, #tpu.memory_space<vmem>>) semaphore(%dma_start3A_16 : memref<!tpu.dma_semaphore, #tpu.memory_space<semaphore_mem>>)
    %dma_start3A_17 = arith.constant 1 : i32
    %dma_start3A_18 = arith.constant 1 : i32
    %dma_start3A_19 = arith.constant 1 : i32
    %dma_start3A_20 = arith.constant 0 : i32
    %dma_start3A_21 = arith.constant 0 : i32
    %dma_start3A_22 = tpu.memref_slice %arg6[%dma_start3A_18, %dma_start3A_20, %dma_start3A_21] : memref<3x32x1024xf32, #tpu.memory_space<vmem>> -> memref<1x32x1024xf32, #tpu.memory_space<vmem>>
    %dma_start3A_23 = tpu.memref_squeeze %dma_start3A_22 : memref<1x32x1024xf32, #tpu.memory_space<vmem>> -> memref<32x1024xf32, #tpu.memory_space<vmem>>
    %dma_start3A_24 = arith.constant 0 : i32
    %dma_start3A_25 = tpu.memref_slice %arg5[%dma_start3A_17, %dma_start3A_24] : memref<16x32xi32, #tpu.memory_space<vmem>> -> memref<1x32xi32, #tpu.memory_space<vmem>>
    %dma_start3A_26 = tpu.memref_squeeze %dma_start3A_25 : memref<1x32xi32, #tpu.memory_space<vmem>> -> memref<32xi32, #tpu.memory_space<vmem>>
    %dma_start3A_27 = arith.constant 0 : i32
    %dma_start3A_28 = arith.constant 0 : i32
    %dma_start3A_29 = tpu.memref_slice %arg3[%dma_start3A_27, %dma_start3A_28] : memref<1000x1024xf32, #tpu.memory_space<hbm>> -> memref<1000x1024xf32, #tpu.memory_space<hbm>>
    %dma_start3A_30 = tpu.memref_slice %arg8[%dma_start3A_19] : memref<3x!tpu.dma_semaphore, #tpu.memory_space<semaphore_mem>> -> memref<1x!tpu.dma_semaphore, #tpu.memory_space<semaphore_mem>>
    %dma_start3A_31 = tpu.memref_squeeze %dma_start3A_30 : memref<1x!tpu.dma_semaphore, #tpu.memory_space<semaphore_mem>> -> memref<!tpu.dma_semaphore, #tpu.memory_space<semaphore_mem>>
    tpu.enqueue_indirect_dma source(%dma_start3A_29 : memref<1000x1024xf32, #tpu.memory_space<hbm>>) target(%dma_start3A_23 : memref<32x1024xf32, #tpu.memory_space<vmem>>) offsets(%dma_start3A_26 : memref<32xi32, #tpu.memory_space<vmem>>) semaphore(%dma_start3A_31 : memref<!tpu.dma_semaphore, #tpu.memory_space<semaphore_mem>>)
    %dma_start3A_32 = arith.constant 2 : i32
    %dma_start3A_33 = arith.constant 2 : i32
    %dma_start3A_34 = arith.constant 2 : i32
    %dma_start3A_35 = arith.constant 0 : i32
    %dma_start3A_36 = arith.constant 0 : i32
    %dma_start3A_37 = tpu.memref_slice %arg6[%dma_start3A_33, %dma_start3A_35, %dma_start3A_36] : memref<3x32x1024xf32, #tpu.memory_space<vmem>> -> memref<1x32x1024xf32, #tpu.memory_space<vmem>>
    %dma_start3A_38 = tpu.memref_squeeze %dma_start3A_37 : memref<1x32x1024xf32, #tpu.memory_space<vmem>> -> memref<32x1024xf32, #tpu.memory_space<vmem>>
    %dma_start3A_39 = arith.constant 0 : i32
    %dma_start3A_40 = tpu.memref_slice %arg5[%dma_start3A_32, %dma_start3A_39] : memref<16x32xi32, #tpu.memory_space<vmem>> -> memref<1x32xi32, #tpu.memory_space<vmem>>
    %dma_start3A_41 = tpu.memref_squeeze %dma_start3A_40 : memref<1x32xi32, #tpu.memory_space<vmem>> -> memref<32xi32, #tpu.memory_space<vmem>>
    %dma_start3A_42 = arith.constant 0 : i32
    %dma_start3A_43 = arith.constant 0 : i32
    %dma_start3A_44 = tpu.memref_slice %arg3[%dma_start3A_42, %dma_start3A_43] : memref<1000x1024xf32, #tpu.memory_space<hbm>> -> memref<1000x1024xf32, #tpu.memory_space<hbm>>
    %dma_start3A_45 = tpu.memref_slice %arg8[%dma_start3A_34] : memref<3x!tpu.dma_semaphore, #tpu.memory_space<semaphore_mem>> -> memref<1x!tpu.dma_semaphore, #tpu.memory_space<semaphore_mem>>
    %dma_start3A_46 = tpu.memref_squeeze %dma_start3A_45 : memref<1x!tpu.dma_semaphore, #tpu.memory_space<semaphore_mem>> -> memref<!tpu.dma_semaphore, #tpu.memory_space<semaphore_mem>>
    tpu.enqueue_indirect_dma source(%dma_start3A_44 : memref<1000x1024xf32, #tpu.memory_space<hbm>>) target(%dma_start3A_38 : memref<32x1024xf32, #tpu.memory_space<vmem>>) offsets(%dma_start3A_41 : memref<32xi32, #tpu.memory_space<vmem>>) semaphore(%dma_start3A_46 : memref<!tpu.dma_semaphore, #tpu.memory_space<semaphore_mem>>)
    %add3A_47 = arith.constant 0 : i32
    %add3A_48 = arith.addi %mul3A_2, %add3A_47 : i32
    %dma_wait3A = arith.constant 0 : i32
    %dma_wait3A_49 = arith.constant 0 : i32
    %dma_wait3A_50 = arith.constant 0 : i32
    %dma_wait3A_51 = arith.constant 0 : i32
    %dma_wait3A_52 = arith.constant 0 : i32
    %dma_wait3A_53 = tpu.memref_slice %arg6[%dma_wait3A_49, %dma_wait3A_51, %dma_wait3A_52] : memref<3x32x1024xf32, #tpu.memory_space<vmem>> -> memref<1x32x1024xf32, #tpu.memory_space<vmem>>
    %dma_wait3A_54 = tpu.memref_squeeze %dma_wait3A_53 : memref<1x32x1024xf32, #tpu.memory_space<vmem>> -> memref<32x1024xf32, #tpu.memory_space<vmem>>
    %dma_wait3A_55 = arith.constant 0 : i32
    %dma_wait3A_56 = tpu.memref_slice %arg5[%dma_wait3A, %dma_wait3A_55] : memref<16x32xi32, #tpu.memory_space<vmem>> -> memref<1x32xi32, #tpu.memory_space<vmem>>
    %dma_wait3A_57 = tpu.memref_squeeze %dma_wait3A_56 : memref<1x32xi32, #tpu.memory_space<vmem>> -> memref<32xi32, #tpu.memory_space<vmem>>
    %dma_wait3A_58 = arith.constant 0 : i32
    %dma_wait3A_59 = arith.constant 0 : i32
    %dma_wait3A_60 = tpu.memref_slice %arg3[%dma_wait3A_58, %dma_wait3A_59] : memref<1000x1024xf32, #tpu.memory_space<hbm>> -> memref<1000x1024xf32, #tpu.memory_space<hbm>>
    %dma_wait3A_61 = tpu.memref_slice %arg8[%dma_wait3A_50] : memref<3x!tpu.dma_semaphore, #tpu.memory_space<semaphore_mem>> -> memref<1x!tpu.dma_semaphore, #tpu.memory_space<semaphore_mem>>
    %dma_wait3A_62 = tpu.memref_squeeze %dma_wait3A_61 : memref<1x!tpu.dma_semaphore, #tpu.memory_space<semaphore_mem>> -> memref<!tpu.dma_semaphore, #tpu.memory_space<semaphore_mem>>
    tpu.wait_indirect_dma semaphore(%dma_wait3A_62 : memref<!tpu.dma_semaphore, #tpu.memory_space<semaphore_mem>>) src(%dma_wait3A_60 : memref<1000x1024xf32, #tpu.memory_space<hbm>>) dst(%dma_wait3A_54 : memref<32x1024xf32, #tpu.memory_space<vmem>>)
    %dma_start3A_63 = arith.constant 0 : i32
    %dma_start3A_64 = arith.constant 0 : i32
    %dma_start3A_65 = arith.constant 0 : i32
    %dma_start3A_66 = arith.constant 0 : i32
    %dma_start3A_67 = tpu.memref_slice %arg6[%dma_start3A_63, %dma_start3A_65, %dma_start3A_66] : memref<3x32x1024xf32, #tpu.memory_space<vmem>> -> memref<1x32x896xf32, #tpu.memory_space<vmem>>
    %dma_start3A_68 = tpu.memref_squeeze %dma_start3A_67 : memref<1x32x896xf32, #tpu.memory_space<vmem>> -> memref<32x896xf32, #tpu.memory_space<vmem>>
    %dma_start3A_69 = arith.constant 0 : i32
    %dma_start3A_70 = tpu.memref_slice %arg4[%add3A_48, %dma_start3A_69] : memref<16384x1000xf32, #tpu.memory_space<hbm>> -> memref<32x896xf32, #tpu.memory_space<hbm>>
    %dma_start3A_71 = tpu.memref_slice %arg9[%dma_start3A_64] : memref<3x!tpu.dma_semaphore, #tpu.memory_space<semaphore_mem>> -> memref<1x!tpu.dma_semaphore, #tpu.memory_space<semaphore_mem>>
    %dma_start3A_72 = tpu.memref_squeeze %dma_start3A_71 : memref<1x!tpu.dma_semaphore, #tpu.memory_space<semaphore_mem>> -> memref<!tpu.dma_semaphore, #tpu.memory_space<semaphore_mem>>
    %dma_start3A_73 = arith.constant 0 : i32
    %dma_start3A_74 = tpu.memref_slice %arg4[%add3A_48, %dma_start3A_73] : memref<16384x1000xf32, #tpu.memory_space<hbm>> -> memref<32x896xf32, #tpu.memory_space<hbm>>
    %dma_start3A_75 = arith.constant 0 : i32
    %dma_start3A_76 = arith.constant 0 : i32
    %dma_start3A_77 = tpu.memref_slice %arg6[%dma_start3A_63, %dma_start3A_75, %dma_start3A_76] : memref<3x32x1024xf32, #tpu.memory_space<vmem>> -> memref<1x32x896xf32, #tpu.memory_space<vmem>>
    %dma_start3A_78 = tpu.memref_squeeze %dma_start3A_77 : memref<1x32x896xf32, #tpu.memory_space<vmem>> -> memref<32x896xf32, #tpu.memory_space<vmem>>
    tpu.enqueue_dma source(%dma_start3A_78 : memref<32x896xf32, #tpu.memory_space<vmem>>) target(%dma_start3A_74 : memref<32x896xf32, #tpu.memory_space<hbm>>) target_semaphore(%dma_start3A_72 : memref<!tpu.dma_semaphore, #tpu.memory_space<semaphore_mem>>)
    %scan3A = arith.constant 0 : i32
    %scan3A_79 = arith.constant 0 : i32
    %scan3A_80 = arith.constant 32 : i32
    %scan3A_81 = arith.addi %scan3A_79, %scan3A_80 : i32
    %scan3A_82 = arith.constant 1 : i32
    scf.for %scan3A_1632 = %scan3A_79 to %scan3A_81 step %scan3A_82  : i32 {
      %get3A = arith.constant 0 : i32
      %get3A_1633 = arith.index_cast %get3A : i32 to index
      %get3A_1634 = arith.index_cast %scan3A_1632 : i32 to index
      %get3A_1635 = arith.constant 896 : index
      %get3A_1636 = tpu.vector_load %arg6[%get3A_1633, %get3A_1634, %get3A_1635] {strides = array<i32>} : memref<3x32x1024xf32, #tpu.memory_space<vmem>>, vector<1x1x16xf32>,
      %get3A_1637 = vector.shape_cast %get3A_1636 : vector<1x1x16xf32> to vector<16xf32>
      %swap3A = arith.constant 0 : i32
      %swap3A_1638 = arith.index_cast %swap3A : i32 to index
      %swap3A_1639 = arith.index_cast %scan3A_1632 : i32 to index
      %swap3A_1640 = arith.constant 0 : index
      %swap3A_1641 = tpu.vector_load %arg7[%swap3A_1638, %swap3A_1639, %swap3A_1640] {strides = array<i32>} : memref<3x32x104xf32, #tpu.memory_space<vmem>>, vector<1x1x16xf32>,
      %swap3A_1642 = vector.shape_cast %swap3A_1641 : vector<1x1x16xf32> to vector<16xf32>
      %swap3A_1643 = vector.shape_cast %get3A_1637 : vector<16xf32> to vector<1x1x16xf32>
      tpu.vector_store %arg7[%swap3A_1638, %swap3A_1639, %swap3A_1640], %swap3A_1643 {strides = array<i32>} : memref<3x32x104xf32, #tpu.memory_space<vmem>>, vector<1x1x16xf32>,
      %get3A_1644 = arith.constant 0 : i32
      %get3A_1645 = arith.index_cast %get3A_1644 : i32 to index
      %get3A_1646 = arith.index_cast %scan3A_1632 : i32 to index
      %get3A_1647 = arith.constant 912 : index
      %get3A_1648 = tpu.vector_load %arg6[%get3A_1645, %get3A_1646, %get3A_1647] {strides = array<i32>} : memref<3x32x1024xf32, #tpu.memory_space<vmem>>, vector<1x1x16xf32>,
      %get3A_1649 = vector.shape_cast %get3A_1648 : vector<1x1x16xf32> to vector<16xf32>
      %swap3A_1650 = arith.constant 0 : i32
      %swap3A_1651 = arith.index_cast %swap3A_1650 : i32 to index
      %swap3A_1652 = arith.index_cast %scan3A_1632 : i32 to index
      %swap3A_1653 = arith.constant 16 : index
      %swap3A_1654 = tpu.vector_load %arg7[%swap3A_1651, %swap3A_1652, %swap3A_1653] {strides = array<i32>} : memref<3x32x104xf32, #tpu.memory_space<vmem>>, vector<1x1x16xf32>,
      %swap3A_1655 = vector.shape_cast %swap3A_1654 : vector<1x1x16xf32> to vector<16xf32>
      %swap3A_1656 = vector.shape_cast %get3A_1649 : vector<16xf32> to vector<1x1x16xf32>
      tpu.vector_store %arg7[%swap3A_1651, %swap3A_1652, %swap3A_1653], %swap3A_1656 {strides = array<i32>} : memref<3x32x104xf32, #tpu.memory_space<vmem>>, vector<1x1x16xf32>,
      %get3A_1657 = arith.constant 0 : i32
      %get3A_1658 = arith.index_cast %get3A_1657 : i32 to index
      %get3A_1659 = arith.index_cast %scan3A_1632 : i32 to index
      %get3A_1660 = arith.constant 928 : index
      %get3A_1661 = tpu.vector_load %arg6[%get3A_1658, %get3A_1659, %get3A_1660] {strides = array<i32>} : memref<3x32x1024xf32, #tpu.memory_space<vmem>>, vector<1x1x16xf32>,
      %get3A_1662 = vector.shape_cast %get3A_1661 : vector<1x1x16xf32> to vector<16xf32>
      %swap3A_1663 = arith.constant 0 : i32
      %swap3A_1664 = arith.index_cast %swap3A_1663 : i32 to index
      %swap3A_1665 = arith.index_cast %scan3A_1632 : i32 to index
      %swap3A_1666 = arith.constant 32 : index
      %swap3A_1667 = tpu.vector_load %arg7[%swap3A_1664, %swap3A_1665, %swap3A_1666] {strides = array<i32>} : memref<3x32x104xf32, #tpu.memory_space<vmem>>, vector<1x1x16xf32>,
      %swap3A_1668 = vector.shape_cast %swap3A_1667 : vector<1x1x16xf32> to vector<16xf32>
      %swap3A_1669 = vector.shape_cast %get3A_1662 : vector<16xf32> to vector<1x1x16xf32>
      tpu.vector_store %arg7[%swap3A_1664, %swap3A_1665, %swap3A_1666], %swap3A_1669 {strides = array<i32>} : memref<3x32x104xf32, #tpu.memory_space<vmem>>, vector<1x1x16xf32>,
      %get3A_1670 = arith.constant 0 : i32
      %get3A_1671 = arith.index_cast %get3A_1670 : i32 to index
      %get3A_1672 = arith.index_cast %scan3A_1632 : i32 to index
      %get3A_1673 = arith.constant 944 : index
      %get3A_1674 = tpu.vector_load %arg6[%get3A_1671, %get3A_1672, %get3A_1673] {strides = array<i32>} : memref<3x32x1024xf32, #tpu.memory_space<vmem>>, vector<1x1x16xf32>,
      %get3A_1675 = vector.shape_cast %get3A_1674 : vector<1x1x16xf32> to vector<16xf32>
      %swap3A_1676 = arith.constant 0 : i32
      %swap3A_1677 = arith.index_cast %swap3A_1676 : i32 to index
      %swap3A_1678 = arith.index_cast %scan3A_1632 : i32 to index
      %swap3A_1679 = arith.constant 48 : index
      %swap3A_1680 = tpu.vector_load %arg7[%swap3A_1677, %swap3A_1678, %swap3A_1679] {strides = array<i32>} : memref<3x32x104xf32, #tpu.memory_space<vmem>>, vector<1x1x16xf32>,
      %swap3A_1681 = vector.shape_cast %swap3A_1680 : vector<1x1x16xf32> to vector<16xf32>
      %swap3A_1682 = vector.shape_cast %get3A_1675 : vector<16xf32> to vector<1x1x16xf32>
      tpu.vector_store %arg7[%swap3A_1677, %swap3A_1678, %swap3A_1679], %swap3A_1682 {strides = array<i32>} : memref<3x32x104xf32, #tpu.memory_space<vmem>>, vector<1x1x16xf32>,
      %get3A_1683 = arith.constant 0 : i32
      %get3A_1684 = arith.index_cast %get3A_1683 : i32 to index
      %get3A_1685 = arith.index_cast %scan3A_1632 : i32 to index
      %get3A_1686 = arith.constant 960 : index
      %get3A_1687 = tpu.vector_load %arg6[%get3A_1684, %get3A_1685, %get3A_1686] {strides = array<i32>} : memref<3x32x1024xf32, #tpu.memory_space<vmem>>, vector<1x1x16xf32>,
      %get3A_1688 = vector.shape_cast %get3A_1687 : vector<1x1x16xf32> to vector<16xf32>
      %swap3A_1689 = arith.constant 0 : i32
      %swap3A_1690 = arith.index_cast %swap3A_1689 : i32 to index
      %swap3A_1691 = arith.index_cast %scan3A_1632 : i32 to index
      %swap3A_1692 = arith.constant 64 : index
      %swap3A_1693 = tpu.vector_load %arg7[%swap3A_1690, %swap3A_1691, %swap3A_1692] {strides = array<i32>} : memref<3x32x104xf32, #tpu.memory_space<vmem>>, vector<1x1x16xf32>,
      %swap3A_1694 = vector.shape_cast %swap3A_1693 : vector<1x1x16xf32> to vector<16xf32>
      %swap3A_1695 = vector.shape_cast %get3A_1688 : vector<16xf32> to vector<1x1x16xf32>
      tpu.vector_store %arg7[%swap3A_1690, %swap3A_1691, %swap3A_1692], %swap3A_1695 {strides = array<i32>} : memref<3x32x104xf32, #tpu.memory_space<vmem>>, vector<1x1x16xf32>,
      %get3A_1696 = arith.constant 0 : i32
      %get3A_1697 = arith.index_cast %get3A_1696 : i32 to index
      %get3A_1698 = arith.index_cast %scan3A_1632 : i32 to index
      %get3A_1699 = arith.constant 976 : index
      %get3A_1700 = tpu.vector_load %arg6[%get3A_1697, %get3A_1698, %get3A_1699] {strides = array<i32>} : memref<3x32x1024xf32, #tpu.memory_space<vmem>>, vector<1x1x16xf32>,
      %get3A_1701 = vector.shape_cast %get3A_1700 : vector<1x1x16xf32> to vector<16xf32>
      %swap3A_1702 = arith.constant 0 : i32
      %swap3A_1703 = arith.index_cast %swap3A_1702 : i32 to index
      %swap3A_1704 = arith.index_cast %scan3A_1632 : i32 to index
      %swap3A_1705 = arith.constant 80 : index
      %swap3A_1706 = tpu.vector_load %arg7[%swap3A_1703, %swap3A_1704, %swap3A_1705] {strides = array<i32>} : memref<3x32x104xf32, #tpu.memory_space<vmem>>, vector<1x1x16xf32>,
      %swap3A_1707 = vector.shape_cast %swap3A_1706 : vector<1x1x16xf32> to vector<16xf32>
      %swap3A_1708 = vector.shape_cast %get3A_1701 : vector<16xf32> to vector<1x1x16xf32>
      tpu.vector_store %arg7[%swap3A_1703, %swap3A_1704, %swap3A_1705], %swap3A_1708 {strides = array<i32>} : memref<3x32x104xf32, #tpu.memory_space<vmem>>, vector<1x1x16xf32>,
      %get3A_1709 = arith.constant 0 : i32
      %get3A_1710 = arith.index_cast %get3A_1709 : i32 to index
      %get3A_1711 = arith.index_cast %scan3A_1632 : i32 to index
      %get3A_1712 = arith.constant 984 : index
      %get3A_1713 = tpu.vector_load %arg6[%get3A_1710, %get3A_1711, %get3A_1712] {strides = array<i32>} : memref<3x32x1024xf32, #tpu.memory_space<vmem>>, vector<1x1x16xf32>,
      %get3A_1714 = vector.shape_cast %get3A_1713 : vector<1x1x16xf32> to vector<16xf32>
      %swap3A_1715 = arith.constant 0 : i32
      %swap3A_1716 = arith.index_cast %swap3A_1715 : i32 to index
      %swap3A_1717 = arith.index_cast %scan3A_1632 : i32 to index
      %swap3A_1718 = arith.constant 88 : index
      %swap3A_1719 = tpu.vector_load %arg7[%swap3A_1716, %swap3A_1717, %swap3A_1718] {strides = array<i32>} : memref<3x32x104xf32, #tpu.memory_space<vmem>>, vector<1x1x16xf32>,
      %swap3A_1720 = vector.shape_cast %swap3A_1719 : vector<1x1x16xf32> to vector<16xf32>
      %swap3A_1721 = vector.shape_cast %get3A_1714 : vector<16xf32> to vector<1x1x16xf32>
      tpu.vector_store %arg7[%swap3A_1716, %swap3A_1717, %swap3A_1718], %swap3A_1721 {strides = array<i32>} : memref<3x32x104xf32, #tpu.memory_space<vmem>>, vector<1x1x16xf32>,
    }
    %scan3A_83 = arith.constant 32 : i32
    %dma_start3A_84 = arith.constant 0 : i32
    %dma_start3A_85 = arith.constant 0 : i32
    %dma_start3A_86 = arith.constant 0 : i32
    %dma_start3A_87 = arith.constant 0 : i32
    %dma_start3A_88 = tpu.memref_slice %arg7[%dma_start3A_84, %dma_start3A_86, %dma_start3A_87] : memref<3x32x104xf32, #tpu.memory_space<vmem>> -> memref<1x32x104xf32, #tpu.memory_space<vmem>>
    %dma_start3A_89 = tpu.memref_squeeze %dma_start3A_88 : memref<1x32x104xf32, #tpu.memory_space<vmem>> -> memref<32x104xf32, #tpu.memory_space<vmem>>
    %dma_start3A_90 = arith.constant 896 : i32
    %dma_start3A_91 = tpu.memref_slice %arg4[%add3A_48, %dma_start3A_90] : memref<16384x1000xf32, #tpu.memory_space<hbm>> -> memref<32x104xf32, #tpu.memory_space<hbm>>
    %dma_start3A_92 = tpu.memref_slice %arg10[%dma_start3A_85] : memref<3x!tpu.dma_semaphore, #tpu.memory_space<semaphore_mem>> -> memref<1x!tpu.dma_semaphore, #tpu.memory_space<semaphore_mem>>
    %dma_start3A_93 = tpu.memref_squeeze %dma_start3A_92 : memref<1x!tpu.dma_semaphore, #tpu.memory_space<semaphore_mem>> -> memref<!tpu.dma_semaphore, #tpu.memory_space<semaphore_mem>>
    %dma_start3A_94 = arith.constant 896 : i32
    %dma_start3A_95 = tpu.memref_slice %arg4[%add3A_48, %dma_start3A_94] : memref<16384x1000xf32, #tpu.memory_space<hbm>> -> memref<32x104xf32, #tpu.memory_space<hbm>>
    %dma_start3A_96 = arith.constant 0 : i32
    %dma_start3A_97 = arith.constant 0 : i32
    %dma_start3A_98 = tpu.memref_slice %arg7[%dma_start3A_84, %dma_start3A_96, %dma_start3A_97] : memref<3x32x104xf32, #tpu.memory_space<vmem>> -> memref<1x32x104xf32, #tpu.memory_space<vmem>>
    %dma_start3A_99 = tpu.memref_squeeze %dma_start3A_98 : memref<1x32x104xf32, #tpu.memory_space<vmem>> -> memref<32x104xf32, #tpu.memory_space<vmem>>
    tpu.enqueue_dma source(%dma_start3A_99 : memref<32x104xf32, #tpu.memory_space<vmem>>) target(%dma_start3A_95 : memref<32x104xf32, #tpu.memory_space<hbm>>) target_semaphore(%dma_start3A_93 : memref<!tpu.dma_semaphore, #tpu.memory_space<semaphore_mem>>)
    %dma_wait3A_100 = arith.constant 0 : i32
    %dma_wait3A_101 = arith.constant 0 : i32
    %dma_wait3A_102 = arith.constant 0 : i32
    %dma_wait3A_103 = arith.constant 0 : i32
    %dma_wait3A_104 = tpu.memref_slice %arg6[%dma_wait3A_100, %dma_wait3A_102, %dma_wait3A_103] : memref<3x32x1024xf32, #tpu.memory_space<vmem>> -> memref<1x32x896xf32, #tpu.memory_space<vmem>>
    %dma_wait3A_105 = tpu.memref_squeeze %dma_wait3A_104 : memref<1x32x896xf32, #tpu.memory_space<vmem>> -> memref<32x896xf32, #tpu.memory_space<vmem>>
    %dma_wait3A_106 = arith.constant 0 : i32
    %dma_wait3A_107 = tpu.memref_slice %arg4[%add3A_48, %dma_wait3A_106] : memref<16384x1000xf32, #tpu.memory_space<hbm>> -> memref<32x896xf32, #tpu.memory_space<hbm>>
    %dma_wait3A_108 = tpu.memref_slice %arg9[%dma_wait3A_101] : memref<3x!tpu.dma_semaphore, #tpu.memory_space<semaphore_mem>> -> memref<1x!tpu.dma_semaphore, #tpu.memory_space<semaphore_mem>>
    %dma_wait3A_109 = tpu.memref_squeeze %dma_wait3A_108 : memref<1x!tpu.dma_semaphore, #tpu.memory_space<semaphore_mem>> -> memref<!tpu.dma_semaphore, #tpu.memory_space<semaphore_mem>>
    %dma_wait3A_110 = arith.constant 0 : i32
    %dma_wait3A_111 = tpu.memref_slice %arg4[%add3A_48, %dma_wait3A_110] : memref<16384x1000xf32, #tpu.memory_space<hbm>> -> memref<32x896xf32, #tpu.memory_space<hbm>>
    %dma_wait3A_112 = arith.constant 0 : i32
    %dma_wait3A_113 = arith.constant 0 : i32
    %dma_wait3A_114 = tpu.memref_slice %arg6[%dma_wait3A_100, %dma_wait3A_112, %dma_wait3A_113] : memref<3x32x1024xf32, #tpu.memory_space<vmem>> -> memref<1x32x896xf32, #tpu.memory_space<vmem>>
    %dma_wait3A_115 = tpu.memref_squeeze %dma_wait3A_114 : memref<1x32x896xf32, #tpu.memory_space<vmem>> -> memref<32x896xf32, #tpu.memory_space<vmem>>
    tpu.wait_dma2 semaphore(%dma_wait3A_109 : memref<!tpu.dma_semaphore, #tpu.memory_space<semaphore_mem>>) src(%dma_wait3A_115 : memref<32x896xf32, #tpu.memory_space<vmem>>) dst(%dma_wait3A_111 : memref<32x896xf32, #tpu.memory_space<hbm>>)
    %dma_wait3A_116 = arith.constant 0 : i32
    %dma_wait3A_117 = arith.constant 0 : i32
    %dma_wait3A_118 = arith.constant 0 : i32
    %dma_wait3A_119 = arith.constant 0 : i32
    %dma_wait3A_120 = tpu.memref_slice %arg7[%dma_wait3A_116, %dma_wait3A_118, %dma_wait3A_119] : memref<3x32x104xf32, #tpu.memory_space<vmem>> -> memref<1x32x104xf32, #tpu.memory_space<vmem>>
    %dma_wait3A_121 = tpu.memref_squeeze %dma_wait3A_120 : memref<1x32x104xf32, #tpu.memory_space<vmem>> -> memref<32x104xf32, #tpu.memory_space<vmem>>
    %dma_wait3A_122 = arith.constant 896 : i32
    %dma_wait3A_123 = tpu.memref_slice %arg4[%add3A_48, %dma_wait3A_122] : memref<16384x1000xf32, #tpu.memory_space<hbm>> -> memref<32x104xf32, #tpu.memory_space<hbm>>
    %dma_wait3A_124 = tpu.memref_slice %arg10[%dma_wait3A_117] : memref<3x!tpu.dma_semaphore, #tpu.memory_space<semaphore_mem>> -> memref<1x!tpu.dma_semaphore, #tpu.memory_space<semaphore_mem>>
    %dma_wait3A_125 = tpu.memref_squeeze %dma_wait3A_124 : memref<1x!tpu.dma_semaphore, #tpu.memory_space<semaphore_mem>> -> memref<!tpu.dma_semaphore, #tpu.memory_space<semaphore_mem>>
    %dma_wait3A_126 = arith.constant 896 : i32
    %dma_wait3A_127 = tpu.memref_slice %arg4[%add3A_48, %dma_wait3A_126] : memref<16384x1000xf32, #tpu.memory_space<hbm>> -> memref<32x104xf32, #tpu.memory_space<hbm>>
    %dma_wait3A_128 = arith.constant 0 : i32
    %dma_wait3A_129 = arith.constant 0 : i32
    %dma_wait3A_130 = tpu.memref_slice %arg7[%dma_wait3A_116, %dma_wait3A_128, %dma_wait3A_129] : memref<3x32x104xf32, #tpu.memory_space<vmem>> -> memref<1x32x104xf32, #tpu.memory_space<vmem>>
    %dma_wait3A_131 = tpu.memref_squeeze %dma_wait3A_130 : memref<1x32x104xf32, #tpu.memory_space<vmem>> -> memref<32x104xf32, #tpu.memory_space<vmem>>
    tpu.wait_dma2 semaphore(%dma_wait3A_125 : memref<!tpu.dma_semaphore, #tpu.memory_space<semaphore_mem>>) src(%dma_wait3A_131 : memref<32x104xf32, #tpu.memory_space<vmem>>) dst(%dma_wait3A_127 : memref<32x104xf32, #tpu.memory_space<hbm>>)
    %dma_start3A_132 = arith.constant 3 : i32
    %dma_start3A_133 = arith.constant 0 : i32
    %dma_start3A_134 = arith.constant 0 : i32
    %dma_start3A_135 = arith.constant 0 : i32
    %dma_start3A_136 = arith.constant 0 : i32
    %dma_start3A_137 = tpu.memref_slice %arg6[%dma_start3A_133, %dma_start3A_135, %dma_start3A_136] : memref<3x32x1024xf32, #tpu.memory_space<vmem>> -> memref<1x32x1024xf32, #tpu.memory_space<vmem>>
    %dma_start3A_138 = tpu.memref_squeeze %dma_start3A_137 : memref<1x32x1024xf32, #tpu.memory_space<vmem>> -> memref<32x1024xf32, #tpu.memory_space<vmem>>
    %dma_start3A_139 = arith.constant 0 : i32
    %dma_start3A_140 = tpu.memref_slice %arg5[%dma_start3A_132, %dma_start3A_139] : memref<16x32xi32, #tpu.memory_space<vmem>> -> memref<1x32xi32, #tpu.memory_space<vmem>>
    %dma_start3A_141 = tpu.memref_squeeze %dma_start3A_140 : memref<1x32xi32, #tpu.memory_space<vmem>> -> memref<32xi32, #tpu.memory_space<vmem>>
    %dma_start3A_142 = arith.constant 0 : i32
    %dma_start3A_143 = arith.constant 0 : i32
    %dma_start3A_144 = tpu.memref_slice %arg3[%dma_start3A_142, %dma_start3A_143] : memref<1000x1024xf32, #tpu.memory_space<hbm>> -> memref<1000x1024xf32, #tpu.memory_space<hbm>>
    %dma_start3A_145 = tpu.memref_slice %arg8[%dma_start3A_134] : memref<3x!tpu.dma_semaphore, #tpu.memory_space<semaphore_mem>> -> memref<1x!tpu.dma_semaphore, #tpu.memory_space<semaphore_mem>>
    %dma_start3A_146 = tpu.memref_squeeze %dma_start3A_145 : memref<1x!tpu.dma_semaphore, #tpu.memory_space<semaphore_mem>> -> memref<!tpu.dma_semaphore, #tpu.memory_space<semaphore_mem>>
    tpu.enqueue_indirect_dma source(%dma_start3A_144 : memref<1000x1024xf32, #tpu.memory_space<hbm>>) target(%dma_start3A_138 : memref<32x1024xf32, #tpu.memory_space<vmem>>) offsets(%dma_start3A_141 : memref<32xi32, #tpu.memory_space<vmem>>) semaphore(%dma_start3A_146 : memref<!tpu.dma_semaphore, #tpu.memory_space<semaphore_mem>>)
    %add3A_147 = arith.constant 32 : i32
    %add3A_148 = arith.addi %mul3A_2, %add3A_147 : i32
    %dma_wait3A_149 = arith.constant 1 : i32
    %dma_wait3A_150 = arith.constant 1 : i32
    %dma_wait3A_151 = arith.constant 1 : i32
    %dma_wait3A_152 = arith.constant 0 : i32
    %dma_wait3A_153 = arith.constant 0 : i32
    %dma_wait3A_154 = tpu.memref_slice %arg6[%dma_wait3A_150, %dma_wait3A_152, %dma_wait3A_153] : memref<3x32x1024xf32, #tpu.memory_space<vmem>> -> memref<1x32x1024xf32, #tpu.memory_space<vmem>>
    %dma_wait3A_155 = tpu.memref_squeeze %dma_wait3A_154 : memref<1x32x1024xf32, #tpu.memory_space<vmem>> -> memref<32x1024xf32, #tpu.memory_space<vmem>>
    %dma_wait3A_156 = arith.constant 0 : i32
    %dma_wait3A_157 = tpu.memref_slice %arg5[%dma_wait3A_149, %dma_wait3A_156] : memref<16x32xi32, #tpu.memory_space<vmem>> -> memref<1x32xi32, #tpu.memory_space<vmem>>
    %dma_wait3A_158 = tpu.memref_squeeze %dma_wait3A_157 : memref<1x32xi32, #tpu.memory_space<vmem>> -> memref<32xi32, #tpu.memory_space<vmem>>
    %dma_wait3A_159 = arith.constant 0 : i32
    %dma_wait3A_160 = arith.constant 0 : i32
    %dma_wait3A_161 = tpu.memref_slice %arg3[%dma_wait3A_159, %dma_wait3A_160] : memref<1000x1024xf32, #tpu.memory_space<hbm>> -> memref<1000x1024xf32, #tpu.memory_space<hbm>>
    %dma_wait3A_162 = tpu.memref_slice %arg8[%dma_wait3A_151] : memref<3x!tpu.dma_semaphore, #tpu.memory_space<semaphore_mem>> -> memref<1x!tpu.dma_semaphore, #tpu.memory_space<semaphore_mem>>
    %dma_wait3A_163 = tpu.memref_squeeze %dma_wait3A_162 : memref<1x!tpu.dma_semaphore, #tpu.memory_space<semaphore_mem>> -> memref<!tpu.dma_semaphore, #tpu.memory_space<semaphore_mem>>
    tpu.wait_indirect_dma semaphore(%dma_wait3A_163 : memref<!tpu.dma_semaphore, #tpu.memory_space<semaphore_mem>>) src(%dma_wait3A_161 : memref<1000x1024xf32, #tpu.memory_space<hbm>>) dst(%dma_wait3A_155 : memref<32x1024xf32, #tpu.memory_space<vmem>>)
    %dma_start3A_164 = arith.constant 1 : i32
    %dma_start3A_165 = arith.constant 1 : i32
    %dma_start3A_166 = arith.constant 0 : i32
    %dma_start3A_167 = arith.constant 0 : i32
    %dma_start3A_168 = tpu.memref_slice %arg6[%dma_start3A_164, %dma_start3A_166, %dma_start3A_167] : memref<3x32x1024xf32, #tpu.memory_space<vmem>> -> memref<1x32x896xf32, #tpu.memory_space<vmem>>
    %dma_start3A_169 = tpu.memref_squeeze %dma_start3A_168 : memref<1x32x896xf32, #tpu.memory_space<vmem>> -> memref<32x896xf32, #tpu.memory_space<vmem>>
    %dma_start3A_170 = arith.constant 0 : i32
    %dma_start3A_171 = tpu.memref_slice %arg4[%add3A_148, %dma_start3A_170] : memref<16384x1000xf32, #tpu.memory_space<hbm>> -> memref<32x896xf32, #tpu.memory_space<hbm>>
    %dma_start3A_172 = tpu.memref_slice %arg9[%dma_start3A_165] : memref<3x!tpu.dma_semaphore, #tpu.memory_space<semaphore_mem>> -> memref<1x!tpu.dma_semaphore, #tpu.memory_space<semaphore_mem>>
    %dma_start3A_173 = tpu.memref_squeeze %dma_start3A_172 : memref<1x!tpu.dma_semaphore, #tpu.memory_space<semaphore_mem>> -> memref<!tpu.dma_semaphore, #tpu.memory_space<semaphore_mem>>
    %dma_start3A_174 = arith.constant 0 : i32
    %dma_start3A_175 = tpu.memref_slice %arg4[%add3A_148, %dma_start3A_174] : memref<16384x1000xf32, #tpu.memory_space<hbm>> -> memref<32x896xf32, #tpu.memory_space<hbm>>
    %dma_start3A_176 = arith.constant 0 : i32
    %dma_start3A_177 = arith.constant 0 : i32
    %dma_start3A_178 = tpu.memref_slice %arg6[%dma_start3A_164, %dma_start3A_176, %dma_start3A_177] : memref<3x32x1024xf32, #tpu.memory_space<vmem>> -> memref<1x32x896xf32, #tpu.memory_space<vmem>>
    %dma_start3A_179 = tpu.memref_squeeze %dma_start3A_178 : memref<1x32x896xf32, #tpu.memory_space<vmem>> -> memref<32x896xf32, #tpu.memory_space<vmem>>
    tpu.enqueue_dma source(%dma_start3A_179 : memref<32x896xf32, #tpu.memory_space<vmem>>) target(%dma_start3A_175 : memref<32x896xf32, #tpu.memory_space<hbm>>) target_semaphore(%dma_start3A_173 : memref<!tpu.dma_semaphore, #tpu.memory_space<semaphore_mem>>)
    %scan3A_180 = arith.constant 0 : i32
    %scan3A_181 = arith.constant 0 : i32
    %scan3A_182 = arith.constant 32 : i32
    %scan3A_183 = arith.addi %scan3A_181, %scan3A_182 : i32
    %scan3A_184 = arith.constant 1 : i32
    scf.for %scan3A_1632 = %scan3A_181 to %scan3A_183 step %scan3A_184  : i32 {
      %get3A = arith.constant 1 : i32
      %get3A_1633 = arith.index_cast %get3A : i32 to index
      %get3A_1634 = arith.index_cast %scan3A_1632 : i32 to index
      %get3A_1635 = arith.constant 896 : index
      %get3A_1636 = tpu.vector_load %arg6[%get3A_1633, %get3A_1634, %get3A_1635] {strides = array<i32>} : memref<3x32x1024xf32, #tpu.memory_space<vmem>>, vector<1x1x16xf32>,
      %get3A_1637 = vector.shape_cast %get3A_1636 : vector<1x1x16xf32> to vector<16xf32>
      %swap3A = arith.constant 1 : i32
      %swap3A_1638 = arith.index_cast %swap3A : i32 to index
      %swap3A_1639 = arith.index_cast %scan3A_1632 : i32 to index
      %swap3A_1640 = arith.constant 0 : index
      %swap3A_1641 = tpu.vector_load %arg7[%swap3A_1638, %swap3A_1639, %swap3A_1640] {strides = array<i32>} : memref<3x32x104xf32, #tpu.memory_space<vmem>>, vector<1x1x16xf32>,
      %swap3A_1642 = vector.shape_cast %swap3A_1641 : vector<1x1x16xf32> to vector<16xf32>
      %swap3A_1643 = vector.shape_cast %get3A_1637 : vector<16xf32> to vector<1x1x16xf32>
      tpu.vector_store %arg7[%swap3A_1638, %swap3A_1639, %swap3A_1640], %swap3A_1643 {strides = array<i32>} : memref<3x32x104xf32, #tpu.memory_space<vmem>>, vector<1x1x16xf32>,
      %get3A_1644 = arith.constant 1 : i32
      %get3A_1645 = arith.index_cast %get3A_1644 : i32 to index
      %get3A_1646 = arith.index_cast %scan3A_1632 : i32 to index
      %get3A_1647 = arith.constant 912 : index
      %get3A_1648 = tpu.vector_load %arg6[%get3A_1645, %get3A_1646, %get3A_1647] {strides = array<i32>} : memref<3x32x1024xf32, #tpu.memory_space<vmem>>, vector<1x1x16xf32>,
      %get3A_1649 = vector.shape_cast %get3A_1648 : vector<1x1x16xf32> to vector<16xf32>
      %swap3A_1650 = arith.constant 1 : i32
      %swap3A_1651 = arith.index_cast %swap3A_1650 : i32 to index
      %swap3A_1652 = arith.index_cast %scan3A_1632 : i32 to index
      %swap3A_1653 = arith.constant 16 : index
      %swap3A_1654 = tpu.vector_load %arg7[%swap3A_1651, %swap3A_1652, %swap3A_1653] {strides = array<i32>} : memref<3x32x104xf32, #tpu.memory_space<vmem>>, vector<1x1x16xf32>,
      %swap3A_1655 = vector.shape_cast %swap3A_1654 : vector<1x1x16xf32> to vector<16xf32>
      %swap3A_1656 = vector.shape_cast %get3A_1649 : vector<16xf32> to vector<1x1x16xf32>
      tpu.vector_store %arg7[%swap3A_1651, %swap3A_1652, %swap3A_1653], %swap3A_1656 {strides = array<i32>} : memref<3x32x104xf32, #tpu.memory_space<vmem>>, vector<1x1x16xf32>,
      %get3A_1657 = arith.constant 1 : i32
      %get3A_1658 = arith.index_cast %get3A_1657 : i32 to index
      %get3A_1659 = arith.index_cast %scan3A_1632 : i32 to index
      %get3A_1660 = arith.constant 928 : index
      %get3A_1661 = tpu.vector_load %arg6[%get3A_1658, %get3A_1659, %get3A_1660] {strides = array<i32>} : memref<3x32x1024xf32, #tpu.memory_space<vmem>>, vector<1x1x16xf32>,
      %get3A_1662 = vector.shape_cast %get3A_1661 : vector<1x1x16xf32> to vector<16xf32>
      %swap3A_1663 = arith.constant 1 : i32
      %swap3A_1664 = arith.index_cast %swap3A_1663 : i32 to index
      %swap3A_1665 = arith.index_cast %scan3A_1632 : i32 to index
      %swap3A_1666 = arith.constant 32 : index
      %swap3A_1667 = tpu.vector_load %arg7[%swap3A_1664, %swap3A_1665, %swap3A_1666] {strides = array<i32>} : memref<3x32x104xf32, #tpu.memory_space<vmem>>, vector<1x1x16xf32>,
      %swap3A_1668 = vector.shape_cast %swap3A_1667 : vector<1x1x16xf32> to vector<16xf32>
      %swap3A_1669 = vector.shape_cast %get3A_1662 : vector<16xf32> to vector<1x1x16xf32>
      tpu.vector_store %arg7[%swap3A_1664, %swap3A_1665, %swap3A_1666], %swap3A_1669 {strides = array<i32>} : memref<3x32x104xf32, #tpu.memory_space<vmem>>, vector<1x1x16xf32>,
      %get3A_1670 = arith.constant 1 : i32
      %get3A_1671 = arith.index_cast %get3A_1670 : i32 to index
      %get3A_1672 = arith.index_cast %scan3A_1632 : i32 to index
      %get3A_1673 = arith.constant 944 : index
      %get3A_1674 = tpu.vector_load %arg6[%get3A_1671, %get3A_1672, %get3A_1673] {strides = array<i32>} : memref<3x32x1024xf32, #tpu.memory_space<vmem>>, vector<1x1x16xf32>,
      %get3A_1675 = vector.shape_cast %get3A_1674 : vector<1x1x16xf32> to vector<16xf32>
      %swap3A_1676 = arith.constant 1 : i32
      %swap3A_1677 = arith.index_cast %swap3A_1676 : i32 to index
      %swap3A_1678 = arith.index_cast %scan3A_1632 : i32 to index
      %swap3A_1679 = arith.constant 48 : index
      %swap3A_1680 = tpu.vector_load %arg7[%swap3A_1677, %swap3A_1678, %swap3A_1679] {strides = array<i32>} : memref<3x32x104xf32, #tpu.memory_space<vmem>>, vector<1x1x16xf32>,
      %swap3A_1681 = vector.shape_cast %swap3A_1680 : vector<1x1x16xf32> to vector<16xf32>
      %swap3A_1682 = vector.shape_cast %get3A_1675 : vector<16xf32> to vector<1x1x16xf32>
      tpu.vector_store %arg7[%swap3A_1677, %swap3A_1678, %swap3A_1679], %swap3A_1682 {strides = array<i32>} : memref<3x32x104xf32, #tpu.memory_space<vmem>>, vector<1x1x16xf32>,
      %get3A_1683 = arith.constant 1 : i32
      %get3A_1684 = arith.index_cast %get3A_1683 : i32 to index
      %get3A_1685 = arith.index_cast %scan3A_1632 : i32 to index
      %get3A_1686 = arith.constant 960 : index
      %get3A_1687 = tpu.vector_load %arg6[%get3A_1684, %get3A_1685, %get3A_1686] {strides = array<i32>} : memref<3x32x1024xf32, #tpu.memory_space<vmem>>, vector<1x1x16xf32>,
      %get3A_1688 = vector.shape_cast %get3A_1687 : vector<1x1x16xf32> to vector<16xf32>
      %swap3A_1689 = arith.constant 1 : i32
      %swap3A_1690 = arith.index_cast %swap3A_1689 : i32 to index
      %swap3A_1691 = arith.index_cast %scan3A_1632 : i32 to index
      %swap3A_1692 = arith.constant 64 : index
      %swap3A_1693 = tpu.vector_load %arg7[%swap3A_1690, %swap3A_1691, %swap3A_1692] {strides = array<i32>} : memref<3x32x104xf32, #tpu.memory_space<vmem>>, vector<1x1x16xf32>,
      %swap3A_1694 = vector.shape_cast %swap3A_1693 : vector<1x1x16xf32> to vector<16xf32>
      %swap3A_1695 = vector.shape_cast %get3A_1688 : vector<16xf32> to vector<1x1x16xf32>
      tpu.vector_store %arg7[%swap3A_1690, %swap3A_1691, %swap3A_1692], %swap3A_1695 {strides = array<i32>} : memref<3x32x104xf32, #tpu.memory_space<vmem>>, vector<1x1x16xf32>,
      %get3A_1696 = arith.constant 1 : i32
      %get3A_1697 = arith.index_cast %get3A_1696 : i32 to index
      %get3A_1698 = arith.index_cast %scan3A_1632 : i32 to index
      %get3A_1699 = arith.constant 976 : index
      %get3A_1700 = tpu.vector_load %arg6[%get3A_1697, %get3A_1698, %get3A_1699] {strides = array<i32>} : memref<3x32x1024xf32, #tpu.memory_space<vmem>>, vector<1x1x16xf32>,
      %get3A_1701 = vector.shape_cast %get3A_1700 : vector<1x1x16xf32> to vector<16xf32>
      %swap3A_1702 = arith.constant 1 : i32
      %swap3A_1703 = arith.index_cast %swap3A_1702 : i32 to index
      %swap3A_1704 = arith.index_cast %scan3A_1632 : i32 to index
      %swap3A_1705 = arith.constant 80 : index
      %swap3A_1706 = tpu.vector_load %arg7[%swap3A_1703, %swap3A_1704, %swap3A_1705] {strides = array<i32>} : memref<3x32x104xf32, #tpu.memory_space<vmem>>, vector<1x1x16xf32>,
      %swap3A_1707 = vector.shape_cast %swap3A_1706 : vector<1x1x16xf32> to vector<16xf32>
      %swap3A_1708 = vector.shape_cast %get3A_1701 : vector<16xf32> to vector<1x1x16xf32>
      tpu.vector_store %arg7[%swap3A_1703, %swap3A_1704, %swap3A_1705], %swap3A_1708 {strides = array<i32>} : memref<3x32x104xf32, #tpu.memory_space<vmem>>, vector<1x1x16xf32>,
      %get3A_1709 = arith.constant 1 : i32
      %get3A_1710 = arith.index_cast %get3A_1709 : i32 to index
      %get3A_1711 = arith.index_cast %scan3A_1632 : i32 to index
      %get3A_1712 = arith.constant 984 : index
      %get3A_1713 = tpu.vector_load %arg6[%get3A_1710, %get3A_1711, %get3A_1712] {strides = array<i32>} : memref<3x32x1024xf32, #tpu.memory_space<vmem>>, vector<1x1x16xf32>,
      %get3A_1714 = vector.shape_cast %get3A_1713 : vector<1x1x16xf32> to vector<16xf32>
      %swap3A_1715 = arith.constant 1 : i32
      %swap3A_1716 = arith.index_cast %swap3A_1715 : i32 to index
      %swap3A_1717 = arith.index_cast %scan3A_1632 : i32 to index
      %swap3A_1718 = arith.constant 88 : index
      %swap3A_1719 = tpu.vector_load %arg7[%swap3A_1716, %swap3A_1717, %swap3A_1718] {strides = array<i32>} : memref<3x32x104xf32, #tpu.memory_space<vmem>>, vector<1x1x16xf32>,
      %swap3A_1720 = vector.shape_cast %swap3A_1719 : vector<1x1x16xf32> to vector<16xf32>
      %swap3A_1721 = vector.shape_cast %get3A_1714 : vector<16xf32> to vector<1x1x16xf32>
      tpu.vector_store %arg7[%swap3A_1716, %swap3A_1717, %swap3A_1718], %swap3A_1721 {strides = array<i32>} : memref<3x32x104xf32, #tpu.memory_space<vmem>>, vector<1x1x16xf32>,
    }
    %scan3A_185 = arith.constant 32 : i32
    %dma_start3A_186 = arith.constant 1 : i32
    %dma_start3A_187 = arith.constant 1 : i32
    %dma_start3A_188 = arith.constant 0 : i32
    %dma_start3A_189 = arith.constant 0 : i32
    %dma_start3A_190 = tpu.memref_slice %arg7[%dma_start3A_186, %dma_start3A_188, %dma_start3A_189] : memref<3x32x104xf32, #tpu.memory_space<vmem>> -> memref<1x32x104xf32, #tpu.memory_space<vmem>>
    %dma_start3A_191 = tpu.memref_squeeze %dma_start3A_190 : memref<1x32x104xf32, #tpu.memory_space<vmem>> -> memref<32x104xf32, #tpu.memory_space<vmem>>
    %dma_start3A_192 = arith.constant 896 : i32
    %dma_start3A_193 = tpu.memref_slice %arg4[%add3A_148, %dma_start3A_192] : memref<16384x1000xf32, #tpu.memory_space<hbm>> -> memref<32x104xf32, #tpu.memory_space<hbm>>
    %dma_start3A_194 = tpu.memref_slice %arg10[%dma_start3A_187] : memref<3x!tpu.dma_semaphore, #tpu.memory_space<semaphore_mem>> -> memref<1x!tpu.dma_semaphore, #tpu.memory_space<semaphore_mem>>
    %dma_start3A_195 = tpu.memref_squeeze %dma_start3A_194 : memref<1x!tpu.dma_semaphore, #tpu.memory_space<semaphore_mem>> -> memref<!tpu.dma_semaphore, #tpu.memory_space<semaphore_mem>>
    %dma_start3A_196 = arith.constant 896 : i32
    %dma_start3A_197 = tpu.memref_slice %arg4[%add3A_148, %dma_start3A_196] : memref<16384x1000xf32, #tpu.memory_space<hbm>> -> memref<32x104xf32, #tpu.memory_space<hbm>>
    %dma_start3A_198 = arith.constant 0 : i32
    %dma_start3A_199 = arith.constant 0 : i32
    %dma_start3A_200 = tpu.memref_slice %arg7[%dma_start3A_186, %dma_start3A_198, %dma_start3A_199] : memref<3x32x104xf32, #tpu.memory_space<vmem>> -> memref<1x32x104xf32, #tpu.memory_space<vmem>>
    %dma_start3A_201 = tpu.memref_squeeze %dma_start3A_200 : memref<1x32x104xf32, #tpu.memory_space<vmem>> -> memref<32x104xf32, #tpu.memory_space<vmem>>
    tpu.enqueue_dma source(%dma_start3A_201 : memref<32x104xf32, #tpu.memory_space<vmem>>) target(%dma_start3A_197 : memref<32x104xf32, #tpu.memory_space<hbm>>) target_semaphore(%dma_start3A_195 : memref<!tpu.dma_semaphore, #tpu.memory_space<semaphore_mem>>)
    %dma_wait3A_202 = arith.constant 1 : i32
    %dma_wait3A_203 = arith.constant 1 : i32
    %dma_wait3A_204 = arith.constant 0 : i32
    %dma_wait3A_205 = arith.constant 0 : i32
    %dma_wait3A_206 = tpu.memref_slice %arg6[%dma_wait3A_202, %dma_wait3A_204, %dma_wait3A_205] : memref<3x32x1024xf32, #tpu.memory_space<vmem>> -> memref<1x32x896xf32, #tpu.memory_space<vmem>>
    %dma_wait3A_207 = tpu.memref_squeeze %dma_wait3A_206 : memref<1x32x896xf32, #tpu.memory_space<vmem>> -> memref<32x896xf32, #tpu.memory_space<vmem>>
    %dma_wait3A_208 = arith.constant 0 : i32
    %dma_wait3A_209 = tpu.memref_slice %arg4[%add3A_148, %dma_wait3A_208] : memref<16384x1000xf32, #tpu.memory_space<hbm>> -> memref<32x896xf32, #tpu.memory_space<hbm>>
    %dma_wait3A_210 = tpu.memref_slice %arg9[%dma_wait3A_203] : memref<3x!tpu.dma_semaphore, #tpu.memory_space<semaphore_mem>> -> memref<1x!tpu.dma_semaphore, #tpu.memory_space<semaphore_mem>>
    %dma_wait3A_211 = tpu.memref_squeeze %dma_wait3A_210 : memref<1x!tpu.dma_semaphore, #tpu.memory_space<semaphore_mem>> -> memref<!tpu.dma_semaphore, #tpu.memory_space<semaphore_mem>>
    %dma_wait3A_212 = arith.constant 0 : i32
    %dma_wait3A_213 = tpu.memref_slice %arg4[%add3A_148, %dma_wait3A_212] : memref<16384x1000xf32, #tpu.memory_space<hbm>> -> memref<32x896xf32, #tpu.memory_space<hbm>>
    %dma_wait3A_214 = arith.constant 0 : i32
    %dma_wait3A_215 = arith.constant 0 : i32
    %dma_wait3A_216 = tpu.memref_slice %arg6[%dma_wait3A_202, %dma_wait3A_214, %dma_wait3A_215] : memref<3x32x1024xf32, #tpu.memory_space<vmem>> -> memref<1x32x896xf32, #tpu.memory_space<vmem>>
    %dma_wait3A_217 = tpu.memref_squeeze %dma_wait3A_216 : memref<1x32x896xf32, #tpu.memory_space<vmem>> -> memref<32x896xf32, #tpu.memory_space<vmem>>
    tpu.wait_dma2 semaphore(%dma_wait3A_211 : memref<!tpu.dma_semaphore, #tpu.memory_space<semaphore_mem>>) src(%dma_wait3A_217 : memref<32x896xf32, #tpu.memory_space<vmem>>) dst(%dma_wait3A_213 : memref<32x896xf32, #tpu.memory_space<hbm>>)
    %dma_wait3A_218 = arith.constant 1 : i32
    %dma_wait3A_219 = arith.constant 1 : i32
    %dma_wait3A_220 = arith.constant 0 : i32
    %dma_wait3A_221 = arith.constant 0 : i32
    %dma_wait3A_222 = tpu.memref_slice %arg7[%dma_wait3A_218, %dma_wait3A_220, %dma_wait3A_221] : memref<3x32x104xf32, #tpu.memory_space<vmem>> -> memref<1x32x104xf32, #tpu.memory_space<vmem>>
    %dma_wait3A_223 = tpu.memref_squeeze %dma_wait3A_222 : memref<1x32x104xf32, #tpu.memory_space<vmem>> -> memref<32x104xf32, #tpu.memory_space<vmem>>
    %dma_wait3A_224 = arith.constant 896 : i32
    %dma_wait3A_225 = tpu.memref_slice %arg4[%add3A_148, %dma_wait3A_224] : memref<16384x1000xf32, #tpu.memory_space<hbm>> -> memref<32x104xf32, #tpu.memory_space<hbm>>
    %dma_wait3A_226 = tpu.memref_slice %arg10[%dma_wait3A_219] : memref<3x!tpu.dma_semaphore, #tpu.memory_space<semaphore_mem>> -> memref<1x!tpu.dma_semaphore, #tpu.memory_space<semaphore_mem>>
    %dma_wait3A_227 = tpu.memref_squeeze %dma_wait3A_226 : memref<1x!tpu.dma_semaphore, #tpu.memory_space<semaphore_mem>> -> memref<!tpu.dma_semaphore, #tpu.memory_space<semaphore_mem>>
    %dma_wait3A_228 = arith.constant 896 : i32
    %dma_wait3A_229 = tpu.memref_slice %arg4[%add3A_148, %dma_wait3A_228] : memref<16384x1000xf32, #tpu.memory_space<hbm>> -> memref<32x104xf32, #tpu.memory_space<hbm>>
    %dma_wait3A_230 = arith.constant 0 : i32
    %dma_wait3A_231 = arith.constant 0 : i32
    %dma_wait3A_232 = tpu.memref_slice %arg7[%dma_wait3A_218, %dma_wait3A_230, %dma_wait3A_231] : memref<3x32x104xf32, #tpu.memory_space<vmem>> -> memref<1x32x104xf32, #tpu.memory_space<vmem>>
    %dma_wait3A_233 = tpu.memref_squeeze %dma_wait3A_232 : memref<1x32x104xf32, #tpu.memory_space<vmem>> -> memref<32x104xf32, #tpu.memory_space<vmem>>
    tpu.wait_dma2 semaphore(%dma_wait3A_227 : memref<!tpu.dma_semaphore, #tpu.memory_space<semaphore_mem>>) src(%dma_wait3A_233 : memref<32x104xf32, #tpu.memory_space<vmem>>) dst(%dma_wait3A_229 : memref<32x104xf32, #tpu.memory_space<hbm>>)
    %dma_start3A_234 = arith.constant 4 : i32
    %dma_start3A_235 = arith.constant 1 : i32
    %dma_start3A_236 = arith.constant 1 : i32
    %dma_start3A_237 = arith.constant 0 : i32
    %dma_start3A_238 = arith.constant 0 : i32
    %dma_start3A_239 = tpu.memref_slice %arg6[%dma_start3A_235, %dma_start3A_237, %dma_start3A_238] : memref<3x32x1024xf32, #tpu.memory_space<vmem>> -> memref<1x32x1024xf32, #tpu.memory_space<vmem>>
    %dma_start3A_240 = tpu.memref_squeeze %dma_start3A_239 : memref<1x32x1024xf32, #tpu.memory_space<vmem>> -> memref<32x1024xf32, #tpu.memory_space<vmem>>
    %dma_start3A_241 = arith.constant 0 : i32
    %dma_start3A_242 = tpu.memref_slice %arg5[%dma_start3A_234, %dma_start3A_241] : memref<16x32xi32, #tpu.memory_space<vmem>> -> memref<1x32xi32, #tpu.memory_space<vmem>>
    %dma_start3A_243 = tpu.memref_squeeze %dma_start3A_242 : memref<1x32xi32, #tpu.memory_space<vmem>> -> memref<32xi32, #tpu.memory_space<vmem>>
    %dma_start3A_244 = arith.constant 0 : i32
    %dma_start3A_245 = arith.constant 0 : i32
    %dma_start3A_246 = tpu.memref_slice %arg3[%dma_start3A_244, %dma_start3A_245] : memref<1000x1024xf32, #tpu.memory_space<hbm>> -> memref<1000x1024xf32, #tpu.memory_space<hbm>>
    %dma_start3A_247 = tpu.memref_slice %arg8[%dma_start3A_236] : memref<3x!tpu.dma_semaphore, #tpu.memory_space<semaphore_mem>> -> memref<1x!tpu.dma_semaphore, #tpu.memory_space<semaphore_mem>>
    %dma_start3A_248 = tpu.memref_squeeze %dma_start3A_247 : memref<1x!tpu.dma_semaphore, #tpu.memory_space<semaphore_mem>> -> memref<!tpu.dma_semaphore, #tpu.memory_space<semaphore_mem>>
    tpu.enqueue_indirect_dma source(%dma_start3A_246 : memref<1000x1024xf32, #tpu.memory_space<hbm>>) target(%dma_start3A_240 : memref<32x1024xf32, #tpu.memory_space<vmem>>) offsets(%dma_start3A_243 : memref<32xi32, #tpu.memory_space<vmem>>) semaphore(%dma_start3A_248 : memref<!tpu.dma_semaphore, #tpu.memory_space<semaphore_mem>>)
    %add3A_249 = arith.constant 64 : i32
    %add3A_250 = arith.addi %mul3A_2, %add3A_249 : i32
    %dma_wait3A_251 = arith.constant 2 : i32
    %dma_wait3A_252 = arith.constant 2 : i32
    %dma_wait3A_253 = arith.constant 2 : i32
    %dma_wait3A_254 = arith.constant 0 : i32
    %dma_wait3A_255 = arith.constant 0 : i32
    %dma_wait3A_256 = tpu.memref_slice %arg6[%dma_wait3A_252, %dma_wait3A_254, %dma_wait3A_255] : memref<3x32x1024xf32, #tpu.memory_space<vmem>> -> memref<1x32x1024xf32, #tpu.memory_space<vmem>>
    %dma_wait3A_257 = tpu.memref_squeeze %dma_wait3A_256 : memref<1x32x1024xf32, #tpu.memory_space<vmem>> -> memref<32x1024xf32, #tpu.memory_space<vmem>>
    %dma_wait3A_258 = arith.constant 0 : i32
    %dma_wait3A_259 = tpu.memref_slice %arg5[%dma_wait3A_251, %dma_wait3A_258] : memref<16x32xi32, #tpu.memory_space<vmem>> -> memref<1x32xi32, #tpu.memory_space<vmem>>
    %dma_wait3A_260 = tpu.memref_squeeze %dma_wait3A_259 : memref<1x32xi32, #tpu.memory_space<vmem>> -> memref<32xi32, #tpu.memory_space<vmem>>
    %dma_wait3A_261 = arith.constant 0 : i32
    %dma_wait3A_262 = arith.constant 0 : i32
    %dma_wait3A_263 = tpu.memref_slice %arg3[%dma_wait3A_261, %dma_wait3A_262] : memref<1000x1024xf32, #tpu.memory_space<hbm>> -> memref<1000x1024xf32, #tpu.memory_space<hbm>>
    %dma_wait3A_264 = tpu.memref_slice %arg8[%dma_wait3A_253] : memref<3x!tpu.dma_semaphore, #tpu.memory_space<semaphore_mem>> -> memref<1x!tpu.dma_semaphore, #tpu.memory_space<semaphore_mem>>
    %dma_wait3A_265 = tpu.memref_squeeze %dma_wait3A_264 : memref<1x!tpu.dma_semaphore, #tpu.memory_space<semaphore_mem>> -> memref<!tpu.dma_semaphore, #tpu.memory_space<semaphore_mem>>
    tpu.wait_indirect_dma semaphore(%dma_wait3A_265 : memref<!tpu.dma_semaphore, #tpu.memory_space<semaphore_mem>>) src(%dma_wait3A_263 : memref<1000x1024xf32, #tpu.memory_space<hbm>>) dst(%dma_wait3A_257 : memref<32x1024xf32, #tpu.memory_space<vmem>>)
    %dma_start3A_266 = arith.constant 2 : i32
    %dma_start3A_267 = arith.constant 2 : i32
    %dma_start3A_268 = arith.constant 0 : i32
    %dma_start3A_269 = arith.constant 0 : i32
    %dma_start3A_270 = tpu.memref_slice %arg6[%dma_start3A_266, %dma_start3A_268, %dma_start3A_269] : memref<3x32x1024xf32, #tpu.memory_space<vmem>> -> memref<1x32x896xf32, #tpu.memory_space<vmem>>
    %dma_start3A_271 = tpu.memref_squeeze %dma_start3A_270 : memref<1x32x896xf32, #tpu.memory_space<vmem>> -> memref<32x896xf32, #tpu.memory_space<vmem>>
    %dma_start3A_272 = arith.constant 0 : i32
    %dma_start3A_273 = tpu.memref_slice %arg4[%add3A_250, %dma_start3A_272] : memref<16384x1000xf32, #tpu.memory_space<hbm>> -> memref<32x896xf32, #tpu.memory_space<hbm>>
    %dma_start3A_274 = tpu.memref_slice %arg9[%dma_start3A_267] : memref<3x!tpu.dma_semaphore, #tpu.memory_space<semaphore_mem>> -> memref<1x!tpu.dma_semaphore, #tpu.memory_space<semaphore_mem>>
    %dma_start3A_275 = tpu.memref_squeeze %dma_start3A_274 : memref<1x!tpu.dma_semaphore, #tpu.memory_space<semaphore_mem>> -> memref<!tpu.dma_semaphore, #tpu.memory_space<semaphore_mem>>
    %dma_start3A_276 = arith.constant 0 : i32
    %dma_start3A_277 = tpu.memref_slice %arg4[%add3A_250, %dma_start3A_276] : memref<16384x1000xf32, #tpu.memory_space<hbm>> -> memref<32x896xf32, #tpu.memory_space<hbm>>
    %dma_start3A_278 = arith.constant 0 : i32
    %dma_start3A_279 = arith.constant 0 : i32
    %dma_start3A_280 = tpu.memref_slice %arg6[%dma_start3A_266, %dma_start3A_278, %dma_start3A_279] : memref<3x32x1024xf32, #tpu.memory_space<vmem>> -> memref<1x32x896xf32, #tpu.memory_space<vmem>>
    %dma_start3A_281 = tpu.memref_squeeze %dma_start3A_280 : memref<1x32x896xf32, #tpu.memory_space<vmem>> -> memref<32x896xf32, #tpu.memory_space<vmem>>
    tpu.enqueue_dma source(%dma_start3A_281 : memref<32x896xf32, #tpu.memory_space<vmem>>) target(%dma_start3A_277 : memref<32x896xf32, #tpu.memory_space<hbm>>) target_semaphore(%dma_start3A_275 : memref<!tpu.dma_semaphore, #tpu.memory_space<semaphore_mem>>)
    %scan3A_282 = arith.constant 0 : i32
    %scan3A_283 = arith.constant 0 : i32
    %scan3A_284 = arith.constant 32 : i32
    %scan3A_285 = arith.addi %scan3A_283, %scan3A_284 : i32
    %scan3A_286 = arith.constant 1 : i32
    scf.for %scan3A_1632 = %scan3A_283 to %scan3A_285 step %scan3A_286  : i32 {
      %get3A = arith.constant 2 : i32
      %get3A_1633 = arith.index_cast %get3A : i32 to index
      %get3A_1634 = arith.index_cast %scan3A_1632 : i32 to index
      %get3A_1635 = arith.constant 896 : index
      %get3A_1636 = tpu.vector_load %arg6[%get3A_1633, %get3A_1634, %get3A_1635] {strides = array<i32>} : memref<3x32x1024xf32, #tpu.memory_space<vmem>>, vector<1x1x16xf32>,
      %get3A_1637 = vector.shape_cast %get3A_1636 : vector<1x1x16xf32> to vector<16xf32>
      %swap3A = arith.constant 2 : i32
      %swap3A_1638 = arith.index_cast %swap3A : i32 to index
      %swap3A_1639 = arith.index_cast %scan3A_1632 : i32 to index
      %swap3A_1640 = arith.constant 0 : index
      %swap3A_1641 = tpu.vector_load %arg7[%swap3A_1638, %swap3A_1639, %swap3A_1640] {strides = array<i32>} : memref<3x32x104xf32, #tpu.memory_space<vmem>>, vector<1x1x16xf32>,
      %swap3A_1642 = vector.shape_cast %swap3A_1641 : vector<1x1x16xf32> to vector<16xf32>
      %swap3A_1643 = vector.shape_cast %get3A_1637 : vector<16xf32> to vector<1x1x16xf32>
      tpu.vector_store %arg7[%swap3A_1638, %swap3A_1639, %swap3A_1640], %swap3A_1643 {strides = array<i32>} : memref<3x32x104xf32, #tpu.memory_space<vmem>>, vector<1x1x16xf32>,
      %get3A_1644 = arith.constant 2 : i32
      %get3A_1645 = arith.index_cast %get3A_1644 : i32 to index
      %get3A_1646 = arith.index_cast %scan3A_1632 : i32 to index
      %get3A_1647 = arith.constant 912 : index
      %get3A_1648 = tpu.vector_load %arg6[%get3A_1645, %get3A_1646, %get3A_1647] {strides = array<i32>} : memref<3x32x1024xf32, #tpu.memory_space<vmem>>, vector<1x1x16xf32>,
      %get3A_1649 = vector.shape_cast %get3A_1648 : vector<1x1x16xf32> to vector<16xf32>
      %swap3A_1650 = arith.constant 2 : i32
      %swap3A_1651 = arith.index_cast %swap3A_1650 : i32 to index
      %swap3A_1652 = arith.index_cast %scan3A_1632 : i32 to index
      %swap3A_1653 = arith.constant 16 : index
      %swap3A_1654 = tpu.vector_load %arg7[%swap3A_1651, %swap3A_1652, %swap3A_1653] {strides = array<i32>} : memref<3x32x104xf32, #tpu.memory_space<vmem>>, vector<1x1x16xf32>,
      %swap3A_1655 = vector.shape_cast %swap3A_1654 : vector<1x1x16xf32> to vector<16xf32>
      %swap3A_1656 = vector.shape_cast %get3A_1649 : vector<16xf32> to vector<1x1x16xf32>
      tpu.vector_store %arg7[%swap3A_1651, %swap3A_1652, %swap3A_1653], %swap3A_1656 {strides = array<i32>} : memref<3x32x104xf32, #tpu.memory_space<vmem>>, vector<1x1x16xf32>,
      %get3A_1657 = arith.constant 2 : i32
      %get3A_1658 = arith.index_cast %get3A_1657 : i32 to index
      %get3A_1659 = arith.index_cast %scan3A_1632 : i32 to index
      %get3A_1660 = arith.constant 928 : index
      %get3A_1661 = tpu.vector_load %arg6[%get3A_1658, %get3A_1659, %get3A_1660] {strides = array<i32>} : memref<3x32x1024xf32, #tpu.memory_space<vmem>>, vector<1x1x16xf32>,
      %get3A_1662 = vector.shape_cast %get3A_1661 : vector<1x1x16xf32> to vector<16xf32>
      %swap3A_1663 = arith.constant 2 : i32
      %swap3A_1664 = arith.index_cast %swap3A_1663 : i32 to index
      %swap3A_1665 = arith.index_cast %scan3A_1632 : i32 to index
      %swap3A_1666 = arith.constant 32 : index
      %swap3A_1667 = tpu.vector_load %arg7[%swap3A_1664, %swap3A_1665, %swap3A_1666] {strides = array<i32>} : memref<3x32x104xf32, #tpu.memory_space<vmem>>, vector<1x1x16xf32>,
      %swap3A_1668 = vector.shape_cast %swap3A_1667 : vector<1x1x16xf32> to vector<16xf32>
      %swap3A_1669 = vector.shape_cast %get3A_1662 : vector<16xf32> to vector<1x1x16xf32>
      tpu.vector_store %arg7[%swap3A_1664, %swap3A_1665, %swap3A_1666], %swap3A_1669 {strides = array<i32>} : memref<3x32x104xf32, #tpu.memory_space<vmem>>, vector<1x1x16xf32>,
      %get3A_1670 = arith.constant 2 : i32
      %get3A_1671 = arith.index_cast %get3A_1670 : i32 to index
      %get3A_1672 = arith.index_cast %scan3A_1632 : i32 to index
      %get3A_1673 = arith.constant 944 : index
      %get3A_1674 = tpu.vector_load %arg6[%get3A_1671, %get3A_1672, %get3A_1673] {strides = array<i32>} : memref<3x32x1024xf32, #tpu.memory_space<vmem>>, vector<1x1x16xf32>,
      %get3A_1675 = vector.shape_cast %get3A_1674 : vector<1x1x16xf32> to vector<16xf32>
      %swap3A_1676 = arith.constant 2 : i32
      %swap3A_1677 = arith.index_cast %swap3A_1676 : i32 to index
      %swap3A_1678 = arith.index_cast %scan3A_1632 : i32 to index
      %swap3A_1679 = arith.constant 48 : index
      %swap3A_1680 = tpu.vector_load %arg7[%swap3A_1677, %swap3A_1678, %swap3A_1679] {strides = array<i32>} : memref<3x32x104xf32, #tpu.memory_space<vmem>>, vector<1x1x16xf32>,
      %swap3A_1681 = vector.shape_cast %swap3A_1680 : vector<1x1x16xf32> to vector<16xf32>
      %swap3A_1682 = vector.shape_cast %get3A_1675 : vector<16xf32> to vector<1x1x16xf32>
      tpu.vector_store %arg7[%swap3A_1677, %swap3A_1678, %swap3A_1679], %swap3A_1682 {strides = array<i32>} : memref<3x32x104xf32, #tpu.memory_space<vmem>>, vector<1x1x16xf32>,
      %get3A_1683 = arith.constant 2 : i32
      %get3A_1684 = arith.index_cast %get3A_1683 : i32 to index
      %get3A_1685 = arith.index_cast %scan3A_1632 : i32 to index
      %get3A_1686 = arith.constant 960 : index
      %get3A_1687 = tpu.vector_load %arg6[%get3A_1684, %get3A_1685, %get3A_1686] {strides = array<i32>} : memref<3x32x1024xf32, #tpu.memory_space<vmem>>, vector<1x1x16xf32>,
      %get3A_1688 = vector.shape_cast %get3A_1687 : vector<1x1x16xf32> to vector<16xf32>
      %swap3A_1689 = arith.constant 2 : i32
      %swap3A_1690 = arith.index_cast %swap3A_1689 : i32 to index
      %swap3A_1691 = arith.index_cast %scan3A_1632 : i32 to index
      %swap3A_1692 = arith.constant 64 : index
      %swap3A_1693 = tpu.vector_load %arg7[%swap3A_1690, %swap3A_1691, %swap3A_1692] {strides = array<i32>} : memref<3x32x104xf32, #tpu.memory_space<vmem>>, vector<1x1x16xf32>,
      %swap3A_1694 = vector.shape_cast %swap3A_1693 : vector<1x1x16xf32> to vector<16xf32>
      %swap3A_1695 = vector.shape_cast %get3A_1688 : vector<16xf32> to vector<1x1x16xf32>
      tpu.vector_store %arg7[%swap3A_1690, %swap3A_1691, %swap3A_1692], %swap3A_1695 {strides = array<i32>} : memref<3x32x104xf32, #tpu.memory_space<vmem>>, vector<1x1x16xf32>,
      %get3A_1696 = arith.constant 2 : i32
      %get3A_1697 = arith.index_cast %get3A_1696 : i32 to index
      %get3A_1698 = arith.index_cast %scan3A_1632 : i32 to index
      %get3A_1699 = arith.constant 976 : index
      %get3A_1700 = tpu.vector_load %arg6[%get3A_1697, %get3A_1698, %get3A_1699] {strides = array<i32>} : memref<3x32x1024xf32, #tpu.memory_space<vmem>>, vector<1x1x16xf32>,
      %get3A_1701 = vector.shape_cast %get3A_1700 : vector<1x1x16xf32> to vector<16xf32>
      %swap3A_1702 = arith.constant 2 : i32
      %swap3A_1703 = arith.index_cast %swap3A_1702 : i32 to index
      %swap3A_1704 = arith.index_cast %scan3A_1632 : i32 to index
      %swap3A_1705 = arith.constant 80 : index
      %swap3A_1706 = tpu.vector_load %arg7[%swap3A_1703, %swap3A_1704, %swap3A_1705] {strides = array<i32>} : memref<3x32x104xf32, #tpu.memory_space<vmem>>, vector<1x1x16xf32>,
      %swap3A_1707 = vector.shape_cast %swap3A_1706 : vector<1x1x16xf32> to vector<16xf32>
      %swap3A_1708 = vector.shape_cast %get3A_1701 : vector<16xf32> to vector<1x1x16xf32>
      tpu.vector_store %arg7[%swap3A_1703, %swap3A_1704, %swap3A_1705], %swap3A_1708 {strides = array<i32>} : memref<3x32x104xf32, #tpu.memory_space<vmem>>, vector<1x1x16xf32>,
      %get3A_1709 = arith.constant 2 : i32
      %get3A_1710 = arith.index_cast %get3A_1709 : i32 to index
      %get3A_1711 = arith.index_cast %scan3A_1632 : i32 to index
      %get3A_1712 = arith.constant 984 : index
      %get3A_1713 = tpu.vector_load %arg6[%get3A_1710, %get3A_1711, %get3A_1712] {strides = array<i32>} : memref<3x32x1024xf32, #tpu.memory_space<vmem>>, vector<1x1x16xf32>,
      %get3A_1714 = vector.shape_cast %get3A_1713 : vector<1x1x16xf32> to vector<16xf32>
      %swap3A_1715 = arith.constant 2 : i32
      %swap3A_1716 = arith.index_cast %swap3A_1715 : i32 to index
      %swap3A_1717 = arith.index_cast %scan3A_1632 : i32 to index
      %swap3A_1718 = arith.constant 88 : index
      %swap3A_1719 = tpu.vector_load %arg7[%swap3A_1716, %swap3A_1717, %swap3A_1718] {strides = array<i32>} : memref<3x32x104xf32, #tpu.memory_space<vmem>>, vector<1x1x16xf32>,
      %swap3A_1720 = vector.shape_cast %swap3A_1719 : vector<1x1x16xf32> to vector<16xf32>
      %swap3A_1721 = vector.shape_cast %get3A_1714 : vector<16xf32> to vector<1x1x16xf32>
      tpu.vector_store %arg7[%swap3A_1716, %swap3A_1717, %swap3A_1718], %swap3A_1721 {strides = array<i32>} : memref<3x32x104xf32, #tpu.memory_space<vmem>>, vector<1x1x16xf32>,
    }
    %scan3A_287 = arith.constant 32 : i32
    %dma_start3A_288 = arith.constant 2 : i32
    %dma_start3A_289 = arith.constant 2 : i32
    %dma_start3A_290 = arith.constant 0 : i32
    %dma_start3A_291 = arith.constant 0 : i32
    %dma_start3A_292 = tpu.memref_slice %arg7[%dma_start3A_288, %dma_start3A_290, %dma_start3A_291] : memref<3x32x104xf32, #tpu.memory_space<vmem>> -> memref<1x32x104xf32, #tpu.memory_space<vmem>>
    %dma_start3A_293 = tpu.memref_squeeze %dma_start3A_292 : memref<1x32x104xf32, #tpu.memory_space<vmem>> -> memref<32x104xf32, #tpu.memory_space<vmem>>
    %dma_start3A_294 = arith.constant 896 : i32
    %dma_start3A_295 = tpu.memref_slice %arg4[%add3A_250, %dma_start3A_294] : memref<16384x1000xf32, #tpu.memory_space<hbm>> -> memref<32x104xf32, #tpu.memory_space<hbm>>
    %dma_start3A_296 = tpu.memref_slice %arg10[%dma_start3A_289] : memref<3x!tpu.dma_semaphore, #tpu.memory_space<semaphore_mem>> -> memref<1x!tpu.dma_semaphore, #tpu.memory_space<semaphore_mem>>
    %dma_start3A_297 = tpu.memref_squeeze %dma_start3A_296 : memref<1x!tpu.dma_semaphore, #tpu.memory_space<semaphore_mem>> -> memref<!tpu.dma_semaphore, #tpu.memory_space<semaphore_mem>>
    %dma_start3A_298 = arith.constant 896 : i32
    %dma_start3A_299 = tpu.memref_slice %arg4[%add3A_250, %dma_start3A_298] : memref<16384x1000xf32, #tpu.memory_space<hbm>> -> memref<32x104xf32, #tpu.memory_space<hbm>>
    %dma_start3A_300 = arith.constant 0 : i32
    %dma_start3A_301 = arith.constant 0 : i32
    %dma_start3A_302 = tpu.memref_slice %arg7[%dma_start3A_288, %dma_start3A_300, %dma_start3A_301] : memref<3x32x104xf32, #tpu.memory_space<vmem>> -> memref<1x32x104xf32, #tpu.memory_space<vmem>>
    %dma_start3A_303 = tpu.memref_squeeze %dma_start3A_302 : memref<1x32x104xf32, #tpu.memory_space<vmem>> -> memref<32x104xf32, #tpu.memory_space<vmem>>
    tpu.enqueue_dma source(%dma_start3A_303 : memref<32x104xf32, #tpu.memory_space<vmem>>) target(%dma_start3A_299 : memref<32x104xf32, #tpu.memory_space<hbm>>) target_semaphore(%dma_start3A_297 : memref<!tpu.dma_semaphore, #tpu.memory_space<semaphore_mem>>)
    %dma_wait3A_304 = arith.constant 2 : i32
    %dma_wait3A_305 = arith.constant 2 : i32
    %dma_wait3A_306 = arith.constant 0 : i32
    %dma_wait3A_307 = arith.constant 0 : i32
    %dma_wait3A_308 = tpu.memref_slice %arg6[%dma_wait3A_304, %dma_wait3A_306, %dma_wait3A_307] : memref<3x32x1024xf32, #tpu.memory_space<vmem>> -> memref<1x32x896xf32, #tpu.memory_space<vmem>>
    %dma_wait3A_309 = tpu.memref_squeeze %dma_wait3A_308 : memref<1x32x896xf32, #tpu.memory_space<vmem>> -> memref<32x896xf32, #tpu.memory_space<vmem>>
    %dma_wait3A_310 = arith.constant 0 : i32
    %dma_wait3A_311 = tpu.memref_slice %arg4[%add3A_250, %dma_wait3A_310] : memref<16384x1000xf32, #tpu.memory_space<hbm>> -> memref<32x896xf32, #tpu.memory_space<hbm>>
    %dma_wait3A_312 = tpu.memref_slice %arg9[%dma_wait3A_305] : memref<3x!tpu.dma_semaphore, #tpu.memory_space<semaphore_mem>> -> memref<1x!tpu.dma_semaphore, #tpu.memory_space<semaphore_mem>>
    %dma_wait3A_313 = tpu.memref_squeeze %dma_wait3A_312 : memref<1x!tpu.dma_semaphore, #tpu.memory_space<semaphore_mem>> -> memref<!tpu.dma_semaphore, #tpu.memory_space<semaphore_mem>>
    %dma_wait3A_314 = arith.constant 0 : i32
    %dma_wait3A_315 = tpu.memref_slice %arg4[%add3A_250, %dma_wait3A_314] : memref<16384x1000xf32, #tpu.memory_space<hbm>> -> memref<32x896xf32, #tpu.memory_space<hbm>>
    %dma_wait3A_316 = arith.constant 0 : i32
    %dma_wait3A_317 = arith.constant 0 : i32
    %dma_wait3A_318 = tpu.memref_slice %arg6[%dma_wait3A_304, %dma_wait3A_316, %dma_wait3A_317] : memref<3x32x1024xf32, #tpu.memory_space<vmem>> -> memref<1x32x896xf32, #tpu.memory_space<vmem>>
    %dma_wait3A_319 = tpu.memref_squeeze %dma_wait3A_318 : memref<1x32x896xf32, #tpu.memory_space<vmem>> -> memref<32x896xf32, #tpu.memory_space<vmem>>
    tpu.wait_dma2 semaphore(%dma_wait3A_313 : memref<!tpu.dma_semaphore, #tpu.memory_space<semaphore_mem>>) src(%dma_wait3A_319 : memref<32x896xf32, #tpu.memory_space<vmem>>) dst(%dma_wait3A_315 : memref<32x896xf32, #tpu.memory_space<hbm>>)
    %dma_wait3A_320 = arith.constant 2 : i32
    %dma_wait3A_321 = arith.constant 2 : i32
    %dma_wait3A_322 = arith.constant 0 : i32
    %dma_wait3A_323 = arith.constant 0 : i32
    %dma_wait3A_324 = tpu.memref_slice %arg7[%dma_wait3A_320, %dma_wait3A_322, %dma_wait3A_323] : memref<3x32x104xf32, #tpu.memory_space<vmem>> -> memref<1x32x104xf32, #tpu.memory_space<vmem>>
    %dma_wait3A_325 = tpu.memref_squeeze %dma_wait3A_324 : memref<1x32x104xf32, #tpu.memory_space<vmem>> -> memref<32x104xf32, #tpu.memory_space<vmem>>
    %dma_wait3A_326 = arith.constant 896 : i32
    %dma_wait3A_327 = tpu.memref_slice %arg4[%add3A_250, %dma_wait3A_326] : memref<16384x1000xf32, #tpu.memory_space<hbm>> -> memref<32x104xf32, #tpu.memory_space<hbm>>
    %dma_wait3A_328 = tpu.memref_slice %arg10[%dma_wait3A_321] : memref<3x!tpu.dma_semaphore, #tpu.memory_space<semaphore_mem>> -> memref<1x!tpu.dma_semaphore, #tpu.memory_space<semaphore_mem>>
    %dma_wait3A_329 = tpu.memref_squeeze %dma_wait3A_328 : memref<1x!tpu.dma_semaphore, #tpu.memory_space<semaphore_mem>> -> memref<!tpu.dma_semaphore, #tpu.memory_space<semaphore_mem>>
    %dma_wait3A_330 = arith.constant 896 : i32
    %dma_wait3A_331 = tpu.memref_slice %arg4[%add3A_250, %dma_wait3A_330] : memref<16384x1000xf32, #tpu.memory_space<hbm>> -> memref<32x104xf32, #tpu.memory_space<hbm>>
    %dma_wait3A_332 = arith.constant 0 : i32
    %dma_wait3A_333 = arith.constant 0 : i32
    %dma_wait3A_334 = tpu.memref_slice %arg7[%dma_wait3A_320, %dma_wait3A_332, %dma_wait3A_333] : memref<3x32x104xf32, #tpu.memory_space<vmem>> -> memref<1x32x104xf32, #tpu.memory_space<vmem>>
    %dma_wait3A_335 = tpu.memref_squeeze %dma_wait3A_334 : memref<1x32x104xf32, #tpu.memory_space<vmem>> -> memref<32x104xf32, #tpu.memory_space<vmem>>
    tpu.wait_dma2 semaphore(%dma_wait3A_329 : memref<!tpu.dma_semaphore, #tpu.memory_space<semaphore_mem>>) src(%dma_wait3A_335 : memref<32x104xf32, #tpu.memory_space<vmem>>) dst(%dma_wait3A_331 : memref<32x104xf32, #tpu.memory_space<hbm>>)
    %dma_start3A_336 = arith.constant 5 : i32
    %dma_start3A_337 = arith.constant 2 : i32
    %dma_start3A_338 = arith.constant 2 : i32
    %dma_start3A_339 = arith.constant 0 : i32
    %dma_start3A_340 = arith.constant 0 : i32
    %dma_start3A_341 = tpu.memref_slice %arg6[%dma_start3A_337, %dma_start3A_339, %dma_start3A_340] : memref<3x32x1024xf32, #tpu.memory_space<vmem>> -> memref<1x32x1024xf32, #tpu.memory_space<vmem>>
    %dma_start3A_342 = tpu.memref_squeeze %dma_start3A_341 : memref<1x32x1024xf32, #tpu.memory_space<vmem>> -> memref<32x1024xf32, #tpu.memory_space<vmem>>
    %dma_start3A_343 = arith.constant 0 : i32
    %dma_start3A_344 = tpu.memref_slice %arg5[%dma_start3A_336, %dma_start3A_343] : memref<16x32xi32, #tpu.memory_space<vmem>> -> memref<1x32xi32, #tpu.memory_space<vmem>>
    %dma_start3A_345 = tpu.memref_squeeze %dma_start3A_344 : memref<1x32xi32, #tpu.memory_space<vmem>> -> memref<32xi32, #tpu.memory_space<vmem>>
    %dma_start3A_346 = arith.constant 0 : i32
    %dma_start3A_347 = arith.constant 0 : i32
    %dma_start3A_348 = tpu.memref_slice %arg3[%dma_start3A_346, %dma_start3A_347] : memref<1000x1024xf32, #tpu.memory_space<hbm>> -> memref<1000x1024xf32, #tpu.memory_space<hbm>>
    %dma_start3A_349 = tpu.memref_slice %arg8[%dma_start3A_338] : memref<3x!tpu.dma_semaphore, #tpu.memory_space<semaphore_mem>> -> memref<1x!tpu.dma_semaphore, #tpu.memory_space<semaphore_mem>>
    %dma_start3A_350 = tpu.memref_squeeze %dma_start3A_349 : memref<1x!tpu.dma_semaphore, #tpu.memory_space<semaphore_mem>> -> memref<!tpu.dma_semaphore, #tpu.memory_space<semaphore_mem>>
    tpu.enqueue_indirect_dma source(%dma_start3A_348 : memref<1000x1024xf32, #tpu.memory_space<hbm>>) target(%dma_start3A_342 : memref<32x1024xf32, #tpu.memory_space<vmem>>) offsets(%dma_start3A_345 : memref<32xi32, #tpu.memory_space<vmem>>) semaphore(%dma_start3A_350 : memref<!tpu.dma_semaphore, #tpu.memory_space<semaphore_mem>>)
    %add3A_351 = arith.constant 96 : i32
    %add3A_352 = arith.addi %mul3A_2, %add3A_351 : i32
    %dma_wait3A_353 = arith.constant 3 : i32
    %dma_wait3A_354 = arith.constant 0 : i32
    %dma_wait3A_355 = arith.constant 0 : i32
    %dma_wait3A_356 = arith.constant 0 : i32
    %dma_wait3A_357 = arith.constant 0 : i32
    %dma_wait3A_358 = tpu.memref_slice %arg6[%dma_wait3A_354, %dma_wait3A_356, %dma_wait3A_357] : memref<3x32x1024xf32, #tpu.memory_space<vmem>> -> memref<1x32x1024xf32, #tpu.memory_space<vmem>>
    %dma_wait3A_359 = tpu.memref_squeeze %dma_wait3A_358 : memref<1x32x1024xf32, #tpu.memory_space<vmem>> -> memref<32x1024xf32, #tpu.memory_space<vmem>>
    %dma_wait3A_360 = arith.constant 0 : i32
    %dma_wait3A_361 = tpu.memref_slice %arg5[%dma_wait3A_353, %dma_wait3A_360] : memref<16x32xi32, #tpu.memory_space<vmem>> -> memref<1x32xi32, #tpu.memory_space<vmem>>
    %dma_wait3A_362 = tpu.memref_squeeze %dma_wait3A_361 : memref<1x32xi32, #tpu.memory_space<vmem>> -> memref<32xi32, #tpu.memory_space<vmem>>
    %dma_wait3A_363 = arith.constant 0 : i32
    %dma_wait3A_364 = arith.constant 0 : i32
    %dma_wait3A_365 = tpu.memref_slice %arg3[%dma_wait3A_363, %dma_wait3A_364] : memref<1000x1024xf32, #tpu.memory_space<hbm>> -> memref<1000x1024xf32, #tpu.memory_space<hbm>>
    %dma_wait3A_366 = tpu.memref_slice %arg8[%dma_wait3A_355] : memref<3x!tpu.dma_semaphore, #tpu.memory_space<semaphore_mem>> -> memref<1x!tpu.dma_semaphore, #tpu.memory_space<semaphore_mem>>
    %dma_wait3A_367 = tpu.memref_squeeze %dma_wait3A_366 : memref<1x!tpu.dma_semaphore, #tpu.memory_space<semaphore_mem>> -> memref<!tpu.dma_semaphore, #tpu.memory_space<semaphore_mem>>
    tpu.wait_indirect_dma semaphore(%dma_wait3A_367 : memref<!tpu.dma_semaphore, #tpu.memory_space<semaphore_mem>>) src(%dma_wait3A_365 : memref<1000x1024xf32, #tpu.memory_space<hbm>>) dst(%dma_wait3A_359 : memref<32x1024xf32, #tpu.memory_space<vmem>>)
    %dma_start3A_368 = arith.constant 0 : i32
    %dma_start3A_369 = arith.constant 0 : i32
    %dma_start3A_370 = arith.constant 0 : i32
    %dma_start3A_371 = arith.constant 0 : i32
    %dma_start3A_372 = tpu.memref_slice %arg6[%dma_start3A_368, %dma_start3A_370, %dma_start3A_371] : memref<3x32x1024xf32, #tpu.memory_space<vmem>> -> memref<1x32x896xf32, #tpu.memory_space<vmem>>
    %dma_start3A_373 = tpu.memref_squeeze %dma_start3A_372 : memref<1x32x896xf32, #tpu.memory_space<vmem>> -> memref<32x896xf32, #tpu.memory_space<vmem>>
    %dma_start3A_374 = arith.constant 0 : i32
    %dma_start3A_375 = tpu.memref_slice %arg4[%add3A_352, %dma_start3A_374] : memref<16384x1000xf32, #tpu.memory_space<hbm>> -> memref<32x896xf32, #tpu.memory_space<hbm>>
    %dma_start3A_376 = tpu.memref_slice %arg9[%dma_start3A_369] : memref<3x!tpu.dma_semaphore, #tpu.memory_space<semaphore_mem>> -> memref<1x!tpu.dma_semaphore, #tpu.memory_space<semaphore_mem>>
    %dma_start3A_377 = tpu.memref_squeeze %dma_start3A_376 : memref<1x!tpu.dma_semaphore, #tpu.memory_space<semaphore_mem>> -> memref<!tpu.dma_semaphore, #tpu.memory_space<semaphore_mem>>
    %dma_start3A_378 = arith.constant 0 : i32
    %dma_start3A_379 = tpu.memref_slice %arg4[%add3A_352, %dma_start3A_378] : memref<16384x1000xf32, #tpu.memory_space<hbm>> -> memref<32x896xf32, #tpu.memory_space<hbm>>
    %dma_start3A_380 = arith.constant 0 : i32
    %dma_start3A_381 = arith.constant 0 : i32
    %dma_start3A_382 = tpu.memref_slice %arg6[%dma_start3A_368, %dma_start3A_380, %dma_start3A_381] : memref<3x32x1024xf32, #tpu.memory_space<vmem>> -> memref<1x32x896xf32, #tpu.memory_space<vmem>>
    %dma_start3A_383 = tpu.memref_squeeze %dma_start3A_382 : memref<1x32x896xf32, #tpu.memory_space<vmem>> -> memref<32x896xf32, #tpu.memory_space<vmem>>
    tpu.enqueue_dma source(%dma_start3A_383 : memref<32x896xf32, #tpu.memory_space<vmem>>) target(%dma_start3A_379 : memref<32x896xf32, #tpu.memory_space<hbm>>) target_semaphore(%dma_start3A_377 : memref<!tpu.dma_semaphore, #tpu.memory_space<semaphore_mem>>)
    %scan3A_384 = arith.constant 0 : i32
    %scan3A_385 = arith.constant 0 : i32
    %scan3A_386 = arith.constant 32 : i32
    %scan3A_387 = arith.addi %scan3A_385, %scan3A_386 : i32
    %scan3A_388 = arith.constant 1 : i32
    scf.for %scan3A_1632 = %scan3A_385 to %scan3A_387 step %scan3A_388  : i32 {
      %get3A = arith.constant 0 : i32
      %get3A_1633 = arith.index_cast %get3A : i32 to index
      %get3A_1634 = arith.index_cast %scan3A_1632 : i32 to index
      %get3A_1635 = arith.constant 896 : index
      %get3A_1636 = tpu.vector_load %arg6[%get3A_1633, %get3A_1634, %get3A_1635] {strides = array<i32>} : memref<3x32x1024xf32, #tpu.memory_space<vmem>>, vector<1x1x16xf32>,
      %get3A_1637 = vector.shape_cast %get3A_1636 : vector<1x1x16xf32> to vector<16xf32>
      %swap3A = arith.constant 0 : i32
      %swap3A_1638 = arith.index_cast %swap3A : i32 to index
      %swap3A_1639 = arith.index_cast %scan3A_1632 : i32 to index
      %swap3A_1640 = arith.constant 0 : index
      %swap3A_1641 = tpu.vector_load %arg7[%swap3A_1638, %swap3A_1639, %swap3A_1640] {strides = array<i32>} : memref<3x32x104xf32, #tpu.memory_space<vmem>>, vector<1x1x16xf32>,
      %swap3A_1642 = vector.shape_cast %swap3A_1641 : vector<1x1x16xf32> to vector<16xf32>
      %swap3A_1643 = vector.shape_cast %get3A_1637 : vector<16xf32> to vector<1x1x16xf32>
      tpu.vector_store %arg7[%swap3A_1638, %swap3A_1639, %swap3A_1640], %swap3A_1643 {strides = array<i32>} : memref<3x32x104xf32, #tpu.memory_space<vmem>>, vector<1x1x16xf32>,
      %get3A_1644 = arith.constant 0 : i32
      %get3A_1645 = arith.index_cast %get3A_1644 : i32 to index
      %get3A_1646 = arith.index_cast %scan3A_1632 : i32 to index
      %get3A_1647 = arith.constant 912 : index
      %get3A_1648 = tpu.vector_load %arg6[%get3A_1645, %get3A_1646, %get3A_1647] {strides = array<i32>} : memref<3x32x1024xf32, #tpu.memory_space<vmem>>, vector<1x1x16xf32>,
      %get3A_1649 = vector.shape_cast %get3A_1648 : vector<1x1x16xf32> to vector<16xf32>
      %swap3A_1650 = arith.constant 0 : i32
      %swap3A_1651 = arith.index_cast %swap3A_1650 : i32 to index
      %swap3A_1652 = arith.index_cast %scan3A_1632 : i32 to index
      %swap3A_1653 = arith.constant 16 : index
      %swap3A_1654 = tpu.vector_load %arg7[%swap3A_1651, %swap3A_1652, %swap3A_1653] {strides = array<i32>} : memref<3x32x104xf32, #tpu.memory_space<vmem>>, vector<1x1x16xf32>,
      %swap3A_1655 = vector.shape_cast %swap3A_1654 : vector<1x1x16xf32> to vector<16xf32>
      %swap3A_1656 = vector.shape_cast %get3A_1649 : vector<16xf32> to vector<1x1x16xf32>
      tpu.vector_store %arg7[%swap3A_1651, %swap3A_1652, %swap3A_1653], %swap3A_1656 {strides = array<i32>} : memref<3x32x104xf32, #tpu.memory_space<vmem>>, vector<1x1x16xf32>,
      %get3A_1657 = arith.constant 0 : i32
      %get3A_1658 = arith.index_cast %get3A_1657 : i32 to index
      %get3A_1659 = arith.index_cast %scan3A_1632 : i32 to index
      %get3A_1660 = arith.constant 928 : index
      %get3A_1661 = tpu.vector_load %arg6[%get3A_1658, %get3A_1659, %get3A_1660] {strides = array<i32>} : memref<3x32x1024xf32, #tpu.memory_space<vmem>>, vector<1x1x16xf32>,
      %get3A_1662 = vector.shape_cast %get3A_1661 : vector<1x1x16xf32> to vector<16xf32>
      %swap3A_1663 = arith.constant 0 : i32
      %swap3A_1664 = arith.index_cast %swap3A_1663 : i32 to index
      %swap3A_1665 = arith.index_cast %scan3A_1632 : i32 to index
      %swap3A_1666 = arith.constant 32 : index
      %swap3A_1667 = tpu.vector_load %arg7[%swap3A_1664, %swap3A_1665, %swap3A_1666] {strides = array<i32>} : memref<3x32x104xf32, #tpu.memory_space<vmem>>, vector<1x1x16xf32>,
      %swap3A_1668 = vector.shape_cast %swap3A_1667 : vector<1x1x16xf32> to vector<16xf32>
      %swap3A_1669 = vector.shape_cast %get3A_1662 : vector<16xf32> to vector<1x1x16xf32>
      tpu.vector_store %arg7[%swap3A_1664, %swap3A_1665, %swap3A_1666], %swap3A_1669 {strides = array<i32>} : memref<3x32x104xf32, #tpu.memory_space<vmem>>, vector<1x1x16xf32>,
      %get3A_1670 = arith.constant 0 : i32
      %get3A_1671 = arith.index_cast %get3A_1670 : i32 to index
      %get3A_1672 = arith.index_cast %scan3A_1632 : i32 to index
      %get3A_1673 = arith.constant 944 : index
      %get3A_1674 = tpu.vector_load %arg6[%get3A_1671, %get3A_1672, %get3A_1673] {strides = array<i32>} : memref<3x32x1024xf32, #tpu.memory_space<vmem>>, vector<1x1x16xf32>,
      %get3A_1675 = vector.shape_cast %get3A_1674 : vector<1x1x16xf32> to vector<16xf32>
      %swap3A_1676 = arith.constant 0 : i32
      %swap3A_1677 = arith.index_cast %swap3A_1676 : i32 to index
      %swap3A_1678 = arith.index_cast %scan3A_1632 : i32 to index
      %swap3A_1679 = arith.constant 48 : index
      %swap3A_1680 = tpu.vector_load %arg7[%swap3A_1677, %swap3A_1678, %swap3A_1679] {strides = array<i32>} : memref<3x32x104xf32, #tpu.memory_space<vmem>>, vector<1x1x16xf32>,
      %swap3A_1681 = vector.shape_cast %swap3A_1680 : vector<1x1x16xf32> to vector<16xf32>
      %swap3A_1682 = vector.shape_cast %get3A_1675 : vector<16xf32> to vector<1x1x16xf32>
      tpu.vector_store %arg7[%swap3A_1677, %swap3A_1678, %swap3A_1679], %swap3A_1682 {strides = array<i32>} : memref<3x32x104xf32, #tpu.memory_space<vmem>>, vector<1x1x16xf32>,
      %get3A_1683 = arith.constant 0 : i32
      %get3A_1684 = arith.index_cast %get3A_1683 : i32 to index
      %get3A_1685 = arith.index_cast %scan3A_1632 : i32 to index
      %get3A_1686 = arith.constant 960 : index
      %get3A_1687 = tpu.vector_load %arg6[%get3A_1684, %get3A_1685, %get3A_1686] {strides = array<i32>} : memref<3x32x1024xf32, #tpu.memory_space<vmem>>, vector<1x1x16xf32>,
      %get3A_1688 = vector.shape_cast %get3A_1687 : vector<1x1x16xf32> to vector<16xf32>
      %swap3A_1689 = arith.constant 0 : i32
      %swap3A_1690 = arith.index_cast %swap3A_1689 : i32 to index
      %swap3A_1691 = arith.index_cast %scan3A_1632 : i32 to index
      %swap3A_1692 = arith.constant 64 : index
      %swap3A_1693 = tpu.vector_load %arg7[%swap3A_1690, %swap3A_1691, %swap3A_1692] {strides = array<i32>} : memref<3x32x104xf32, #tpu.memory_space<vmem>>, vector<1x1x16xf32>,
      %swap3A_1694 = vector.shape_cast %swap3A_1693 : vector<1x1x16xf32> to vector<16xf32>
      %swap3A_1695 = vector.shape_cast %get3A_1688 : vector<16xf32> to vector<1x1x16xf32>
      tpu.vector_store %arg7[%swap3A_1690, %swap3A_1691, %swap3A_1692], %swap3A_1695 {strides = array<i32>} : memref<3x32x104xf32, #tpu.memory_space<vmem>>, vector<1x1x16xf32>,
      %get3A_1696 = arith.constant 0 : i32
      %get3A_1697 = arith.index_cast %get3A_1696 : i32 to index
      %get3A_1698 = arith.index_cast %scan3A_1632 : i32 to index
      %get3A_1699 = arith.constant 976 : index
      %get3A_1700 = tpu.vector_load %arg6[%get3A_1697, %get3A_1698, %get3A_1699] {strides = array<i32>} : memref<3x32x1024xf32, #tpu.memory_space<vmem>>, vector<1x1x16xf32>,
      %get3A_1701 = vector.shape_cast %get3A_1700 : vector<1x1x16xf32> to vector<16xf32>
      %swap3A_1702 = arith.constant 0 : i32
      %swap3A_1703 = arith.index_cast %swap3A_1702 : i32 to index
      %swap3A_1704 = arith.index_cast %scan3A_1632 : i32 to index
      %swap3A_1705 = arith.constant 80 : index
      %swap3A_1706 = tpu.vector_load %arg7[%swap3A_1703, %swap3A_1704, %swap3A_1705] {strides = array<i32>} : memref<3x32x104xf32, #tpu.memory_space<vmem>>, vector<1x1x16xf32>,
      %swap3A_1707 = vector.shape_cast %swap3A_1706 : vector<1x1x16xf32> to vector<16xf32>
      %swap3A_1708 = vector.shape_cast %get3A_1701 : vector<16xf32> to vector<1x1x16xf32>
      tpu.vector_store %arg7[%swap3A_1703, %swap3A_1704, %swap3A_1705], %swap3A_1708 {strides = array<i32>} : memref<3x32x104xf32, #tpu.memory_space<vmem>>, vector<1x1x16xf32>,
      %get3A_1709 = arith.constant 0 : i32
      %get3A_1710 = arith.index_cast %get3A_1709 : i32 to index
      %get3A_1711 = arith.index_cast %scan3A_1632 : i32 to index
      %get3A_1712 = arith.constant 984 : index
      %get3A_1713 = tpu.vector_load %arg6[%get3A_1710, %get3A_1711, %get3A_1712] {strides = array<i32>} : memref<3x32x1024xf32, #tpu.memory_space<vmem>>, vector<1x1x16xf32>,
      %get3A_1714 = vector.shape_cast %get3A_1713 : vector<1x1x16xf32> to vector<16xf32>
      %swap3A_1715 = arith.constant 0 : i32
      %swap3A_1716 = arith.index_cast %swap3A_1715 : i32 to index
      %swap3A_1717 = arith.index_cast %scan3A_1632 : i32 to index
      %swap3A_1718 = arith.constant 88 : index
      %swap3A_1719 = tpu.vector_load %arg7[%swap3A_1716, %swap3A_1717, %swap3A_1718] {strides = array<i32>} : memref<3x32x104xf32, #tpu.memory_space<vmem>>, vector<1x1x16xf32>,
      %swap3A_1720 = vector.shape_cast %swap3A_1719 : vector<1x1x16xf32> to vector<16xf32>
      %swap3A_1721 = vector.shape_cast %get3A_1714 : vector<16xf32> to vector<1x1x16xf32>
      tpu.vector_store %arg7[%swap3A_1716, %swap3A_1717, %swap3A_1718], %swap3A_1721 {strides = array<i32>} : memref<3x32x104xf32, #tpu.memory_space<vmem>>, vector<1x1x16xf32>,
    }
    %scan3A_389 = arith.constant 32 : i32
    %dma_start3A_390 = arith.constant 0 : i32
    %dma_start3A_391 = arith.constant 0 : i32
    %dma_start3A_392 = arith.constant 0 : i32
    %dma_start3A_393 = arith.constant 0 : i32
    %dma_start3A_394 = tpu.memref_slice %arg7[%dma_start3A_390, %dma_start3A_392, %dma_start3A_393] : memref<3x32x104xf32, #tpu.memory_space<vmem>> -> memref<1x32x104xf32, #tpu.memory_space<vmem>>
    %dma_start3A_395 = tpu.memref_squeeze %dma_start3A_394 : memref<1x32x104xf32, #tpu.memory_space<vmem>> -> memref<32x104xf32, #tpu.memory_space<vmem>>
    %dma_start3A_396 = arith.constant 896 : i32
    %dma_start3A_397 = tpu.memref_slice %arg4[%add3A_352, %dma_start3A_396] : memref<16384x1000xf32, #tpu.memory_space<hbm>> -> memref<32x104xf32, #tpu.memory_space<hbm>>
    %dma_start3A_398 = tpu.memref_slice %arg10[%dma_start3A_391] : memref<3x!tpu.dma_semaphore, #tpu.memory_space<semaphore_mem>> -> memref<1x!tpu.dma_semaphore, #tpu.memory_space<semaphore_mem>>
    %dma_start3A_399 = tpu.memref_squeeze %dma_start3A_398 : memref<1x!tpu.dma_semaphore, #tpu.memory_space<semaphore_mem>> -> memref<!tpu.dma_semaphore, #tpu.memory_space<semaphore_mem>>
    %dma_start3A_400 = arith.constant 896 : i32
    %dma_start3A_401 = tpu.memref_slice %arg4[%add3A_352, %dma_start3A_400] : memref<16384x1000xf32, #tpu.memory_space<hbm>> -> memref<32x104xf32, #tpu.memory_space<hbm>>
    %dma_start3A_402 = arith.constant 0 : i32
    %dma_start3A_403 = arith.constant 0 : i32
    %dma_start3A_404 = tpu.memref_slice %arg7[%dma_start3A_390, %dma_start3A_402, %dma_start3A_403] : memref<3x32x104xf32, #tpu.memory_space<vmem>> -> memref<1x32x104xf32, #tpu.memory_space<vmem>>
    %dma_start3A_405 = tpu.memref_squeeze %dma_start3A_404 : memref<1x32x104xf32, #tpu.memory_space<vmem>> -> memref<32x104xf32, #tpu.memory_space<vmem>>
    tpu.enqueue_dma source(%dma_start3A_405 : memref<32x104xf32, #tpu.memory_space<vmem>>) target(%dma_start3A_401 : memref<32x104xf32, #tpu.memory_space<hbm>>) target_semaphore(%dma_start3A_399 : memref<!tpu.dma_semaphore, #tpu.memory_space<semaphore_mem>>)
    %dma_wait3A_406 = arith.constant 0 : i32
    %dma_wait3A_407 = arith.constant 0 : i32
    %dma_wait3A_408 = arith.constant 0 : i32
    %dma_wait3A_409 = arith.constant 0 : i32
    %dma_wait3A_410 = tpu.memref_slice %arg6[%dma_wait3A_406, %dma_wait3A_408, %dma_wait3A_409] : memref<3x32x1024xf32, #tpu.memory_space<vmem>> -> memref<1x32x896xf32, #tpu.memory_space<vmem>>
    %dma_wait3A_411 = tpu.memref_squeeze %dma_wait3A_410 : memref<1x32x896xf32, #tpu.memory_space<vmem>> -> memref<32x896xf32, #tpu.memory_space<vmem>>
    %dma_wait3A_412 = arith.constant 0 : i32
    %dma_wait3A_413 = tpu.memref_slice %arg4[%add3A_352, %dma_wait3A_412] : memref<16384x1000xf32, #tpu.memory_space<hbm>> -> memref<32x896xf32, #tpu.memory_space<hbm>>
    %dma_wait3A_414 = tpu.memref_slice %arg9[%dma_wait3A_407] : memref<3x!tpu.dma_semaphore, #tpu.memory_space<semaphore_mem>> -> memref<1x!tpu.dma_semaphore, #tpu.memory_space<semaphore_mem>>
    %dma_wait3A_415 = tpu.memref_squeeze %dma_wait3A_414 : memref<1x!tpu.dma_semaphore, #tpu.memory_space<semaphore_mem>> -> memref<!tpu.dma_semaphore, #tpu.memory_space<semaphore_mem>>
    %dma_wait3A_416 = arith.constant 0 : i32
    %dma_wait3A_417 = tpu.memref_slice %arg4[%add3A_352, %dma_wait3A_416] : memref<16384x1000xf32, #tpu.memory_space<hbm>> -> memref<32x896xf32, #tpu.memory_space<hbm>>
    %dma_wait3A_418 = arith.constant 0 : i32
    %dma_wait3A_419 = arith.constant 0 : i32
    %dma_wait3A_420 = tpu.memref_slice %arg6[%dma_wait3A_406, %dma_wait3A_418, %dma_wait3A_419] : memref<3x32x1024xf32, #tpu.memory_space<vmem>> -> memref<1x32x896xf32, #tpu.memory_space<vmem>>
    %dma_wait3A_421 = tpu.memref_squeeze %dma_wait3A_420 : memref<1x32x896xf32, #tpu.memory_space<vmem>> -> memref<32x896xf32, #tpu.memory_space<vmem>>
    tpu.wait_dma2 semaphore(%dma_wait3A_415 : memref<!tpu.dma_semaphore, #tpu.memory_space<semaphore_mem>>) src(%dma_wait3A_421 : memref<32x896xf32, #tpu.memory_space<vmem>>) dst(%dma_wait3A_417 : memref<32x896xf32, #tpu.memory_space<hbm>>)
    %dma_wait3A_422 = arith.constant 0 : i32
    %dma_wait3A_423 = arith.constant 0 : i32
    %dma_wait3A_424 = arith.constant 0 : i32
    %dma_wait3A_425 = arith.constant 0 : i32
    %dma_wait3A_426 = tpu.memref_slice %arg7[%dma_wait3A_422, %dma_wait3A_424, %dma_wait3A_425] : memref<3x32x104xf32, #tpu.memory_space<vmem>> -> memref<1x32x104xf32, #tpu.memory_space<vmem>>
    %dma_wait3A_427 = tpu.memref_squeeze %dma_wait3A_426 : memref<1x32x104xf32, #tpu.memory_space<vmem>> -> memref<32x104xf32, #tpu.memory_space<vmem>>
    %dma_wait3A_428 = arith.constant 896 : i32
    %dma_wait3A_429 = tpu.memref_slice %arg4[%add3A_352, %dma_wait3A_428] : memref<16384x1000xf32, #tpu.memory_space<hbm>> -> memref<32x104xf32, #tpu.memory_space<hbm>>
    %dma_wait3A_430 = tpu.memref_slice %arg10[%dma_wait3A_423] : memref<3x!tpu.dma_semaphore, #tpu.memory_space<semaphore_mem>> -> memref<1x!tpu.dma_semaphore, #tpu.memory_space<semaphore_mem>>
    %dma_wait3A_431 = tpu.memref_squeeze %dma_wait3A_430 : memref<1x!tpu.dma_semaphore, #tpu.memory_space<semaphore_mem>> -> memref<!tpu.dma_semaphore, #tpu.memory_space<semaphore_mem>>
    %dma_wait3A_432 = arith.constant 896 : i32
    %dma_wait3A_433 = tpu.memref_slice %arg4[%add3A_352, %dma_wait3A_432] : memref<16384x1000xf32, #tpu.memory_space<hbm>> -> memref<32x104xf32, #tpu.memory_space<hbm>>
    %dma_wait3A_434 = arith.constant 0 : i32
    %dma_wait3A_435 = arith.constant 0 : i32
    %dma_wait3A_436 = tpu.memref_slice %arg7[%dma_wait3A_422, %dma_wait3A_434, %dma_wait3A_435] : memref<3x32x104xf32, #tpu.memory_space<vmem>> -> memref<1x32x104xf32, #tpu.memory_space<vmem>>
    %dma_wait3A_437 = tpu.memref_squeeze %dma_wait3A_436 : memref<1x32x104xf32, #tpu.memory_space<vmem>> -> memref<32x104xf32, #tpu.memory_space<vmem>>
    tpu.wait_dma2 semaphore(%dma_wait3A_431 : memref<!tpu.dma_semaphore, #tpu.memory_space<semaphore_mem>>) src(%dma_wait3A_437 : memref<32x104xf32, #tpu.memory_space<vmem>>) dst(%dma_wait3A_433 : memref<32x104xf32, #tpu.memory_space<hbm>>)
    %dma_start3A_438 = arith.constant 6 : i32
    %dma_start3A_439 = arith.constant 0 : i32
    %dma_start3A_440 = arith.constant 0 : i32
    %dma_start3A_441 = arith.constant 0 : i32
    %dma_start3A_442 = arith.constant 0 : i32
    %dma_start3A_443 = tpu.memref_slice %arg6[%dma_start3A_439, %dma_start3A_441, %dma_start3A_442] : memref<3x32x1024xf32, #tpu.memory_space<vmem>> -> memref<1x32x1024xf32, #tpu.memory_space<vmem>>
    %dma_start3A_444 = tpu.memref_squeeze %dma_start3A_443 : memref<1x32x1024xf32, #tpu.memory_space<vmem>> -> memref<32x1024xf32, #tpu.memory_space<vmem>>
    %dma_start3A_445 = arith.constant 0 : i32
    %dma_start3A_446 = tpu.memref_slice %arg5[%dma_start3A_438, %dma_start3A_445] : memref<16x32xi32, #tpu.memory_space<vmem>> -> memref<1x32xi32, #tpu.memory_space<vmem>>
    %dma_start3A_447 = tpu.memref_squeeze %dma_start3A_446 : memref<1x32xi32, #tpu.memory_space<vmem>> -> memref<32xi32, #tpu.memory_space<vmem>>
    %dma_start3A_448 = arith.constant 0 : i32
    %dma_start3A_449 = arith.constant 0 : i32
    %dma_start3A_450 = tpu.memref_slice %arg3[%dma_start3A_448, %dma_start3A_449] : memref<1000x1024xf32, #tpu.memory_space<hbm>> -> memref<1000x1024xf32, #tpu.memory_space<hbm>>
    %dma_start3A_451 = tpu.memref_slice %arg8[%dma_start3A_440] : memref<3x!tpu.dma_semaphore, #tpu.memory_space<semaphore_mem>> -> memref<1x!tpu.dma_semaphore, #tpu.memory_space<semaphore_mem>>
    %dma_start3A_452 = tpu.memref_squeeze %dma_start3A_451 : memref<1x!tpu.dma_semaphore, #tpu.memory_space<semaphore_mem>> -> memref<!tpu.dma_semaphore, #tpu.memory_space<semaphore_mem>>
    tpu.enqueue_indirect_dma source(%dma_start3A_450 : memref<1000x1024xf32, #tpu.memory_space<hbm>>) target(%dma_start3A_444 : memref<32x1024xf32, #tpu.memory_space<vmem>>) offsets(%dma_start3A_447 : memref<32xi32, #tpu.memory_space<vmem>>) semaphore(%dma_start3A_452 : memref<!tpu.dma_semaphore, #tpu.memory_space<semaphore_mem>>)
    %add3A_453 = arith.constant 128 : i32
    %add3A_454 = arith.addi %mul3A_2, %add3A_453 : i32
    %dma_wait3A_455 = arith.constant 4 : i32
    %dma_wait3A_456 = arith.constant 1 : i32
    %dma_wait3A_457 = arith.constant 1 : i32
    %dma_wait3A_458 = arith.constant 0 : i32
    %dma_wait3A_459 = arith.constant 0 : i32
    %dma_wait3A_460 = tpu.memref_slice %arg6[%dma_wait3A_456, %dma_wait3A_458, %dma_wait3A_459] : memref<3x32x1024xf32, #tpu.memory_space<vmem>> -> memref<1x32x1024xf32, #tpu.memory_space<vmem>>
    %dma_wait3A_461 = tpu.memref_squeeze %dma_wait3A_460 : memref<1x32x1024xf32, #tpu.memory_space<vmem>> -> memref<32x1024xf32, #tpu.memory_space<vmem>>
    %dma_wait3A_462 = arith.constant 0 : i32
    %dma_wait3A_463 = tpu.memref_slice %arg5[%dma_wait3A_455, %dma_wait3A_462] : memref<16x32xi32, #tpu.memory_space<vmem>> -> memref<1x32xi32, #tpu.memory_space<vmem>>
    %dma_wait3A_464 = tpu.memref_squeeze %dma_wait3A_463 : memref<1x32xi32, #tpu.memory_space<vmem>> -> memref<32xi32, #tpu.memory_space<vmem>>
    %dma_wait3A_465 = arith.constant 0 : i32
    %dma_wait3A_466 = arith.constant 0 : i32
    %dma_wait3A_467 = tpu.memref_slice %arg3[%dma_wait3A_465, %dma_wait3A_466] : memref<1000x1024xf32, #tpu.memory_space<hbm>> -> memref<1000x1024xf32, #tpu.memory_space<hbm>>
    %dma_wait3A_468 = tpu.memref_slice %arg8[%dma_wait3A_457] : memref<3x!tpu.dma_semaphore, #tpu.memory_space<semaphore_mem>> -> memref<1x!tpu.dma_semaphore, #tpu.memory_space<semaphore_mem>>
    %dma_wait3A_469 = tpu.memref_squeeze %dma_wait3A_468 : memref<1x!tpu.dma_semaphore, #tpu.memory_space<semaphore_mem>> -> memref<!tpu.dma_semaphore, #tpu.memory_space<semaphore_mem>>
    tpu.wait_indirect_dma semaphore(%dma_wait3A_469 : memref<!tpu.dma_semaphore, #tpu.memory_space<semaphore_mem>>) src(%dma_wait3A_467 : memref<1000x1024xf32, #tpu.memory_space<hbm>>) dst(%dma_wait3A_461 : memref<32x1024xf32, #tpu.memory_space<vmem>>)
    %dma_start3A_470 = arith.constant 1 : i32
    %dma_start3A_471 = arith.constant 1 : i32
    %dma_start3A_472 = arith.constant 0 : i32
    %dma_start3A_473 = arith.constant 0 : i32
    %dma_start3A_474 = tpu.memref_slice %arg6[%dma_start3A_470, %dma_start3A_472, %dma_start3A_473] : memref<3x32x1024xf32, #tpu.memory_space<vmem>> -> memref<1x32x896xf32, #tpu.memory_space<vmem>>
    %dma_start3A_475 = tpu.memref_squeeze %dma_start3A_474 : memref<1x32x896xf32, #tpu.memory_space<vmem>> -> memref<32x896xf32, #tpu.memory_space<vmem>>
    %dma_start3A_476 = arith.constant 0 : i32
    %dma_start3A_477 = tpu.memref_slice %arg4[%add3A_454, %dma_start3A_476] : memref<16384x1000xf32, #tpu.memory_space<hbm>> -> memref<32x896xf32, #tpu.memory_space<hbm>>
    %dma_start3A_478 = tpu.memref_slice %arg9[%dma_start3A_471] : memref<3x!tpu.dma_semaphore, #tpu.memory_space<semaphore_mem>> -> memref<1x!tpu.dma_semaphore, #tpu.memory_space<semaphore_mem>>
    %dma_start3A_479 = tpu.memref_squeeze %dma_start3A_478 : memref<1x!tpu.dma_semaphore, #tpu.memory_space<semaphore_mem>> -> memref<!tpu.dma_semaphore, #tpu.memory_space<semaphore_mem>>
    %dma_start3A_480 = arith.constant 0 : i32
    %dma_start3A_481 = tpu.memref_slice %arg4[%add3A_454, %dma_start3A_480] : memref<16384x1000xf32, #tpu.memory_space<hbm>> -> memref<32x896xf32, #tpu.memory_space<hbm>>
    %dma_start3A_482 = arith.constant 0 : i32
    %dma_start3A_483 = arith.constant 0 : i32
    %dma_start3A_484 = tpu.memref_slice %arg6[%dma_start3A_470, %dma_start3A_482, %dma_start3A_483] : memref<3x32x1024xf32, #tpu.memory_space<vmem>> -> memref<1x32x896xf32, #tpu.memory_space<vmem>>
    %dma_start3A_485 = tpu.memref_squeeze %dma_start3A_484 : memref<1x32x896xf32, #tpu.memory_space<vmem>> -> memref<32x896xf32, #tpu.memory_space<vmem>>
    tpu.enqueue_dma source(%dma_start3A_485 : memref<32x896xf32, #tpu.memory_space<vmem>>) target(%dma_start3A_481 : memref<32x896xf32, #tpu.memory_space<hbm>>) target_semaphore(%dma_start3A_479 : memref<!tpu.dma_semaphore, #tpu.memory_space<semaphore_mem>>)
    %scan3A_486 = arith.constant 0 : i32
    %scan3A_487 = arith.constant 0 : i32
    %scan3A_488 = arith.constant 32 : i32
    %scan3A_489 = arith.addi %scan3A_487, %scan3A_488 : i32
    %scan3A_490 = arith.constant 1 : i32
    scf.for %scan3A_1632 = %scan3A_487 to %scan3A_489 step %scan3A_490  : i32 {
      %get3A = arith.constant 1 : i32
      %get3A_1633 = arith.index_cast %get3A : i32 to index
      %get3A_1634 = arith.index_cast %scan3A_1632 : i32 to index
      %get3A_1635 = arith.constant 896 : index
      %get3A_1636 = tpu.vector_load %arg6[%get3A_1633, %get3A_1634, %get3A_1635] {strides = array<i32>} : memref<3x32x1024xf32, #tpu.memory_space<vmem>>, vector<1x1x16xf32>,
      %get3A_1637 = vector.shape_cast %get3A_1636 : vector<1x1x16xf32> to vector<16xf32>
      %swap3A = arith.constant 1 : i32
      %swap3A_1638 = arith.index_cast %swap3A : i32 to index
      %swap3A_1639 = arith.index_cast %scan3A_1632 : i32 to index
      %swap3A_1640 = arith.constant 0 : index
      %swap3A_1641 = tpu.vector_load %arg7[%swap3A_1638, %swap3A_1639, %swap3A_1640] {strides = array<i32>} : memref<3x32x104xf32, #tpu.memory_space<vmem>>, vector<1x1x16xf32>,
      %swap3A_1642 = vector.shape_cast %swap3A_1641 : vector<1x1x16xf32> to vector<16xf32>
      %swap3A_1643 = vector.shape_cast %get3A_1637 : vector<16xf32> to vector<1x1x16xf32>
      tpu.vector_store %arg7[%swap3A_1638, %swap3A_1639, %swap3A_1640], %swap3A_1643 {strides = array<i32>} : memref<3x32x104xf32, #tpu.memory_space<vmem>>, vector<1x1x16xf32>,
      %get3A_1644 = arith.constant 1 : i32
      %get3A_1645 = arith.index_cast %get3A_1644 : i32 to index
      %get3A_1646 = arith.index_cast %scan3A_1632 : i32 to index
      %get3A_1647 = arith.constant 912 : index
      %get3A_1648 = tpu.vector_load %arg6[%get3A_1645, %get3A_1646, %get3A_1647] {strides = array<i32>} : memref<3x32x1024xf32, #tpu.memory_space<vmem>>, vector<1x1x16xf32>,
      %get3A_1649 = vector.shape_cast %get3A_1648 : vector<1x1x16xf32> to vector<16xf32>
      %swap3A_1650 = arith.constant 1 : i32
      %swap3A_1651 = arith.index_cast %swap3A_1650 : i32 to index
      %swap3A_1652 = arith.index_cast %scan3A_1632 : i32 to index
      %swap3A_1653 = arith.constant 16 : index
      %swap3A_1654 = tpu.vector_load %arg7[%swap3A_1651, %swap3A_1652, %swap3A_1653] {strides = array<i32>} : memref<3x32x104xf32, #tpu.memory_space<vmem>>, vector<1x1x16xf32>,
      %swap3A_1655 = vector.shape_cast %swap3A_1654 : vector<1x1x16xf32> to vector<16xf32>
      %swap3A_1656 = vector.shape_cast %get3A_1649 : vector<16xf32> to vector<1x1x16xf32>
      tpu.vector_store %arg7[%swap3A_1651, %swap3A_1652, %swap3A_1653], %swap3A_1656 {strides = array<i32>} : memref<3x32x104xf32, #tpu.memory_space<vmem>>, vector<1x1x16xf32>,
      %get3A_1657 = arith.constant 1 : i32
      %get3A_1658 = arith.index_cast %get3A_1657 : i32 to index
      %get3A_1659 = arith.index_cast %scan3A_1632 : i32 to index
      %get3A_1660 = arith.constant 928 : index
      %get3A_1661 = tpu.vector_load %arg6[%get3A_1658, %get3A_1659, %get3A_1660] {strides = array<i32>} : memref<3x32x1024xf32, #tpu.memory_space<vmem>>, vector<1x1x16xf32>,
      %get3A_1662 = vector.shape_cast %get3A_1661 : vector<1x1x16xf32> to vector<16xf32>
      %swap3A_1663 = arith.constant 1 : i32
      %swap3A_1664 = arith.index_cast %swap3A_1663 : i32 to index
      %swap3A_1665 = arith.index_cast %scan3A_1632 : i32 to index
      %swap3A_1666 = arith.constant 32 : index
      %swap3A_1667 = tpu.vector_load %arg7[%swap3A_1664, %swap3A_1665, %swap3A_1666] {strides = array<i32>} : memref<3x32x104xf32, #tpu.memory_space<vmem>>, vector<1x1x16xf32>,
      %swap3A_1668 = vector.shape_cast %swap3A_1667 : vector<1x1x16xf32> to vector<16xf32>
      %swap3A_1669 = vector.shape_cast %get3A_1662 : vector<16xf32> to vector<1x1x16xf32>
      tpu.vector_store %arg7[%swap3A_1664, %swap3A_1665, %swap3A_1666], %swap3A_1669 {strides = array<i32>} : memref<3x32x104xf32, #tpu.memory_space<vmem>>, vector<1x1x16xf32>,
      %get3A_1670 = arith.constant 1 : i32
      %get3A_1671 = arith.index_cast %get3A_1670 : i32 to index
      %get3A_1672 = arith.index_cast %scan3A_1632 : i32 to index
      %get3A_1673 = arith.constant 944 : index
      %get3A_1674 = tpu.vector_load %arg6[%get3A_1671, %get3A_1672, %get3A_1673] {strides = array<i32>} : memref<3x32x1024xf32, #tpu.memory_space<vmem>>, vector<1x1x16xf32>,
      %get3A_1675 = vector.shape_cast %get3A_1674 : vector<1x1x16xf32> to vector<16xf32>
      %swap3A_1676 = arith.constant 1 : i32
      %swap3A_1677 = arith.index_cast %swap3A_1676 : i32 to index
      %swap3A_1678 = arith.index_cast %scan3A_1632 : i32 to index
      %swap3A_1679 = arith.constant 48 : index
      %swap3A_1680 = tpu.vector_load %arg7[%swap3A_1677, %swap3A_1678, %swap3A_1679] {strides = array<i32>} : memref<3x32x104xf32, #tpu.memory_space<vmem>>, vector<1x1x16xf32>,
      %swap3A_1681 = vector.shape_cast %swap3A_1680 : vector<1x1x16xf32> to vector<16xf32>
      %swap3A_1682 = vector.shape_cast %get3A_1675 : vector<16xf32> to vector<1x1x16xf32>
      tpu.vector_store %arg7[%swap3A_1677, %swap3A_1678, %swap3A_1679], %swap3A_1682 {strides = array<i32>} : memref<3x32x104xf32, #tpu.memory_space<vmem>>, vector<1x1x16xf32>,
      %get3A_1683 = arith.constant 1 : i32
      %get3A_1684 = arith.index_cast %get3A_1683 : i32 to index
      %get3A_1685 = arith.index_cast %scan3A_1632 : i32 to index
      %get3A_1686 = arith.constant 960 : index
      %get3A_1687 = tpu.vector_load %arg6[%get3A_1684, %get3A_1685, %get3A_1686] {strides = array<i32>} : memref<3x32x1024xf32, #tpu.memory_space<vmem>>, vector<1x1x16xf32>,
      %get3A_1688 = vector.shape_cast %get3A_1687 : vector<1x1x16xf32> to vector<16xf32>
      %swap3A_1689 = arith.constant 1 : i32
      %swap3A_1690 = arith.index_cast %swap3A_1689 : i32 to index
      %swap3A_1691 = arith.index_cast %scan3A_1632 : i32 to index
      %swap3A_1692 = arith.constant 64 : index
      %swap3A_1693 = tpu.vector_load %arg7[%swap3A_1690, %swap3A_1691, %swap3A_1692] {strides = array<i32>} : memref<3x32x104xf32, #tpu.memory_space<vmem>>, vector<1x1x16xf32>,
      %swap3A_1694 = vector.shape_cast %swap3A_1693 : vector<1x1x16xf32> to vector<16xf32>
      %swap3A_1695 = vector.shape_cast %get3A_1688 : vector<16xf32> to vector<1x1x16xf32>
      tpu.vector_store %arg7[%swap3A_1690, %swap3A_1691, %swap3A_1692], %swap3A_1695 {strides = array<i32>} : memref<3x32x104xf32, #tpu.memory_space<vmem>>, vector<1x1x16xf32>,
      %get3A_1696 = arith.constant 1 : i32
      %get3A_1697 = arith.index_cast %get3A_1696 : i32 to index
      %get3A_1698 = arith.index_cast %scan3A_1632 : i32 to index
      %get3A_1699 = arith.constant 976 : index
      %get3A_1700 = tpu.vector_load %arg6[%get3A_1697, %get3A_1698, %get3A_1699] {strides = array<i32>} : memref<3x32x1024xf32, #tpu.memory_space<vmem>>, vector<1x1x16xf32>,
      %get3A_1701 = vector.shape_cast %get3A_1700 : vector<1x1x16xf32> to vector<16xf32>
      %swap3A_1702 = arith.constant 1 : i32
      %swap3A_1703 = arith.index_cast %swap3A_1702 : i32 to index
      %swap3A_1704 = arith.index_cast %scan3A_1632 : i32 to index
      %swap3A_1705 = arith.constant 80 : index
      %swap3A_1706 = tpu.vector_load %arg7[%swap3A_1703, %swap3A_1704, %swap3A_1705] {strides = array<i32>} : memref<3x32x104xf32, #tpu.memory_space<vmem>>, vector<1x1x16xf32>,
      %swap3A_1707 = vector.shape_cast %swap3A_1706 : vector<1x1x16xf32> to vector<16xf32>
      %swap3A_1708 = vector.shape_cast %get3A_1701 : vector<16xf32> to vector<1x1x16xf32>
      tpu.vector_store %arg7[%swap3A_1703, %swap3A_1704, %swap3A_1705], %swap3A_1708 {strides = array<i32>} : memref<3x32x104xf32, #tpu.memory_space<vmem>>, vector<1x1x16xf32>,
      %get3A_1709 = arith.constant 1 : i32
      %get3A_1710 = arith.index_cast %get3A_1709 : i32 to index
      %get3A_1711 = arith.index_cast %scan3A_1632 : i32 to index
      %get3A_1712 = arith.constant 984 : index
      %get3A_1713 = tpu.vector_load %arg6[%get3A_1710, %get3A_1711, %get3A_1712] {strides = array<i32>} : memref<3x32x1024xf32, #tpu.memory_space<vmem>>, vector<1x1x16xf32>,
      %get3A_1714 = vector.shape_cast %get3A_1713 : vector<1x1x16xf32> to vector<16xf32>
      %swap3A_1715 = arith.constant 1 : i32
      %swap3A_1716 = arith.index_cast %swap3A_1715 : i32 to index
      %swap3A_1717 = arith.index_cast %scan3A_1632 : i32 to index
      %swap3A_1718 = arith.constant 88 : index
      %swap3A_1719 = tpu.vector_load %arg7[%swap3A_1716, %swap3A_1717, %swap3A_1718] {strides = array<i32>} : memref<3x32x104xf32, #tpu.memory_space<vmem>>, vector<1x1x16xf32>,
      %swap3A_1720 = vector.shape_cast %swap3A_1719 : vector<1x1x16xf32> to vector<16xf32>
      %swap3A_1721 = vector.shape_cast %get3A_1714 : vector<16xf32> to vector<1x1x16xf32>
      tpu.vector_store %arg7[%swap3A_1716, %swap3A_1717, %swap3A_1718], %swap3A_1721 {strides = array<i32>} : memref<3x32x104xf32, #tpu.memory_space<vmem>>, vector<1x1x16xf32>,
    }
    %scan3A_491 = arith.constant 32 : i32
    %dma_start3A_492 = arith.constant 1 : i32
    %dma_start3A_493 = arith.constant 1 : i32
    %dma_start3A_494 = arith.constant 0 : i32
    %dma_start3A_495 = arith.constant 0 : i32
    %dma_start3A_496 = tpu.memref_slice %arg7[%dma_start3A_492, %dma_start3A_494, %dma_start3A_495] : memref<3x32x104xf32, #tpu.memory_space<vmem>> -> memref<1x32x104xf32, #tpu.memory_space<vmem>>
    %dma_start3A_497 = tpu.memref_squeeze %dma_start3A_496 : memref<1x32x104xf32, #tpu.memory_space<vmem>> -> memref<32x104xf32, #tpu.memory_space<vmem>>
    %dma_start3A_498 = arith.constant 896 : i32
    %dma_start3A_499 = tpu.memref_slice %arg4[%add3A_454, %dma_start3A_498] : memref<16384x1000xf32, #tpu.memory_space<hbm>> -> memref<32x104xf32, #tpu.memory_space<hbm>>
    %dma_start3A_500 = tpu.memref_slice %arg10[%dma_start3A_493] : memref<3x!tpu.dma_semaphore, #tpu.memory_space<semaphore_mem>> -> memref<1x!tpu.dma_semaphore, #tpu.memory_space<semaphore_mem>>
    %dma_start3A_501 = tpu.memref_squeeze %dma_start3A_500 : memref<1x!tpu.dma_semaphore, #tpu.memory_space<semaphore_mem>> -> memref<!tpu.dma_semaphore, #tpu.memory_space<semaphore_mem>>
    %dma_start3A_502 = arith.constant 896 : i32
    %dma_start3A_503 = tpu.memref_slice %arg4[%add3A_454, %dma_start3A_502] : memref<16384x1000xf32, #tpu.memory_space<hbm>> -> memref<32x104xf32, #tpu.memory_space<hbm>>
    %dma_start3A_504 = arith.constant 0 : i32
    %dma_start3A_505 = arith.constant 0 : i32
    %dma_start3A_506 = tpu.memref_slice %arg7[%dma_start3A_492, %dma_start3A_504, %dma_start3A_505] : memref<3x32x104xf32, #tpu.memory_space<vmem>> -> memref<1x32x104xf32, #tpu.memory_space<vmem>>
    %dma_start3A_507 = tpu.memref_squeeze %dma_start3A_506 : memref<1x32x104xf32, #tpu.memory_space<vmem>> -> memref<32x104xf32, #tpu.memory_space<vmem>>
    tpu.enqueue_dma source(%dma_start3A_507 : memref<32x104xf32, #tpu.memory_space<vmem>>) target(%dma_start3A_503 : memref<32x104xf32, #tpu.memory_space<hbm>>) target_semaphore(%dma_start3A_501 : memref<!tpu.dma_semaphore, #tpu.memory_space<semaphore_mem>>)
    %dma_wait3A_508 = arith.constant 1 : i32
    %dma_wait3A_509 = arith.constant 1 : i32
    %dma_wait3A_510 = arith.constant 0 : i32
    %dma_wait3A_511 = arith.constant 0 : i32
    %dma_wait3A_512 = tpu.memref_slice %arg6[%dma_wait3A_508, %dma_wait3A_510, %dma_wait3A_511] : memref<3x32x1024xf32, #tpu.memory_space<vmem>> -> memref<1x32x896xf32, #tpu.memory_space<vmem>>
    %dma_wait3A_513 = tpu.memref_squeeze %dma_wait3A_512 : memref<1x32x896xf32, #tpu.memory_space<vmem>> -> memref<32x896xf32, #tpu.memory_space<vmem>>
    %dma_wait3A_514 = arith.constant 0 : i32
    %dma_wait3A_515 = tpu.memref_slice %arg4[%add3A_454, %dma_wait3A_514] : memref<16384x1000xf32, #tpu.memory_space<hbm>> -> memref<32x896xf32, #tpu.memory_space<hbm>>
    %dma_wait3A_516 = tpu.memref_slice %arg9[%dma_wait3A_509] : memref<3x!tpu.dma_semaphore, #tpu.memory_space<semaphore_mem>> -> memref<1x!tpu.dma_semaphore, #tpu.memory_space<semaphore_mem>>
    %dma_wait3A_517 = tpu.memref_squeeze %dma_wait3A_516 : memref<1x!tpu.dma_semaphore, #tpu.memory_space<semaphore_mem>> -> memref<!tpu.dma_semaphore, #tpu.memory_space<semaphore_mem>>
    %dma_wait3A_518 = arith.constant 0 : i32
    %dma_wait3A_519 = tpu.memref_slice %arg4[%add3A_454, %dma_wait3A_518] : memref<16384x1000xf32, #tpu.memory_space<hbm>> -> memref<32x896xf32, #tpu.memory_space<hbm>>
    %dma_wait3A_520 = arith.constant 0 : i32
    %dma_wait3A_521 = arith.constant 0 : i32
    %dma_wait3A_522 = tpu.memref_slice %arg6[%dma_wait3A_508, %dma_wait3A_520, %dma_wait3A_521] : memref<3x32x1024xf32, #tpu.memory_space<vmem>> -> memref<1x32x896xf32, #tpu.memory_space<vmem>>
    %dma_wait3A_523 = tpu.memref_squeeze %dma_wait3A_522 : memref<1x32x896xf32, #tpu.memory_space<vmem>> -> memref<32x896xf32, #tpu.memory_space<vmem>>
    tpu.wait_dma2 semaphore(%dma_wait3A_517 : memref<!tpu.dma_semaphore, #tpu.memory_space<semaphore_mem>>) src(%dma_wait3A_523 : memref<32x896xf32, #tpu.memory_space<vmem>>) dst(%dma_wait3A_519 : memref<32x896xf32, #tpu.memory_space<hbm>>)
    %dma_wait3A_524 = arith.constant 1 : i32
    %dma_wait3A_525 = arith.constant 1 : i32
    %dma_wait3A_526 = arith.constant 0 : i32
    %dma_wait3A_527 = arith.constant 0 : i32
    %dma_wait3A_528 = tpu.memref_slice %arg7[%dma_wait3A_524, %dma_wait3A_526, %dma_wait3A_527] : memref<3x32x104xf32, #tpu.memory_space<vmem>> -> memref<1x32x104xf32, #tpu.memory_space<vmem>>
    %dma_wait3A_529 = tpu.memref_squeeze %dma_wait3A_528 : memref<1x32x104xf32, #tpu.memory_space<vmem>> -> memref<32x104xf32, #tpu.memory_space<vmem>>
    %dma_wait3A_530 = arith.constant 896 : i32
    %dma_wait3A_531 = tpu.memref_slice %arg4[%add3A_454, %dma_wait3A_530] : memref<16384x1000xf32, #tpu.memory_space<hbm>> -> memref<32x104xf32, #tpu.memory_space<hbm>>
    %dma_wait3A_532 = tpu.memref_slice %arg10[%dma_wait3A_525] : memref<3x!tpu.dma_semaphore, #tpu.memory_space<semaphore_mem>> -> memref<1x!tpu.dma_semaphore, #tpu.memory_space<semaphore_mem>>
    %dma_wait3A_533 = tpu.memref_squeeze %dma_wait3A_532 : memref<1x!tpu.dma_semaphore, #tpu.memory_space<semaphore_mem>> -> memref<!tpu.dma_semaphore, #tpu.memory_space<semaphore_mem>>
    %dma_wait3A_534 = arith.constant 896 : i32
    %dma_wait3A_535 = tpu.memref_slice %arg4[%add3A_454, %dma_wait3A_534] : memref<16384x1000xf32, #tpu.memory_space<hbm>> -> memref<32x104xf32, #tpu.memory_space<hbm>>
    %dma_wait3A_536 = arith.constant 0 : i32
    %dma_wait3A_537 = arith.constant 0 : i32
    %dma_wait3A_538 = tpu.memref_slice %arg7[%dma_wait3A_524, %dma_wait3A_536, %dma_wait3A_537] : memref<3x32x104xf32, #tpu.memory_space<vmem>> -> memref<1x32x104xf32, #tpu.memory_space<vmem>>
    %dma_wait3A_539 = tpu.memref_squeeze %dma_wait3A_538 : memref<1x32x104xf32, #tpu.memory_space<vmem>> -> memref<32x104xf32, #tpu.memory_space<vmem>>
    tpu.wait_dma2 semaphore(%dma_wait3A_533 : memref<!tpu.dma_semaphore, #tpu.memory_space<semaphore_mem>>) src(%dma_wait3A_539 : memref<32x104xf32, #tpu.memory_space<vmem>>) dst(%dma_wait3A_535 : memref<32x104xf32, #tpu.memory_space<hbm>>)
    %dma_start3A_540 = arith.constant 7 : i32
    %dma_start3A_541 = arith.constant 1 : i32
    %dma_start3A_542 = arith.constant 1 : i32
    %dma_start3A_543 = arith.constant 0 : i32
    %dma_start3A_544 = arith.constant 0 : i32
    %dma_start3A_545 = tpu.memref_slice %arg6[%dma_start3A_541, %dma_start3A_543, %dma_start3A_544] : memref<3x32x1024xf32, #tpu.memory_space<vmem>> -> memref<1x32x1024xf32, #tpu.memory_space<vmem>>
    %dma_start3A_546 = tpu.memref_squeeze %dma_start3A_545 : memref<1x32x1024xf32, #tpu.memory_space<vmem>> -> memref<32x1024xf32, #tpu.memory_space<vmem>>
    %dma_start3A_547 = arith.constant 0 : i32
    %dma_start3A_548 = tpu.memref_slice %arg5[%dma_start3A_540, %dma_start3A_547] : memref<16x32xi32, #tpu.memory_space<vmem>> -> memref<1x32xi32, #tpu.memory_space<vmem>>
    %dma_start3A_549 = tpu.memref_squeeze %dma_start3A_548 : memref<1x32xi32, #tpu.memory_space<vmem>> -> memref<32xi32, #tpu.memory_space<vmem>>
    %dma_start3A_550 = arith.constant 0 : i32
    %dma_start3A_551 = arith.constant 0 : i32
    %dma_start3A_552 = tpu.memref_slice %arg3[%dma_start3A_550, %dma_start3A_551] : memref<1000x1024xf32, #tpu.memory_space<hbm>> -> memref<1000x1024xf32, #tpu.memory_space<hbm>>
    %dma_start3A_553 = tpu.memref_slice %arg8[%dma_start3A_542] : memref<3x!tpu.dma_semaphore, #tpu.memory_space<semaphore_mem>> -> memref<1x!tpu.dma_semaphore, #tpu.memory_space<semaphore_mem>>
    %dma_start3A_554 = tpu.memref_squeeze %dma_start3A_553 : memref<1x!tpu.dma_semaphore, #tpu.memory_space<semaphore_mem>> -> memref<!tpu.dma_semaphore, #tpu.memory_space<semaphore_mem>>
    tpu.enqueue_indirect_dma source(%dma_start3A_552 : memref<1000x1024xf32, #tpu.memory_space<hbm>>) target(%dma_start3A_546 : memref<32x1024xf32, #tpu.memory_space<vmem>>) offsets(%dma_start3A_549 : memref<32xi32, #tpu.memory_space<vmem>>) semaphore(%dma_start3A_554 : memref<!tpu.dma_semaphore, #tpu.memory_space<semaphore_mem>>)
    %add3A_555 = arith.constant 160 : i32
    %add3A_556 = arith.addi %mul3A_2, %add3A_555 : i32
    %dma_wait3A_557 = arith.constant 5 : i32
    %dma_wait3A_558 = arith.constant 2 : i32
    %dma_wait3A_559 = arith.constant 2 : i32
    %dma_wait3A_560 = arith.constant 0 : i32
    %dma_wait3A_561 = arith.constant 0 : i32
    %dma_wait3A_562 = tpu.memref_slice %arg6[%dma_wait3A_558, %dma_wait3A_560, %dma_wait3A_561] : memref<3x32x1024xf32, #tpu.memory_space<vmem>> -> memref<1x32x1024xf32, #tpu.memory_space<vmem>>
    %dma_wait3A_563 = tpu.memref_squeeze %dma_wait3A_562 : memref<1x32x1024xf32, #tpu.memory_space<vmem>> -> memref<32x1024xf32, #tpu.memory_space<vmem>>
    %dma_wait3A_564 = arith.constant 0 : i32
    %dma_wait3A_565 = tpu.memref_slice %arg5[%dma_wait3A_557, %dma_wait3A_564] : memref<16x32xi32, #tpu.memory_space<vmem>> -> memref<1x32xi32, #tpu.memory_space<vmem>>
    %dma_wait3A_566 = tpu.memref_squeeze %dma_wait3A_565 : memref<1x32xi32, #tpu.memory_space<vmem>> -> memref<32xi32, #tpu.memory_space<vmem>>
    %dma_wait3A_567 = arith.constant 0 : i32
    %dma_wait3A_568 = arith.constant 0 : i32
    %dma_wait3A_569 = tpu.memref_slice %arg3[%dma_wait3A_567, %dma_wait3A_568] : memref<1000x1024xf32, #tpu.memory_space<hbm>> -> memref<1000x1024xf32, #tpu.memory_space<hbm>>
    %dma_wait3A_570 = tpu.memref_slice %arg8[%dma_wait3A_559] : memref<3x!tpu.dma_semaphore, #tpu.memory_space<semaphore_mem>> -> memref<1x!tpu.dma_semaphore, #tpu.memory_space<semaphore_mem>>
    %dma_wait3A_571 = tpu.memref_squeeze %dma_wait3A_570 : memref<1x!tpu.dma_semaphore, #tpu.memory_space<semaphore_mem>> -> memref<!tpu.dma_semaphore, #tpu.memory_space<semaphore_mem>>
    tpu.wait_indirect_dma semaphore(%dma_wait3A_571 : memref<!tpu.dma_semaphore, #tpu.memory_space<semaphore_mem>>) src(%dma_wait3A_569 : memref<1000x1024xf32, #tpu.memory_space<hbm>>) dst(%dma_wait3A_563 : memref<32x1024xf32, #tpu.memory_space<vmem>>)
    %dma_start3A_572 = arith.constant 2 : i32
    %dma_start3A_573 = arith.constant 2 : i32
    %dma_start3A_574 = arith.constant 0 : i32
    %dma_start3A_575 = arith.constant 0 : i32
    %dma_start3A_576 = tpu.memref_slice %arg6[%dma_start3A_572, %dma_start3A_574, %dma_start3A_575] : memref<3x32x1024xf32, #tpu.memory_space<vmem>> -> memref<1x32x896xf32, #tpu.memory_space<vmem>>
    %dma_start3A_577 = tpu.memref_squeeze %dma_start3A_576 : memref<1x32x896xf32, #tpu.memory_space<vmem>> -> memref<32x896xf32, #tpu.memory_space<vmem>>
    %dma_start3A_578 = arith.constant 0 : i32
    %dma_start3A_579 = tpu.memref_slice %arg4[%add3A_556, %dma_start3A_578] : memref<16384x1000xf32, #tpu.memory_space<hbm>> -> memref<32x896xf32, #tpu.memory_space<hbm>>
    %dma_start3A_580 = tpu.memref_slice %arg9[%dma_start3A_573] : memref<3x!tpu.dma_semaphore, #tpu.memory_space<semaphore_mem>> -> memref<1x!tpu.dma_semaphore, #tpu.memory_space<semaphore_mem>>
    %dma_start3A_581 = tpu.memref_squeeze %dma_start3A_580 : memref<1x!tpu.dma_semaphore, #tpu.memory_space<semaphore_mem>> -> memref<!tpu.dma_semaphore, #tpu.memory_space<semaphore_mem>>
    %dma_start3A_582 = arith.constant 0 : i32
    %dma_start3A_583 = tpu.memref_slice %arg4[%add3A_556, %dma_start3A_582] : memref<16384x1000xf32, #tpu.memory_space<hbm>> -> memref<32x896xf32, #tpu.memory_space<hbm>>
    %dma_start3A_584 = arith.constant 0 : i32
    %dma_start3A_585 = arith.constant 0 : i32
    %dma_start3A_586 = tpu.memref_slice %arg6[%dma_start3A_572, %dma_start3A_584, %dma_start3A_585] : memref<3x32x1024xf32, #tpu.memory_space<vmem>> -> memref<1x32x896xf32, #tpu.memory_space<vmem>>
    %dma_start3A_587 = tpu.memref_squeeze %dma_start3A_586 : memref<1x32x896xf32, #tpu.memory_space<vmem>> -> memref<32x896xf32, #tpu.memory_space<vmem>>
    tpu.enqueue_dma source(%dma_start3A_587 : memref<32x896xf32, #tpu.memory_space<vmem>>) target(%dma_start3A_583 : memref<32x896xf32, #tpu.memory_space<hbm>>) target_semaphore(%dma_start3A_581 : memref<!tpu.dma_semaphore, #tpu.memory_space<semaphore_mem>>)
    %scan3A_588 = arith.constant 0 : i32
    %scan3A_589 = arith.constant 0 : i32
    %scan3A_590 = arith.constant 32 : i32
    %scan3A_591 = arith.addi %scan3A_589, %scan3A_590 : i32
    %scan3A_592 = arith.constant 1 : i32
    scf.for %scan3A_1632 = %scan3A_589 to %scan3A_591 step %scan3A_592  : i32 {
      %get3A = arith.constant 2 : i32
      %get3A_1633 = arith.index_cast %get3A : i32 to index
      %get3A_1634 = arith.index_cast %scan3A_1632 : i32 to index
      %get3A_1635 = arith.constant 896 : index
      %get3A_1636 = tpu.vector_load %arg6[%get3A_1633, %get3A_1634, %get3A_1635] {strides = array<i32>} : memref<3x32x1024xf32, #tpu.memory_space<vmem>>, vector<1x1x16xf32>,
      %get3A_1637 = vector.shape_cast %get3A_1636 : vector<1x1x16xf32> to vector<16xf32>
      %swap3A = arith.constant 2 : i32
      %swap3A_1638 = arith.index_cast %swap3A : i32 to index
      %swap3A_1639 = arith.index_cast %scan3A_1632 : i32 to index
      %swap3A_1640 = arith.constant 0 : index
      %swap3A_1641 = tpu.vector_load %arg7[%swap3A_1638, %swap3A_1639, %swap3A_1640] {strides = array<i32>} : memref<3x32x104xf32, #tpu.memory_space<vmem>>, vector<1x1x16xf32>,
      %swap3A_1642 = vector.shape_cast %swap3A_1641 : vector<1x1x16xf32> to vector<16xf32>
      %swap3A_1643 = vector.shape_cast %get3A_1637 : vector<16xf32> to vector<1x1x16xf32>
      tpu.vector_store %arg7[%swap3A_1638, %swap3A_1639, %swap3A_1640], %swap3A_1643 {strides = array<i32>} : memref<3x32x104xf32, #tpu.memory_space<vmem>>, vector<1x1x16xf32>,
      %get3A_1644 = arith.constant 2 : i32
      %get3A_1645 = arith.index_cast %get3A_1644 : i32 to index
      %get3A_1646 = arith.index_cast %scan3A_1632 : i32 to index
      %get3A_1647 = arith.constant 912 : index
      %get3A_1648 = tpu.vector_load %arg6[%get3A_1645, %get3A_1646, %get3A_1647] {strides = array<i32>} : memref<3x32x1024xf32, #tpu.memory_space<vmem>>, vector<1x1x16xf32>,
      %get3A_1649 = vector.shape_cast %get3A_1648 : vector<1x1x16xf32> to vector<16xf32>
      %swap3A_1650 = arith.constant 2 : i32
      %swap3A_1651 = arith.index_cast %swap3A_1650 : i32 to index
      %swap3A_1652 = arith.index_cast %scan3A_1632 : i32 to index
      %swap3A_1653 = arith.constant 16 : index
      %swap3A_1654 = tpu.vector_load %arg7[%swap3A_1651, %swap3A_1652, %swap3A_1653] {strides = array<i32>} : memref<3x32x104xf32, #tpu.memory_space<vmem>>, vector<1x1x16xf32>,
      %swap3A_1655 = vector.shape_cast %swap3A_1654 : vector<1x1x16xf32> to vector<16xf32>
      %swap3A_1656 = vector.shape_cast %get3A_1649 : vector<16xf32> to vector<1x1x16xf32>
      tpu.vector_store %arg7[%swap3A_1651, %swap3A_1652, %swap3A_1653], %swap3A_1656 {strides = array<i32>} : memref<3x32x104xf32, #tpu.memory_space<vmem>>, vector<1x1x16xf32>,
      %get3A_1657 = arith.constant 2 : i32
      %get3A_1658 = arith.index_cast %get3A_1657 : i32 to index
      %get3A_1659 = arith.index_cast %scan3A_1632 : i32 to index
      %get3A_1660 = arith.constant 928 : index
      %get3A_1661 = tpu.vector_load %arg6[%get3A_1658, %get3A_1659, %get3A_1660] {strides = array<i32>} : memref<3x32x1024xf32, #tpu.memory_space<vmem>>, vector<1x1x16xf32>,
      %get3A_1662 = vector.shape_cast %get3A_1661 : vector<1x1x16xf32> to vector<16xf32>
      %swap3A_1663 = arith.constant 2 : i32
      %swap3A_1664 = arith.index_cast %swap3A_1663 : i32 to index
      %swap3A_1665 = arith.index_cast %scan3A_1632 : i32 to index
      %swap3A_1666 = arith.constant 32 : index
      %swap3A_1667 = tpu.vector_load %arg7[%swap3A_1664, %swap3A_1665, %swap3A_1666] {strides = array<i32>} : memref<3x32x104xf32, #tpu.memory_space<vmem>>, vector<1x1x16xf32>,
      %swap3A_1668 = vector.shape_cast %swap3A_1667 : vector<1x1x16xf32> to vector<16xf32>
      %swap3A_1669 = vector.shape_cast %get3A_1662 : vector<16xf32> to vector<1x1x16xf32>
      tpu.vector_store %arg7[%swap3A_1664, %swap3A_1665, %swap3A_1666], %swap3A_1669 {strides = array<i32>} : memref<3x32x104xf32, #tpu.memory_space<vmem>>, vector<1x1x16xf32>,
      %get3A_1670 = arith.constant 2 : i32
      %get3A_1671 = arith.index_cast %get3A_1670 : i32 to index
      %get3A_1672 = arith.index_cast %scan3A_1632 : i32 to index
      %get3A_1673 = arith.constant 944 : index
      %get3A_1674 = tpu.vector_load %arg6[%get3A_1671, %get3A_1672, %get3A_1673] {strides = array<i32>} : memref<3x32x1024xf32, #tpu.memory_space<vmem>>, vector<1x1x16xf32>,
      %get3A_1675 = vector.shape_cast %get3A_1674 : vector<1x1x16xf32> to vector<16xf32>
      %swap3A_1676 = arith.constant 2 : i32
      %swap3A_1677 = arith.index_cast %swap3A_1676 : i32 to index
      %swap3A_1678 = arith.index_cast %scan3A_1632 : i32 to index
      %swap3A_1679 = arith.constant 48 : index
      %swap3A_1680 = tpu.vector_load %arg7[%swap3A_1677, %swap3A_1678, %swap3A_1679] {strides = array<i32>} : memref<3x32x104xf32, #tpu.memory_space<vmem>>, vector<1x1x16xf32>,
      %swap3A_1681 = vector.shape_cast %swap3A_1680 : vector<1x1x16xf32> to vector<16xf32>
      %swap3A_1682 = vector.shape_cast %get3A_1675 : vector<16xf32> to vector<1x1x16xf32>
      tpu.vector_store %arg7[%swap3A_1677, %swap3A_1678, %swap3A_1679], %swap3A_1682 {strides = array<i32>} : memref<3x32x104xf32, #tpu.memory_space<vmem>>, vector<1x1x16xf32>,
      %get3A_1683 = arith.constant 2 : i32
      %get3A_1684 = arith.index_cast %get3A_1683 : i32 to index
      %get3A_1685 = arith.index_cast %scan3A_1632 : i32 to index
      %get3A_1686 = arith.constant 960 : index
      %get3A_1687 = tpu.vector_load %arg6[%get3A_1684, %get3A_1685, %get3A_1686] {strides = array<i32>} : memref<3x32x1024xf32, #tpu.memory_space<vmem>>, vector<1x1x16xf32>,
      %get3A_1688 = vector.shape_cast %get3A_1687 : vector<1x1x16xf32> to vector<16xf32>
      %swap3A_1689 = arith.constant 2 : i32
      %swap3A_1690 = arith.index_cast %swap3A_1689 : i32 to index
      %swap3A_1691 = arith.index_cast %scan3A_1632 : i32 to index
      %swap3A_1692 = arith.constant 64 : index
      %swap3A_1693 = tpu.vector_load %arg7[%swap3A_1690, %swap3A_1691, %swap3A_1692] {strides = array<i32>} : memref<3x32x104xf32, #tpu.memory_space<vmem>>, vector<1x1x16xf32>,
      %swap3A_1694 = vector.shape_cast %swap3A_1693 : vector<1x1x16xf32> to vector<16xf32>
      %swap3A_1695 = vector.shape_cast %get3A_1688 : vector<16xf32> to vector<1x1x16xf32>
      tpu.vector_store %arg7[%swap3A_1690, %swap3A_1691, %swap3A_1692], %swap3A_1695 {strides = array<i32>} : memref<3x32x104xf32, #tpu.memory_space<vmem>>, vector<1x1x16xf32>,
      %get3A_1696 = arith.constant 2 : i32
      %get3A_1697 = arith.index_cast %get3A_1696 : i32 to index
      %get3A_1698 = arith.index_cast %scan3A_1632 : i32 to index
      %get3A_1699 = arith.constant 976 : index
      %get3A_1700 = tpu.vector_load %arg6[%get3A_1697, %get3A_1698, %get3A_1699] {strides = array<i32>} : memref<3x32x1024xf32, #tpu.memory_space<vmem>>, vector<1x1x16xf32>,
      %get3A_1701 = vector.shape_cast %get3A_1700 : vector<1x1x16xf32> to vector<16xf32>
      %swap3A_1702 = arith.constant 2 : i32
      %swap3A_1703 = arith.index_cast %swap3A_1702 : i32 to index
      %swap3A_1704 = arith.index_cast %scan3A_1632 : i32 to index
      %swap3A_1705 = arith.constant 80 : index
      %swap3A_1706 = tpu.vector_load %arg7[%swap3A_1703, %swap3A_1704, %swap3A_1705] {strides = array<i32>} : memref<3x32x104xf32, #tpu.memory_space<vmem>>, vector<1x1x16xf32>,
      %swap3A_1707 = vector.shape_cast %swap3A_1706 : vector<1x1x16xf32> to vector<16xf32>
      %swap3A_1708 = vector.shape_cast %get3A_1701 : vector<16xf32> to vector<1x1x16xf32>
      tpu.vector_store %arg7[%swap3A_1703, %swap3A_1704, %swap3A_1705], %swap3A_1708 {strides = array<i32>} : memref<3x32x104xf32, #tpu.memory_space<vmem>>, vector<1x1x16xf32>,
      %get3A_1709 = arith.constant 2 : i32
      %get3A_1710 = arith.index_cast %get3A_1709 : i32 to index
      %get3A_1711 = arith.index_cast %scan3A_1632 : i32 to index
      %get3A_1712 = arith.constant 984 : index
      %get3A_1713 = tpu.vector_load %arg6[%get3A_1710, %get3A_1711, %get3A_1712] {strides = array<i32>} : memref<3x32x1024xf32, #tpu.memory_space<vmem>>, vector<1x1x16xf32>,
      %get3A_1714 = vector.shape_cast %get3A_1713 : vector<1x1x16xf32> to vector<16xf32>
      %swap3A_1715 = arith.constant 2 : i32
      %swap3A_1716 = arith.index_cast %swap3A_1715 : i32 to index
      %swap3A_1717 = arith.index_cast %scan3A_1632 : i32 to index
      %swap3A_1718 = arith.constant 88 : index
      %swap3A_1719 = tpu.vector_load %arg7[%swap3A_1716, %swap3A_1717, %swap3A_1718] {strides = array<i32>} : memref<3x32x104xf32, #tpu.memory_space<vmem>>, vector<1x1x16xf32>,
      %swap3A_1720 = vector.shape_cast %swap3A_1719 : vector<1x1x16xf32> to vector<16xf32>
      %swap3A_1721 = vector.shape_cast %get3A_1714 : vector<16xf32> to vector<1x1x16xf32>
      tpu.vector_store %arg7[%swap3A_1716, %swap3A_1717, %swap3A_1718], %swap3A_1721 {strides = array<i32>} : memref<3x32x104xf32, #tpu.memory_space<vmem>>, vector<1x1x16xf32>,
    }
    %scan3A_593 = arith.constant 32 : i32
    %dma_start3A_594 = arith.constant 2 : i32
    %dma_start3A_595 = arith.constant 2 : i32
    %dma_start3A_596 = arith.constant 0 : i32
    %dma_start3A_597 = arith.constant 0 : i32
    %dma_start3A_598 = tpu.memref_slice %arg7[%dma_start3A_594, %dma_start3A_596, %dma_start3A_597] : memref<3x32x104xf32, #tpu.memory_space<vmem>> -> memref<1x32x104xf32, #tpu.memory_space<vmem>>
    %dma_start3A_599 = tpu.memref_squeeze %dma_start3A_598 : memref<1x32x104xf32, #tpu.memory_space<vmem>> -> memref<32x104xf32, #tpu.memory_space<vmem>>
    %dma_start3A_600 = arith.constant 896 : i32
    %dma_start3A_601 = tpu.memref_slice %arg4[%add3A_556, %dma_start3A_600] : memref<16384x1000xf32, #tpu.memory_space<hbm>> -> memref<32x104xf32, #tpu.memory_space<hbm>>
    %dma_start3A_602 = tpu.memref_slice %arg10[%dma_start3A_595] : memref<3x!tpu.dma_semaphore, #tpu.memory_space<semaphore_mem>> -> memref<1x!tpu.dma_semaphore, #tpu.memory_space<semaphore_mem>>
    %dma_start3A_603 = tpu.memref_squeeze %dma_start3A_602 : memref<1x!tpu.dma_semaphore, #tpu.memory_space<semaphore_mem>> -> memref<!tpu.dma_semaphore, #tpu.memory_space<semaphore_mem>>
    %dma_start3A_604 = arith.constant 896 : i32
    %dma_start3A_605 = tpu.memref_slice %arg4[%add3A_556, %dma_start3A_604] : memref<16384x1000xf32, #tpu.memory_space<hbm>> -> memref<32x104xf32, #tpu.memory_space<hbm>>
    %dma_start3A_606 = arith.constant 0 : i32
    %dma_start3A_607 = arith.constant 0 : i32
    %dma_start3A_608 = tpu.memref_slice %arg7[%dma_start3A_594, %dma_start3A_606, %dma_start3A_607] : memref<3x32x104xf32, #tpu.memory_space<vmem>> -> memref<1x32x104xf32, #tpu.memory_space<vmem>>
    %dma_start3A_609 = tpu.memref_squeeze %dma_start3A_608 : memref<1x32x104xf32, #tpu.memory_space<vmem>> -> memref<32x104xf32, #tpu.memory_space<vmem>>
    tpu.enqueue_dma source(%dma_start3A_609 : memref<32x104xf32, #tpu.memory_space<vmem>>) target(%dma_start3A_605 : memref<32x104xf32, #tpu.memory_space<hbm>>) target_semaphore(%dma_start3A_603 : memref<!tpu.dma_semaphore, #tpu.memory_space<semaphore_mem>>)
    %dma_wait3A_610 = arith.constant 2 : i32
    %dma_wait3A_611 = arith.constant 2 : i32
    %dma_wait3A_612 = arith.constant 0 : i32
    %dma_wait3A_613 = arith.constant 0 : i32
    %dma_wait3A_614 = tpu.memref_slice %arg6[%dma_wait3A_610, %dma_wait3A_612, %dma_wait3A_613] : memref<3x32x1024xf32, #tpu.memory_space<vmem>> -> memref<1x32x896xf32, #tpu.memory_space<vmem>>
    %dma_wait3A_615 = tpu.memref_squeeze %dma_wait3A_614 : memref<1x32x896xf32, #tpu.memory_space<vmem>> -> memref<32x896xf32, #tpu.memory_space<vmem>>
    %dma_wait3A_616 = arith.constant 0 : i32
    %dma_wait3A_617 = tpu.memref_slice %arg4[%add3A_556, %dma_wait3A_616] : memref<16384x1000xf32, #tpu.memory_space<hbm>> -> memref<32x896xf32, #tpu.memory_space<hbm>>
    %dma_wait3A_618 = tpu.memref_slice %arg9[%dma_wait3A_611] : memref<3x!tpu.dma_semaphore, #tpu.memory_space<semaphore_mem>> -> memref<1x!tpu.dma_semaphore, #tpu.memory_space<semaphore_mem>>
    %dma_wait3A_619 = tpu.memref_squeeze %dma_wait3A_618 : memref<1x!tpu.dma_semaphore, #tpu.memory_space<semaphore_mem>> -> memref<!tpu.dma_semaphore, #tpu.memory_space<semaphore_mem>>
    %dma_wait3A_620 = arith.constant 0 : i32
    %dma_wait3A_621 = tpu.memref_slice %arg4[%add3A_556, %dma_wait3A_620] : memref<16384x1000xf32, #tpu.memory_space<hbm>> -> memref<32x896xf32, #tpu.memory_space<hbm>>
    %dma_wait3A_622 = arith.constant 0 : i32
    %dma_wait3A_623 = arith.constant 0 : i32
    %dma_wait3A_624 = tpu.memref_slice %arg6[%dma_wait3A_610, %dma_wait3A_622, %dma_wait3A_623] : memref<3x32x1024xf32, #tpu.memory_space<vmem>> -> memref<1x32x896xf32, #tpu.memory_space<vmem>>
    %dma_wait3A_625 = tpu.memref_squeeze %dma_wait3A_624 : memref<1x32x896xf32, #tpu.memory_space<vmem>> -> memref<32x896xf32, #tpu.memory_space<vmem>>
    tpu.wait_dma2 semaphore(%dma_wait3A_619 : memref<!tpu.dma_semaphore, #tpu.memory_space<semaphore_mem>>) src(%dma_wait3A_625 : memref<32x896xf32, #tpu.memory_space<vmem>>) dst(%dma_wait3A_621 : memref<32x896xf32, #tpu.memory_space<hbm>>)
    %dma_wait3A_626 = arith.constant 2 : i32
    %dma_wait3A_627 = arith.constant 2 : i32
    %dma_wait3A_628 = arith.constant 0 : i32
    %dma_wait3A_629 = arith.constant 0 : i32
    %dma_wait3A_630 = tpu.memref_slice %arg7[%dma_wait3A_626, %dma_wait3A_628, %dma_wait3A_629] : memref<3x32x104xf32, #tpu.memory_space<vmem>> -> memref<1x32x104xf32, #tpu.memory_space<vmem>>
    %dma_wait3A_631 = tpu.memref_squeeze %dma_wait3A_630 : memref<1x32x104xf32, #tpu.memory_space<vmem>> -> memref<32x104xf32, #tpu.memory_space<vmem>>
    %dma_wait3A_632 = arith.constant 896 : i32
    %dma_wait3A_633 = tpu.memref_slice %arg4[%add3A_556, %dma_wait3A_632] : memref<16384x1000xf32, #tpu.memory_space<hbm>> -> memref<32x104xf32, #tpu.memory_space<hbm>>
    %dma_wait3A_634 = tpu.memref_slice %arg10[%dma_wait3A_627] : memref<3x!tpu.dma_semaphore, #tpu.memory_space<semaphore_mem>> -> memref<1x!tpu.dma_semaphore, #tpu.memory_space<semaphore_mem>>
    %dma_wait3A_635 = tpu.memref_squeeze %dma_wait3A_634 : memref<1x!tpu.dma_semaphore, #tpu.memory_space<semaphore_mem>> -> memref<!tpu.dma_semaphore, #tpu.memory_space<semaphore_mem>>
    %dma_wait3A_636 = arith.constant 896 : i32
    %dma_wait3A_637 = tpu.memref_slice %arg4[%add3A_556, %dma_wait3A_636] : memref<16384x1000xf32, #tpu.memory_space<hbm>> -> memref<32x104xf32, #tpu.memory_space<hbm>>
    %dma_wait3A_638 = arith.constant 0 : i32
    %dma_wait3A_639 = arith.constant 0 : i32
    %dma_wait3A_640 = tpu.memref_slice %arg7[%dma_wait3A_626, %dma_wait3A_638, %dma_wait3A_639] : memref<3x32x104xf32, #tpu.memory_space<vmem>> -> memref<1x32x104xf32, #tpu.memory_space<vmem>>
    %dma_wait3A_641 = tpu.memref_squeeze %dma_wait3A_640 : memref<1x32x104xf32, #tpu.memory_space<vmem>> -> memref<32x104xf32, #tpu.memory_space<vmem>>
    tpu.wait_dma2 semaphore(%dma_wait3A_635 : memref<!tpu.dma_semaphore, #tpu.memory_space<semaphore_mem>>) src(%dma_wait3A_641 : memref<32x104xf32, #tpu.memory_space<vmem>>) dst(%dma_wait3A_637 : memref<32x104xf32, #tpu.memory_space<hbm>>)
    %dma_start3A_642 = arith.constant 8 : i32
    %dma_start3A_643 = arith.constant 2 : i32
    %dma_start3A_644 = arith.constant 2 : i32
    %dma_start3A_645 = arith.constant 0 : i32
    %dma_start3A_646 = arith.constant 0 : i32
    %dma_start3A_647 = tpu.memref_slice %arg6[%dma_start3A_643, %dma_start3A_645, %dma_start3A_646] : memref<3x32x1024xf32, #tpu.memory_space<vmem>> -> memref<1x32x1024xf32, #tpu.memory_space<vmem>>
    %dma_start3A_648 = tpu.memref_squeeze %dma_start3A_647 : memref<1x32x1024xf32, #tpu.memory_space<vmem>> -> memref<32x1024xf32, #tpu.memory_space<vmem>>
    %dma_start3A_649 = arith.constant 0 : i32
    %dma_start3A_650 = tpu.memref_slice %arg5[%dma_start3A_642, %dma_start3A_649] : memref<16x32xi32, #tpu.memory_space<vmem>> -> memref<1x32xi32, #tpu.memory_space<vmem>>
    %dma_start3A_651 = tpu.memref_squeeze %dma_start3A_650 : memref<1x32xi32, #tpu.memory_space<vmem>> -> memref<32xi32, #tpu.memory_space<vmem>>
    %dma_start3A_652 = arith.constant 0 : i32
    %dma_start3A_653 = arith.constant 0 : i32
    %dma_start3A_654 = tpu.memref_slice %arg3[%dma_start3A_652, %dma_start3A_653] : memref<1000x1024xf32, #tpu.memory_space<hbm>> -> memref<1000x1024xf32, #tpu.memory_space<hbm>>
    %dma_start3A_655 = tpu.memref_slice %arg8[%dma_start3A_644] : memref<3x!tpu.dma_semaphore, #tpu.memory_space<semaphore_mem>> -> memref<1x!tpu.dma_semaphore, #tpu.memory_space<semaphore_mem>>
    %dma_start3A_656 = tpu.memref_squeeze %dma_start3A_655 : memref<1x!tpu.dma_semaphore, #tpu.memory_space<semaphore_mem>> -> memref<!tpu.dma_semaphore, #tpu.memory_space<semaphore_mem>>
    tpu.enqueue_indirect_dma source(%dma_start3A_654 : memref<1000x1024xf32, #tpu.memory_space<hbm>>) target(%dma_start3A_648 : memref<32x1024xf32, #tpu.memory_space<vmem>>) offsets(%dma_start3A_651 : memref<32xi32, #tpu.memory_space<vmem>>) semaphore(%dma_start3A_656 : memref<!tpu.dma_semaphore, #tpu.memory_space<semaphore_mem>>)
    %add3A_657 = arith.constant 192 : i32
    %add3A_658 = arith.addi %mul3A_2, %add3A_657 : i32
    %dma_wait3A_659 = arith.constant 6 : i32
    %dma_wait3A_660 = arith.constant 0 : i32
    %dma_wait3A_661 = arith.constant 0 : i32
    %dma_wait3A_662 = arith.constant 0 : i32
    %dma_wait3A_663 = arith.constant 0 : i32
    %dma_wait3A_664 = tpu.memref_slice %arg6[%dma_wait3A_660, %dma_wait3A_662, %dma_wait3A_663] : memref<3x32x1024xf32, #tpu.memory_space<vmem>> -> memref<1x32x1024xf32, #tpu.memory_space<vmem>>
    %dma_wait3A_665 = tpu.memref_squeeze %dma_wait3A_664 : memref<1x32x1024xf32, #tpu.memory_space<vmem>> -> memref<32x1024xf32, #tpu.memory_space<vmem>>
    %dma_wait3A_666 = arith.constant 0 : i32
    %dma_wait3A_667 = tpu.memref_slice %arg5[%dma_wait3A_659, %dma_wait3A_666] : memref<16x32xi32, #tpu.memory_space<vmem>> -> memref<1x32xi32, #tpu.memory_space<vmem>>
    %dma_wait3A_668 = tpu.memref_squeeze %dma_wait3A_667 : memref<1x32xi32, #tpu.memory_space<vmem>> -> memref<32xi32, #tpu.memory_space<vmem>>
    %dma_wait3A_669 = arith.constant 0 : i32
    %dma_wait3A_670 = arith.constant 0 : i32
    %dma_wait3A_671 = tpu.memref_slice %arg3[%dma_wait3A_669, %dma_wait3A_670] : memref<1000x1024xf32, #tpu.memory_space<hbm>> -> memref<1000x1024xf32, #tpu.memory_space<hbm>>
    %dma_wait3A_672 = tpu.memref_slice %arg8[%dma_wait3A_661] : memref<3x!tpu.dma_semaphore, #tpu.memory_space<semaphore_mem>> -> memref<1x!tpu.dma_semaphore, #tpu.memory_space<semaphore_mem>>
    %dma_wait3A_673 = tpu.memref_squeeze %dma_wait3A_672 : memref<1x!tpu.dma_semaphore, #tpu.memory_space<semaphore_mem>> -> memref<!tpu.dma_semaphore, #tpu.memory_space<semaphore_mem>>
    tpu.wait_indirect_dma semaphore(%dma_wait3A_673 : memref<!tpu.dma_semaphore, #tpu.memory_space<semaphore_mem>>) src(%dma_wait3A_671 : memref<1000x1024xf32, #tpu.memory_space<hbm>>) dst(%dma_wait3A_665 : memref<32x1024xf32, #tpu.memory_space<vmem>>)
    %dma_start3A_674 = arith.constant 0 : i32
    %dma_start3A_675 = arith.constant 0 : i32
    %dma_start3A_676 = arith.constant 0 : i32
    %dma_start3A_677 = arith.constant 0 : i32
    %dma_start3A_678 = tpu.memref_slice %arg6[%dma_start3A_674, %dma_start3A_676, %dma_start3A_677] : memref<3x32x1024xf32, #tpu.memory_space<vmem>> -> memref<1x32x896xf32, #tpu.memory_space<vmem>>
    %dma_start3A_679 = tpu.memref_squeeze %dma_start3A_678 : memref<1x32x896xf32, #tpu.memory_space<vmem>> -> memref<32x896xf32, #tpu.memory_space<vmem>>
    %dma_start3A_680 = arith.constant 0 : i32
    %dma_start3A_681 = tpu.memref_slice %arg4[%add3A_658, %dma_start3A_680] : memref<16384x1000xf32, #tpu.memory_space<hbm>> -> memref<32x896xf32, #tpu.memory_space<hbm>>
    %dma_start3A_682 = tpu.memref_slice %arg9[%dma_start3A_675] : memref<3x!tpu.dma_semaphore, #tpu.memory_space<semaphore_mem>> -> memref<1x!tpu.dma_semaphore, #tpu.memory_space<semaphore_mem>>
    %dma_start3A_683 = tpu.memref_squeeze %dma_start3A_682 : memref<1x!tpu.dma_semaphore, #tpu.memory_space<semaphore_mem>> -> memref<!tpu.dma_semaphore, #tpu.memory_space<semaphore_mem>>
    %dma_start3A_684 = arith.constant 0 : i32
    %dma_start3A_685 = tpu.memref_slice %arg4[%add3A_658, %dma_start3A_684] : memref<16384x1000xf32, #tpu.memory_space<hbm>> -> memref<32x896xf32, #tpu.memory_space<hbm>>
    %dma_start3A_686 = arith.constant 0 : i32
    %dma_start3A_687 = arith.constant 0 : i32
    %dma_start3A_688 = tpu.memref_slice %arg6[%dma_start3A_674, %dma_start3A_686, %dma_start3A_687] : memref<3x32x1024xf32, #tpu.memory_space<vmem>> -> memref<1x32x896xf32, #tpu.memory_space<vmem>>
    %dma_start3A_689 = tpu.memref_squeeze %dma_start3A_688 : memref<1x32x896xf32, #tpu.memory_space<vmem>> -> memref<32x896xf32, #tpu.memory_space<vmem>>
    tpu.enqueue_dma source(%dma_start3A_689 : memref<32x896xf32, #tpu.memory_space<vmem>>) target(%dma_start3A_685 : memref<32x896xf32, #tpu.memory_space<hbm>>) target_semaphore(%dma_start3A_683 : memref<!tpu.dma_semaphore, #tpu.memory_space<semaphore_mem>>)
    %scan3A_690 = arith.constant 0 : i32
    %scan3A_691 = arith.constant 0 : i32
    %scan3A_692 = arith.constant 32 : i32
    %scan3A_693 = arith.addi %scan3A_691, %scan3A_692 : i32
    %scan3A_694 = arith.constant 1 : i32
    scf.for %scan3A_1632 = %scan3A_691 to %scan3A_693 step %scan3A_694  : i32 {
      %get3A = arith.constant 0 : i32
      %get3A_1633 = arith.index_cast %get3A : i32 to index
      %get3A_1634 = arith.index_cast %scan3A_1632 : i32 to index
      %get3A_1635 = arith.constant 896 : index
      %get3A_1636 = tpu.vector_load %arg6[%get3A_1633, %get3A_1634, %get3A_1635] {strides = array<i32>} : memref<3x32x1024xf32, #tpu.memory_space<vmem>>, vector<1x1x16xf32>,
      %get3A_1637 = vector.shape_cast %get3A_1636 : vector<1x1x16xf32> to vector<16xf32>
      %swap3A = arith.constant 0 : i32
      %swap3A_1638 = arith.index_cast %swap3A : i32 to index
      %swap3A_1639 = arith.index_cast %scan3A_1632 : i32 to index
      %swap3A_1640 = arith.constant 0 : index
      %swap3A_1641 = tpu.vector_load %arg7[%swap3A_1638, %swap3A_1639, %swap3A_1640] {strides = array<i32>} : memref<3x32x104xf32, #tpu.memory_space<vmem>>, vector<1x1x16xf32>,
      %swap3A_1642 = vector.shape_cast %swap3A_1641 : vector<1x1x16xf32> to vector<16xf32>
      %swap3A_1643 = vector.shape_cast %get3A_1637 : vector<16xf32> to vector<1x1x16xf32>
      tpu.vector_store %arg7[%swap3A_1638, %swap3A_1639, %swap3A_1640], %swap3A_1643 {strides = array<i32>} : memref<3x32x104xf32, #tpu.memory_space<vmem>>, vector<1x1x16xf32>,
      %get3A_1644 = arith.constant 0 : i32
      %get3A_1645 = arith.index_cast %get3A_1644 : i32 to index
      %get3A_1646 = arith.index_cast %scan3A_1632 : i32 to index
      %get3A_1647 = arith.constant 912 : index
      %get3A_1648 = tpu.vector_load %arg6[%get3A_1645, %get3A_1646, %get3A_1647] {strides = array<i32>} : memref<3x32x1024xf32, #tpu.memory_space<vmem>>, vector<1x1x16xf32>,
      %get3A_1649 = vector.shape_cast %get3A_1648 : vector<1x1x16xf32> to vector<16xf32>
      %swap3A_1650 = arith.constant 0 : i32
      %swap3A_1651 = arith.index_cast %swap3A_1650 : i32 to index
      %swap3A_1652 = arith.index_cast %scan3A_1632 : i32 to index
      %swap3A_1653 = arith.constant 16 : index
      %swap3A_1654 = tpu.vector_load %arg7[%swap3A_1651, %swap3A_1652, %swap3A_1653] {strides = array<i32>} : memref<3x32x104xf32, #tpu.memory_space<vmem>>, vector<1x1x16xf32>,
      %swap3A_1655 = vector.shape_cast %swap3A_1654 : vector<1x1x16xf32> to vector<16xf32>
      %swap3A_1656 = vector.shape_cast %get3A_1649 : vector<16xf32> to vector<1x1x16xf32>
      tpu.vector_store %arg7[%swap3A_1651, %swap3A_1652, %swap3A_1653], %swap3A_1656 {strides = array<i32>} : memref<3x32x104xf32, #tpu.memory_space<vmem>>, vector<1x1x16xf32>,
      %get3A_1657 = arith.constant 0 : i32
      %get3A_1658 = arith.index_cast %get3A_1657 : i32 to index
      %get3A_1659 = arith.index_cast %scan3A_1632 : i32 to index
      %get3A_1660 = arith.constant 928 : index
      %get3A_1661 = tpu.vector_load %arg6[%get3A_1658, %get3A_1659, %get3A_1660] {strides = array<i32>} : memref<3x32x1024xf32, #tpu.memory_space<vmem>>, vector<1x1x16xf32>,
      %get3A_1662 = vector.shape_cast %get3A_1661 : vector<1x1x16xf32> to vector<16xf32>
      %swap3A_1663 = arith.constant 0 : i32
      %swap3A_1664 = arith.index_cast %swap3A_1663 : i32 to index
      %swap3A_1665 = arith.index_cast %scan3A_1632 : i32 to index
      %swap3A_1666 = arith.constant 32 : index
      %swap3A_1667 = tpu.vector_load %arg7[%swap3A_1664, %swap3A_1665, %swap3A_1666] {strides = array<i32>} : memref<3x32x104xf32, #tpu.memory_space<vmem>>, vector<1x1x16xf32>,
      %swap3A_1668 = vector.shape_cast %swap3A_1667 : vector<1x1x16xf32> to vector<16xf32>
      %swap3A_1669 = vector.shape_cast %get3A_1662 : vector<16xf32> to vector<1x1x16xf32>
      tpu.vector_store %arg7[%swap3A_1664, %swap3A_1665, %swap3A_1666], %swap3A_1669 {strides = array<i32>} : memref<3x32x104xf32, #tpu.memory_space<vmem>>, vector<1x1x16xf32>,
      %get3A_1670 = arith.constant 0 : i32
      %get3A_1671 = arith.index_cast %get3A_1670 : i32 to index
      %get3A_1672 = arith.index_cast %scan3A_1632 : i32 to index
      %get3A_1673 = arith.constant 944 : index
      %get3A_1674 = tpu.vector_load %arg6[%get3A_1671, %get3A_1672, %get3A_1673] {strides = array<i32>} : memref<3x32x1024xf32, #tpu.memory_space<vmem>>, vector<1x1x16xf32>,
      %get3A_1675 = vector.shape_cast %get3A_1674 : vector<1x1x16xf32> to vector<16xf32>
      %swap3A_1676 = arith.constant 0 : i32
      %swap3A_1677 = arith.index_cast %swap3A_1676 : i32 to index
      %swap3A_1678 = arith.index_cast %scan3A_1632 : i32 to index
      %swap3A_1679 = arith.constant 48 : index
      %swap3A_1680 = tpu.vector_load %arg7[%swap3A_1677, %swap3A_1678, %swap3A_1679] {strides = array<i32>} : memref<3x32x104xf32, #tpu.memory_space<vmem>>, vector<1x1x16xf32>,
      %swap3A_1681 = vector.shape_cast %swap3A_1680 : vector<1x1x16xf32> to vector<16xf32>
      %swap3A_1682 = vector.shape_cast %get3A_1675 : vector<16xf32> to vector<1x1x16xf32>
      tpu.vector_store %arg7[%swap3A_1677, %swap3A_1678, %swap3A_1679], %swap3A_1682 {strides = array<i32>} : memref<3x32x104xf32, #tpu.memory_space<vmem>>, vector<1x1x16xf32>,
      %get3A_1683 = arith.constant 0 : i32
      %get3A_1684 = arith.index_cast %get3A_1683 : i32 to index
      %get3A_1685 = arith.index_cast %scan3A_1632 : i32 to index
      %get3A_1686 = arith.constant 960 : index
      %get3A_1687 = tpu.vector_load %arg6[%get3A_1684, %get3A_1685, %get3A_1686] {strides = array<i32>} : memref<3x32x1024xf32, #tpu.memory_space<vmem>>, vector<1x1x16xf32>,
      %get3A_1688 = vector.shape_cast %get3A_1687 : vector<1x1x16xf32> to vector<16xf32>
      %swap3A_1689 = arith.constant 0 : i32
      %swap3A_1690 = arith.index_cast %swap3A_1689 : i32 to index
      %swap3A_1691 = arith.index_cast %scan3A_1632 : i32 to index
      %swap3A_1692 = arith.constant 64 : index
      %swap3A_1693 = tpu.vector_load %arg7[%swap3A_1690, %swap3A_1691, %swap3A_1692] {strides = array<i32>} : memref<3x32x104xf32, #tpu.memory_space<vmem>>, vector<1x1x16xf32>,
      %swap3A_1694 = vector.shape_cast %swap3A_1693 : vector<1x1x16xf32> to vector<16xf32>
      %swap3A_1695 = vector.shape_cast %get3A_1688 : vector<16xf32> to vector<1x1x16xf32>
      tpu.vector_store %arg7[%swap3A_1690, %swap3A_1691, %swap3A_1692], %swap3A_1695 {strides = array<i32>} : memref<3x32x104xf32, #tpu.memory_space<vmem>>, vector<1x1x16xf32>,
      %get3A_1696 = arith.constant 0 : i32
      %get3A_1697 = arith.index_cast %get3A_1696 : i32 to index
      %get3A_1698 = arith.index_cast %scan3A_1632 : i32 to index
      %get3A_1699 = arith.constant 976 : index
      %get3A_1700 = tpu.vector_load %arg6[%get3A_1697, %get3A_1698, %get3A_1699] {strides = array<i32>} : memref<3x32x1024xf32, #tpu.memory_space<vmem>>, vector<1x1x16xf32>,
      %get3A_1701 = vector.shape_cast %get3A_1700 : vector<1x1x16xf32> to vector<16xf32>
      %swap3A_1702 = arith.constant 0 : i32
      %swap3A_1703 = arith.index_cast %swap3A_1702 : i32 to index
      %swap3A_1704 = arith.index_cast %scan3A_1632 : i32 to index
      %swap3A_1705 = arith.constant 80 : index
      %swap3A_1706 = tpu.vector_load %arg7[%swap3A_1703, %swap3A_1704, %swap3A_1705] {strides = array<i32>} : memref<3x32x104xf32, #tpu.memory_space<vmem>>, vector<1x1x16xf32>,
      %swap3A_1707 = vector.shape_cast %swap3A_1706 : vector<1x1x16xf32> to vector<16xf32>
      %swap3A_1708 = vector.shape_cast %get3A_1701 : vector<16xf32> to vector<1x1x16xf32>
      tpu.vector_store %arg7[%swap3A_1703, %swap3A_1704, %swap3A_1705], %swap3A_1708 {strides = array<i32>} : memref<3x32x104xf32, #tpu.memory_space<vmem>>, vector<1x1x16xf32>,
      %get3A_1709 = arith.constant 0 : i32
      %get3A_1710 = arith.index_cast %get3A_1709 : i32 to index
      %get3A_1711 = arith.index_cast %scan3A_1632 : i32 to index
      %get3A_1712 = arith.constant 984 : index
      %get3A_1713 = tpu.vector_load %arg6[%get3A_1710, %get3A_1711, %get3A_1712] {strides = array<i32>} : memref<3x32x1024xf32, #tpu.memory_space<vmem>>, vector<1x1x16xf32>,
      %get3A_1714 = vector.shape_cast %get3A_1713 : vector<1x1x16xf32> to vector<16xf32>
      %swap3A_1715 = arith.constant 0 : i32
      %swap3A_1716 = arith.index_cast %swap3A_1715 : i32 to index
      %swap3A_1717 = arith.index_cast %scan3A_1632 : i32 to index
      %swap3A_1718 = arith.constant 88 : index
      %swap3A_1719 = tpu.vector_load %arg7[%swap3A_1716, %swap3A_1717, %swap3A_1718] {strides = array<i32>} : memref<3x32x104xf32, #tpu.memory_space<vmem>>, vector<1x1x16xf32>,
      %swap3A_1720 = vector.shape_cast %swap3A_1719 : vector<1x1x16xf32> to vector<16xf32>
      %swap3A_1721 = vector.shape_cast %get3A_1714 : vector<16xf32> to vector<1x1x16xf32>
      tpu.vector_store %arg7[%swap3A_1716, %swap3A_1717, %swap3A_1718], %swap3A_1721 {strides = array<i32>} : memref<3x32x104xf32, #tpu.memory_space<vmem>>, vector<1x1x16xf32>,
    }
    %scan3A_695 = arith.constant 32 : i32
    %dma_start3A_696 = arith.constant 0 : i32
    %dma_start3A_697 = arith.constant 0 : i32
    %dma_start3A_698 = arith.constant 0 : i32
    %dma_start3A_699 = arith.constant 0 : i32
    %dma_start3A_700 = tpu.memref_slice %arg7[%dma_start3A_696, %dma_start3A_698, %dma_start3A_699] : memref<3x32x104xf32, #tpu.memory_space<vmem>> -> memref<1x32x104xf32, #tpu.memory_space<vmem>>
    %dma_start3A_701 = tpu.memref_squeeze %dma_start3A_700 : memref<1x32x104xf32, #tpu.memory_space<vmem>> -> memref<32x104xf32, #tpu.memory_space<vmem>>
    %dma_start3A_702 = arith.constant 896 : i32
    %dma_start3A_703 = tpu.memref_slice %arg4[%add3A_658, %dma_start3A_702] : memref<16384x1000xf32, #tpu.memory_space<hbm>> -> memref<32x104xf32, #tpu.memory_space<hbm>>
    %dma_start3A_704 = tpu.memref_slice %arg10[%dma_start3A_697] : memref<3x!tpu.dma_semaphore, #tpu.memory_space<semaphore_mem>> -> memref<1x!tpu.dma_semaphore, #tpu.memory_space<semaphore_mem>>
    %dma_start3A_705 = tpu.memref_squeeze %dma_start3A_704 : memref<1x!tpu.dma_semaphore, #tpu.memory_space<semaphore_mem>> -> memref<!tpu.dma_semaphore, #tpu.memory_space<semaphore_mem>>
    %dma_start3A_706 = arith.constant 896 : i32
    %dma_start3A_707 = tpu.memref_slice %arg4[%add3A_658, %dma_start3A_706] : memref<16384x1000xf32, #tpu.memory_space<hbm>> -> memref<32x104xf32, #tpu.memory_space<hbm>>
    %dma_start3A_708 = arith.constant 0 : i32
    %dma_start3A_709 = arith.constant 0 : i32
    %dma_start3A_710 = tpu.memref_slice %arg7[%dma_start3A_696, %dma_start3A_708, %dma_start3A_709] : memref<3x32x104xf32, #tpu.memory_space<vmem>> -> memref<1x32x104xf32, #tpu.memory_space<vmem>>
    %dma_start3A_711 = tpu.memref_squeeze %dma_start3A_710 : memref<1x32x104xf32, #tpu.memory_space<vmem>> -> memref<32x104xf32, #tpu.memory_space<vmem>>
    tpu.enqueue_dma source(%dma_start3A_711 : memref<32x104xf32, #tpu.memory_space<vmem>>) target(%dma_start3A_707 : memref<32x104xf32, #tpu.memory_space<hbm>>) target_semaphore(%dma_start3A_705 : memref<!tpu.dma_semaphore, #tpu.memory_space<semaphore_mem>>)
    %dma_wait3A_712 = arith.constant 0 : i32
    %dma_wait3A_713 = arith.constant 0 : i32
    %dma_wait3A_714 = arith.constant 0 : i32
    %dma_wait3A_715 = arith.constant 0 : i32
    %dma_wait3A_716 = tpu.memref_slice %arg6[%dma_wait3A_712, %dma_wait3A_714, %dma_wait3A_715] : memref<3x32x1024xf32, #tpu.memory_space<vmem>> -> memref<1x32x896xf32, #tpu.memory_space<vmem>>
    %dma_wait3A_717 = tpu.memref_squeeze %dma_wait3A_716 : memref<1x32x896xf32, #tpu.memory_space<vmem>> -> memref<32x896xf32, #tpu.memory_space<vmem>>
    %dma_wait3A_718 = arith.constant 0 : i32
    %dma_wait3A_719 = tpu.memref_slice %arg4[%add3A_658, %dma_wait3A_718] : memref<16384x1000xf32, #tpu.memory_space<hbm>> -> memref<32x896xf32, #tpu.memory_space<hbm>>
    %dma_wait3A_720 = tpu.memref_slice %arg9[%dma_wait3A_713] : memref<3x!tpu.dma_semaphore, #tpu.memory_space<semaphore_mem>> -> memref<1x!tpu.dma_semaphore, #tpu.memory_space<semaphore_mem>>
    %dma_wait3A_721 = tpu.memref_squeeze %dma_wait3A_720 : memref<1x!tpu.dma_semaphore, #tpu.memory_space<semaphore_mem>> -> memref<!tpu.dma_semaphore, #tpu.memory_space<semaphore_mem>>
    %dma_wait3A_722 = arith.constant 0 : i32
    %dma_wait3A_723 = tpu.memref_slice %arg4[%add3A_658, %dma_wait3A_722] : memref<16384x1000xf32, #tpu.memory_space<hbm>> -> memref<32x896xf32, #tpu.memory_space<hbm>>
    %dma_wait3A_724 = arith.constant 0 : i32
    %dma_wait3A_725 = arith.constant 0 : i32
    %dma_wait3A_726 = tpu.memref_slice %arg6[%dma_wait3A_712, %dma_wait3A_724, %dma_wait3A_725] : memref<3x32x1024xf32, #tpu.memory_space<vmem>> -> memref<1x32x896xf32, #tpu.memory_space<vmem>>
    %dma_wait3A_727 = tpu.memref_squeeze %dma_wait3A_726 : memref<1x32x896xf32, #tpu.memory_space<vmem>> -> memref<32x896xf32, #tpu.memory_space<vmem>>
    tpu.wait_dma2 semaphore(%dma_wait3A_721 : memref<!tpu.dma_semaphore, #tpu.memory_space<semaphore_mem>>) src(%dma_wait3A_727 : memref<32x896xf32, #tpu.memory_space<vmem>>) dst(%dma_wait3A_723 : memref<32x896xf32, #tpu.memory_space<hbm>>)
    %dma_wait3A_728 = arith.constant 0 : i32
    %dma_wait3A_729 = arith.constant 0 : i32
    %dma_wait3A_730 = arith.constant 0 : i32
    %dma_wait3A_731 = arith.constant 0 : i32
    %dma_wait3A_732 = tpu.memref_slice %arg7[%dma_wait3A_728, %dma_wait3A_730, %dma_wait3A_731] : memref<3x32x104xf32, #tpu.memory_space<vmem>> -> memref<1x32x104xf32, #tpu.memory_space<vmem>>
    %dma_wait3A_733 = tpu.memref_squeeze %dma_wait3A_732 : memref<1x32x104xf32, #tpu.memory_space<vmem>> -> memref<32x104xf32, #tpu.memory_space<vmem>>
    %dma_wait3A_734 = arith.constant 896 : i32
    %dma_wait3A_735 = tpu.memref_slice %arg4[%add3A_658, %dma_wait3A_734] : memref<16384x1000xf32, #tpu.memory_space<hbm>> -> memref<32x104xf32, #tpu.memory_space<hbm>>
    %dma_wait3A_736 = tpu.memref_slice %arg10[%dma_wait3A_729] : memref<3x!tpu.dma_semaphore, #tpu.memory_space<semaphore_mem>> -> memref<1x!tpu.dma_semaphore, #tpu.memory_space<semaphore_mem>>
    %dma_wait3A_737 = tpu.memref_squeeze %dma_wait3A_736 : memref<1x!tpu.dma_semaphore, #tpu.memory_space<semaphore_mem>> -> memref<!tpu.dma_semaphore, #tpu.memory_space<semaphore_mem>>
    %dma_wait3A_738 = arith.constant 896 : i32
    %dma_wait3A_739 = tpu.memref_slice %arg4[%add3A_658, %dma_wait3A_738] : memref<16384x1000xf32, #tpu.memory_space<hbm>> -> memref<32x104xf32, #tpu.memory_space<hbm>>
    %dma_wait3A_740 = arith.constant 0 : i32
    %dma_wait3A_741 = arith.constant 0 : i32
    %dma_wait3A_742 = tpu.memref_slice %arg7[%dma_wait3A_728, %dma_wait3A_740, %dma_wait3A_741] : memref<3x32x104xf32, #tpu.memory_space<vmem>> -> memref<1x32x104xf32, #tpu.memory_space<vmem>>
    %dma_wait3A_743 = tpu.memref_squeeze %dma_wait3A_742 : memref<1x32x104xf32, #tpu.memory_space<vmem>> -> memref<32x104xf32, #tpu.memory_space<vmem>>
    tpu.wait_dma2 semaphore(%dma_wait3A_737 : memref<!tpu.dma_semaphore, #tpu.memory_space<semaphore_mem>>) src(%dma_wait3A_743 : memref<32x104xf32, #tpu.memory_space<vmem>>) dst(%dma_wait3A_739 : memref<32x104xf32, #tpu.memory_space<hbm>>)
    %dma_start3A_744 = arith.constant 9 : i32
    %dma_start3A_745 = arith.constant 0 : i32
    %dma_start3A_746 = arith.constant 0 : i32
    %dma_start3A_747 = arith.constant 0 : i32
    %dma_start3A_748 = arith.constant 0 : i32
    %dma_start3A_749 = tpu.memref_slice %arg6[%dma_start3A_745, %dma_start3A_747, %dma_start3A_748] : memref<3x32x1024xf32, #tpu.memory_space<vmem>> -> memref<1x32x1024xf32, #tpu.memory_space<vmem>>
    %dma_start3A_750 = tpu.memref_squeeze %dma_start3A_749 : memref<1x32x1024xf32, #tpu.memory_space<vmem>> -> memref<32x1024xf32, #tpu.memory_space<vmem>>
    %dma_start3A_751 = arith.constant 0 : i32
    %dma_start3A_752 = tpu.memref_slice %arg5[%dma_start3A_744, %dma_start3A_751] : memref<16x32xi32, #tpu.memory_space<vmem>> -> memref<1x32xi32, #tpu.memory_space<vmem>>
    %dma_start3A_753 = tpu.memref_squeeze %dma_start3A_752 : memref<1x32xi32, #tpu.memory_space<vmem>> -> memref<32xi32, #tpu.memory_space<vmem>>
    %dma_start3A_754 = arith.constant 0 : i32
    %dma_start3A_755 = arith.constant 0 : i32
    %dma_start3A_756 = tpu.memref_slice %arg3[%dma_start3A_754, %dma_start3A_755] : memref<1000x1024xf32, #tpu.memory_space<hbm>> -> memref<1000x1024xf32, #tpu.memory_space<hbm>>
    %dma_start3A_757 = tpu.memref_slice %arg8[%dma_start3A_746] : memref<3x!tpu.dma_semaphore, #tpu.memory_space<semaphore_mem>> -> memref<1x!tpu.dma_semaphore, #tpu.memory_space<semaphore_mem>>
    %dma_start3A_758 = tpu.memref_squeeze %dma_start3A_757 : memref<1x!tpu.dma_semaphore, #tpu.memory_space<semaphore_mem>> -> memref<!tpu.dma_semaphore, #tpu.memory_space<semaphore_mem>>
    tpu.enqueue_indirect_dma source(%dma_start3A_756 : memref<1000x1024xf32, #tpu.memory_space<hbm>>) target(%dma_start3A_750 : memref<32x1024xf32, #tpu.memory_space<vmem>>) offsets(%dma_start3A_753 : memref<32xi32, #tpu.memory_space<vmem>>) semaphore(%dma_start3A_758 : memref<!tpu.dma_semaphore, #tpu.memory_space<semaphore_mem>>)
    %add3A_759 = arith.constant 224 : i32
    %add3A_760 = arith.addi %mul3A_2, %add3A_759 : i32
    %dma_wait3A_761 = arith.constant 7 : i32
    %dma_wait3A_762 = arith.constant 1 : i32
    %dma_wait3A_763 = arith.constant 1 : i32
    %dma_wait3A_764 = arith.constant 0 : i32
    %dma_wait3A_765 = arith.constant 0 : i32
    %dma_wait3A_766 = tpu.memref_slice %arg6[%dma_wait3A_762, %dma_wait3A_764, %dma_wait3A_765] : memref<3x32x1024xf32, #tpu.memory_space<vmem>> -> memref<1x32x1024xf32, #tpu.memory_space<vmem>>
    %dma_wait3A_767 = tpu.memref_squeeze %dma_wait3A_766 : memref<1x32x1024xf32, #tpu.memory_space<vmem>> -> memref<32x1024xf32, #tpu.memory_space<vmem>>
    %dma_wait3A_768 = arith.constant 0 : i32
    %dma_wait3A_769 = tpu.memref_slice %arg5[%dma_wait3A_761, %dma_wait3A_768] : memref<16x32xi32, #tpu.memory_space<vmem>> -> memref<1x32xi32, #tpu.memory_space<vmem>>
    %dma_wait3A_770 = tpu.memref_squeeze %dma_wait3A_769 : memref<1x32xi32, #tpu.memory_space<vmem>> -> memref<32xi32, #tpu.memory_space<vmem>>
    %dma_wait3A_771 = arith.constant 0 : i32
    %dma_wait3A_772 = arith.constant 0 : i32
    %dma_wait3A_773 = tpu.memref_slice %arg3[%dma_wait3A_771, %dma_wait3A_772] : memref<1000x1024xf32, #tpu.memory_space<hbm>> -> memref<1000x1024xf32, #tpu.memory_space<hbm>>
    %dma_wait3A_774 = tpu.memref_slice %arg8[%dma_wait3A_763] : memref<3x!tpu.dma_semaphore, #tpu.memory_space<semaphore_mem>> -> memref<1x!tpu.dma_semaphore, #tpu.memory_space<semaphore_mem>>
    %dma_wait3A_775 = tpu.memref_squeeze %dma_wait3A_774 : memref<1x!tpu.dma_semaphore, #tpu.memory_space<semaphore_mem>> -> memref<!tpu.dma_semaphore, #tpu.memory_space<semaphore_mem>>
    tpu.wait_indirect_dma semaphore(%dma_wait3A_775 : memref<!tpu.dma_semaphore, #tpu.memory_space<semaphore_mem>>) src(%dma_wait3A_773 : memref<1000x1024xf32, #tpu.memory_space<hbm>>) dst(%dma_wait3A_767 : memref<32x1024xf32, #tpu.memory_space<vmem>>)
    %dma_start3A_776 = arith.constant 1 : i32
    %dma_start3A_777 = arith.constant 1 : i32
    %dma_start3A_778 = arith.constant 0 : i32
    %dma_start3A_779 = arith.constant 0 : i32
    %dma_start3A_780 = tpu.memref_slice %arg6[%dma_start3A_776, %dma_start3A_778, %dma_start3A_779] : memref<3x32x1024xf32, #tpu.memory_space<vmem>> -> memref<1x32x896xf32, #tpu.memory_space<vmem>>
    %dma_start3A_781 = tpu.memref_squeeze %dma_start3A_780 : memref<1x32x896xf32, #tpu.memory_space<vmem>> -> memref<32x896xf32, #tpu.memory_space<vmem>>
    %dma_start3A_782 = arith.constant 0 : i32
    %dma_start3A_783 = tpu.memref_slice %arg4[%add3A_760, %dma_start3A_782] : memref<16384x1000xf32, #tpu.memory_space<hbm>> -> memref<32x896xf32, #tpu.memory_space<hbm>>
    %dma_start3A_784 = tpu.memref_slice %arg9[%dma_start3A_777] : memref<3x!tpu.dma_semaphore, #tpu.memory_space<semaphore_mem>> -> memref<1x!tpu.dma_semaphore, #tpu.memory_space<semaphore_mem>>
    %dma_start3A_785 = tpu.memref_squeeze %dma_start3A_784 : memref<1x!tpu.dma_semaphore, #tpu.memory_space<semaphore_mem>> -> memref<!tpu.dma_semaphore, #tpu.memory_space<semaphore_mem>>
    %dma_start3A_786 = arith.constant 0 : i32
    %dma_start3A_787 = tpu.memref_slice %arg4[%add3A_760, %dma_start3A_786] : memref<16384x1000xf32, #tpu.memory_space<hbm>> -> memref<32x896xf32, #tpu.memory_space<hbm>>
    %dma_start3A_788 = arith.constant 0 : i32
    %dma_start3A_789 = arith.constant 0 : i32
    %dma_start3A_790 = tpu.memref_slice %arg6[%dma_start3A_776, %dma_start3A_788, %dma_start3A_789] : memref<3x32x1024xf32, #tpu.memory_space<vmem>> -> memref<1x32x896xf32, #tpu.memory_space<vmem>>
    %dma_start3A_791 = tpu.memref_squeeze %dma_start3A_790 : memref<1x32x896xf32, #tpu.memory_space<vmem>> -> memref<32x896xf32, #tpu.memory_space<vmem>>
    tpu.enqueue_dma source(%dma_start3A_791 : memref<32x896xf32, #tpu.memory_space<vmem>>) target(%dma_start3A_787 : memref<32x896xf32, #tpu.memory_space<hbm>>) target_semaphore(%dma_start3A_785 : memref<!tpu.dma_semaphore, #tpu.memory_space<semaphore_mem>>)
    %scan3A_792 = arith.constant 0 : i32
    %scan3A_793 = arith.constant 0 : i32
    %scan3A_794 = arith.constant 32 : i32
    %scan3A_795 = arith.addi %scan3A_793, %scan3A_794 : i32
    %scan3A_796 = arith.constant 1 : i32
    scf.for %scan3A_1632 = %scan3A_793 to %scan3A_795 step %scan3A_796  : i32 {
      %get3A = arith.constant 1 : i32
      %get3A_1633 = arith.index_cast %get3A : i32 to index
      %get3A_1634 = arith.index_cast %scan3A_1632 : i32 to index
      %get3A_1635 = arith.constant 896 : index
      %get3A_1636 = tpu.vector_load %arg6[%get3A_1633, %get3A_1634, %get3A_1635] {strides = array<i32>} : memref<3x32x1024xf32, #tpu.memory_space<vmem>>, vector<1x1x16xf32>,
      %get3A_1637 = vector.shape_cast %get3A_1636 : vector<1x1x16xf32> to vector<16xf32>
      %swap3A = arith.constant 1 : i32
      %swap3A_1638 = arith.index_cast %swap3A : i32 to index
      %swap3A_1639 = arith.index_cast %scan3A_1632 : i32 to index
      %swap3A_1640 = arith.constant 0 : index
      %swap3A_1641 = tpu.vector_load %arg7[%swap3A_1638, %swap3A_1639, %swap3A_1640] {strides = array<i32>} : memref<3x32x104xf32, #tpu.memory_space<vmem>>, vector<1x1x16xf32>,
      %swap3A_1642 = vector.shape_cast %swap3A_1641 : vector<1x1x16xf32> to vector<16xf32>
      %swap3A_1643 = vector.shape_cast %get3A_1637 : vector<16xf32> to vector<1x1x16xf32>
      tpu.vector_store %arg7[%swap3A_1638, %swap3A_1639, %swap3A_1640], %swap3A_1643 {strides = array<i32>} : memref<3x32x104xf32, #tpu.memory_space<vmem>>, vector<1x1x16xf32>,
      %get3A_1644 = arith.constant 1 : i32
      %get3A_1645 = arith.index_cast %get3A_1644 : i32 to index
      %get3A_1646 = arith.index_cast %scan3A_1632 : i32 to index
      %get3A_1647 = arith.constant 912 : index
      %get3A_1648 = tpu.vector_load %arg6[%get3A_1645, %get3A_1646, %get3A_1647] {strides = array<i32>} : memref<3x32x1024xf32, #tpu.memory_space<vmem>>, vector<1x1x16xf32>,
      %get3A_1649 = vector.shape_cast %get3A_1648 : vector<1x1x16xf32> to vector<16xf32>
      %swap3A_1650 = arith.constant 1 : i32
      %swap3A_1651 = arith.index_cast %swap3A_1650 : i32 to index
      %swap3A_1652 = arith.index_cast %scan3A_1632 : i32 to index
      %swap3A_1653 = arith.constant 16 : index
      %swap3A_1654 = tpu.vector_load %arg7[%swap3A_1651, %swap3A_1652, %swap3A_1653] {strides = array<i32>} : memref<3x32x104xf32, #tpu.memory_space<vmem>>, vector<1x1x16xf32>,
      %swap3A_1655 = vector.shape_cast %swap3A_1654 : vector<1x1x16xf32> to vector<16xf32>
      %swap3A_1656 = vector.shape_cast %get3A_1649 : vector<16xf32> to vector<1x1x16xf32>
      tpu.vector_store %arg7[%swap3A_1651, %swap3A_1652, %swap3A_1653], %swap3A_1656 {strides = array<i32>} : memref<3x32x104xf32, #tpu.memory_space<vmem>>, vector<1x1x16xf32>,
      %get3A_1657 = arith.constant 1 : i32
      %get3A_1658 = arith.index_cast %get3A_1657 : i32 to index
      %get3A_1659 = arith.index_cast %scan3A_1632 : i32 to index
      %get3A_1660 = arith.constant 928 : index
      %get3A_1661 = tpu.vector_load %arg6[%get3A_1658, %get3A_1659, %get3A_1660] {strides = array<i32>} : memref<3x32x1024xf32, #tpu.memory_space<vmem>>, vector<1x1x16xf32>,
      %get3A_1662 = vector.shape_cast %get3A_1661 : vector<1x1x16xf32> to vector<16xf32>
      %swap3A_1663 = arith.constant 1 : i32
      %swap3A_1664 = arith.index_cast %swap3A_1663 : i32 to index
      %swap3A_1665 = arith.index_cast %scan3A_1632 : i32 to index
      %swap3A_1666 = arith.constant 32 : index
      %swap3A_1667 = tpu.vector_load %arg7[%swap3A_1664, %swap3A_1665, %swap3A_1666] {strides = array<i32>} : memref<3x32x104xf32, #tpu.memory_space<vmem>>, vector<1x1x16xf32>,
      %swap3A_1668 = vector.shape_cast %swap3A_1667 : vector<1x1x16xf32> to vector<16xf32>
      %swap3A_1669 = vector.shape_cast %get3A_1662 : vector<16xf32> to vector<1x1x16xf32>
      tpu.vector_store %arg7[%swap3A_1664, %swap3A_1665, %swap3A_1666], %swap3A_1669 {strides = array<i32>} : memref<3x32x104xf32, #tpu.memory_space<vmem>>, vector<1x1x16xf32>,
      %get3A_1670 = arith.constant 1 : i32
      %get3A_1671 = arith.index_cast %get3A_1670 : i32 to index
      %get3A_1672 = arith.index_cast %scan3A_1632 : i32 to index
      %get3A_1673 = arith.constant 944 : index
      %get3A_1674 = tpu.vector_load %arg6[%get3A_1671, %get3A_1672, %get3A_1673] {strides = array<i32>} : memref<3x32x1024xf32, #tpu.memory_space<vmem>>, vector<1x1x16xf32>,
      %get3A_1675 = vector.shape_cast %get3A_1674 : vector<1x1x16xf32> to vector<16xf32>
      %swap3A_1676 = arith.constant 1 : i32
      %swap3A_1677 = arith.index_cast %swap3A_1676 : i32 to index
      %swap3A_1678 = arith.index_cast %scan3A_1632 : i32 to index
      %swap3A_1679 = arith.constant 48 : index
      %swap3A_1680 = tpu.vector_load %arg7[%swap3A_1677, %swap3A_1678, %swap3A_1679] {strides = array<i32>} : memref<3x32x104xf32, #tpu.memory_space<vmem>>, vector<1x1x16xf32>,
      %swap3A_1681 = vector.shape_cast %swap3A_1680 : vector<1x1x16xf32> to vector<16xf32>
      %swap3A_1682 = vector.shape_cast %get3A_1675 : vector<16xf32> to vector<1x1x16xf32>
      tpu.vector_store %arg7[%swap3A_1677, %swap3A_1678, %swap3A_1679], %swap3A_1682 {strides = array<i32>} : memref<3x32x104xf32, #tpu.memory_space<vmem>>, vector<1x1x16xf32>,
      %get3A_1683 = arith.constant 1 : i32
      %get3A_1684 = arith.index_cast %get3A_1683 : i32 to index
      %get3A_1685 = arith.index_cast %scan3A_1632 : i32 to index
      %get3A_1686 = arith.constant 960 : index
      %get3A_1687 = tpu.vector_load %arg6[%get3A_1684, %get3A_1685, %get3A_1686] {strides = array<i32>} : memref<3x32x1024xf32, #tpu.memory_space<vmem>>, vector<1x1x16xf32>,
      %get3A_1688 = vector.shape_cast %get3A_1687 : vector<1x1x16xf32> to vector<16xf32>
      %swap3A_1689 = arith.constant 1 : i32
      %swap3A_1690 = arith.index_cast %swap3A_1689 : i32 to index
      %swap3A_1691 = arith.index_cast %scan3A_1632 : i32 to index
      %swap3A_1692 = arith.constant 64 : index
      %swap3A_1693 = tpu.vector_load %arg7[%swap3A_1690, %swap3A_1691, %swap3A_1692] {strides = array<i32>} : memref<3x32x104xf32, #tpu.memory_space<vmem>>, vector<1x1x16xf32>,
      %swap3A_1694 = vector.shape_cast %swap3A_1693 : vector<1x1x16xf32> to vector<16xf32>
      %swap3A_1695 = vector.shape_cast %get3A_1688 : vector<16xf32> to vector<1x1x16xf32>
      tpu.vector_store %arg7[%swap3A_1690, %swap3A_1691, %swap3A_1692], %swap3A_1695 {strides = array<i32>} : memref<3x32x104xf32, #tpu.memory_space<vmem>>, vector<1x1x16xf32>,
      %get3A_1696 = arith.constant 1 : i32
      %get3A_1697 = arith.index_cast %get3A_1696 : i32 to index
      %get3A_1698 = arith.index_cast %scan3A_1632 : i32 to index
      %get3A_1699 = arith.constant 976 : index
      %get3A_1700 = tpu.vector_load %arg6[%get3A_1697, %get3A_1698, %get3A_1699] {strides = array<i32>} : memref<3x32x1024xf32, #tpu.memory_space<vmem>>, vector<1x1x16xf32>,
      %get3A_1701 = vector.shape_cast %get3A_1700 : vector<1x1x16xf32> to vector<16xf32>
      %swap3A_1702 = arith.constant 1 : i32
      %swap3A_1703 = arith.index_cast %swap3A_1702 : i32 to index
      %swap3A_1704 = arith.index_cast %scan3A_1632 : i32 to index
      %swap3A_1705 = arith.constant 80 : index
      %swap3A_1706 = tpu.vector_load %arg7[%swap3A_1703, %swap3A_1704, %swap3A_1705] {strides = array<i32>} : memref<3x32x104xf32, #tpu.memory_space<vmem>>, vector<1x1x16xf32>,
      %swap3A_1707 = vector.shape_cast %swap3A_1706 : vector<1x1x16xf32> to vector<16xf32>
      %swap3A_1708 = vector.shape_cast %get3A_1701 : vector<16xf32> to vector<1x1x16xf32>
      tpu.vector_store %arg7[%swap3A_1703, %swap3A_1704, %swap3A_1705], %swap3A_1708 {strides = array<i32>} : memref<3x32x104xf32, #tpu.memory_space<vmem>>, vector<1x1x16xf32>,
      %get3A_1709 = arith.constant 1 : i32
      %get3A_1710 = arith.index_cast %get3A_1709 : i32 to index
      %get3A_1711 = arith.index_cast %scan3A_1632 : i32 to index
      %get3A_1712 = arith.constant 984 : index
      %get3A_1713 = tpu.vector_load %arg6[%get3A_1710, %get3A_1711, %get3A_1712] {strides = array<i32>} : memref<3x32x1024xf32, #tpu.memory_space<vmem>>, vector<1x1x16xf32>,
      %get3A_1714 = vector.shape_cast %get3A_1713 : vector<1x1x16xf32> to vector<16xf32>
      %swap3A_1715 = arith.constant 1 : i32
      %swap3A_1716 = arith.index_cast %swap3A_1715 : i32 to index
      %swap3A_1717 = arith.index_cast %scan3A_1632 : i32 to index
      %swap3A_1718 = arith.constant 88 : index
      %swap3A_1719 = tpu.vector_load %arg7[%swap3A_1716, %swap3A_1717, %swap3A_1718] {strides = array<i32>} : memref<3x32x104xf32, #tpu.memory_space<vmem>>, vector<1x1x16xf32>,
      %swap3A_1720 = vector.shape_cast %swap3A_1719 : vector<1x1x16xf32> to vector<16xf32>
      %swap3A_1721 = vector.shape_cast %get3A_1714 : vector<16xf32> to vector<1x1x16xf32>
      tpu.vector_store %arg7[%swap3A_1716, %swap3A_1717, %swap3A_1718], %swap3A_1721 {strides = array<i32>} : memref<3x32x104xf32, #tpu.memory_space<vmem>>, vector<1x1x16xf32>,
    }
    %scan3A_797 = arith.constant 32 : i32
    %dma_start3A_798 = arith.constant 1 : i32
    %dma_start3A_799 = arith.constant 1 : i32
    %dma_start3A_800 = arith.constant 0 : i32
    %dma_start3A_801 = arith.constant 0 : i32
    %dma_start3A_802 = tpu.memref_slice %arg7[%dma_start3A_798, %dma_start3A_800, %dma_start3A_801] : memref<3x32x104xf32, #tpu.memory_space<vmem>> -> memref<1x32x104xf32, #tpu.memory_space<vmem>>
    %dma_start3A_803 = tpu.memref_squeeze %dma_start3A_802 : memref<1x32x104xf32, #tpu.memory_space<vmem>> -> memref<32x104xf32, #tpu.memory_space<vmem>>
    %dma_start3A_804 = arith.constant 896 : i32
    %dma_start3A_805 = tpu.memref_slice %arg4[%add3A_760, %dma_start3A_804] : memref<16384x1000xf32, #tpu.memory_space<hbm>> -> memref<32x104xf32, #tpu.memory_space<hbm>>
    %dma_start3A_806 = tpu.memref_slice %arg10[%dma_start3A_799] : memref<3x!tpu.dma_semaphore, #tpu.memory_space<semaphore_mem>> -> memref<1x!tpu.dma_semaphore, #tpu.memory_space<semaphore_mem>>
    %dma_start3A_807 = tpu.memref_squeeze %dma_start3A_806 : memref<1x!tpu.dma_semaphore, #tpu.memory_space<semaphore_mem>> -> memref<!tpu.dma_semaphore, #tpu.memory_space<semaphore_mem>>
    %dma_start3A_808 = arith.constant 896 : i32
    %dma_start3A_809 = tpu.memref_slice %arg4[%add3A_760, %dma_start3A_808] : memref<16384x1000xf32, #tpu.memory_space<hbm>> -> memref<32x104xf32, #tpu.memory_space<hbm>>
    %dma_start3A_810 = arith.constant 0 : i32
    %dma_start3A_811 = arith.constant 0 : i32
    %dma_start3A_812 = tpu.memref_slice %arg7[%dma_start3A_798, %dma_start3A_810, %dma_start3A_811] : memref<3x32x104xf32, #tpu.memory_space<vmem>> -> memref<1x32x104xf32, #tpu.memory_space<vmem>>
    %dma_start3A_813 = tpu.memref_squeeze %dma_start3A_812 : memref<1x32x104xf32, #tpu.memory_space<vmem>> -> memref<32x104xf32, #tpu.memory_space<vmem>>
    tpu.enqueue_dma source(%dma_start3A_813 : memref<32x104xf32, #tpu.memory_space<vmem>>) target(%dma_start3A_809 : memref<32x104xf32, #tpu.memory_space<hbm>>) target_semaphore(%dma_start3A_807 : memref<!tpu.dma_semaphore, #tpu.memory_space<semaphore_mem>>)
    %dma_wait3A_814 = arith.constant 1 : i32
    %dma_wait3A_815 = arith.constant 1 : i32
    %dma_wait3A_816 = arith.constant 0 : i32
    %dma_wait3A_817 = arith.constant 0 : i32
    %dma_wait3A_818 = tpu.memref_slice %arg6[%dma_wait3A_814, %dma_wait3A_816, %dma_wait3A_817] : memref<3x32x1024xf32, #tpu.memory_space<vmem>> -> memref<1x32x896xf32, #tpu.memory_space<vmem>>
    %dma_wait3A_819 = tpu.memref_squeeze %dma_wait3A_818 : memref<1x32x896xf32, #tpu.memory_space<vmem>> -> memref<32x896xf32, #tpu.memory_space<vmem>>
    %dma_wait3A_820 = arith.constant 0 : i32
    %dma_wait3A_821 = tpu.memref_slice %arg4[%add3A_760, %dma_wait3A_820] : memref<16384x1000xf32, #tpu.memory_space<hbm>> -> memref<32x896xf32, #tpu.memory_space<hbm>>
    %dma_wait3A_822 = tpu.memref_slice %arg9[%dma_wait3A_815] : memref<3x!tpu.dma_semaphore, #tpu.memory_space<semaphore_mem>> -> memref<1x!tpu.dma_semaphore, #tpu.memory_space<semaphore_mem>>
    %dma_wait3A_823 = tpu.memref_squeeze %dma_wait3A_822 : memref<1x!tpu.dma_semaphore, #tpu.memory_space<semaphore_mem>> -> memref<!tpu.dma_semaphore, #tpu.memory_space<semaphore_mem>>
    %dma_wait3A_824 = arith.constant 0 : i32
    %dma_wait3A_825 = tpu.memref_slice %arg4[%add3A_760, %dma_wait3A_824] : memref<16384x1000xf32, #tpu.memory_space<hbm>> -> memref<32x896xf32, #tpu.memory_space<hbm>>
    %dma_wait3A_826 = arith.constant 0 : i32
    %dma_wait3A_827 = arith.constant 0 : i32
    %dma_wait3A_828 = tpu.memref_slice %arg6[%dma_wait3A_814, %dma_wait3A_826, %dma_wait3A_827] : memref<3x32x1024xf32, #tpu.memory_space<vmem>> -> memref<1x32x896xf32, #tpu.memory_space<vmem>>
    %dma_wait3A_829 = tpu.memref_squeeze %dma_wait3A_828 : memref<1x32x896xf32, #tpu.memory_space<vmem>> -> memref<32x896xf32, #tpu.memory_space<vmem>>
    tpu.wait_dma2 semaphore(%dma_wait3A_823 : memref<!tpu.dma_semaphore, #tpu.memory_space<semaphore_mem>>) src(%dma_wait3A_829 : memref<32x896xf32, #tpu.memory_space<vmem>>) dst(%dma_wait3A_825 : memref<32x896xf32, #tpu.memory_space<hbm>>)
    %dma_wait3A_830 = arith.constant 1 : i32
    %dma_wait3A_831 = arith.constant 1 : i32
    %dma_wait3A_832 = arith.constant 0 : i32
    %dma_wait3A_833 = arith.constant 0 : i32
    %dma_wait3A_834 = tpu.memref_slice %arg7[%dma_wait3A_830, %dma_wait3A_832, %dma_wait3A_833] : memref<3x32x104xf32, #tpu.memory_space<vmem>> -> memref<1x32x104xf32, #tpu.memory_space<vmem>>
    %dma_wait3A_835 = tpu.memref_squeeze %dma_wait3A_834 : memref<1x32x104xf32, #tpu.memory_space<vmem>> -> memref<32x104xf32, #tpu.memory_space<vmem>>
    %dma_wait3A_836 = arith.constant 896 : i32
    %dma_wait3A_837 = tpu.memref_slice %arg4[%add3A_760, %dma_wait3A_836] : memref<16384x1000xf32, #tpu.memory_space<hbm>> -> memref<32x104xf32, #tpu.memory_space<hbm>>
    %dma_wait3A_838 = tpu.memref_slice %arg10[%dma_wait3A_831] : memref<3x!tpu.dma_semaphore, #tpu.memory_space<semaphore_mem>> -> memref<1x!tpu.dma_semaphore, #tpu.memory_space<semaphore_mem>>
    %dma_wait3A_839 = tpu.memref_squeeze %dma_wait3A_838 : memref<1x!tpu.dma_semaphore, #tpu.memory_space<semaphore_mem>> -> memref<!tpu.dma_semaphore, #tpu.memory_space<semaphore_mem>>
    %dma_wait3A_840 = arith.constant 896 : i32
    %dma_wait3A_841 = tpu.memref_slice %arg4[%add3A_760, %dma_wait3A_840] : memref<16384x1000xf32, #tpu.memory_space<hbm>> -> memref<32x104xf32, #tpu.memory_space<hbm>>
    %dma_wait3A_842 = arith.constant 0 : i32
    %dma_wait3A_843 = arith.constant 0 : i32
    %dma_wait3A_844 = tpu.memref_slice %arg7[%dma_wait3A_830, %dma_wait3A_842, %dma_wait3A_843] : memref<3x32x104xf32, #tpu.memory_space<vmem>> -> memref<1x32x104xf32, #tpu.memory_space<vmem>>
    %dma_wait3A_845 = tpu.memref_squeeze %dma_wait3A_844 : memref<1x32x104xf32, #tpu.memory_space<vmem>> -> memref<32x104xf32, #tpu.memory_space<vmem>>
    tpu.wait_dma2 semaphore(%dma_wait3A_839 : memref<!tpu.dma_semaphore, #tpu.memory_space<semaphore_mem>>) src(%dma_wait3A_845 : memref<32x104xf32, #tpu.memory_space<vmem>>) dst(%dma_wait3A_841 : memref<32x104xf32, #tpu.memory_space<hbm>>)
    %dma_start3A_846 = arith.constant 10 : i32
    %dma_start3A_847 = arith.constant 1 : i32
    %dma_start3A_848 = arith.constant 1 : i32
    %dma_start3A_849 = arith.constant 0 : i32
    %dma_start3A_850 = arith.constant 0 : i32
    %dma_start3A_851 = tpu.memref_slice %arg6[%dma_start3A_847, %dma_start3A_849, %dma_start3A_850] : memref<3x32x1024xf32, #tpu.memory_space<vmem>> -> memref<1x32x1024xf32, #tpu.memory_space<vmem>>
    %dma_start3A_852 = tpu.memref_squeeze %dma_start3A_851 : memref<1x32x1024xf32, #tpu.memory_space<vmem>> -> memref<32x1024xf32, #tpu.memory_space<vmem>>
    %dma_start3A_853 = arith.constant 0 : i32
    %dma_start3A_854 = tpu.memref_slice %arg5[%dma_start3A_846, %dma_start3A_853] : memref<16x32xi32, #tpu.memory_space<vmem>> -> memref<1x32xi32, #tpu.memory_space<vmem>>
    %dma_start3A_855 = tpu.memref_squeeze %dma_start3A_854 : memref<1x32xi32, #tpu.memory_space<vmem>> -> memref<32xi32, #tpu.memory_space<vmem>>
    %dma_start3A_856 = arith.constant 0 : i32
    %dma_start3A_857 = arith.constant 0 : i32
    %dma_start3A_858 = tpu.memref_slice %arg3[%dma_start3A_856, %dma_start3A_857] : memref<1000x1024xf32, #tpu.memory_space<hbm>> -> memref<1000x1024xf32, #tpu.memory_space<hbm>>
    %dma_start3A_859 = tpu.memref_slice %arg8[%dma_start3A_848] : memref<3x!tpu.dma_semaphore, #tpu.memory_space<semaphore_mem>> -> memref<1x!tpu.dma_semaphore, #tpu.memory_space<semaphore_mem>>
    %dma_start3A_860 = tpu.memref_squeeze %dma_start3A_859 : memref<1x!tpu.dma_semaphore, #tpu.memory_space<semaphore_mem>> -> memref<!tpu.dma_semaphore, #tpu.memory_space<semaphore_mem>>
    tpu.enqueue_indirect_dma source(%dma_start3A_858 : memref<1000x1024xf32, #tpu.memory_space<hbm>>) target(%dma_start3A_852 : memref<32x1024xf32, #tpu.memory_space<vmem>>) offsets(%dma_start3A_855 : memref<32xi32, #tpu.memory_space<vmem>>) semaphore(%dma_start3A_860 : memref<!tpu.dma_semaphore, #tpu.memory_space<semaphore_mem>>)
    %add3A_861 = arith.constant 256 : i32
    %add3A_862 = arith.addi %mul3A_2, %add3A_861 : i32
    %dma_wait3A_863 = arith.constant 8 : i32
    %dma_wait3A_864 = arith.constant 2 : i32
    %dma_wait3A_865 = arith.constant 2 : i32
    %dma_wait3A_866 = arith.constant 0 : i32
    %dma_wait3A_867 = arith.constant 0 : i32
    %dma_wait3A_868 = tpu.memref_slice %arg6[%dma_wait3A_864, %dma_wait3A_866, %dma_wait3A_867] : memref<3x32x1024xf32, #tpu.memory_space<vmem>> -> memref<1x32x1024xf32, #tpu.memory_space<vmem>>
    %dma_wait3A_869 = tpu.memref_squeeze %dma_wait3A_868 : memref<1x32x1024xf32, #tpu.memory_space<vmem>> -> memref<32x1024xf32, #tpu.memory_space<vmem>>
    %dma_wait3A_870 = arith.constant 0 : i32
    %dma_wait3A_871 = tpu.memref_slice %arg5[%dma_wait3A_863, %dma_wait3A_870] : memref<16x32xi32, #tpu.memory_space<vmem>> -> memref<1x32xi32, #tpu.memory_space<vmem>>
    %dma_wait3A_872 = tpu.memref_squeeze %dma_wait3A_871 : memref<1x32xi32, #tpu.memory_space<vmem>> -> memref<32xi32, #tpu.memory_space<vmem>>
    %dma_wait3A_873 = arith.constant 0 : i32
    %dma_wait3A_874 = arith.constant 0 : i32
    %dma_wait3A_875 = tpu.memref_slice %arg3[%dma_wait3A_873, %dma_wait3A_874] : memref<1000x1024xf32, #tpu.memory_space<hbm>> -> memref<1000x1024xf32, #tpu.memory_space<hbm>>
    %dma_wait3A_876 = tpu.memref_slice %arg8[%dma_wait3A_865] : memref<3x!tpu.dma_semaphore, #tpu.memory_space<semaphore_mem>> -> memref<1x!tpu.dma_semaphore, #tpu.memory_space<semaphore_mem>>
    %dma_wait3A_877 = tpu.memref_squeeze %dma_wait3A_876 : memref<1x!tpu.dma_semaphore, #tpu.memory_space<semaphore_mem>> -> memref<!tpu.dma_semaphore, #tpu.memory_space<semaphore_mem>>
    tpu.wait_indirect_dma semaphore(%dma_wait3A_877 : memref<!tpu.dma_semaphore, #tpu.memory_space<semaphore_mem>>) src(%dma_wait3A_875 : memref<1000x1024xf32, #tpu.memory_space<hbm>>) dst(%dma_wait3A_869 : memref<32x1024xf32, #tpu.memory_space<vmem>>)
    %dma_start3A_878 = arith.constant 2 : i32
    %dma_start3A_879 = arith.constant 2 : i32
    %dma_start3A_880 = arith.constant 0 : i32
    %dma_start3A_881 = arith.constant 0 : i32
    %dma_start3A_882 = tpu.memref_slice %arg6[%dma_start3A_878, %dma_start3A_880, %dma_start3A_881] : memref<3x32x1024xf32, #tpu.memory_space<vmem>> -> memref<1x32x896xf32, #tpu.memory_space<vmem>>
    %dma_start3A_883 = tpu.memref_squeeze %dma_start3A_882 : memref<1x32x896xf32, #tpu.memory_space<vmem>> -> memref<32x896xf32, #tpu.memory_space<vmem>>
    %dma_start3A_884 = arith.constant 0 : i32
    %dma_start3A_885 = tpu.memref_slice %arg4[%add3A_862, %dma_start3A_884] : memref<16384x1000xf32, #tpu.memory_space<hbm>> -> memref<32x896xf32, #tpu.memory_space<hbm>>
    %dma_start3A_886 = tpu.memref_slice %arg9[%dma_start3A_879] : memref<3x!tpu.dma_semaphore, #tpu.memory_space<semaphore_mem>> -> memref<1x!tpu.dma_semaphore, #tpu.memory_space<semaphore_mem>>
    %dma_start3A_887 = tpu.memref_squeeze %dma_start3A_886 : memref<1x!tpu.dma_semaphore, #tpu.memory_space<semaphore_mem>> -> memref<!tpu.dma_semaphore, #tpu.memory_space<semaphore_mem>>
    %dma_start3A_888 = arith.constant 0 : i32
    %dma_start3A_889 = tpu.memref_slice %arg4[%add3A_862, %dma_start3A_888] : memref<16384x1000xf32, #tpu.memory_space<hbm>> -> memref<32x896xf32, #tpu.memory_space<hbm>>
    %dma_start3A_890 = arith.constant 0 : i32
    %dma_start3A_891 = arith.constant 0 : i32
    %dma_start3A_892 = tpu.memref_slice %arg6[%dma_start3A_878, %dma_start3A_890, %dma_start3A_891] : memref<3x32x1024xf32, #tpu.memory_space<vmem>> -> memref<1x32x896xf32, #tpu.memory_space<vmem>>
    %dma_start3A_893 = tpu.memref_squeeze %dma_start3A_892 : memref<1x32x896xf32, #tpu.memory_space<vmem>> -> memref<32x896xf32, #tpu.memory_space<vmem>>
    tpu.enqueue_dma source(%dma_start3A_893 : memref<32x896xf32, #tpu.memory_space<vmem>>) target(%dma_start3A_889 : memref<32x896xf32, #tpu.memory_space<hbm>>) target_semaphore(%dma_start3A_887 : memref<!tpu.dma_semaphore, #tpu.memory_space<semaphore_mem>>)
    %scan3A_894 = arith.constant 0 : i32
    %scan3A_895 = arith.constant 0 : i32
    %scan3A_896 = arith.constant 32 : i32
    %scan3A_897 = arith.addi %scan3A_895, %scan3A_896 : i32
    %scan3A_898 = arith.constant 1 : i32
    scf.for %scan3A_1632 = %scan3A_895 to %scan3A_897 step %scan3A_898  : i32 {
      %get3A = arith.constant 2 : i32
      %get3A_1633 = arith.index_cast %get3A : i32 to index
      %get3A_1634 = arith.index_cast %scan3A_1632 : i32 to index
      %get3A_1635 = arith.constant 896 : index
      %get3A_1636 = tpu.vector_load %arg6[%get3A_1633, %get3A_1634, %get3A_1635] {strides = array<i32>} : memref<3x32x1024xf32, #tpu.memory_space<vmem>>, vector<1x1x16xf32>,
      %get3A_1637 = vector.shape_cast %get3A_1636 : vector<1x1x16xf32> to vector<16xf32>
      %swap3A = arith.constant 2 : i32
      %swap3A_1638 = arith.index_cast %swap3A : i32 to index
      %swap3A_1639 = arith.index_cast %scan3A_1632 : i32 to index
      %swap3A_1640 = arith.constant 0 : index
      %swap3A_1641 = tpu.vector_load %arg7[%swap3A_1638, %swap3A_1639, %swap3A_1640] {strides = array<i32>} : memref<3x32x104xf32, #tpu.memory_space<vmem>>, vector<1x1x16xf32>,
      %swap3A_1642 = vector.shape_cast %swap3A_1641 : vector<1x1x16xf32> to vector<16xf32>
      %swap3A_1643 = vector.shape_cast %get3A_1637 : vector<16xf32> to vector<1x1x16xf32>
      tpu.vector_store %arg7[%swap3A_1638, %swap3A_1639, %swap3A_1640], %swap3A_1643 {strides = array<i32>} : memref<3x32x104xf32, #tpu.memory_space<vmem>>, vector<1x1x16xf32>,
      %get3A_1644 = arith.constant 2 : i32
      %get3A_1645 = arith.index_cast %get3A_1644 : i32 to index
      %get3A_1646 = arith.index_cast %scan3A_1632 : i32 to index
      %get3A_1647 = arith.constant 912 : index
      %get3A_1648 = tpu.vector_load %arg6[%get3A_1645, %get3A_1646, %get3A_1647] {strides = array<i32>} : memref<3x32x1024xf32, #tpu.memory_space<vmem>>, vector<1x1x16xf32>,
      %get3A_1649 = vector.shape_cast %get3A_1648 : vector<1x1x16xf32> to vector<16xf32>
      %swap3A_1650 = arith.constant 2 : i32
      %swap3A_1651 = arith.index_cast %swap3A_1650 : i32 to index
      %swap3A_1652 = arith.index_cast %scan3A_1632 : i32 to index
      %swap3A_1653 = arith.constant 16 : index
      %swap3A_1654 = tpu.vector_load %arg7[%swap3A_1651, %swap3A_1652, %swap3A_1653] {strides = array<i32>} : memref<3x32x104xf32, #tpu.memory_space<vmem>>, vector<1x1x16xf32>,
      %swap3A_1655 = vector.shape_cast %swap3A_1654 : vector<1x1x16xf32> to vector<16xf32>
      %swap3A_1656 = vector.shape_cast %get3A_1649 : vector<16xf32> to vector<1x1x16xf32>
      tpu.vector_store %arg7[%swap3A_1651, %swap3A_1652, %swap3A_1653], %swap3A_1656 {strides = array<i32>} : memref<3x32x104xf32, #tpu.memory_space<vmem>>, vector<1x1x16xf32>,
      %get3A_1657 = arith.constant 2 : i32
      %get3A_1658 = arith.index_cast %get3A_1657 : i32 to index
      %get3A_1659 = arith.index_cast %scan3A_1632 : i32 to index
      %get3A_1660 = arith.constant 928 : index
      %get3A_1661 = tpu.vector_load %arg6[%get3A_1658, %get3A_1659, %get3A_1660] {strides = array<i32>} : memref<3x32x1024xf32, #tpu.memory_space<vmem>>, vector<1x1x16xf32>,
      %get3A_1662 = vector.shape_cast %get3A_1661 : vector<1x1x16xf32> to vector<16xf32>
      %swap3A_1663 = arith.constant 2 : i32
      %swap3A_1664 = arith.index_cast %swap3A_1663 : i32 to index
      %swap3A_1665 = arith.index_cast %scan3A_1632 : i32 to index
      %swap3A_1666 = arith.constant 32 : index
      %swap3A_1667 = tpu.vector_load %arg7[%swap3A_1664, %swap3A_1665, %swap3A_1666] {strides = array<i32>} : memref<3x32x104xf32, #tpu.memory_space<vmem>>, vector<1x1x16xf32>,
      %swap3A_1668 = vector.shape_cast %swap3A_1667 : vector<1x1x16xf32> to vector<16xf32>
      %swap3A_1669 = vector.shape_cast %get3A_1662 : vector<16xf32> to vector<1x1x16xf32>
      tpu.vector_store %arg7[%swap3A_1664, %swap3A_1665, %swap3A_1666], %swap3A_1669 {strides = array<i32>} : memref<3x32x104xf32, #tpu.memory_space<vmem>>, vector<1x1x16xf32>,
      %get3A_1670 = arith.constant 2 : i32
      %get3A_1671 = arith.index_cast %get3A_1670 : i32 to index
      %get3A_1672 = arith.index_cast %scan3A_1632 : i32 to index
      %get3A_1673 = arith.constant 944 : index
      %get3A_1674 = tpu.vector_load %arg6[%get3A_1671, %get3A_1672, %get3A_1673] {strides = array<i32>} : memref<3x32x1024xf32, #tpu.memory_space<vmem>>, vector<1x1x16xf32>,
      %get3A_1675 = vector.shape_cast %get3A_1674 : vector<1x1x16xf32> to vector<16xf32>
      %swap3A_1676 = arith.constant 2 : i32
      %swap3A_1677 = arith.index_cast %swap3A_1676 : i32 to index
      %swap3A_1678 = arith.index_cast %scan3A_1632 : i32 to index
      %swap3A_1679 = arith.constant 48 : index
      %swap3A_1680 = tpu.vector_load %arg7[%swap3A_1677, %swap3A_1678, %swap3A_1679] {strides = array<i32>} : memref<3x32x104xf32, #tpu.memory_space<vmem>>, vector<1x1x16xf32>,
      %swap3A_1681 = vector.shape_cast %swap3A_1680 : vector<1x1x16xf32> to vector<16xf32>
      %swap3A_1682 = vector.shape_cast %get3A_1675 : vector<16xf32> to vector<1x1x16xf32>
      tpu.vector_store %arg7[%swap3A_1677, %swap3A_1678, %swap3A_1679], %swap3A_1682 {strides = array<i32>} : memref<3x32x104xf32, #tpu.memory_space<vmem>>, vector<1x1x16xf32>,
      %get3A_1683 = arith.constant 2 : i32
      %get3A_1684 = arith.index_cast %get3A_1683 : i32 to index
      %get3A_1685 = arith.index_cast %scan3A_1632 : i32 to index
      %get3A_1686 = arith.constant 960 : index
      %get3A_1687 = tpu.vector_load %arg6[%get3A_1684, %get3A_1685, %get3A_1686] {strides = array<i32>} : memref<3x32x1024xf32, #tpu.memory_space<vmem>>, vector<1x1x16xf32>,
      %get3A_1688 = vector.shape_cast %get3A_1687 : vector<1x1x16xf32> to vector<16xf32>
      %swap3A_1689 = arith.constant 2 : i32
      %swap3A_1690 = arith.index_cast %swap3A_1689 : i32 to index
      %swap3A_1691 = arith.index_cast %scan3A_1632 : i32 to index
      %swap3A_1692 = arith.constant 64 : index
      %swap3A_1693 = tpu.vector_load %arg7[%swap3A_1690, %swap3A_1691, %swap3A_1692] {strides = array<i32>} : memref<3x32x104xf32, #tpu.memory_space<vmem>>, vector<1x1x16xf32>,
      %swap3A_1694 = vector.shape_cast %swap3A_1693 : vector<1x1x16xf32> to vector<16xf32>
      %swap3A_1695 = vector.shape_cast %get3A_1688 : vector<16xf32> to vector<1x1x16xf32>
      tpu.vector_store %arg7[%swap3A_1690, %swap3A_1691, %swap3A_1692], %swap3A_1695 {strides = array<i32>} : memref<3x32x104xf32, #tpu.memory_space<vmem>>, vector<1x1x16xf32>,
      %get3A_1696 = arith.constant 2 : i32
      %get3A_1697 = arith.index_cast %get3A_1696 : i32 to index
      %get3A_1698 = arith.index_cast %scan3A_1632 : i32 to index
      %get3A_1699 = arith.constant 976 : index
      %get3A_1700 = tpu.vector_load %arg6[%get3A_1697, %get3A_1698, %get3A_1699] {strides = array<i32>} : memref<3x32x1024xf32, #tpu.memory_space<vmem>>, vector<1x1x16xf32>,
      %get3A_1701 = vector.shape_cast %get3A_1700 : vector<1x1x16xf32> to vector<16xf32>
      %swap3A_1702 = arith.constant 2 : i32
      %swap3A_1703 = arith.index_cast %swap3A_1702 : i32 to index
      %swap3A_1704 = arith.index_cast %scan3A_1632 : i32 to index
      %swap3A_1705 = arith.constant 80 : index
      %swap3A_1706 = tpu.vector_load %arg7[%swap3A_1703, %swap3A_1704, %swap3A_1705] {strides = array<i32>} : memref<3x32x104xf32, #tpu.memory_space<vmem>>, vector<1x1x16xf32>,
      %swap3A_1707 = vector.shape_cast %swap3A_1706 : vector<1x1x16xf32> to vector<16xf32>
      %swap3A_1708 = vector.shape_cast %get3A_1701 : vector<16xf32> to vector<1x1x16xf32>
      tpu.vector_store %arg7[%swap3A_1703, %swap3A_1704, %swap3A_1705], %swap3A_1708 {strides = array<i32>} : memref<3x32x104xf32, #tpu.memory_space<vmem>>, vector<1x1x16xf32>,
      %get3A_1709 = arith.constant 2 : i32
      %get3A_1710 = arith.index_cast %get3A_1709 : i32 to index
      %get3A_1711 = arith.index_cast %scan3A_1632 : i32 to index
      %get3A_1712 = arith.constant 984 : index
      %get3A_1713 = tpu.vector_load %arg6[%get3A_1710, %get3A_1711, %get3A_1712] {strides = array<i32>} : memref<3x32x1024xf32, #tpu.memory_space<vmem>>, vector<1x1x16xf32>,
      %get3A_1714 = vector.shape_cast %get3A_1713 : vector<1x1x16xf32> to vector<16xf32>
      %swap3A_1715 = arith.constant 2 : i32
      %swap3A_1716 = arith.index_cast %swap3A_1715 : i32 to index
      %swap3A_1717 = arith.index_cast %scan3A_1632 : i32 to index
      %swap3A_1718 = arith.constant 88 : index
      %swap3A_1719 = tpu.vector_load %arg7[%swap3A_1716, %swap3A_1717, %swap3A_1718] {strides = array<i32>} : memref<3x32x104xf32, #tpu.memory_space<vmem>>, vector<1x1x16xf32>,
      %swap3A_1720 = vector.shape_cast %swap3A_1719 : vector<1x1x16xf32> to vector<16xf32>
      %swap3A_1721 = vector.shape_cast %get3A_1714 : vector<16xf32> to vector<1x1x16xf32>
      tpu.vector_store %arg7[%swap3A_1716, %swap3A_1717, %swap3A_1718], %swap3A_1721 {strides = array<i32>} : memref<3x32x104xf32, #tpu.memory_space<vmem>>, vector<1x1x16xf32>,
    }
    %scan3A_899 = arith.constant 32 : i32
    %dma_start3A_900 = arith.constant 2 : i32
    %dma_start3A_901 = arith.constant 2 : i32
    %dma_start3A_902 = arith.constant 0 : i32
    %dma_start3A_903 = arith.constant 0 : i32
    %dma_start3A_904 = tpu.memref_slice %arg7[%dma_start3A_900, %dma_start3A_902, %dma_start3A_903] : memref<3x32x104xf32, #tpu.memory_space<vmem>> -> memref<1x32x104xf32, #tpu.memory_space<vmem>>
    %dma_start3A_905 = tpu.memref_squeeze %dma_start3A_904 : memref<1x32x104xf32, #tpu.memory_space<vmem>> -> memref<32x104xf32, #tpu.memory_space<vmem>>
    %dma_start3A_906 = arith.constant 896 : i32
    %dma_start3A_907 = tpu.memref_slice %arg4[%add3A_862, %dma_start3A_906] : memref<16384x1000xf32, #tpu.memory_space<hbm>> -> memref<32x104xf32, #tpu.memory_space<hbm>>
    %dma_start3A_908 = tpu.memref_slice %arg10[%dma_start3A_901] : memref<3x!tpu.dma_semaphore, #tpu.memory_space<semaphore_mem>> -> memref<1x!tpu.dma_semaphore, #tpu.memory_space<semaphore_mem>>
    %dma_start3A_909 = tpu.memref_squeeze %dma_start3A_908 : memref<1x!tpu.dma_semaphore, #tpu.memory_space<semaphore_mem>> -> memref<!tpu.dma_semaphore, #tpu.memory_space<semaphore_mem>>
    %dma_start3A_910 = arith.constant 896 : i32
    %dma_start3A_911 = tpu.memref_slice %arg4[%add3A_862, %dma_start3A_910] : memref<16384x1000xf32, #tpu.memory_space<hbm>> -> memref<32x104xf32, #tpu.memory_space<hbm>>
    %dma_start3A_912 = arith.constant 0 : i32
    %dma_start3A_913 = arith.constant 0 : i32
    %dma_start3A_914 = tpu.memref_slice %arg7[%dma_start3A_900, %dma_start3A_912, %dma_start3A_913] : memref<3x32x104xf32, #tpu.memory_space<vmem>> -> memref<1x32x104xf32, #tpu.memory_space<vmem>>
    %dma_start3A_915 = tpu.memref_squeeze %dma_start3A_914 : memref<1x32x104xf32, #tpu.memory_space<vmem>> -> memref<32x104xf32, #tpu.memory_space<vmem>>
    tpu.enqueue_dma source(%dma_start3A_915 : memref<32x104xf32, #tpu.memory_space<vmem>>) target(%dma_start3A_911 : memref<32x104xf32, #tpu.memory_space<hbm>>) target_semaphore(%dma_start3A_909 : memref<!tpu.dma_semaphore, #tpu.memory_space<semaphore_mem>>)
    %dma_wait3A_916 = arith.constant 2 : i32
    %dma_wait3A_917 = arith.constant 2 : i32
    %dma_wait3A_918 = arith.constant 0 : i32
    %dma_wait3A_919 = arith.constant 0 : i32
    %dma_wait3A_920 = tpu.memref_slice %arg6[%dma_wait3A_916, %dma_wait3A_918, %dma_wait3A_919] : memref<3x32x1024xf32, #tpu.memory_space<vmem>> -> memref<1x32x896xf32, #tpu.memory_space<vmem>>
    %dma_wait3A_921 = tpu.memref_squeeze %dma_wait3A_920 : memref<1x32x896xf32, #tpu.memory_space<vmem>> -> memref<32x896xf32, #tpu.memory_space<vmem>>
    %dma_wait3A_922 = arith.constant 0 : i32
    %dma_wait3A_923 = tpu.memref_slice %arg4[%add3A_862, %dma_wait3A_922] : memref<16384x1000xf32, #tpu.memory_space<hbm>> -> memref<32x896xf32, #tpu.memory_space<hbm>>
    %dma_wait3A_924 = tpu.memref_slice %arg9[%dma_wait3A_917] : memref<3x!tpu.dma_semaphore, #tpu.memory_space<semaphore_mem>> -> memref<1x!tpu.dma_semaphore, #tpu.memory_space<semaphore_mem>>
    %dma_wait3A_925 = tpu.memref_squeeze %dma_wait3A_924 : memref<1x!tpu.dma_semaphore, #tpu.memory_space<semaphore_mem>> -> memref<!tpu.dma_semaphore, #tpu.memory_space<semaphore_mem>>
    %dma_wait3A_926 = arith.constant 0 : i32
    %dma_wait3A_927 = tpu.memref_slice %arg4[%add3A_862, %dma_wait3A_926] : memref<16384x1000xf32, #tpu.memory_space<hbm>> -> memref<32x896xf32, #tpu.memory_space<hbm>>
    %dma_wait3A_928 = arith.constant 0 : i32
    %dma_wait3A_929 = arith.constant 0 : i32
    %dma_wait3A_930 = tpu.memref_slice %arg6[%dma_wait3A_916, %dma_wait3A_928, %dma_wait3A_929] : memref<3x32x1024xf32, #tpu.memory_space<vmem>> -> memref<1x32x896xf32, #tpu.memory_space<vmem>>
    %dma_wait3A_931 = tpu.memref_squeeze %dma_wait3A_930 : memref<1x32x896xf32, #tpu.memory_space<vmem>> -> memref<32x896xf32, #tpu.memory_space<vmem>>
    tpu.wait_dma2 semaphore(%dma_wait3A_925 : memref<!tpu.dma_semaphore, #tpu.memory_space<semaphore_mem>>) src(%dma_wait3A_931 : memref<32x896xf32, #tpu.memory_space<vmem>>) dst(%dma_wait3A_927 : memref<32x896xf32, #tpu.memory_space<hbm>>)
    %dma_wait3A_932 = arith.constant 2 : i32
    %dma_wait3A_933 = arith.constant 2 : i32
    %dma_wait3A_934 = arith.constant 0 : i32
    %dma_wait3A_935 = arith.constant 0 : i32
    %dma_wait3A_936 = tpu.memref_slice %arg7[%dma_wait3A_932, %dma_wait3A_934, %dma_wait3A_935] : memref<3x32x104xf32, #tpu.memory_space<vmem>> -> memref<1x32x104xf32, #tpu.memory_space<vmem>>
    %dma_wait3A_937 = tpu.memref_squeeze %dma_wait3A_936 : memref<1x32x104xf32, #tpu.memory_space<vmem>> -> memref<32x104xf32, #tpu.memory_space<vmem>>
    %dma_wait3A_938 = arith.constant 896 : i32
    %dma_wait3A_939 = tpu.memref_slice %arg4[%add3A_862, %dma_wait3A_938] : memref<16384x1000xf32, #tpu.memory_space<hbm>> -> memref<32x104xf32, #tpu.memory_space<hbm>>
    %dma_wait3A_940 = tpu.memref_slice %arg10[%dma_wait3A_933] : memref<3x!tpu.dma_semaphore, #tpu.memory_space<semaphore_mem>> -> memref<1x!tpu.dma_semaphore, #tpu.memory_space<semaphore_mem>>
    %dma_wait3A_941 = tpu.memref_squeeze %dma_wait3A_940 : memref<1x!tpu.dma_semaphore, #tpu.memory_space<semaphore_mem>> -> memref<!tpu.dma_semaphore, #tpu.memory_space<semaphore_mem>>
    %dma_wait3A_942 = arith.constant 896 : i32
    %dma_wait3A_943 = tpu.memref_slice %arg4[%add3A_862, %dma_wait3A_942] : memref<16384x1000xf32, #tpu.memory_space<hbm>> -> memref<32x104xf32, #tpu.memory_space<hbm>>
    %dma_wait3A_944 = arith.constant 0 : i32
    %dma_wait3A_945 = arith.constant 0 : i32
    %dma_wait3A_946 = tpu.memref_slice %arg7[%dma_wait3A_932, %dma_wait3A_944, %dma_wait3A_945] : memref<3x32x104xf32, #tpu.memory_space<vmem>> -> memref<1x32x104xf32, #tpu.memory_space<vmem>>
    %dma_wait3A_947 = tpu.memref_squeeze %dma_wait3A_946 : memref<1x32x104xf32, #tpu.memory_space<vmem>> -> memref<32x104xf32, #tpu.memory_space<vmem>>
    tpu.wait_dma2 semaphore(%dma_wait3A_941 : memref<!tpu.dma_semaphore, #tpu.memory_space<semaphore_mem>>) src(%dma_wait3A_947 : memref<32x104xf32, #tpu.memory_space<vmem>>) dst(%dma_wait3A_943 : memref<32x104xf32, #tpu.memory_space<hbm>>)
    %dma_start3A_948 = arith.constant 11 : i32
    %dma_start3A_949 = arith.constant 2 : i32
    %dma_start3A_950 = arith.constant 2 : i32
    %dma_start3A_951 = arith.constant 0 : i32
    %dma_start3A_952 = arith.constant 0 : i32
    %dma_start3A_953 = tpu.memref_slice %arg6[%dma_start3A_949, %dma_start3A_951, %dma_start3A_952] : memref<3x32x1024xf32, #tpu.memory_space<vmem>> -> memref<1x32x1024xf32, #tpu.memory_space<vmem>>
    %dma_start3A_954 = tpu.memref_squeeze %dma_start3A_953 : memref<1x32x1024xf32, #tpu.memory_space<vmem>> -> memref<32x1024xf32, #tpu.memory_space<vmem>>
    %dma_start3A_955 = arith.constant 0 : i32
    %dma_start3A_956 = tpu.memref_slice %arg5[%dma_start3A_948, %dma_start3A_955] : memref<16x32xi32, #tpu.memory_space<vmem>> -> memref<1x32xi32, #tpu.memory_space<vmem>>
    %dma_start3A_957 = tpu.memref_squeeze %dma_start3A_956 : memref<1x32xi32, #tpu.memory_space<vmem>> -> memref<32xi32, #tpu.memory_space<vmem>>
    %dma_start3A_958 = arith.constant 0 : i32
    %dma_start3A_959 = arith.constant 0 : i32
    %dma_start3A_960 = tpu.memref_slice %arg3[%dma_start3A_958, %dma_start3A_959] : memref<1000x1024xf32, #tpu.memory_space<hbm>> -> memref<1000x1024xf32, #tpu.memory_space<hbm>>
    %dma_start3A_961 = tpu.memref_slice %arg8[%dma_start3A_950] : memref<3x!tpu.dma_semaphore, #tpu.memory_space<semaphore_mem>> -> memref<1x!tpu.dma_semaphore, #tpu.memory_space<semaphore_mem>>
    %dma_start3A_962 = tpu.memref_squeeze %dma_start3A_961 : memref<1x!tpu.dma_semaphore, #tpu.memory_space<semaphore_mem>> -> memref<!tpu.dma_semaphore, #tpu.memory_space<semaphore_mem>>
    tpu.enqueue_indirect_dma source(%dma_start3A_960 : memref<1000x1024xf32, #tpu.memory_space<hbm>>) target(%dma_start3A_954 : memref<32x1024xf32, #tpu.memory_space<vmem>>) offsets(%dma_start3A_957 : memref<32xi32, #tpu.memory_space<vmem>>) semaphore(%dma_start3A_962 : memref<!tpu.dma_semaphore, #tpu.memory_space<semaphore_mem>>)
    %add3A_963 = arith.constant 288 : i32
    %add3A_964 = arith.addi %mul3A_2, %add3A_963 : i32
    %dma_wait3A_965 = arith.constant 9 : i32
    %dma_wait3A_966 = arith.constant 0 : i32
    %dma_wait3A_967 = arith.constant 0 : i32
    %dma_wait3A_968 = arith.constant 0 : i32
    %dma_wait3A_969 = arith.constant 0 : i32
    %dma_wait3A_970 = tpu.memref_slice %arg6[%dma_wait3A_966, %dma_wait3A_968, %dma_wait3A_969] : memref<3x32x1024xf32, #tpu.memory_space<vmem>> -> memref<1x32x1024xf32, #tpu.memory_space<vmem>>
    %dma_wait3A_971 = tpu.memref_squeeze %dma_wait3A_970 : memref<1x32x1024xf32, #tpu.memory_space<vmem>> -> memref<32x1024xf32, #tpu.memory_space<vmem>>
    %dma_wait3A_972 = arith.constant 0 : i32
    %dma_wait3A_973 = tpu.memref_slice %arg5[%dma_wait3A_965, %dma_wait3A_972] : memref<16x32xi32, #tpu.memory_space<vmem>> -> memref<1x32xi32, #tpu.memory_space<vmem>>
    %dma_wait3A_974 = tpu.memref_squeeze %dma_wait3A_973 : memref<1x32xi32, #tpu.memory_space<vmem>> -> memref<32xi32, #tpu.memory_space<vmem>>
    %dma_wait3A_975 = arith.constant 0 : i32
    %dma_wait3A_976 = arith.constant 0 : i32
    %dma_wait3A_977 = tpu.memref_slice %arg3[%dma_wait3A_975, %dma_wait3A_976] : memref<1000x1024xf32, #tpu.memory_space<hbm>> -> memref<1000x1024xf32, #tpu.memory_space<hbm>>
    %dma_wait3A_978 = tpu.memref_slice %arg8[%dma_wait3A_967] : memref<3x!tpu.dma_semaphore, #tpu.memory_space<semaphore_mem>> -> memref<1x!tpu.dma_semaphore, #tpu.memory_space<semaphore_mem>>
    %dma_wait3A_979 = tpu.memref_squeeze %dma_wait3A_978 : memref<1x!tpu.dma_semaphore, #tpu.memory_space<semaphore_mem>> -> memref<!tpu.dma_semaphore, #tpu.memory_space<semaphore_mem>>
    tpu.wait_indirect_dma semaphore(%dma_wait3A_979 : memref<!tpu.dma_semaphore, #tpu.memory_space<semaphore_mem>>) src(%dma_wait3A_977 : memref<1000x1024xf32, #tpu.memory_space<hbm>>) dst(%dma_wait3A_971 : memref<32x1024xf32, #tpu.memory_space<vmem>>)
    %dma_start3A_980 = arith.constant 0 : i32
    %dma_start3A_981 = arith.constant 0 : i32
    %dma_start3A_982 = arith.constant 0 : i32
    %dma_start3A_983 = arith.constant 0 : i32
    %dma_start3A_984 = tpu.memref_slice %arg6[%dma_start3A_980, %dma_start3A_982, %dma_start3A_983] : memref<3x32x1024xf32, #tpu.memory_space<vmem>> -> memref<1x32x896xf32, #tpu.memory_space<vmem>>
    %dma_start3A_985 = tpu.memref_squeeze %dma_start3A_984 : memref<1x32x896xf32, #tpu.memory_space<vmem>> -> memref<32x896xf32, #tpu.memory_space<vmem>>
    %dma_start3A_986 = arith.constant 0 : i32
    %dma_start3A_987 = tpu.memref_slice %arg4[%add3A_964, %dma_start3A_986] : memref<16384x1000xf32, #tpu.memory_space<hbm>> -> memref<32x896xf32, #tpu.memory_space<hbm>>
    %dma_start3A_988 = tpu.memref_slice %arg9[%dma_start3A_981] : memref<3x!tpu.dma_semaphore, #tpu.memory_space<semaphore_mem>> -> memref<1x!tpu.dma_semaphore, #tpu.memory_space<semaphore_mem>>
    %dma_start3A_989 = tpu.memref_squeeze %dma_start3A_988 : memref<1x!tpu.dma_semaphore, #tpu.memory_space<semaphore_mem>> -> memref<!tpu.dma_semaphore, #tpu.memory_space<semaphore_mem>>
    %dma_start3A_990 = arith.constant 0 : i32
    %dma_start3A_991 = tpu.memref_slice %arg4[%add3A_964, %dma_start3A_990] : memref<16384x1000xf32, #tpu.memory_space<hbm>> -> memref<32x896xf32, #tpu.memory_space<hbm>>
    %dma_start3A_992 = arith.constant 0 : i32
    %dma_start3A_993 = arith.constant 0 : i32
    %dma_start3A_994 = tpu.memref_slice %arg6[%dma_start3A_980, %dma_start3A_992, %dma_start3A_993] : memref<3x32x1024xf32, #tpu.memory_space<vmem>> -> memref<1x32x896xf32, #tpu.memory_space<vmem>>
    %dma_start3A_995 = tpu.memref_squeeze %dma_start3A_994 : memref<1x32x896xf32, #tpu.memory_space<vmem>> -> memref<32x896xf32, #tpu.memory_space<vmem>>
    tpu.enqueue_dma source(%dma_start3A_995 : memref<32x896xf32, #tpu.memory_space<vmem>>) target(%dma_start3A_991 : memref<32x896xf32, #tpu.memory_space<hbm>>) target_semaphore(%dma_start3A_989 : memref<!tpu.dma_semaphore, #tpu.memory_space<semaphore_mem>>)
    %scan3A_996 = arith.constant 0 : i32
    %scan3A_997 = arith.constant 0 : i32
    %scan3A_998 = arith.constant 32 : i32
    %scan3A_999 = arith.addi %scan3A_997, %scan3A_998 : i32
    %scan3A_1000 = arith.constant 1 : i32
    scf.for %scan3A_1632 = %scan3A_997 to %scan3A_999 step %scan3A_1000  : i32 {
      %get3A = arith.constant 0 : i32
      %get3A_1633 = arith.index_cast %get3A : i32 to index
      %get3A_1634 = arith.index_cast %scan3A_1632 : i32 to index
      %get3A_1635 = arith.constant 896 : index
      %get3A_1636 = tpu.vector_load %arg6[%get3A_1633, %get3A_1634, %get3A_1635] {strides = array<i32>} : memref<3x32x1024xf32, #tpu.memory_space<vmem>>, vector<1x1x16xf32>,
      %get3A_1637 = vector.shape_cast %get3A_1636 : vector<1x1x16xf32> to vector<16xf32>
      %swap3A = arith.constant 0 : i32
      %swap3A_1638 = arith.index_cast %swap3A : i32 to index
      %swap3A_1639 = arith.index_cast %scan3A_1632 : i32 to index
      %swap3A_1640 = arith.constant 0 : index
      %swap3A_1641 = tpu.vector_load %arg7[%swap3A_1638, %swap3A_1639, %swap3A_1640] {strides = array<i32>} : memref<3x32x104xf32, #tpu.memory_space<vmem>>, vector<1x1x16xf32>,
      %swap3A_1642 = vector.shape_cast %swap3A_1641 : vector<1x1x16xf32> to vector<16xf32>
      %swap3A_1643 = vector.shape_cast %get3A_1637 : vector<16xf32> to vector<1x1x16xf32>
      tpu.vector_store %arg7[%swap3A_1638, %swap3A_1639, %swap3A_1640], %swap3A_1643 {strides = array<i32>} : memref<3x32x104xf32, #tpu.memory_space<vmem>>, vector<1x1x16xf32>,
      %get3A_1644 = arith.constant 0 : i32
      %get3A_1645 = arith.index_cast %get3A_1644 : i32 to index
      %get3A_1646 = arith.index_cast %scan3A_1632 : i32 to index
      %get3A_1647 = arith.constant 912 : index
      %get3A_1648 = tpu.vector_load %arg6[%get3A_1645, %get3A_1646, %get3A_1647] {strides = array<i32>} : memref<3x32x1024xf32, #tpu.memory_space<vmem>>, vector<1x1x16xf32>,
      %get3A_1649 = vector.shape_cast %get3A_1648 : vector<1x1x16xf32> to vector<16xf32>
      %swap3A_1650 = arith.constant 0 : i32
      %swap3A_1651 = arith.index_cast %swap3A_1650 : i32 to index
      %swap3A_1652 = arith.index_cast %scan3A_1632 : i32 to index
      %swap3A_1653 = arith.constant 16 : index
      %swap3A_1654 = tpu.vector_load %arg7[%swap3A_1651, %swap3A_1652, %swap3A_1653] {strides = array<i32>} : memref<3x32x104xf32, #tpu.memory_space<vmem>>, vector<1x1x16xf32>,
      %swap3A_1655 = vector.shape_cast %swap3A_1654 : vector<1x1x16xf32> to vector<16xf32>
      %swap3A_1656 = vector.shape_cast %get3A_1649 : vector<16xf32> to vector<1x1x16xf32>
      tpu.vector_store %arg7[%swap3A_1651, %swap3A_1652, %swap3A_1653], %swap3A_1656 {strides = array<i32>} : memref<3x32x104xf32, #tpu.memory_space<vmem>>, vector<1x1x16xf32>,
      %get3A_1657 = arith.constant 0 : i32
      %get3A_1658 = arith.index_cast %get3A_1657 : i32 to index
      %get3A_1659 = arith.index_cast %scan3A_1632 : i32 to index
      %get3A_1660 = arith.constant 928 : index
      %get3A_1661 = tpu.vector_load %arg6[%get3A_1658, %get3A_1659, %get3A_1660] {strides = array<i32>} : memref<3x32x1024xf32, #tpu.memory_space<vmem>>, vector<1x1x16xf32>,
      %get3A_1662 = vector.shape_cast %get3A_1661 : vector<1x1x16xf32> to vector<16xf32>
      %swap3A_1663 = arith.constant 0 : i32
      %swap3A_1664 = arith.index_cast %swap3A_1663 : i32 to index
      %swap3A_1665 = arith.index_cast %scan3A_1632 : i32 to index
      %swap3A_1666 = arith.constant 32 : index
      %swap3A_1667 = tpu.vector_load %arg7[%swap3A_1664, %swap3A_1665, %swap3A_1666] {strides = array<i32>} : memref<3x32x104xf32, #tpu.memory_space<vmem>>, vector<1x1x16xf32>,
      %swap3A_1668 = vector.shape_cast %swap3A_1667 : vector<1x1x16xf32> to vector<16xf32>
      %swap3A_1669 = vector.shape_cast %get3A_1662 : vector<16xf32> to vector<1x1x16xf32>
      tpu.vector_store %arg7[%swap3A_1664, %swap3A_1665, %swap3A_1666], %swap3A_1669 {strides = array<i32>} : memref<3x32x104xf32, #tpu.memory_space<vmem>>, vector<1x1x16xf32>,
      %get3A_1670 = arith.constant 0 : i32
      %get3A_1671 = arith.index_cast %get3A_1670 : i32 to index
      %get3A_1672 = arith.index_cast %scan3A_1632 : i32 to index
      %get3A_1673 = arith.constant 944 : index
      %get3A_1674 = tpu.vector_load %arg6[%get3A_1671, %get3A_1672, %get3A_1673] {strides = array<i32>} : memref<3x32x1024xf32, #tpu.memory_space<vmem>>, vector<1x1x16xf32>,
      %get3A_1675 = vector.shape_cast %get3A_1674 : vector<1x1x16xf32> to vector<16xf32>
      %swap3A_1676 = arith.constant 0 : i32
      %swap3A_1677 = arith.index_cast %swap3A_1676 : i32 to index
      %swap3A_1678 = arith.index_cast %scan3A_1632 : i32 to index
      %swap3A_1679 = arith.constant 48 : index
      %swap3A_1680 = tpu.vector_load %arg7[%swap3A_1677, %swap3A_1678, %swap3A_1679] {strides = array<i32>} : memref<3x32x104xf32, #tpu.memory_space<vmem>>, vector<1x1x16xf32>,
      %swap3A_1681 = vector.shape_cast %swap3A_1680 : vector<1x1x16xf32> to vector<16xf32>
      %swap3A_1682 = vector.shape_cast %get3A_1675 : vector<16xf32> to vector<1x1x16xf32>
      tpu.vector_store %arg7[%swap3A_1677, %swap3A_1678, %swap3A_1679], %swap3A_1682 {strides = array<i32>} : memref<3x32x104xf32, #tpu.memory_space<vmem>>, vector<1x1x16xf32>,
      %get3A_1683 = arith.constant 0 : i32
      %get3A_1684 = arith.index_cast %get3A_1683 : i32 to index
      %get3A_1685 = arith.index_cast %scan3A_1632 : i32 to index
      %get3A_1686 = arith.constant 960 : index
      %get3A_1687 = tpu.vector_load %arg6[%get3A_1684, %get3A_1685, %get3A_1686] {strides = array<i32>} : memref<3x32x1024xf32, #tpu.memory_space<vmem>>, vector<1x1x16xf32>,
      %get3A_1688 = vector.shape_cast %get3A_1687 : vector<1x1x16xf32> to vector<16xf32>
      %swap3A_1689 = arith.constant 0 : i32
      %swap3A_1690 = arith.index_cast %swap3A_1689 : i32 to index
      %swap3A_1691 = arith.index_cast %scan3A_1632 : i32 to index
      %swap3A_1692 = arith.constant 64 : index
      %swap3A_1693 = tpu.vector_load %arg7[%swap3A_1690, %swap3A_1691, %swap3A_1692] {strides = array<i32>} : memref<3x32x104xf32, #tpu.memory_space<vmem>>, vector<1x1x16xf32>,
      %swap3A_1694 = vector.shape_cast %swap3A_1693 : vector<1x1x16xf32> to vector<16xf32>
      %swap3A_1695 = vector.shape_cast %get3A_1688 : vector<16xf32> to vector<1x1x16xf32>
      tpu.vector_store %arg7[%swap3A_1690, %swap3A_1691, %swap3A_1692], %swap3A_1695 {strides = array<i32>} : memref<3x32x104xf32, #tpu.memory_space<vmem>>, vector<1x1x16xf32>,
      %get3A_1696 = arith.constant 0 : i32
      %get3A_1697 = arith.index_cast %get3A_1696 : i32 to index
      %get3A_1698 = arith.index_cast %scan3A_1632 : i32 to index
      %get3A_1699 = arith.constant 976 : index
      %get3A_1700 = tpu.vector_load %arg6[%get3A_1697, %get3A_1698, %get3A_1699] {strides = array<i32>} : memref<3x32x1024xf32, #tpu.memory_space<vmem>>, vector<1x1x16xf32>,
      %get3A_1701 = vector.shape_cast %get3A_1700 : vector<1x1x16xf32> to vector<16xf32>
      %swap3A_1702 = arith.constant 0 : i32
      %swap3A_1703 = arith.index_cast %swap3A_1702 : i32 to index
      %swap3A_1704 = arith.index_cast %scan3A_1632 : i32 to index
      %swap3A_1705 = arith.constant 80 : index
      %swap3A_1706 = tpu.vector_load %arg7[%swap3A_1703, %swap3A_1704, %swap3A_1705] {strides = array<i32>} : memref<3x32x104xf32, #tpu.memory_space<vmem>>, vector<1x1x16xf32>,
      %swap3A_1707 = vector.shape_cast %swap3A_1706 : vector<1x1x16xf32> to vector<16xf32>
      %swap3A_1708 = vector.shape_cast %get3A_1701 : vector<16xf32> to vector<1x1x16xf32>
      tpu.vector_store %arg7[%swap3A_1703, %swap3A_1704, %swap3A_1705], %swap3A_1708 {strides = array<i32>} : memref<3x32x104xf32, #tpu.memory_space<vmem>>, vector<1x1x16xf32>,
      %get3A_1709 = arith.constant 0 : i32
      %get3A_1710 = arith.index_cast %get3A_1709 : i32 to index
      %get3A_1711 = arith.index_cast %scan3A_1632 : i32 to index
      %get3A_1712 = arith.constant 984 : index
      %get3A_1713 = tpu.vector_load %arg6[%get3A_1710, %get3A_1711, %get3A_1712] {strides = array<i32>} : memref<3x32x1024xf32, #tpu.memory_space<vmem>>, vector<1x1x16xf32>,
      %get3A_1714 = vector.shape_cast %get3A_1713 : vector<1x1x16xf32> to vector<16xf32>
      %swap3A_1715 = arith.constant 0 : i32
      %swap3A_1716 = arith.index_cast %swap3A_1715 : i32 to index
      %swap3A_1717 = arith.index_cast %scan3A_1632 : i32 to index
      %swap3A_1718 = arith.constant 88 : index
      %swap3A_1719 = tpu.vector_load %arg7[%swap3A_1716, %swap3A_1717, %swap3A_1718] {strides = array<i32>} : memref<3x32x104xf32, #tpu.memory_space<vmem>>, vector<1x1x16xf32>,
      %swap3A_1720 = vector.shape_cast %swap3A_1719 : vector<1x1x16xf32> to vector<16xf32>
      %swap3A_1721 = vector.shape_cast %get3A_1714 : vector<16xf32> to vector<1x1x16xf32>
      tpu.vector_store %arg7[%swap3A_1716, %swap3A_1717, %swap3A_1718], %swap3A_1721 {strides = array<i32>} : memref<3x32x104xf32, #tpu.memory_space<vmem>>, vector<1x1x16xf32>,
    }
    %scan3A_1001 = arith.constant 32 : i32
    %dma_start3A_1002 = arith.constant 0 : i32
    %dma_start3A_1003 = arith.constant 0 : i32
    %dma_start3A_1004 = arith.constant 0 : i32
    %dma_start3A_1005 = arith.constant 0 : i32
    %dma_start3A_1006 = tpu.memref_slice %arg7[%dma_start3A_1002, %dma_start3A_1004, %dma_start3A_1005] : memref<3x32x104xf32, #tpu.memory_space<vmem>> -> memref<1x32x104xf32, #tpu.memory_space<vmem>>
    %dma_start3A_1007 = tpu.memref_squeeze %dma_start3A_1006 : memref<1x32x104xf32, #tpu.memory_space<vmem>> -> memref<32x104xf32, #tpu.memory_space<vmem>>
    %dma_start3A_1008 = arith.constant 896 : i32
    %dma_start3A_1009 = tpu.memref_slice %arg4[%add3A_964, %dma_start3A_1008] : memref<16384x1000xf32, #tpu.memory_space<hbm>> -> memref<32x104xf32, #tpu.memory_space<hbm>>
    %dma_start3A_1010 = tpu.memref_slice %arg10[%dma_start3A_1003] : memref<3x!tpu.dma_semaphore, #tpu.memory_space<semaphore_mem>> -> memref<1x!tpu.dma_semaphore, #tpu.memory_space<semaphore_mem>>
    %dma_start3A_1011 = tpu.memref_squeeze %dma_start3A_1010 : memref<1x!tpu.dma_semaphore, #tpu.memory_space<semaphore_mem>> -> memref<!tpu.dma_semaphore, #tpu.memory_space<semaphore_mem>>
    %dma_start3A_1012 = arith.constant 896 : i32
    %dma_start3A_1013 = tpu.memref_slice %arg4[%add3A_964, %dma_start3A_1012] : memref<16384x1000xf32, #tpu.memory_space<hbm>> -> memref<32x104xf32, #tpu.memory_space<hbm>>
    %dma_start3A_1014 = arith.constant 0 : i32
    %dma_start3A_1015 = arith.constant 0 : i32
    %dma_start3A_1016 = tpu.memref_slice %arg7[%dma_start3A_1002, %dma_start3A_1014, %dma_start3A_1015] : memref<3x32x104xf32, #tpu.memory_space<vmem>> -> memref<1x32x104xf32, #tpu.memory_space<vmem>>
    %dma_start3A_1017 = tpu.memref_squeeze %dma_start3A_1016 : memref<1x32x104xf32, #tpu.memory_space<vmem>> -> memref<32x104xf32, #tpu.memory_space<vmem>>
    tpu.enqueue_dma source(%dma_start3A_1017 : memref<32x104xf32, #tpu.memory_space<vmem>>) target(%dma_start3A_1013 : memref<32x104xf32, #tpu.memory_space<hbm>>) target_semaphore(%dma_start3A_1011 : memref<!tpu.dma_semaphore, #tpu.memory_space<semaphore_mem>>)
    %dma_wait3A_1018 = arith.constant 0 : i32
    %dma_wait3A_1019 = arith.constant 0 : i32
    %dma_wait3A_1020 = arith.constant 0 : i32
    %dma_wait3A_1021 = arith.constant 0 : i32
    %dma_wait3A_1022 = tpu.memref_slice %arg6[%dma_wait3A_1018, %dma_wait3A_1020, %dma_wait3A_1021] : memref<3x32x1024xf32, #tpu.memory_space<vmem>> -> memref<1x32x896xf32, #tpu.memory_space<vmem>>
    %dma_wait3A_1023 = tpu.memref_squeeze %dma_wait3A_1022 : memref<1x32x896xf32, #tpu.memory_space<vmem>> -> memref<32x896xf32, #tpu.memory_space<vmem>>
    %dma_wait3A_1024 = arith.constant 0 : i32
    %dma_wait3A_1025 = tpu.memref_slice %arg4[%add3A_964, %dma_wait3A_1024] : memref<16384x1000xf32, #tpu.memory_space<hbm>> -> memref<32x896xf32, #tpu.memory_space<hbm>>
    %dma_wait3A_1026 = tpu.memref_slice %arg9[%dma_wait3A_1019] : memref<3x!tpu.dma_semaphore, #tpu.memory_space<semaphore_mem>> -> memref<1x!tpu.dma_semaphore, #tpu.memory_space<semaphore_mem>>
    %dma_wait3A_1027 = tpu.memref_squeeze %dma_wait3A_1026 : memref<1x!tpu.dma_semaphore, #tpu.memory_space<semaphore_mem>> -> memref<!tpu.dma_semaphore, #tpu.memory_space<semaphore_mem>>
    %dma_wait3A_1028 = arith.constant 0 : i32
    %dma_wait3A_1029 = tpu.memref_slice %arg4[%add3A_964, %dma_wait3A_1028] : memref<16384x1000xf32, #tpu.memory_space<hbm>> -> memref<32x896xf32, #tpu.memory_space<hbm>>
    %dma_wait3A_1030 = arith.constant 0 : i32
    %dma_wait3A_1031 = arith.constant 0 : i32
    %dma_wait3A_1032 = tpu.memref_slice %arg6[%dma_wait3A_1018, %dma_wait3A_1030, %dma_wait3A_1031] : memref<3x32x1024xf32, #tpu.memory_space<vmem>> -> memref<1x32x896xf32, #tpu.memory_space<vmem>>
    %dma_wait3A_1033 = tpu.memref_squeeze %dma_wait3A_1032 : memref<1x32x896xf32, #tpu.memory_space<vmem>> -> memref<32x896xf32, #tpu.memory_space<vmem>>
    tpu.wait_dma2 semaphore(%dma_wait3A_1027 : memref<!tpu.dma_semaphore, #tpu.memory_space<semaphore_mem>>) src(%dma_wait3A_1033 : memref<32x896xf32, #tpu.memory_space<vmem>>) dst(%dma_wait3A_1029 : memref<32x896xf32, #tpu.memory_space<hbm>>)
    %dma_wait3A_1034 = arith.constant 0 : i32
    %dma_wait3A_1035 = arith.constant 0 : i32
    %dma_wait3A_1036 = arith.constant 0 : i32
    %dma_wait3A_1037 = arith.constant 0 : i32
    %dma_wait3A_1038 = tpu.memref_slice %arg7[%dma_wait3A_1034, %dma_wait3A_1036, %dma_wait3A_1037] : memref<3x32x104xf32, #tpu.memory_space<vmem>> -> memref<1x32x104xf32, #tpu.memory_space<vmem>>
    %dma_wait3A_1039 = tpu.memref_squeeze %dma_wait3A_1038 : memref<1x32x104xf32, #tpu.memory_space<vmem>> -> memref<32x104xf32, #tpu.memory_space<vmem>>
    %dma_wait3A_1040 = arith.constant 896 : i32
    %dma_wait3A_1041 = tpu.memref_slice %arg4[%add3A_964, %dma_wait3A_1040] : memref<16384x1000xf32, #tpu.memory_space<hbm>> -> memref<32x104xf32, #tpu.memory_space<hbm>>
    %dma_wait3A_1042 = tpu.memref_slice %arg10[%dma_wait3A_1035] : memref<3x!tpu.dma_semaphore, #tpu.memory_space<semaphore_mem>> -> memref<1x!tpu.dma_semaphore, #tpu.memory_space<semaphore_mem>>
    %dma_wait3A_1043 = tpu.memref_squeeze %dma_wait3A_1042 : memref<1x!tpu.dma_semaphore, #tpu.memory_space<semaphore_mem>> -> memref<!tpu.dma_semaphore, #tpu.memory_space<semaphore_mem>>
    %dma_wait3A_1044 = arith.constant 896 : i32
    %dma_wait3A_1045 = tpu.memref_slice %arg4[%add3A_964, %dma_wait3A_1044] : memref<16384x1000xf32, #tpu.memory_space<hbm>> -> memref<32x104xf32, #tpu.memory_space<hbm>>
    %dma_wait3A_1046 = arith.constant 0 : i32
    %dma_wait3A_1047 = arith.constant 0 : i32
    %dma_wait3A_1048 = tpu.memref_slice %arg7[%dma_wait3A_1034, %dma_wait3A_1046, %dma_wait3A_1047] : memref<3x32x104xf32, #tpu.memory_space<vmem>> -> memref<1x32x104xf32, #tpu.memory_space<vmem>>
    %dma_wait3A_1049 = tpu.memref_squeeze %dma_wait3A_1048 : memref<1x32x104xf32, #tpu.memory_space<vmem>> -> memref<32x104xf32, #tpu.memory_space<vmem>>
    tpu.wait_dma2 semaphore(%dma_wait3A_1043 : memref<!tpu.dma_semaphore, #tpu.memory_space<semaphore_mem>>) src(%dma_wait3A_1049 : memref<32x104xf32, #tpu.memory_space<vmem>>) dst(%dma_wait3A_1045 : memref<32x104xf32, #tpu.memory_space<hbm>>)
    %dma_start3A_1050 = arith.constant 12 : i32
    %dma_start3A_1051 = arith.constant 0 : i32
    %dma_start3A_1052 = arith.constant 0 : i32
    %dma_start3A_1053 = arith.constant 0 : i32
    %dma_start3A_1054 = arith.constant 0 : i32
    %dma_start3A_1055 = tpu.memref_slice %arg6[%dma_start3A_1051, %dma_start3A_1053, %dma_start3A_1054] : memref<3x32x1024xf32, #tpu.memory_space<vmem>> -> memref<1x32x1024xf32, #tpu.memory_space<vmem>>
    %dma_start3A_1056 = tpu.memref_squeeze %dma_start3A_1055 : memref<1x32x1024xf32, #tpu.memory_space<vmem>> -> memref<32x1024xf32, #tpu.memory_space<vmem>>
    %dma_start3A_1057 = arith.constant 0 : i32
    %dma_start3A_1058 = tpu.memref_slice %arg5[%dma_start3A_1050, %dma_start3A_1057] : memref<16x32xi32, #tpu.memory_space<vmem>> -> memref<1x32xi32, #tpu.memory_space<vmem>>
    %dma_start3A_1059 = tpu.memref_squeeze %dma_start3A_1058 : memref<1x32xi32, #tpu.memory_space<vmem>> -> memref<32xi32, #tpu.memory_space<vmem>>
    %dma_start3A_1060 = arith.constant 0 : i32
    %dma_start3A_1061 = arith.constant 0 : i32
    %dma_start3A_1062 = tpu.memref_slice %arg3[%dma_start3A_1060, %dma_start3A_1061] : memref<1000x1024xf32, #tpu.memory_space<hbm>> -> memref<1000x1024xf32, #tpu.memory_space<hbm>>
    %dma_start3A_1063 = tpu.memref_slice %arg8[%dma_start3A_1052] : memref<3x!tpu.dma_semaphore, #tpu.memory_space<semaphore_mem>> -> memref<1x!tpu.dma_semaphore, #tpu.memory_space<semaphore_mem>>
    %dma_start3A_1064 = tpu.memref_squeeze %dma_start3A_1063 : memref<1x!tpu.dma_semaphore, #tpu.memory_space<semaphore_mem>> -> memref<!tpu.dma_semaphore, #tpu.memory_space<semaphore_mem>>
    tpu.enqueue_indirect_dma source(%dma_start3A_1062 : memref<1000x1024xf32, #tpu.memory_space<hbm>>) target(%dma_start3A_1056 : memref<32x1024xf32, #tpu.memory_space<vmem>>) offsets(%dma_start3A_1059 : memref<32xi32, #tpu.memory_space<vmem>>) semaphore(%dma_start3A_1064 : memref<!tpu.dma_semaphore, #tpu.memory_space<semaphore_mem>>)
    %add3A_1065 = arith.constant 320 : i32
    %add3A_1066 = arith.addi %mul3A_2, %add3A_1065 : i32
    %dma_wait3A_1067 = arith.constant 10 : i32
    %dma_wait3A_1068 = arith.constant 1 : i32
    %dma_wait3A_1069 = arith.constant 1 : i32
    %dma_wait3A_1070 = arith.constant 0 : i32
    %dma_wait3A_1071 = arith.constant 0 : i32
    %dma_wait3A_1072 = tpu.memref_slice %arg6[%dma_wait3A_1068, %dma_wait3A_1070, %dma_wait3A_1071] : memref<3x32x1024xf32, #tpu.memory_space<vmem>> -> memref<1x32x1024xf32, #tpu.memory_space<vmem>>
    %dma_wait3A_1073 = tpu.memref_squeeze %dma_wait3A_1072 : memref<1x32x1024xf32, #tpu.memory_space<vmem>> -> memref<32x1024xf32, #tpu.memory_space<vmem>>
    %dma_wait3A_1074 = arith.constant 0 : i32
    %dma_wait3A_1075 = tpu.memref_slice %arg5[%dma_wait3A_1067, %dma_wait3A_1074] : memref<16x32xi32, #tpu.memory_space<vmem>> -> memref<1x32xi32, #tpu.memory_space<vmem>>
    %dma_wait3A_1076 = tpu.memref_squeeze %dma_wait3A_1075 : memref<1x32xi32, #tpu.memory_space<vmem>> -> memref<32xi32, #tpu.memory_space<vmem>>
    %dma_wait3A_1077 = arith.constant 0 : i32
    %dma_wait3A_1078 = arith.constant 0 : i32
    %dma_wait3A_1079 = tpu.memref_slice %arg3[%dma_wait3A_1077, %dma_wait3A_1078] : memref<1000x1024xf32, #tpu.memory_space<hbm>> -> memref<1000x1024xf32, #tpu.memory_space<hbm>>
    %dma_wait3A_1080 = tpu.memref_slice %arg8[%dma_wait3A_1069] : memref<3x!tpu.dma_semaphore, #tpu.memory_space<semaphore_mem>> -> memref<1x!tpu.dma_semaphore, #tpu.memory_space<semaphore_mem>>
    %dma_wait3A_1081 = tpu.memref_squeeze %dma_wait3A_1080 : memref<1x!tpu.dma_semaphore, #tpu.memory_space<semaphore_mem>> -> memref<!tpu.dma_semaphore, #tpu.memory_space<semaphore_mem>>
    tpu.wait_indirect_dma semaphore(%dma_wait3A_1081 : memref<!tpu.dma_semaphore, #tpu.memory_space<semaphore_mem>>) src(%dma_wait3A_1079 : memref<1000x1024xf32, #tpu.memory_space<hbm>>) dst(%dma_wait3A_1073 : memref<32x1024xf32, #tpu.memory_space<vmem>>)
    %dma_start3A_1082 = arith.constant 1 : i32
    %dma_start3A_1083 = arith.constant 1 : i32
    %dma_start3A_1084 = arith.constant 0 : i32
    %dma_start3A_1085 = arith.constant 0 : i32
    %dma_start3A_1086 = tpu.memref_slice %arg6[%dma_start3A_1082, %dma_start3A_1084, %dma_start3A_1085] : memref<3x32x1024xf32, #tpu.memory_space<vmem>> -> memref<1x32x896xf32, #tpu.memory_space<vmem>>
    %dma_start3A_1087 = tpu.memref_squeeze %dma_start3A_1086 : memref<1x32x896xf32, #tpu.memory_space<vmem>> -> memref<32x896xf32, #tpu.memory_space<vmem>>
    %dma_start3A_1088 = arith.constant 0 : i32
    %dma_start3A_1089 = tpu.memref_slice %arg4[%add3A_1066, %dma_start3A_1088] : memref<16384x1000xf32, #tpu.memory_space<hbm>> -> memref<32x896xf32, #tpu.memory_space<hbm>>
    %dma_start3A_1090 = tpu.memref_slice %arg9[%dma_start3A_1083] : memref<3x!tpu.dma_semaphore, #tpu.memory_space<semaphore_mem>> -> memref<1x!tpu.dma_semaphore, #tpu.memory_space<semaphore_mem>>
    %dma_start3A_1091 = tpu.memref_squeeze %dma_start3A_1090 : memref<1x!tpu.dma_semaphore, #tpu.memory_space<semaphore_mem>> -> memref<!tpu.dma_semaphore, #tpu.memory_space<semaphore_mem>>
    %dma_start3A_1092 = arith.constant 0 : i32
    %dma_start3A_1093 = tpu.memref_slice %arg4[%add3A_1066, %dma_start3A_1092] : memref<16384x1000xf32, #tpu.memory_space<hbm>> -> memref<32x896xf32, #tpu.memory_space<hbm>>
    %dma_start3A_1094 = arith.constant 0 : i32
    %dma_start3A_1095 = arith.constant 0 : i32
    %dma_start3A_1096 = tpu.memref_slice %arg6[%dma_start3A_1082, %dma_start3A_1094, %dma_start3A_1095] : memref<3x32x1024xf32, #tpu.memory_space<vmem>> -> memref<1x32x896xf32, #tpu.memory_space<vmem>>
    %dma_start3A_1097 = tpu.memref_squeeze %dma_start3A_1096 : memref<1x32x896xf32, #tpu.memory_space<vmem>> -> memref<32x896xf32, #tpu.memory_space<vmem>>
    tpu.enqueue_dma source(%dma_start3A_1097 : memref<32x896xf32, #tpu.memory_space<vmem>>) target(%dma_start3A_1093 : memref<32x896xf32, #tpu.memory_space<hbm>>) target_semaphore(%dma_start3A_1091 : memref<!tpu.dma_semaphore, #tpu.memory_space<semaphore_mem>>)
    %scan3A_1098 = arith.constant 0 : i32
    %scan3A_1099 = arith.constant 0 : i32
    %scan3A_1100 = arith.constant 32 : i32
    %scan3A_1101 = arith.addi %scan3A_1099, %scan3A_1100 : i32
    %scan3A_1102 = arith.constant 1 : i32
    scf.for %scan3A_1632 = %scan3A_1099 to %scan3A_1101 step %scan3A_1102  : i32 {
      %get3A = arith.constant 1 : i32
      %get3A_1633 = arith.index_cast %get3A : i32 to index
      %get3A_1634 = arith.index_cast %scan3A_1632 : i32 to index
      %get3A_1635 = arith.constant 896 : index
      %get3A_1636 = tpu.vector_load %arg6[%get3A_1633, %get3A_1634, %get3A_1635] {strides = array<i32>} : memref<3x32x1024xf32, #tpu.memory_space<vmem>>, vector<1x1x16xf32>,
      %get3A_1637 = vector.shape_cast %get3A_1636 : vector<1x1x16xf32> to vector<16xf32>
      %swap3A = arith.constant 1 : i32
      %swap3A_1638 = arith.index_cast %swap3A : i32 to index
      %swap3A_1639 = arith.index_cast %scan3A_1632 : i32 to index
      %swap3A_1640 = arith.constant 0 : index
      %swap3A_1641 = tpu.vector_load %arg7[%swap3A_1638, %swap3A_1639, %swap3A_1640] {strides = array<i32>} : memref<3x32x104xf32, #tpu.memory_space<vmem>>, vector<1x1x16xf32>,
      %swap3A_1642 = vector.shape_cast %swap3A_1641 : vector<1x1x16xf32> to vector<16xf32>
      %swap3A_1643 = vector.shape_cast %get3A_1637 : vector<16xf32> to vector<1x1x16xf32>
      tpu.vector_store %arg7[%swap3A_1638, %swap3A_1639, %swap3A_1640], %swap3A_1643 {strides = array<i32>} : memref<3x32x104xf32, #tpu.memory_space<vmem>>, vector<1x1x16xf32>,
      %get3A_1644 = arith.constant 1 : i32
      %get3A_1645 = arith.index_cast %get3A_1644 : i32 to index
      %get3A_1646 = arith.index_cast %scan3A_1632 : i32 to index
      %get3A_1647 = arith.constant 912 : index
      %get3A_1648 = tpu.vector_load %arg6[%get3A_1645, %get3A_1646, %get3A_1647] {strides = array<i32>} : memref<3x32x1024xf32, #tpu.memory_space<vmem>>, vector<1x1x16xf32>,
      %get3A_1649 = vector.shape_cast %get3A_1648 : vector<1x1x16xf32> to vector<16xf32>
      %swap3A_1650 = arith.constant 1 : i32
      %swap3A_1651 = arith.index_cast %swap3A_1650 : i32 to index
      %swap3A_1652 = arith.index_cast %scan3A_1632 : i32 to index
      %swap3A_1653 = arith.constant 16 : index
      %swap3A_1654 = tpu.vector_load %arg7[%swap3A_1651, %swap3A_1652, %swap3A_1653] {strides = array<i32>} : memref<3x32x104xf32, #tpu.memory_space<vmem>>, vector<1x1x16xf32>,
      %swap3A_1655 = vector.shape_cast %swap3A_1654 : vector<1x1x16xf32> to vector<16xf32>
      %swap3A_1656 = vector.shape_cast %get3A_1649 : vector<16xf32> to vector<1x1x16xf32>
      tpu.vector_store %arg7[%swap3A_1651, %swap3A_1652, %swap3A_1653], %swap3A_1656 {strides = array<i32>} : memref<3x32x104xf32, #tpu.memory_space<vmem>>, vector<1x1x16xf32>,
      %get3A_1657 = arith.constant 1 : i32
      %get3A_1658 = arith.index_cast %get3A_1657 : i32 to index
      %get3A_1659 = arith.index_cast %scan3A_1632 : i32 to index
      %get3A_1660 = arith.constant 928 : index
      %get3A_1661 = tpu.vector_load %arg6[%get3A_1658, %get3A_1659, %get3A_1660] {strides = array<i32>} : memref<3x32x1024xf32, #tpu.memory_space<vmem>>, vector<1x1x16xf32>,
      %get3A_1662 = vector.shape_cast %get3A_1661 : vector<1x1x16xf32> to vector<16xf32>
      %swap3A_1663 = arith.constant 1 : i32
      %swap3A_1664 = arith.index_cast %swap3A_1663 : i32 to index
      %swap3A_1665 = arith.index_cast %scan3A_1632 : i32 to index
      %swap3A_1666 = arith.constant 32 : index
      %swap3A_1667 = tpu.vector_load %arg7[%swap3A_1664, %swap3A_1665, %swap3A_1666] {strides = array<i32>} : memref<3x32x104xf32, #tpu.memory_space<vmem>>, vector<1x1x16xf32>,
      %swap3A_1668 = vector.shape_cast %swap3A_1667 : vector<1x1x16xf32> to vector<16xf32>
      %swap3A_1669 = vector.shape_cast %get3A_1662 : vector<16xf32> to vector<1x1x16xf32>
      tpu.vector_store %arg7[%swap3A_1664, %swap3A_1665, %swap3A_1666], %swap3A_1669 {strides = array<i32>} : memref<3x32x104xf32, #tpu.memory_space<vmem>>, vector<1x1x16xf32>,
      %get3A_1670 = arith.constant 1 : i32
      %get3A_1671 = arith.index_cast %get3A_1670 : i32 to index
      %get3A_1672 = arith.index_cast %scan3A_1632 : i32 to index
      %get3A_1673 = arith.constant 944 : index
      %get3A_1674 = tpu.vector_load %arg6[%get3A_1671, %get3A_1672, %get3A_1673] {strides = array<i32>} : memref<3x32x1024xf32, #tpu.memory_space<vmem>>, vector<1x1x16xf32>,
      %get3A_1675 = vector.shape_cast %get3A_1674 : vector<1x1x16xf32> to vector<16xf32>
      %swap3A_1676 = arith.constant 1 : i32
      %swap3A_1677 = arith.index_cast %swap3A_1676 : i32 to index
      %swap3A_1678 = arith.index_cast %scan3A_1632 : i32 to index
      %swap3A_1679 = arith.constant 48 : index
      %swap3A_1680 = tpu.vector_load %arg7[%swap3A_1677, %swap3A_1678, %swap3A_1679] {strides = array<i32>} : memref<3x32x104xf32, #tpu.memory_space<vmem>>, vector<1x1x16xf32>,
      %swap3A_1681 = vector.shape_cast %swap3A_1680 : vector<1x1x16xf32> to vector<16xf32>
      %swap3A_1682 = vector.shape_cast %get3A_1675 : vector<16xf32> to vector<1x1x16xf32>
      tpu.vector_store %arg7[%swap3A_1677, %swap3A_1678, %swap3A_1679], %swap3A_1682 {strides = array<i32>} : memref<3x32x104xf32, #tpu.memory_space<vmem>>, vector<1x1x16xf32>,
      %get3A_1683 = arith.constant 1 : i32
      %get3A_1684 = arith.index_cast %get3A_1683 : i32 to index
      %get3A_1685 = arith.index_cast %scan3A_1632 : i32 to index
      %get3A_1686 = arith.constant 960 : index
      %get3A_1687 = tpu.vector_load %arg6[%get3A_1684, %get3A_1685, %get3A_1686] {strides = array<i32>} : memref<3x32x1024xf32, #tpu.memory_space<vmem>>, vector<1x1x16xf32>,
      %get3A_1688 = vector.shape_cast %get3A_1687 : vector<1x1x16xf32> to vector<16xf32>
      %swap3A_1689 = arith.constant 1 : i32
      %swap3A_1690 = arith.index_cast %swap3A_1689 : i32 to index
      %swap3A_1691 = arith.index_cast %scan3A_1632 : i32 to index
      %swap3A_1692 = arith.constant 64 : index
      %swap3A_1693 = tpu.vector_load %arg7[%swap3A_1690, %swap3A_1691, %swap3A_1692] {strides = array<i32>} : memref<3x32x104xf32, #tpu.memory_space<vmem>>, vector<1x1x16xf32>,
      %swap3A_1694 = vector.shape_cast %swap3A_1693 : vector<1x1x16xf32> to vector<16xf32>
      %swap3A_1695 = vector.shape_cast %get3A_1688 : vector<16xf32> to vector<1x1x16xf32>
      tpu.vector_store %arg7[%swap3A_1690, %swap3A_1691, %swap3A_1692], %swap3A_1695 {strides = array<i32>} : memref<3x32x104xf32, #tpu.memory_space<vmem>>, vector<1x1x16xf32>,
      %get3A_1696 = arith.constant 1 : i32
      %get3A_1697 = arith.index_cast %get3A_1696 : i32 to index
      %get3A_1698 = arith.index_cast %scan3A_1632 : i32 to index
      %get3A_1699 = arith.constant 976 : index
      %get3A_1700 = tpu.vector_load %arg6[%get3A_1697, %get3A_1698, %get3A_1699] {strides = array<i32>} : memref<3x32x1024xf32, #tpu.memory_space<vmem>>, vector<1x1x16xf32>,
      %get3A_1701 = vector.shape_cast %get3A_1700 : vector<1x1x16xf32> to vector<16xf32>
      %swap3A_1702 = arith.constant 1 : i32
      %swap3A_1703 = arith.index_cast %swap3A_1702 : i32 to index
      %swap3A_1704 = arith.index_cast %scan3A_1632 : i32 to index
      %swap3A_1705 = arith.constant 80 : index
      %swap3A_1706 = tpu.vector_load %arg7[%swap3A_1703, %swap3A_1704, %swap3A_1705] {strides = array<i32>} : memref<3x32x104xf32, #tpu.memory_space<vmem>>, vector<1x1x16xf32>,
      %swap3A_1707 = vector.shape_cast %swap3A_1706 : vector<1x1x16xf32> to vector<16xf32>
      %swap3A_1708 = vector.shape_cast %get3A_1701 : vector<16xf32> to vector<1x1x16xf32>
      tpu.vector_store %arg7[%swap3A_1703, %swap3A_1704, %swap3A_1705], %swap3A_1708 {strides = array<i32>} : memref<3x32x104xf32, #tpu.memory_space<vmem>>, vector<1x1x16xf32>,
      %get3A_1709 = arith.constant 1 : i32
      %get3A_1710 = arith.index_cast %get3A_1709 : i32 to index
      %get3A_1711 = arith.index_cast %scan3A_1632 : i32 to index
      %get3A_1712 = arith.constant 984 : index
      %get3A_1713 = tpu.vector_load %arg6[%get3A_1710, %get3A_1711, %get3A_1712] {strides = array<i32>} : memref<3x32x1024xf32, #tpu.memory_space<vmem>>, vector<1x1x16xf32>,
      %get3A_1714 = vector.shape_cast %get3A_1713 : vector<1x1x16xf32> to vector<16xf32>
      %swap3A_1715 = arith.constant 1 : i32
      %swap3A_1716 = arith.index_cast %swap3A_1715 : i32 to index
      %swap3A_1717 = arith.index_cast %scan3A_1632 : i32 to index
      %swap3A_1718 = arith.constant 88 : index
      %swap3A_1719 = tpu.vector_load %arg7[%swap3A_1716, %swap3A_1717, %swap3A_1718] {strides = array<i32>} : memref<3x32x104xf32, #tpu.memory_space<vmem>>, vector<1x1x16xf32>,
      %swap3A_1720 = vector.shape_cast %swap3A_1719 : vector<1x1x16xf32> to vector<16xf32>
      %swap3A_1721 = vector.shape_cast %get3A_1714 : vector<16xf32> to vector<1x1x16xf32>
      tpu.vector_store %arg7[%swap3A_1716, %swap3A_1717, %swap3A_1718], %swap3A_1721 {strides = array<i32>} : memref<3x32x104xf32, #tpu.memory_space<vmem>>, vector<1x1x16xf32>,
    }
    %scan3A_1103 = arith.constant 32 : i32
    %dma_start3A_1104 = arith.constant 1 : i32
    %dma_start3A_1105 = arith.constant 1 : i32
    %dma_start3A_1106 = arith.constant 0 : i32
    %dma_start3A_1107 = arith.constant 0 : i32
    %dma_start3A_1108 = tpu.memref_slice %arg7[%dma_start3A_1104, %dma_start3A_1106, %dma_start3A_1107] : memref<3x32x104xf32, #tpu.memory_space<vmem>> -> memref<1x32x104xf32, #tpu.memory_space<vmem>>
    %dma_start3A_1109 = tpu.memref_squeeze %dma_start3A_1108 : memref<1x32x104xf32, #tpu.memory_space<vmem>> -> memref<32x104xf32, #tpu.memory_space<vmem>>
    %dma_start3A_1110 = arith.constant 896 : i32
    %dma_start3A_1111 = tpu.memref_slice %arg4[%add3A_1066, %dma_start3A_1110] : memref<16384x1000xf32, #tpu.memory_space<hbm>> -> memref<32x104xf32, #tpu.memory_space<hbm>>
    %dma_start3A_1112 = tpu.memref_slice %arg10[%dma_start3A_1105] : memref<3x!tpu.dma_semaphore, #tpu.memory_space<semaphore_mem>> -> memref<1x!tpu.dma_semaphore, #tpu.memory_space<semaphore_mem>>
    %dma_start3A_1113 = tpu.memref_squeeze %dma_start3A_1112 : memref<1x!tpu.dma_semaphore, #tpu.memory_space<semaphore_mem>> -> memref<!tpu.dma_semaphore, #tpu.memory_space<semaphore_mem>>
    %dma_start3A_1114 = arith.constant 896 : i32
    %dma_start3A_1115 = tpu.memref_slice %arg4[%add3A_1066, %dma_start3A_1114] : memref<16384x1000xf32, #tpu.memory_space<hbm>> -> memref<32x104xf32, #tpu.memory_space<hbm>>
    %dma_start3A_1116 = arith.constant 0 : i32
    %dma_start3A_1117 = arith.constant 0 : i32
    %dma_start3A_1118 = tpu.memref_slice %arg7[%dma_start3A_1104, %dma_start3A_1116, %dma_start3A_1117] : memref<3x32x104xf32, #tpu.memory_space<vmem>> -> memref<1x32x104xf32, #tpu.memory_space<vmem>>
    %dma_start3A_1119 = tpu.memref_squeeze %dma_start3A_1118 : memref<1x32x104xf32, #tpu.memory_space<vmem>> -> memref<32x104xf32, #tpu.memory_space<vmem>>
    tpu.enqueue_dma source(%dma_start3A_1119 : memref<32x104xf32, #tpu.memory_space<vmem>>) target(%dma_start3A_1115 : memref<32x104xf32, #tpu.memory_space<hbm>>) target_semaphore(%dma_start3A_1113 : memref<!tpu.dma_semaphore, #tpu.memory_space<semaphore_mem>>)
    %dma_wait3A_1120 = arith.constant 1 : i32
    %dma_wait3A_1121 = arith.constant 1 : i32
    %dma_wait3A_1122 = arith.constant 0 : i32
    %dma_wait3A_1123 = arith.constant 0 : i32
    %dma_wait3A_1124 = tpu.memref_slice %arg6[%dma_wait3A_1120, %dma_wait3A_1122, %dma_wait3A_1123] : memref<3x32x1024xf32, #tpu.memory_space<vmem>> -> memref<1x32x896xf32, #tpu.memory_space<vmem>>
    %dma_wait3A_1125 = tpu.memref_squeeze %dma_wait3A_1124 : memref<1x32x896xf32, #tpu.memory_space<vmem>> -> memref<32x896xf32, #tpu.memory_space<vmem>>
    %dma_wait3A_1126 = arith.constant 0 : i32
    %dma_wait3A_1127 = tpu.memref_slice %arg4[%add3A_1066, %dma_wait3A_1126] : memref<16384x1000xf32, #tpu.memory_space<hbm>> -> memref<32x896xf32, #tpu.memory_space<hbm>>
    %dma_wait3A_1128 = tpu.memref_slice %arg9[%dma_wait3A_1121] : memref<3x!tpu.dma_semaphore, #tpu.memory_space<semaphore_mem>> -> memref<1x!tpu.dma_semaphore, #tpu.memory_space<semaphore_mem>>
    %dma_wait3A_1129 = tpu.memref_squeeze %dma_wait3A_1128 : memref<1x!tpu.dma_semaphore, #tpu.memory_space<semaphore_mem>> -> memref<!tpu.dma_semaphore, #tpu.memory_space<semaphore_mem>>
    %dma_wait3A_1130 = arith.constant 0 : i32
    %dma_wait3A_1131 = tpu.memref_slice %arg4[%add3A_1066, %dma_wait3A_1130] : memref<16384x1000xf32, #tpu.memory_space<hbm>> -> memref<32x896xf32, #tpu.memory_space<hbm>>
    %dma_wait3A_1132 = arith.constant 0 : i32
    %dma_wait3A_1133 = arith.constant 0 : i32
    %dma_wait3A_1134 = tpu.memref_slice %arg6[%dma_wait3A_1120, %dma_wait3A_1132, %dma_wait3A_1133] : memref<3x32x1024xf32, #tpu.memory_space<vmem>> -> memref<1x32x896xf32, #tpu.memory_space<vmem>>
    %dma_wait3A_1135 = tpu.memref_squeeze %dma_wait3A_1134 : memref<1x32x896xf32, #tpu.memory_space<vmem>> -> memref<32x896xf32, #tpu.memory_space<vmem>>
    tpu.wait_dma2 semaphore(%dma_wait3A_1129 : memref<!tpu.dma_semaphore, #tpu.memory_space<semaphore_mem>>) src(%dma_wait3A_1135 : memref<32x896xf32, #tpu.memory_space<vmem>>) dst(%dma_wait3A_1131 : memref<32x896xf32, #tpu.memory_space<hbm>>)
    %dma_wait3A_1136 = arith.constant 1 : i32
    %dma_wait3A_1137 = arith.constant 1 : i32
    %dma_wait3A_1138 = arith.constant 0 : i32
    %dma_wait3A_1139 = arith.constant 0 : i32
    %dma_wait3A_1140 = tpu.memref_slice %arg7[%dma_wait3A_1136, %dma_wait3A_1138, %dma_wait3A_1139] : memref<3x32x104xf32, #tpu.memory_space<vmem>> -> memref<1x32x104xf32, #tpu.memory_space<vmem>>
    %dma_wait3A_1141 = tpu.memref_squeeze %dma_wait3A_1140 : memref<1x32x104xf32, #tpu.memory_space<vmem>> -> memref<32x104xf32, #tpu.memory_space<vmem>>
    %dma_wait3A_1142 = arith.constant 896 : i32
    %dma_wait3A_1143 = tpu.memref_slice %arg4[%add3A_1066, %dma_wait3A_1142] : memref<16384x1000xf32, #tpu.memory_space<hbm>> -> memref<32x104xf32, #tpu.memory_space<hbm>>
    %dma_wait3A_1144 = tpu.memref_slice %arg10[%dma_wait3A_1137] : memref<3x!tpu.dma_semaphore, #tpu.memory_space<semaphore_mem>> -> memref<1x!tpu.dma_semaphore, #tpu.memory_space<semaphore_mem>>
    %dma_wait3A_1145 = tpu.memref_squeeze %dma_wait3A_1144 : memref<1x!tpu.dma_semaphore, #tpu.memory_space<semaphore_mem>> -> memref<!tpu.dma_semaphore, #tpu.memory_space<semaphore_mem>>
    %dma_wait3A_1146 = arith.constant 896 : i32
    %dma_wait3A_1147 = tpu.memref_slice %arg4[%add3A_1066, %dma_wait3A_1146] : memref<16384x1000xf32, #tpu.memory_space<hbm>> -> memref<32x104xf32, #tpu.memory_space<hbm>>
    %dma_wait3A_1148 = arith.constant 0 : i32
    %dma_wait3A_1149 = arith.constant 0 : i32
    %dma_wait3A_1150 = tpu.memref_slice %arg7[%dma_wait3A_1136, %dma_wait3A_1148, %dma_wait3A_1149] : memref<3x32x104xf32, #tpu.memory_space<vmem>> -> memref<1x32x104xf32, #tpu.memory_space<vmem>>
    %dma_wait3A_1151 = tpu.memref_squeeze %dma_wait3A_1150 : memref<1x32x104xf32, #tpu.memory_space<vmem>> -> memref<32x104xf32, #tpu.memory_space<vmem>>
    tpu.wait_dma2 semaphore(%dma_wait3A_1145 : memref<!tpu.dma_semaphore, #tpu.memory_space<semaphore_mem>>) src(%dma_wait3A_1151 : memref<32x104xf32, #tpu.memory_space<vmem>>) dst(%dma_wait3A_1147 : memref<32x104xf32, #tpu.memory_space<hbm>>)
    %dma_start3A_1152 = arith.constant 13 : i32
    %dma_start3A_1153 = arith.constant 1 : i32
    %dma_start3A_1154 = arith.constant 1 : i32
    %dma_start3A_1155 = arith.constant 0 : i32
    %dma_start3A_1156 = arith.constant 0 : i32
    %dma_start3A_1157 = tpu.memref_slice %arg6[%dma_start3A_1153, %dma_start3A_1155, %dma_start3A_1156] : memref<3x32x1024xf32, #tpu.memory_space<vmem>> -> memref<1x32x1024xf32, #tpu.memory_space<vmem>>
    %dma_start3A_1158 = tpu.memref_squeeze %dma_start3A_1157 : memref<1x32x1024xf32, #tpu.memory_space<vmem>> -> memref<32x1024xf32, #tpu.memory_space<vmem>>
    %dma_start3A_1159 = arith.constant 0 : i32
    %dma_start3A_1160 = tpu.memref_slice %arg5[%dma_start3A_1152, %dma_start3A_1159] : memref<16x32xi32, #tpu.memory_space<vmem>> -> memref<1x32xi32, #tpu.memory_space<vmem>>
    %dma_start3A_1161 = tpu.memref_squeeze %dma_start3A_1160 : memref<1x32xi32, #tpu.memory_space<vmem>> -> memref<32xi32, #tpu.memory_space<vmem>>
    %dma_start3A_1162 = arith.constant 0 : i32
    %dma_start3A_1163 = arith.constant 0 : i32
    %dma_start3A_1164 = tpu.memref_slice %arg3[%dma_start3A_1162, %dma_start3A_1163] : memref<1000x1024xf32, #tpu.memory_space<hbm>> -> memref<1000x1024xf32, #tpu.memory_space<hbm>>
    %dma_start3A_1165 = tpu.memref_slice %arg8[%dma_start3A_1154] : memref<3x!tpu.dma_semaphore, #tpu.memory_space<semaphore_mem>> -> memref<1x!tpu.dma_semaphore, #tpu.memory_space<semaphore_mem>>
    %dma_start3A_1166 = tpu.memref_squeeze %dma_start3A_1165 : memref<1x!tpu.dma_semaphore, #tpu.memory_space<semaphore_mem>> -> memref<!tpu.dma_semaphore, #tpu.memory_space<semaphore_mem>>
    tpu.enqueue_indirect_dma source(%dma_start3A_1164 : memref<1000x1024xf32, #tpu.memory_space<hbm>>) target(%dma_start3A_1158 : memref<32x1024xf32, #tpu.memory_space<vmem>>) offsets(%dma_start3A_1161 : memref<32xi32, #tpu.memory_space<vmem>>) semaphore(%dma_start3A_1166 : memref<!tpu.dma_semaphore, #tpu.memory_space<semaphore_mem>>)
    %add3A_1167 = arith.constant 352 : i32
    %add3A_1168 = arith.addi %mul3A_2, %add3A_1167 : i32
    %dma_wait3A_1169 = arith.constant 11 : i32
    %dma_wait3A_1170 = arith.constant 2 : i32
    %dma_wait3A_1171 = arith.constant 2 : i32
    %dma_wait3A_1172 = arith.constant 0 : i32
    %dma_wait3A_1173 = arith.constant 0 : i32
    %dma_wait3A_1174 = tpu.memref_slice %arg6[%dma_wait3A_1170, %dma_wait3A_1172, %dma_wait3A_1173] : memref<3x32x1024xf32, #tpu.memory_space<vmem>> -> memref<1x32x1024xf32, #tpu.memory_space<vmem>>
    %dma_wait3A_1175 = tpu.memref_squeeze %dma_wait3A_1174 : memref<1x32x1024xf32, #tpu.memory_space<vmem>> -> memref<32x1024xf32, #tpu.memory_space<vmem>>
    %dma_wait3A_1176 = arith.constant 0 : i32
    %dma_wait3A_1177 = tpu.memref_slice %arg5[%dma_wait3A_1169, %dma_wait3A_1176] : memref<16x32xi32, #tpu.memory_space<vmem>> -> memref<1x32xi32, #tpu.memory_space<vmem>>
    %dma_wait3A_1178 = tpu.memref_squeeze %dma_wait3A_1177 : memref<1x32xi32, #tpu.memory_space<vmem>> -> memref<32xi32, #tpu.memory_space<vmem>>
    %dma_wait3A_1179 = arith.constant 0 : i32
    %dma_wait3A_1180 = arith.constant 0 : i32
    %dma_wait3A_1181 = tpu.memref_slice %arg3[%dma_wait3A_1179, %dma_wait3A_1180] : memref<1000x1024xf32, #tpu.memory_space<hbm>> -> memref<1000x1024xf32, #tpu.memory_space<hbm>>
    %dma_wait3A_1182 = tpu.memref_slice %arg8[%dma_wait3A_1171] : memref<3x!tpu.dma_semaphore, #tpu.memory_space<semaphore_mem>> -> memref<1x!tpu.dma_semaphore, #tpu.memory_space<semaphore_mem>>
    %dma_wait3A_1183 = tpu.memref_squeeze %dma_wait3A_1182 : memref<1x!tpu.dma_semaphore, #tpu.memory_space<semaphore_mem>> -> memref<!tpu.dma_semaphore, #tpu.memory_space<semaphore_mem>>
    tpu.wait_indirect_dma semaphore(%dma_wait3A_1183 : memref<!tpu.dma_semaphore, #tpu.memory_space<semaphore_mem>>) src(%dma_wait3A_1181 : memref<1000x1024xf32, #tpu.memory_space<hbm>>) dst(%dma_wait3A_1175 : memref<32x1024xf32, #tpu.memory_space<vmem>>)
    %dma_start3A_1184 = arith.constant 2 : i32
    %dma_start3A_1185 = arith.constant 2 : i32
    %dma_start3A_1186 = arith.constant 0 : i32
    %dma_start3A_1187 = arith.constant 0 : i32
    %dma_start3A_1188 = tpu.memref_slice %arg6[%dma_start3A_1184, %dma_start3A_1186, %dma_start3A_1187] : memref<3x32x1024xf32, #tpu.memory_space<vmem>> -> memref<1x32x896xf32, #tpu.memory_space<vmem>>
    %dma_start3A_1189 = tpu.memref_squeeze %dma_start3A_1188 : memref<1x32x896xf32, #tpu.memory_space<vmem>> -> memref<32x896xf32, #tpu.memory_space<vmem>>
    %dma_start3A_1190 = arith.constant 0 : i32
    %dma_start3A_1191 = tpu.memref_slice %arg4[%add3A_1168, %dma_start3A_1190] : memref<16384x1000xf32, #tpu.memory_space<hbm>> -> memref<32x896xf32, #tpu.memory_space<hbm>>
    %dma_start3A_1192 = tpu.memref_slice %arg9[%dma_start3A_1185] : memref<3x!tpu.dma_semaphore, #tpu.memory_space<semaphore_mem>> -> memref<1x!tpu.dma_semaphore, #tpu.memory_space<semaphore_mem>>
    %dma_start3A_1193 = tpu.memref_squeeze %dma_start3A_1192 : memref<1x!tpu.dma_semaphore, #tpu.memory_space<semaphore_mem>> -> memref<!tpu.dma_semaphore, #tpu.memory_space<semaphore_mem>>
    %dma_start3A_1194 = arith.constant 0 : i32
    %dma_start3A_1195 = tpu.memref_slice %arg4[%add3A_1168, %dma_start3A_1194] : memref<16384x1000xf32, #tpu.memory_space<hbm>> -> memref<32x896xf32, #tpu.memory_space<hbm>>
    %dma_start3A_1196 = arith.constant 0 : i32
    %dma_start3A_1197 = arith.constant 0 : i32
    %dma_start3A_1198 = tpu.memref_slice %arg6[%dma_start3A_1184, %dma_start3A_1196, %dma_start3A_1197] : memref<3x32x1024xf32, #tpu.memory_space<vmem>> -> memref<1x32x896xf32, #tpu.memory_space<vmem>>
    %dma_start3A_1199 = tpu.memref_squeeze %dma_start3A_1198 : memref<1x32x896xf32, #tpu.memory_space<vmem>> -> memref<32x896xf32, #tpu.memory_space<vmem>>
    tpu.enqueue_dma source(%dma_start3A_1199 : memref<32x896xf32, #tpu.memory_space<vmem>>) target(%dma_start3A_1195 : memref<32x896xf32, #tpu.memory_space<hbm>>) target_semaphore(%dma_start3A_1193 : memref<!tpu.dma_semaphore, #tpu.memory_space<semaphore_mem>>)
    %scan3A_1200 = arith.constant 0 : i32
    %scan3A_1201 = arith.constant 0 : i32
    %scan3A_1202 = arith.constant 32 : i32
    %scan3A_1203 = arith.addi %scan3A_1201, %scan3A_1202 : i32
    %scan3A_1204 = arith.constant 1 : i32
    scf.for %scan3A_1632 = %scan3A_1201 to %scan3A_1203 step %scan3A_1204  : i32 {
      %get3A = arith.constant 2 : i32
      %get3A_1633 = arith.index_cast %get3A : i32 to index
      %get3A_1634 = arith.index_cast %scan3A_1632 : i32 to index
      %get3A_1635 = arith.constant 896 : index
      %get3A_1636 = tpu.vector_load %arg6[%get3A_1633, %get3A_1634, %get3A_1635] {strides = array<i32>} : memref<3x32x1024xf32, #tpu.memory_space<vmem>>, vector<1x1x16xf32>,
      %get3A_1637 = vector.shape_cast %get3A_1636 : vector<1x1x16xf32> to vector<16xf32>
      %swap3A = arith.constant 2 : i32
      %swap3A_1638 = arith.index_cast %swap3A : i32 to index
      %swap3A_1639 = arith.index_cast %scan3A_1632 : i32 to index
      %swap3A_1640 = arith.constant 0 : index
      %swap3A_1641 = tpu.vector_load %arg7[%swap3A_1638, %swap3A_1639, %swap3A_1640] {strides = array<i32>} : memref<3x32x104xf32, #tpu.memory_space<vmem>>, vector<1x1x16xf32>,
      %swap3A_1642 = vector.shape_cast %swap3A_1641 : vector<1x1x16xf32> to vector<16xf32>
      %swap3A_1643 = vector.shape_cast %get3A_1637 : vector<16xf32> to vector<1x1x16xf32>
      tpu.vector_store %arg7[%swap3A_1638, %swap3A_1639, %swap3A_1640], %swap3A_1643 {strides = array<i32>} : memref<3x32x104xf32, #tpu.memory_space<vmem>>, vector<1x1x16xf32>,
      %get3A_1644 = arith.constant 2 : i32
      %get3A_1645 = arith.index_cast %get3A_1644 : i32 to index
      %get3A_1646 = arith.index_cast %scan3A_1632 : i32 to index
      %get3A_1647 = arith.constant 912 : index
      %get3A_1648 = tpu.vector_load %arg6[%get3A_1645, %get3A_1646, %get3A_1647] {strides = array<i32>} : memref<3x32x1024xf32, #tpu.memory_space<vmem>>, vector<1x1x16xf32>,
      %get3A_1649 = vector.shape_cast %get3A_1648 : vector<1x1x16xf32> to vector<16xf32>
      %swap3A_1650 = arith.constant 2 : i32
      %swap3A_1651 = arith.index_cast %swap3A_1650 : i32 to index
      %swap3A_1652 = arith.index_cast %scan3A_1632 : i32 to index
      %swap3A_1653 = arith.constant 16 : index
      %swap3A_1654 = tpu.vector_load %arg7[%swap3A_1651, %swap3A_1652, %swap3A_1653] {strides = array<i32>} : memref<3x32x104xf32, #tpu.memory_space<vmem>>, vector<1x1x16xf32>,
      %swap3A_1655 = vector.shape_cast %swap3A_1654 : vector<1x1x16xf32> to vector<16xf32>
      %swap3A_1656 = vector.shape_cast %get3A_1649 : vector<16xf32> to vector<1x1x16xf32>
      tpu.vector_store %arg7[%swap3A_1651, %swap3A_1652, %swap3A_1653], %swap3A_1656 {strides = array<i32>} : memref<3x32x104xf32, #tpu.memory_space<vmem>>, vector<1x1x16xf32>,
      %get3A_1657 = arith.constant 2 : i32
      %get3A_1658 = arith.index_cast %get3A_1657 : i32 to index
      %get3A_1659 = arith.index_cast %scan3A_1632 : i32 to index
      %get3A_1660 = arith.constant 928 : index
      %get3A_1661 = tpu.vector_load %arg6[%get3A_1658, %get3A_1659, %get3A_1660] {strides = array<i32>} : memref<3x32x1024xf32, #tpu.memory_space<vmem>>, vector<1x1x16xf32>,
      %get3A_1662 = vector.shape_cast %get3A_1661 : vector<1x1x16xf32> to vector<16xf32>
      %swap3A_1663 = arith.constant 2 : i32
      %swap3A_1664 = arith.index_cast %swap3A_1663 : i32 to index
      %swap3A_1665 = arith.index_cast %scan3A_1632 : i32 to index
      %swap3A_1666 = arith.constant 32 : index
      %swap3A_1667 = tpu.vector_load %arg7[%swap3A_1664, %swap3A_1665, %swap3A_1666] {strides = array<i32>} : memref<3x32x104xf32, #tpu.memory_space<vmem>>, vector<1x1x16xf32>,
      %swap3A_1668 = vector.shape_cast %swap3A_1667 : vector<1x1x16xf32> to vector<16xf32>
      %swap3A_1669 = vector.shape_cast %get3A_1662 : vector<16xf32> to vector<1x1x16xf32>
      tpu.vector_store %arg7[%swap3A_1664, %swap3A_1665, %swap3A_1666], %swap3A_1669 {strides = array<i32>} : memref<3x32x104xf32, #tpu.memory_space<vmem>>, vector<1x1x16xf32>,
      %get3A_1670 = arith.constant 2 : i32
      %get3A_1671 = arith.index_cast %get3A_1670 : i32 to index
      %get3A_1672 = arith.index_cast %scan3A_1632 : i32 to index
      %get3A_1673 = arith.constant 944 : index
      %get3A_1674 = tpu.vector_load %arg6[%get3A_1671, %get3A_1672, %get3A_1673] {strides = array<i32>} : memref<3x32x1024xf32, #tpu.memory_space<vmem>>, vector<1x1x16xf32>,
      %get3A_1675 = vector.shape_cast %get3A_1674 : vector<1x1x16xf32> to vector<16xf32>
      %swap3A_1676 = arith.constant 2 : i32
      %swap3A_1677 = arith.index_cast %swap3A_1676 : i32 to index
      %swap3A_1678 = arith.index_cast %scan3A_1632 : i32 to index
      %swap3A_1679 = arith.constant 48 : index
      %swap3A_1680 = tpu.vector_load %arg7[%swap3A_1677, %swap3A_1678, %swap3A_1679] {strides = array<i32>} : memref<3x32x104xf32, #tpu.memory_space<vmem>>, vector<1x1x16xf32>,
      %swap3A_1681 = vector.shape_cast %swap3A_1680 : vector<1x1x16xf32> to vector<16xf32>
      %swap3A_1682 = vector.shape_cast %get3A_1675 : vector<16xf32> to vector<1x1x16xf32>
      tpu.vector_store %arg7[%swap3A_1677, %swap3A_1678, %swap3A_1679], %swap3A_1682 {strides = array<i32>} : memref<3x32x104xf32, #tpu.memory_space<vmem>>, vector<1x1x16xf32>,
      %get3A_1683 = arith.constant 2 : i32
      %get3A_1684 = arith.index_cast %get3A_1683 : i32 to index
      %get3A_1685 = arith.index_cast %scan3A_1632 : i32 to index
      %get3A_1686 = arith.constant 960 : index
      %get3A_1687 = tpu.vector_load %arg6[%get3A_1684, %get3A_1685, %get3A_1686] {strides = array<i32>} : memref<3x32x1024xf32, #tpu.memory_space<vmem>>, vector<1x1x16xf32>,
      %get3A_1688 = vector.shape_cast %get3A_1687 : vector<1x1x16xf32> to vector<16xf32>
      %swap3A_1689 = arith.constant 2 : i32
      %swap3A_1690 = arith.index_cast %swap3A_1689 : i32 to index
      %swap3A_1691 = arith.index_cast %scan3A_1632 : i32 to index
      %swap3A_1692 = arith.constant 64 : index
      %swap3A_1693 = tpu.vector_load %arg7[%swap3A_1690, %swap3A_1691, %swap3A_1692] {strides = array<i32>} : memref<3x32x104xf32, #tpu.memory_space<vmem>>, vector<1x1x16xf32>,
      %swap3A_1694 = vector.shape_cast %swap3A_1693 : vector<1x1x16xf32> to vector<16xf32>
      %swap3A_1695 = vector.shape_cast %get3A_1688 : vector<16xf32> to vector<1x1x16xf32>
      tpu.vector_store %arg7[%swap3A_1690, %swap3A_1691, %swap3A_1692], %swap3A_1695 {strides = array<i32>} : memref<3x32x104xf32, #tpu.memory_space<vmem>>, vector<1x1x16xf32>,
      %get3A_1696 = arith.constant 2 : i32
      %get3A_1697 = arith.index_cast %get3A_1696 : i32 to index
      %get3A_1698 = arith.index_cast %scan3A_1632 : i32 to index
      %get3A_1699 = arith.constant 976 : index
      %get3A_1700 = tpu.vector_load %arg6[%get3A_1697, %get3A_1698, %get3A_1699] {strides = array<i32>} : memref<3x32x1024xf32, #tpu.memory_space<vmem>>, vector<1x1x16xf32>,
      %get3A_1701 = vector.shape_cast %get3A_1700 : vector<1x1x16xf32> to vector<16xf32>
      %swap3A_1702 = arith.constant 2 : i32
      %swap3A_1703 = arith.index_cast %swap3A_1702 : i32 to index
      %swap3A_1704 = arith.index_cast %scan3A_1632 : i32 to index
      %swap3A_1705 = arith.constant 80 : index
      %swap3A_1706 = tpu.vector_load %arg7[%swap3A_1703, %swap3A_1704, %swap3A_1705] {strides = array<i32>} : memref<3x32x104xf32, #tpu.memory_space<vmem>>, vector<1x1x16xf32>,
      %swap3A_1707 = vector.shape_cast %swap3A_1706 : vector<1x1x16xf32> to vector<16xf32>
      %swap3A_1708 = vector.shape_cast %get3A_1701 : vector<16xf32> to vector<1x1x16xf32>
      tpu.vector_store %arg7[%swap3A_1703, %swap3A_1704, %swap3A_1705], %swap3A_1708 {strides = array<i32>} : memref<3x32x104xf32, #tpu.memory_space<vmem>>, vector<1x1x16xf32>,
      %get3A_1709 = arith.constant 2 : i32
      %get3A_1710 = arith.index_cast %get3A_1709 : i32 to index
      %get3A_1711 = arith.index_cast %scan3A_1632 : i32 to index
      %get3A_1712 = arith.constant 984 : index
      %get3A_1713 = tpu.vector_load %arg6[%get3A_1710, %get3A_1711, %get3A_1712] {strides = array<i32>} : memref<3x32x1024xf32, #tpu.memory_space<vmem>>, vector<1x1x16xf32>,
      %get3A_1714 = vector.shape_cast %get3A_1713 : vector<1x1x16xf32> to vector<16xf32>
      %swap3A_1715 = arith.constant 2 : i32
      %swap3A_1716 = arith.index_cast %swap3A_1715 : i32 to index
      %swap3A_1717 = arith.index_cast %scan3A_1632 : i32 to index
      %swap3A_1718 = arith.constant 88 : index
      %swap3A_1719 = tpu.vector_load %arg7[%swap3A_1716, %swap3A_1717, %swap3A_1718] {strides = array<i32>} : memref<3x32x104xf32, #tpu.memory_space<vmem>>, vector<1x1x16xf32>,
      %swap3A_1720 = vector.shape_cast %swap3A_1719 : vector<1x1x16xf32> to vector<16xf32>
      %swap3A_1721 = vector.shape_cast %get3A_1714 : vector<16xf32> to vector<1x1x16xf32>
      tpu.vector_store %arg7[%swap3A_1716, %swap3A_1717, %swap3A_1718], %swap3A_1721 {strides = array<i32>} : memref<3x32x104xf32, #tpu.memory_space<vmem>>, vector<1x1x16xf32>,
    }
    %scan3A_1205 = arith.constant 32 : i32
    %dma_start3A_1206 = arith.constant 2 : i32
    %dma_start3A_1207 = arith.constant 2 : i32
    %dma_start3A_1208 = arith.constant 0 : i32
    %dma_start3A_1209 = arith.constant 0 : i32
    %dma_start3A_1210 = tpu.memref_slice %arg7[%dma_start3A_1206, %dma_start3A_1208, %dma_start3A_1209] : memref<3x32x104xf32, #tpu.memory_space<vmem>> -> memref<1x32x104xf32, #tpu.memory_space<vmem>>
    %dma_start3A_1211 = tpu.memref_squeeze %dma_start3A_1210 : memref<1x32x104xf32, #tpu.memory_space<vmem>> -> memref<32x104xf32, #tpu.memory_space<vmem>>
    %dma_start3A_1212 = arith.constant 896 : i32
    %dma_start3A_1213 = tpu.memref_slice %arg4[%add3A_1168, %dma_start3A_1212] : memref<16384x1000xf32, #tpu.memory_space<hbm>> -> memref<32x104xf32, #tpu.memory_space<hbm>>
    %dma_start3A_1214 = tpu.memref_slice %arg10[%dma_start3A_1207] : memref<3x!tpu.dma_semaphore, #tpu.memory_space<semaphore_mem>> -> memref<1x!tpu.dma_semaphore, #tpu.memory_space<semaphore_mem>>
    %dma_start3A_1215 = tpu.memref_squeeze %dma_start3A_1214 : memref<1x!tpu.dma_semaphore, #tpu.memory_space<semaphore_mem>> -> memref<!tpu.dma_semaphore, #tpu.memory_space<semaphore_mem>>
    %dma_start3A_1216 = arith.constant 896 : i32
    %dma_start3A_1217 = tpu.memref_slice %arg4[%add3A_1168, %dma_start3A_1216] : memref<16384x1000xf32, #tpu.memory_space<hbm>> -> memref<32x104xf32, #tpu.memory_space<hbm>>
    %dma_start3A_1218 = arith.constant 0 : i32
    %dma_start3A_1219 = arith.constant 0 : i32
    %dma_start3A_1220 = tpu.memref_slice %arg7[%dma_start3A_1206, %dma_start3A_1218, %dma_start3A_1219] : memref<3x32x104xf32, #tpu.memory_space<vmem>> -> memref<1x32x104xf32, #tpu.memory_space<vmem>>
    %dma_start3A_1221 = tpu.memref_squeeze %dma_start3A_1220 : memref<1x32x104xf32, #tpu.memory_space<vmem>> -> memref<32x104xf32, #tpu.memory_space<vmem>>
    tpu.enqueue_dma source(%dma_start3A_1221 : memref<32x104xf32, #tpu.memory_space<vmem>>) target(%dma_start3A_1217 : memref<32x104xf32, #tpu.memory_space<hbm>>) target_semaphore(%dma_start3A_1215 : memref<!tpu.dma_semaphore, #tpu.memory_space<semaphore_mem>>)
    %dma_wait3A_1222 = arith.constant 2 : i32
    %dma_wait3A_1223 = arith.constant 2 : i32
    %dma_wait3A_1224 = arith.constant 0 : i32
    %dma_wait3A_1225 = arith.constant 0 : i32
    %dma_wait3A_1226 = tpu.memref_slice %arg6[%dma_wait3A_1222, %dma_wait3A_1224, %dma_wait3A_1225] : memref<3x32x1024xf32, #tpu.memory_space<vmem>> -> memref<1x32x896xf32, #tpu.memory_space<vmem>>
    %dma_wait3A_1227 = tpu.memref_squeeze %dma_wait3A_1226 : memref<1x32x896xf32, #tpu.memory_space<vmem>> -> memref<32x896xf32, #tpu.memory_space<vmem>>
    %dma_wait3A_1228 = arith.constant 0 : i32
    %dma_wait3A_1229 = tpu.memref_slice %arg4[%add3A_1168, %dma_wait3A_1228] : memref<16384x1000xf32, #tpu.memory_space<hbm>> -> memref<32x896xf32, #tpu.memory_space<hbm>>
    %dma_wait3A_1230 = tpu.memref_slice %arg9[%dma_wait3A_1223] : memref<3x!tpu.dma_semaphore, #tpu.memory_space<semaphore_mem>> -> memref<1x!tpu.dma_semaphore, #tpu.memory_space<semaphore_mem>>
    %dma_wait3A_1231 = tpu.memref_squeeze %dma_wait3A_1230 : memref<1x!tpu.dma_semaphore, #tpu.memory_space<semaphore_mem>> -> memref<!tpu.dma_semaphore, #tpu.memory_space<semaphore_mem>>
    %dma_wait3A_1232 = arith.constant 0 : i32
    %dma_wait3A_1233 = tpu.memref_slice %arg4[%add3A_1168, %dma_wait3A_1232] : memref<16384x1000xf32, #tpu.memory_space<hbm>> -> memref<32x896xf32, #tpu.memory_space<hbm>>
    %dma_wait3A_1234 = arith.constant 0 : i32
    %dma_wait3A_1235 = arith.constant 0 : i32
    %dma_wait3A_1236 = tpu.memref_slice %arg6[%dma_wait3A_1222, %dma_wait3A_1234, %dma_wait3A_1235] : memref<3x32x1024xf32, #tpu.memory_space<vmem>> -> memref<1x32x896xf32, #tpu.memory_space<vmem>>
    %dma_wait3A_1237 = tpu.memref_squeeze %dma_wait3A_1236 : memref<1x32x896xf32, #tpu.memory_space<vmem>> -> memref<32x896xf32, #tpu.memory_space<vmem>>
    tpu.wait_dma2 semaphore(%dma_wait3A_1231 : memref<!tpu.dma_semaphore, #tpu.memory_space<semaphore_mem>>) src(%dma_wait3A_1237 : memref<32x896xf32, #tpu.memory_space<vmem>>) dst(%dma_wait3A_1233 : memref<32x896xf32, #tpu.memory_space<hbm>>)
    %dma_wait3A_1238 = arith.constant 2 : i32
    %dma_wait3A_1239 = arith.constant 2 : i32
    %dma_wait3A_1240 = arith.constant 0 : i32
    %dma_wait3A_1241 = arith.constant 0 : i32
    %dma_wait3A_1242 = tpu.memref_slice %arg7[%dma_wait3A_1238, %dma_wait3A_1240, %dma_wait3A_1241] : memref<3x32x104xf32, #tpu.memory_space<vmem>> -> memref<1x32x104xf32, #tpu.memory_space<vmem>>
    %dma_wait3A_1243 = tpu.memref_squeeze %dma_wait3A_1242 : memref<1x32x104xf32, #tpu.memory_space<vmem>> -> memref<32x104xf32, #tpu.memory_space<vmem>>
    %dma_wait3A_1244 = arith.constant 896 : i32
    %dma_wait3A_1245 = tpu.memref_slice %arg4[%add3A_1168, %dma_wait3A_1244] : memref<16384x1000xf32, #tpu.memory_space<hbm>> -> memref<32x104xf32, #tpu.memory_space<hbm>>
    %dma_wait3A_1246 = tpu.memref_slice %arg10[%dma_wait3A_1239] : memref<3x!tpu.dma_semaphore, #tpu.memory_space<semaphore_mem>> -> memref<1x!tpu.dma_semaphore, #tpu.memory_space<semaphore_mem>>
    %dma_wait3A_1247 = tpu.memref_squeeze %dma_wait3A_1246 : memref<1x!tpu.dma_semaphore, #tpu.memory_space<semaphore_mem>> -> memref<!tpu.dma_semaphore, #tpu.memory_space<semaphore_mem>>
    %dma_wait3A_1248 = arith.constant 896 : i32
    %dma_wait3A_1249 = tpu.memref_slice %arg4[%add3A_1168, %dma_wait3A_1248] : memref<16384x1000xf32, #tpu.memory_space<hbm>> -> memref<32x104xf32, #tpu.memory_space<hbm>>
    %dma_wait3A_1250 = arith.constant 0 : i32
    %dma_wait3A_1251 = arith.constant 0 : i32
    %dma_wait3A_1252 = tpu.memref_slice %arg7[%dma_wait3A_1238, %dma_wait3A_1250, %dma_wait3A_1251] : memref<3x32x104xf32, #tpu.memory_space<vmem>> -> memref<1x32x104xf32, #tpu.memory_space<vmem>>
    %dma_wait3A_1253 = tpu.memref_squeeze %dma_wait3A_1252 : memref<1x32x104xf32, #tpu.memory_space<vmem>> -> memref<32x104xf32, #tpu.memory_space<vmem>>
    tpu.wait_dma2 semaphore(%dma_wait3A_1247 : memref<!tpu.dma_semaphore, #tpu.memory_space<semaphore_mem>>) src(%dma_wait3A_1253 : memref<32x104xf32, #tpu.memory_space<vmem>>) dst(%dma_wait3A_1249 : memref<32x104xf32, #tpu.memory_space<hbm>>)
    %dma_start3A_1254 = arith.constant 14 : i32
    %dma_start3A_1255 = arith.constant 2 : i32
    %dma_start3A_1256 = arith.constant 2 : i32
    %dma_start3A_1257 = arith.constant 0 : i32
    %dma_start3A_1258 = arith.constant 0 : i32
    %dma_start3A_1259 = tpu.memref_slice %arg6[%dma_start3A_1255, %dma_start3A_1257, %dma_start3A_1258] : memref<3x32x1024xf32, #tpu.memory_space<vmem>> -> memref<1x32x1024xf32, #tpu.memory_space<vmem>>
    %dma_start3A_1260 = tpu.memref_squeeze %dma_start3A_1259 : memref<1x32x1024xf32, #tpu.memory_space<vmem>> -> memref<32x1024xf32, #tpu.memory_space<vmem>>
    %dma_start3A_1261 = arith.constant 0 : i32
    %dma_start3A_1262 = tpu.memref_slice %arg5[%dma_start3A_1254, %dma_start3A_1261] : memref<16x32xi32, #tpu.memory_space<vmem>> -> memref<1x32xi32, #tpu.memory_space<vmem>>
    %dma_start3A_1263 = tpu.memref_squeeze %dma_start3A_1262 : memref<1x32xi32, #tpu.memory_space<vmem>> -> memref<32xi32, #tpu.memory_space<vmem>>
    %dma_start3A_1264 = arith.constant 0 : i32
    %dma_start3A_1265 = arith.constant 0 : i32
    %dma_start3A_1266 = tpu.memref_slice %arg3[%dma_start3A_1264, %dma_start3A_1265] : memref<1000x1024xf32, #tpu.memory_space<hbm>> -> memref<1000x1024xf32, #tpu.memory_space<hbm>>
    %dma_start3A_1267 = tpu.memref_slice %arg8[%dma_start3A_1256] : memref<3x!tpu.dma_semaphore, #tpu.memory_space<semaphore_mem>> -> memref<1x!tpu.dma_semaphore, #tpu.memory_space<semaphore_mem>>
    %dma_start3A_1268 = tpu.memref_squeeze %dma_start3A_1267 : memref<1x!tpu.dma_semaphore, #tpu.memory_space<semaphore_mem>> -> memref<!tpu.dma_semaphore, #tpu.memory_space<semaphore_mem>>
    tpu.enqueue_indirect_dma source(%dma_start3A_1266 : memref<1000x1024xf32, #tpu.memory_space<hbm>>) target(%dma_start3A_1260 : memref<32x1024xf32, #tpu.memory_space<vmem>>) offsets(%dma_start3A_1263 : memref<32xi32, #tpu.memory_space<vmem>>) semaphore(%dma_start3A_1268 : memref<!tpu.dma_semaphore, #tpu.memory_space<semaphore_mem>>)
    %add3A_1269 = arith.constant 384 : i32
    %add3A_1270 = arith.addi %mul3A_2, %add3A_1269 : i32
    %dma_wait3A_1271 = arith.constant 12 : i32
    %dma_wait3A_1272 = arith.constant 0 : i32
    %dma_wait3A_1273 = arith.constant 0 : i32
    %dma_wait3A_1274 = arith.constant 0 : i32
    %dma_wait3A_1275 = arith.constant 0 : i32
    %dma_wait3A_1276 = tpu.memref_slice %arg6[%dma_wait3A_1272, %dma_wait3A_1274, %dma_wait3A_1275] : memref<3x32x1024xf32, #tpu.memory_space<vmem>> -> memref<1x32x1024xf32, #tpu.memory_space<vmem>>
    %dma_wait3A_1277 = tpu.memref_squeeze %dma_wait3A_1276 : memref<1x32x1024xf32, #tpu.memory_space<vmem>> -> memref<32x1024xf32, #tpu.memory_space<vmem>>
    %dma_wait3A_1278 = arith.constant 0 : i32
    %dma_wait3A_1279 = tpu.memref_slice %arg5[%dma_wait3A_1271, %dma_wait3A_1278] : memref<16x32xi32, #tpu.memory_space<vmem>> -> memref<1x32xi32, #tpu.memory_space<vmem>>
    %dma_wait3A_1280 = tpu.memref_squeeze %dma_wait3A_1279 : memref<1x32xi32, #tpu.memory_space<vmem>> -> memref<32xi32, #tpu.memory_space<vmem>>
    %dma_wait3A_1281 = arith.constant 0 : i32
    %dma_wait3A_1282 = arith.constant 0 : i32
    %dma_wait3A_1283 = tpu.memref_slice %arg3[%dma_wait3A_1281, %dma_wait3A_1282] : memref<1000x1024xf32, #tpu.memory_space<hbm>> -> memref<1000x1024xf32, #tpu.memory_space<hbm>>
    %dma_wait3A_1284 = tpu.memref_slice %arg8[%dma_wait3A_1273] : memref<3x!tpu.dma_semaphore, #tpu.memory_space<semaphore_mem>> -> memref<1x!tpu.dma_semaphore, #tpu.memory_space<semaphore_mem>>
    %dma_wait3A_1285 = tpu.memref_squeeze %dma_wait3A_1284 : memref<1x!tpu.dma_semaphore, #tpu.memory_space<semaphore_mem>> -> memref<!tpu.dma_semaphore, #tpu.memory_space<semaphore_mem>>
    tpu.wait_indirect_dma semaphore(%dma_wait3A_1285 : memref<!tpu.dma_semaphore, #tpu.memory_space<semaphore_mem>>) src(%dma_wait3A_1283 : memref<1000x1024xf32, #tpu.memory_space<hbm>>) dst(%dma_wait3A_1277 : memref<32x1024xf32, #tpu.memory_space<vmem>>)
    %dma_start3A_1286 = arith.constant 0 : i32
    %dma_start3A_1287 = arith.constant 0 : i32
    %dma_start3A_1288 = arith.constant 0 : i32
    %dma_start3A_1289 = arith.constant 0 : i32
    %dma_start3A_1290 = tpu.memref_slice %arg6[%dma_start3A_1286, %dma_start3A_1288, %dma_start3A_1289] : memref<3x32x1024xf32, #tpu.memory_space<vmem>> -> memref<1x32x896xf32, #tpu.memory_space<vmem>>
    %dma_start3A_1291 = tpu.memref_squeeze %dma_start3A_1290 : memref<1x32x896xf32, #tpu.memory_space<vmem>> -> memref<32x896xf32, #tpu.memory_space<vmem>>
    %dma_start3A_1292 = arith.constant 0 : i32
    %dma_start3A_1293 = tpu.memref_slice %arg4[%add3A_1270, %dma_start3A_1292] : memref<16384x1000xf32, #tpu.memory_space<hbm>> -> memref<32x896xf32, #tpu.memory_space<hbm>>
    %dma_start3A_1294 = tpu.memref_slice %arg9[%dma_start3A_1287] : memref<3x!tpu.dma_semaphore, #tpu.memory_space<semaphore_mem>> -> memref<1x!tpu.dma_semaphore, #tpu.memory_space<semaphore_mem>>
    %dma_start3A_1295 = tpu.memref_squeeze %dma_start3A_1294 : memref<1x!tpu.dma_semaphore, #tpu.memory_space<semaphore_mem>> -> memref<!tpu.dma_semaphore, #tpu.memory_space<semaphore_mem>>
    %dma_start3A_1296 = arith.constant 0 : i32
    %dma_start3A_1297 = tpu.memref_slice %arg4[%add3A_1270, %dma_start3A_1296] : memref<16384x1000xf32, #tpu.memory_space<hbm>> -> memref<32x896xf32, #tpu.memory_space<hbm>>
    %dma_start3A_1298 = arith.constant 0 : i32
    %dma_start3A_1299 = arith.constant 0 : i32
    %dma_start3A_1300 = tpu.memref_slice %arg6[%dma_start3A_1286, %dma_start3A_1298, %dma_start3A_1299] : memref<3x32x1024xf32, #tpu.memory_space<vmem>> -> memref<1x32x896xf32, #tpu.memory_space<vmem>>
    %dma_start3A_1301 = tpu.memref_squeeze %dma_start3A_1300 : memref<1x32x896xf32, #tpu.memory_space<vmem>> -> memref<32x896xf32, #tpu.memory_space<vmem>>
    tpu.enqueue_dma source(%dma_start3A_1301 : memref<32x896xf32, #tpu.memory_space<vmem>>) target(%dma_start3A_1297 : memref<32x896xf32, #tpu.memory_space<hbm>>) target_semaphore(%dma_start3A_1295 : memref<!tpu.dma_semaphore, #tpu.memory_space<semaphore_mem>>)
    %scan3A_1302 = arith.constant 0 : i32
    %scan3A_1303 = arith.constant 0 : i32
    %scan3A_1304 = arith.constant 32 : i32
    %scan3A_1305 = arith.addi %scan3A_1303, %scan3A_1304 : i32
    %scan3A_1306 = arith.constant 1 : i32
    scf.for %scan3A_1632 = %scan3A_1303 to %scan3A_1305 step %scan3A_1306  : i32 {
      %get3A = arith.constant 0 : i32
      %get3A_1633 = arith.index_cast %get3A : i32 to index
      %get3A_1634 = arith.index_cast %scan3A_1632 : i32 to index
      %get3A_1635 = arith.constant 896 : index
      %get3A_1636 = tpu.vector_load %arg6[%get3A_1633, %get3A_1634, %get3A_1635] {strides = array<i32>} : memref<3x32x1024xf32, #tpu.memory_space<vmem>>, vector<1x1x16xf32>,
      %get3A_1637 = vector.shape_cast %get3A_1636 : vector<1x1x16xf32> to vector<16xf32>
      %swap3A = arith.constant 0 : i32
      %swap3A_1638 = arith.index_cast %swap3A : i32 to index
      %swap3A_1639 = arith.index_cast %scan3A_1632 : i32 to index
      %swap3A_1640 = arith.constant 0 : index
      %swap3A_1641 = tpu.vector_load %arg7[%swap3A_1638, %swap3A_1639, %swap3A_1640] {strides = array<i32>} : memref<3x32x104xf32, #tpu.memory_space<vmem>>, vector<1x1x16xf32>,
      %swap3A_1642 = vector.shape_cast %swap3A_1641 : vector<1x1x16xf32> to vector<16xf32>
      %swap3A_1643 = vector.shape_cast %get3A_1637 : vector<16xf32> to vector<1x1x16xf32>
      tpu.vector_store %arg7[%swap3A_1638, %swap3A_1639, %swap3A_1640], %swap3A_1643 {strides = array<i32>} : memref<3x32x104xf32, #tpu.memory_space<vmem>>, vector<1x1x16xf32>,
      %get3A_1644 = arith.constant 0 : i32
      %get3A_1645 = arith.index_cast %get3A_1644 : i32 to index
      %get3A_1646 = arith.index_cast %scan3A_1632 : i32 to index
      %get3A_1647 = arith.constant 912 : index
      %get3A_1648 = tpu.vector_load %arg6[%get3A_1645, %get3A_1646, %get3A_1647] {strides = array<i32>} : memref<3x32x1024xf32, #tpu.memory_space<vmem>>, vector<1x1x16xf32>,
      %get3A_1649 = vector.shape_cast %get3A_1648 : vector<1x1x16xf32> to vector<16xf32>
      %swap3A_1650 = arith.constant 0 : i32
      %swap3A_1651 = arith.index_cast %swap3A_1650 : i32 to index
      %swap3A_1652 = arith.index_cast %scan3A_1632 : i32 to index
      %swap3A_1653 = arith.constant 16 : index
      %swap3A_1654 = tpu.vector_load %arg7[%swap3A_1651, %swap3A_1652, %swap3A_1653] {strides = array<i32>} : memref<3x32x104xf32, #tpu.memory_space<vmem>>, vector<1x1x16xf32>,
      %swap3A_1655 = vector.shape_cast %swap3A_1654 : vector<1x1x16xf32> to vector<16xf32>
      %swap3A_1656 = vector.shape_cast %get3A_1649 : vector<16xf32> to vector<1x1x16xf32>
      tpu.vector_store %arg7[%swap3A_1651, %swap3A_1652, %swap3A_1653], %swap3A_1656 {strides = array<i32>} : memref<3x32x104xf32, #tpu.memory_space<vmem>>, vector<1x1x16xf32>,
      %get3A_1657 = arith.constant 0 : i32
      %get3A_1658 = arith.index_cast %get3A_1657 : i32 to index
      %get3A_1659 = arith.index_cast %scan3A_1632 : i32 to index
      %get3A_1660 = arith.constant 928 : index
      %get3A_1661 = tpu.vector_load %arg6[%get3A_1658, %get3A_1659, %get3A_1660] {strides = array<i32>} : memref<3x32x1024xf32, #tpu.memory_space<vmem>>, vector<1x1x16xf32>,
      %get3A_1662 = vector.shape_cast %get3A_1661 : vector<1x1x16xf32> to vector<16xf32>
      %swap3A_1663 = arith.constant 0 : i32
      %swap3A_1664 = arith.index_cast %swap3A_1663 : i32 to index
      %swap3A_1665 = arith.index_cast %scan3A_1632 : i32 to index
      %swap3A_1666 = arith.constant 32 : index
      %swap3A_1667 = tpu.vector_load %arg7[%swap3A_1664, %swap3A_1665, %swap3A_1666] {strides = array<i32>} : memref<3x32x104xf32, #tpu.memory_space<vmem>>, vector<1x1x16xf32>,
      %swap3A_1668 = vector.shape_cast %swap3A_1667 : vector<1x1x16xf32> to vector<16xf32>
      %swap3A_1669 = vector.shape_cast %get3A_1662 : vector<16xf32> to vector<1x1x16xf32>
      tpu.vector_store %arg7[%swap3A_1664, %swap3A_1665, %swap3A_1666], %swap3A_1669 {strides = array<i32>} : memref<3x32x104xf32, #tpu.memory_space<vmem>>, vector<1x1x16xf32>,
      %get3A_1670 = arith.constant 0 : i32
      %get3A_1671 = arith.index_cast %get3A_1670 : i32 to index
      %get3A_1672 = arith.index_cast %scan3A_1632 : i32 to index
      %get3A_1673 = arith.constant 944 : index
      %get3A_1674 = tpu.vector_load %arg6[%get3A_1671, %get3A_1672, %get3A_1673] {strides = array<i32>} : memref<3x32x1024xf32, #tpu.memory_space<vmem>>, vector<1x1x16xf32>,
      %get3A_1675 = vector.shape_cast %get3A_1674 : vector<1x1x16xf32> to vector<16xf32>
      %swap3A_1676 = arith.constant 0 : i32
      %swap3A_1677 = arith.index_cast %swap3A_1676 : i32 to index
      %swap3A_1678 = arith.index_cast %scan3A_1632 : i32 to index
      %swap3A_1679 = arith.constant 48 : index
      %swap3A_1680 = tpu.vector_load %arg7[%swap3A_1677, %swap3A_1678, %swap3A_1679] {strides = array<i32>} : memref<3x32x104xf32, #tpu.memory_space<vmem>>, vector<1x1x16xf32>,
      %swap3A_1681 = vector.shape_cast %swap3A_1680 : vector<1x1x16xf32> to vector<16xf32>
      %swap3A_1682 = vector.shape_cast %get3A_1675 : vector<16xf32> to vector<1x1x16xf32>
      tpu.vector_store %arg7[%swap3A_1677, %swap3A_1678, %swap3A_1679], %swap3A_1682 {strides = array<i32>} : memref<3x32x104xf32, #tpu.memory_space<vmem>>, vector<1x1x16xf32>,
      %get3A_1683 = arith.constant 0 : i32
      %get3A_1684 = arith.index_cast %get3A_1683 : i32 to index
      %get3A_1685 = arith.index_cast %scan3A_1632 : i32 to index
      %get3A_1686 = arith.constant 960 : index
      %get3A_1687 = tpu.vector_load %arg6[%get3A_1684, %get3A_1685, %get3A_1686] {strides = array<i32>} : memref<3x32x1024xf32, #tpu.memory_space<vmem>>, vector<1x1x16xf32>,
      %get3A_1688 = vector.shape_cast %get3A_1687 : vector<1x1x16xf32> to vector<16xf32>
      %swap3A_1689 = arith.constant 0 : i32
      %swap3A_1690 = arith.index_cast %swap3A_1689 : i32 to index
      %swap3A_1691 = arith.index_cast %scan3A_1632 : i32 to index
      %swap3A_1692 = arith.constant 64 : index
      %swap3A_1693 = tpu.vector_load %arg7[%swap3A_1690, %swap3A_1691, %swap3A_1692] {strides = array<i32>} : memref<3x32x104xf32, #tpu.memory_space<vmem>>, vector<1x1x16xf32>,
      %swap3A_1694 = vector.shape_cast %swap3A_1693 : vector<1x1x16xf32> to vector<16xf32>
      %swap3A_1695 = vector.shape_cast %get3A_1688 : vector<16xf32> to vector<1x1x16xf32>
      tpu.vector_store %arg7[%swap3A_1690, %swap3A_1691, %swap3A_1692], %swap3A_1695 {strides = array<i32>} : memref<3x32x104xf32, #tpu.memory_space<vmem>>, vector<1x1x16xf32>,
      %get3A_1696 = arith.constant 0 : i32
      %get3A_1697 = arith.index_cast %get3A_1696 : i32 to index
      %get3A_1698 = arith.index_cast %scan3A_1632 : i32 to index
      %get3A_1699 = arith.constant 976 : index
      %get3A_1700 = tpu.vector_load %arg6[%get3A_1697, %get3A_1698, %get3A_1699] {strides = array<i32>} : memref<3x32x1024xf32, #tpu.memory_space<vmem>>, vector<1x1x16xf32>,
      %get3A_1701 = vector.shape_cast %get3A_1700 : vector<1x1x16xf32> to vector<16xf32>
      %swap3A_1702 = arith.constant 0 : i32
      %swap3A_1703 = arith.index_cast %swap3A_1702 : i32 to index
      %swap3A_1704 = arith.index_cast %scan3A_1632 : i32 to index
      %swap3A_1705 = arith.constant 80 : index
      %swap3A_1706 = tpu.vector_load %arg7[%swap3A_1703, %swap3A_1704, %swap3A_1705] {strides = array<i32>} : memref<3x32x104xf32, #tpu.memory_space<vmem>>, vector<1x1x16xf32>,
      %swap3A_1707 = vector.shape_cast %swap3A_1706 : vector<1x1x16xf32> to vector<16xf32>
      %swap3A_1708 = vector.shape_cast %get3A_1701 : vector<16xf32> to vector<1x1x16xf32>
      tpu.vector_store %arg7[%swap3A_1703, %swap3A_1704, %swap3A_1705], %swap3A_1708 {strides = array<i32>} : memref<3x32x104xf32, #tpu.memory_space<vmem>>, vector<1x1x16xf32>,
      %get3A_1709 = arith.constant 0 : i32
      %get3A_1710 = arith.index_cast %get3A_1709 : i32 to index
      %get3A_1711 = arith.index_cast %scan3A_1632 : i32 to index
      %get3A_1712 = arith.constant 984 : index
      %get3A_1713 = tpu.vector_load %arg6[%get3A_1710, %get3A_1711, %get3A_1712] {strides = array<i32>} : memref<3x32x1024xf32, #tpu.memory_space<vmem>>, vector<1x1x16xf32>,
      %get3A_1714 = vector.shape_cast %get3A_1713 : vector<1x1x16xf32> to vector<16xf32>
      %swap3A_1715 = arith.constant 0 : i32
      %swap3A_1716 = arith.index_cast %swap3A_1715 : i32 to index
      %swap3A_1717 = arith.index_cast %scan3A_1632 : i32 to index
      %swap3A_1718 = arith.constant 88 : index
      %swap3A_1719 = tpu.vector_load %arg7[%swap3A_1716, %swap3A_1717, %swap3A_1718] {strides = array<i32>} : memref<3x32x104xf32, #tpu.memory_space<vmem>>, vector<1x1x16xf32>,
      %swap3A_1720 = vector.shape_cast %swap3A_1719 : vector<1x1x16xf32> to vector<16xf32>
      %swap3A_1721 = vector.shape_cast %get3A_1714 : vector<16xf32> to vector<1x1x16xf32>
      tpu.vector_store %arg7[%swap3A_1716, %swap3A_1717, %swap3A_1718], %swap3A_1721 {strides = array<i32>} : memref<3x32x104xf32, #tpu.memory_space<vmem>>, vector<1x1x16xf32>,
    }
    %scan3A_1307 = arith.constant 32 : i32
    %dma_start3A_1308 = arith.constant 0 : i32
    %dma_start3A_1309 = arith.constant 0 : i32
    %dma_start3A_1310 = arith.constant 0 : i32
    %dma_start3A_1311 = arith.constant 0 : i32
    %dma_start3A_1312 = tpu.memref_slice %arg7[%dma_start3A_1308, %dma_start3A_1310, %dma_start3A_1311] : memref<3x32x104xf32, #tpu.memory_space<vmem>> -> memref<1x32x104xf32, #tpu.memory_space<vmem>>
    %dma_start3A_1313 = tpu.memref_squeeze %dma_start3A_1312 : memref<1x32x104xf32, #tpu.memory_space<vmem>> -> memref<32x104xf32, #tpu.memory_space<vmem>>
    %dma_start3A_1314 = arith.constant 896 : i32
    %dma_start3A_1315 = tpu.memref_slice %arg4[%add3A_1270, %dma_start3A_1314] : memref<16384x1000xf32, #tpu.memory_space<hbm>> -> memref<32x104xf32, #tpu.memory_space<hbm>>
    %dma_start3A_1316 = tpu.memref_slice %arg10[%dma_start3A_1309] : memref<3x!tpu.dma_semaphore, #tpu.memory_space<semaphore_mem>> -> memref<1x!tpu.dma_semaphore, #tpu.memory_space<semaphore_mem>>
    %dma_start3A_1317 = tpu.memref_squeeze %dma_start3A_1316 : memref<1x!tpu.dma_semaphore, #tpu.memory_space<semaphore_mem>> -> memref<!tpu.dma_semaphore, #tpu.memory_space<semaphore_mem>>
    %dma_start3A_1318 = arith.constant 896 : i32
    %dma_start3A_1319 = tpu.memref_slice %arg4[%add3A_1270, %dma_start3A_1318] : memref<16384x1000xf32, #tpu.memory_space<hbm>> -> memref<32x104xf32, #tpu.memory_space<hbm>>
    %dma_start3A_1320 = arith.constant 0 : i32
    %dma_start3A_1321 = arith.constant 0 : i32
    %dma_start3A_1322 = tpu.memref_slice %arg7[%dma_start3A_1308, %dma_start3A_1320, %dma_start3A_1321] : memref<3x32x104xf32, #tpu.memory_space<vmem>> -> memref<1x32x104xf32, #tpu.memory_space<vmem>>
    %dma_start3A_1323 = tpu.memref_squeeze %dma_start3A_1322 : memref<1x32x104xf32, #tpu.memory_space<vmem>> -> memref<32x104xf32, #tpu.memory_space<vmem>>
    tpu.enqueue_dma source(%dma_start3A_1323 : memref<32x104xf32, #tpu.memory_space<vmem>>) target(%dma_start3A_1319 : memref<32x104xf32, #tpu.memory_space<hbm>>) target_semaphore(%dma_start3A_1317 : memref<!tpu.dma_semaphore, #tpu.memory_space<semaphore_mem>>)
    %dma_wait3A_1324 = arith.constant 0 : i32
    %dma_wait3A_1325 = arith.constant 0 : i32
    %dma_wait3A_1326 = arith.constant 0 : i32
    %dma_wait3A_1327 = arith.constant 0 : i32
    %dma_wait3A_1328 = tpu.memref_slice %arg6[%dma_wait3A_1324, %dma_wait3A_1326, %dma_wait3A_1327] : memref<3x32x1024xf32, #tpu.memory_space<vmem>> -> memref<1x32x896xf32, #tpu.memory_space<vmem>>
    %dma_wait3A_1329 = tpu.memref_squeeze %dma_wait3A_1328 : memref<1x32x896xf32, #tpu.memory_space<vmem>> -> memref<32x896xf32, #tpu.memory_space<vmem>>
    %dma_wait3A_1330 = arith.constant 0 : i32
    %dma_wait3A_1331 = tpu.memref_slice %arg4[%add3A_1270, %dma_wait3A_1330] : memref<16384x1000xf32, #tpu.memory_space<hbm>> -> memref<32x896xf32, #tpu.memory_space<hbm>>
    %dma_wait3A_1332 = tpu.memref_slice %arg9[%dma_wait3A_1325] : memref<3x!tpu.dma_semaphore, #tpu.memory_space<semaphore_mem>> -> memref<1x!tpu.dma_semaphore, #tpu.memory_space<semaphore_mem>>
    %dma_wait3A_1333 = tpu.memref_squeeze %dma_wait3A_1332 : memref<1x!tpu.dma_semaphore, #tpu.memory_space<semaphore_mem>> -> memref<!tpu.dma_semaphore, #tpu.memory_space<semaphore_mem>>
    %dma_wait3A_1334 = arith.constant 0 : i32
    %dma_wait3A_1335 = tpu.memref_slice %arg4[%add3A_1270, %dma_wait3A_1334] : memref<16384x1000xf32, #tpu.memory_space<hbm>> -> memref<32x896xf32, #tpu.memory_space<hbm>>
    %dma_wait3A_1336 = arith.constant 0 : i32
    %dma_wait3A_1337 = arith.constant 0 : i32
    %dma_wait3A_1338 = tpu.memref_slice %arg6[%dma_wait3A_1324, %dma_wait3A_1336, %dma_wait3A_1337] : memref<3x32x1024xf32, #tpu.memory_space<vmem>> -> memref<1x32x896xf32, #tpu.memory_space<vmem>>
    %dma_wait3A_1339 = tpu.memref_squeeze %dma_wait3A_1338 : memref<1x32x896xf32, #tpu.memory_space<vmem>> -> memref<32x896xf32, #tpu.memory_space<vmem>>
    tpu.wait_dma2 semaphore(%dma_wait3A_1333 : memref<!tpu.dma_semaphore, #tpu.memory_space<semaphore_mem>>) src(%dma_wait3A_1339 : memref<32x896xf32, #tpu.memory_space<vmem>>) dst(%dma_wait3A_1335 : memref<32x896xf32, #tpu.memory_space<hbm>>)
    %dma_wait3A_1340 = arith.constant 0 : i32
    %dma_wait3A_1341 = arith.constant 0 : i32
    %dma_wait3A_1342 = arith.constant 0 : i32
    %dma_wait3A_1343 = arith.constant 0 : i32
    %dma_wait3A_1344 = tpu.memref_slice %arg7[%dma_wait3A_1340, %dma_wait3A_1342, %dma_wait3A_1343] : memref<3x32x104xf32, #tpu.memory_space<vmem>> -> memref<1x32x104xf32, #tpu.memory_space<vmem>>
    %dma_wait3A_1345 = tpu.memref_squeeze %dma_wait3A_1344 : memref<1x32x104xf32, #tpu.memory_space<vmem>> -> memref<32x104xf32, #tpu.memory_space<vmem>>
    %dma_wait3A_1346 = arith.constant 896 : i32
    %dma_wait3A_1347 = tpu.memref_slice %arg4[%add3A_1270, %dma_wait3A_1346] : memref<16384x1000xf32, #tpu.memory_space<hbm>> -> memref<32x104xf32, #tpu.memory_space<hbm>>
    %dma_wait3A_1348 = tpu.memref_slice %arg10[%dma_wait3A_1341] : memref<3x!tpu.dma_semaphore, #tpu.memory_space<semaphore_mem>> -> memref<1x!tpu.dma_semaphore, #tpu.memory_space<semaphore_mem>>
    %dma_wait3A_1349 = tpu.memref_squeeze %dma_wait3A_1348 : memref<1x!tpu.dma_semaphore, #tpu.memory_space<semaphore_mem>> -> memref<!tpu.dma_semaphore, #tpu.memory_space<semaphore_mem>>
    %dma_wait3A_1350 = arith.constant 896 : i32
    %dma_wait3A_1351 = tpu.memref_slice %arg4[%add3A_1270, %dma_wait3A_1350] : memref<16384x1000xf32, #tpu.memory_space<hbm>> -> memref<32x104xf32, #tpu.memory_space<hbm>>
    %dma_wait3A_1352 = arith.constant 0 : i32
    %dma_wait3A_1353 = arith.constant 0 : i32
    %dma_wait3A_1354 = tpu.memref_slice %arg7[%dma_wait3A_1340, %dma_wait3A_1352, %dma_wait3A_1353] : memref<3x32x104xf32, #tpu.memory_space<vmem>> -> memref<1x32x104xf32, #tpu.memory_space<vmem>>
    %dma_wait3A_1355 = tpu.memref_squeeze %dma_wait3A_1354 : memref<1x32x104xf32, #tpu.memory_space<vmem>> -> memref<32x104xf32, #tpu.memory_space<vmem>>
    tpu.wait_dma2 semaphore(%dma_wait3A_1349 : memref<!tpu.dma_semaphore, #tpu.memory_space<semaphore_mem>>) src(%dma_wait3A_1355 : memref<32x104xf32, #tpu.memory_space<vmem>>) dst(%dma_wait3A_1351 : memref<32x104xf32, #tpu.memory_space<hbm>>)
    %dma_start3A_1356 = arith.constant 15 : i32
    %dma_start3A_1357 = arith.constant 0 : i32
    %dma_start3A_1358 = arith.constant 0 : i32
    %dma_start3A_1359 = arith.constant 0 : i32
    %dma_start3A_1360 = arith.constant 0 : i32
    %dma_start3A_1361 = tpu.memref_slice %arg6[%dma_start3A_1357, %dma_start3A_1359, %dma_start3A_1360] : memref<3x32x1024xf32, #tpu.memory_space<vmem>> -> memref<1x32x1024xf32, #tpu.memory_space<vmem>>
    %dma_start3A_1362 = tpu.memref_squeeze %dma_start3A_1361 : memref<1x32x1024xf32, #tpu.memory_space<vmem>> -> memref<32x1024xf32, #tpu.memory_space<vmem>>
    %dma_start3A_1363 = arith.constant 0 : i32
    %dma_start3A_1364 = tpu.memref_slice %arg5[%dma_start3A_1356, %dma_start3A_1363] : memref<16x32xi32, #tpu.memory_space<vmem>> -> memref<1x32xi32, #tpu.memory_space<vmem>>
    %dma_start3A_1365 = tpu.memref_squeeze %dma_start3A_1364 : memref<1x32xi32, #tpu.memory_space<vmem>> -> memref<32xi32, #tpu.memory_space<vmem>>
    %dma_start3A_1366 = arith.constant 0 : i32
    %dma_start3A_1367 = arith.constant 0 : i32
    %dma_start3A_1368 = tpu.memref_slice %arg3[%dma_start3A_1366, %dma_start3A_1367] : memref<1000x1024xf32, #tpu.memory_space<hbm>> -> memref<1000x1024xf32, #tpu.memory_space<hbm>>
    %dma_start3A_1369 = tpu.memref_slice %arg8[%dma_start3A_1358] : memref<3x!tpu.dma_semaphore, #tpu.memory_space<semaphore_mem>> -> memref<1x!tpu.dma_semaphore, #tpu.memory_space<semaphore_mem>>
    %dma_start3A_1370 = tpu.memref_squeeze %dma_start3A_1369 : memref<1x!tpu.dma_semaphore, #tpu.memory_space<semaphore_mem>> -> memref<!tpu.dma_semaphore, #tpu.memory_space<semaphore_mem>>
    tpu.enqueue_indirect_dma source(%dma_start3A_1368 : memref<1000x1024xf32, #tpu.memory_space<hbm>>) target(%dma_start3A_1362 : memref<32x1024xf32, #tpu.memory_space<vmem>>) offsets(%dma_start3A_1365 : memref<32xi32, #tpu.memory_space<vmem>>) semaphore(%dma_start3A_1370 : memref<!tpu.dma_semaphore, #tpu.memory_space<semaphore_mem>>)
    %add3A_1371 = arith.constant 416 : i32
    %add3A_1372 = arith.addi %mul3A_2, %add3A_1371 : i32
    %dma_wait3A_1373 = arith.constant 13 : i32
    %dma_wait3A_1374 = arith.constant 1 : i32
    %dma_wait3A_1375 = arith.constant 1 : i32
    %dma_wait3A_1376 = arith.constant 0 : i32
    %dma_wait3A_1377 = arith.constant 0 : i32
    %dma_wait3A_1378 = tpu.memref_slice %arg6[%dma_wait3A_1374, %dma_wait3A_1376, %dma_wait3A_1377] : memref<3x32x1024xf32, #tpu.memory_space<vmem>> -> memref<1x32x1024xf32, #tpu.memory_space<vmem>>
    %dma_wait3A_1379 = tpu.memref_squeeze %dma_wait3A_1378 : memref<1x32x1024xf32, #tpu.memory_space<vmem>> -> memref<32x1024xf32, #tpu.memory_space<vmem>>
    %dma_wait3A_1380 = arith.constant 0 : i32
    %dma_wait3A_1381 = tpu.memref_slice %arg5[%dma_wait3A_1373, %dma_wait3A_1380] : memref<16x32xi32, #tpu.memory_space<vmem>> -> memref<1x32xi32, #tpu.memory_space<vmem>>
    %dma_wait3A_1382 = tpu.memref_squeeze %dma_wait3A_1381 : memref<1x32xi32, #tpu.memory_space<vmem>> -> memref<32xi32, #tpu.memory_space<vmem>>
    %dma_wait3A_1383 = arith.constant 0 : i32
    %dma_wait3A_1384 = arith.constant 0 : i32
    %dma_wait3A_1385 = tpu.memref_slice %arg3[%dma_wait3A_1383, %dma_wait3A_1384] : memref<1000x1024xf32, #tpu.memory_space<hbm>> -> memref<1000x1024xf32, #tpu.memory_space<hbm>>
    %dma_wait3A_1386 = tpu.memref_slice %arg8[%dma_wait3A_1375] : memref<3x!tpu.dma_semaphore, #tpu.memory_space<semaphore_mem>> -> memref<1x!tpu.dma_semaphore, #tpu.memory_space<semaphore_mem>>
    %dma_wait3A_1387 = tpu.memref_squeeze %dma_wait3A_1386 : memref<1x!tpu.dma_semaphore, #tpu.memory_space<semaphore_mem>> -> memref<!tpu.dma_semaphore, #tpu.memory_space<semaphore_mem>>
    tpu.wait_indirect_dma semaphore(%dma_wait3A_1387 : memref<!tpu.dma_semaphore, #tpu.memory_space<semaphore_mem>>) src(%dma_wait3A_1385 : memref<1000x1024xf32, #tpu.memory_space<hbm>>) dst(%dma_wait3A_1379 : memref<32x1024xf32, #tpu.memory_space<vmem>>)
    %dma_start3A_1388 = arith.constant 1 : i32
    %dma_start3A_1389 = arith.constant 1 : i32
    %dma_start3A_1390 = arith.constant 0 : i32
    %dma_start3A_1391 = arith.constant 0 : i32
    %dma_start3A_1392 = tpu.memref_slice %arg6[%dma_start3A_1388, %dma_start3A_1390, %dma_start3A_1391] : memref<3x32x1024xf32, #tpu.memory_space<vmem>> -> memref<1x32x896xf32, #tpu.memory_space<vmem>>
    %dma_start3A_1393 = tpu.memref_squeeze %dma_start3A_1392 : memref<1x32x896xf32, #tpu.memory_space<vmem>> -> memref<32x896xf32, #tpu.memory_space<vmem>>
    %dma_start3A_1394 = arith.constant 0 : i32
    %dma_start3A_1395 = tpu.memref_slice %arg4[%add3A_1372, %dma_start3A_1394] : memref<16384x1000xf32, #tpu.memory_space<hbm>> -> memref<32x896xf32, #tpu.memory_space<hbm>>
    %dma_start3A_1396 = tpu.memref_slice %arg9[%dma_start3A_1389] : memref<3x!tpu.dma_semaphore, #tpu.memory_space<semaphore_mem>> -> memref<1x!tpu.dma_semaphore, #tpu.memory_space<semaphore_mem>>
    %dma_start3A_1397 = tpu.memref_squeeze %dma_start3A_1396 : memref<1x!tpu.dma_semaphore, #tpu.memory_space<semaphore_mem>> -> memref<!tpu.dma_semaphore, #tpu.memory_space<semaphore_mem>>
    %dma_start3A_1398 = arith.constant 0 : i32
    %dma_start3A_1399 = tpu.memref_slice %arg4[%add3A_1372, %dma_start3A_1398] : memref<16384x1000xf32, #tpu.memory_space<hbm>> -> memref<32x896xf32, #tpu.memory_space<hbm>>
    %dma_start3A_1400 = arith.constant 0 : i32
    %dma_start3A_1401 = arith.constant 0 : i32
    %dma_start3A_1402 = tpu.memref_slice %arg6[%dma_start3A_1388, %dma_start3A_1400, %dma_start3A_1401] : memref<3x32x1024xf32, #tpu.memory_space<vmem>> -> memref<1x32x896xf32, #tpu.memory_space<vmem>>
    %dma_start3A_1403 = tpu.memref_squeeze %dma_start3A_1402 : memref<1x32x896xf32, #tpu.memory_space<vmem>> -> memref<32x896xf32, #tpu.memory_space<vmem>>
    tpu.enqueue_dma source(%dma_start3A_1403 : memref<32x896xf32, #tpu.memory_space<vmem>>) target(%dma_start3A_1399 : memref<32x896xf32, #tpu.memory_space<hbm>>) target_semaphore(%dma_start3A_1397 : memref<!tpu.dma_semaphore, #tpu.memory_space<semaphore_mem>>)
    %scan3A_1404 = arith.constant 0 : i32
    %scan3A_1405 = arith.constant 0 : i32
    %scan3A_1406 = arith.constant 32 : i32
    %scan3A_1407 = arith.addi %scan3A_1405, %scan3A_1406 : i32
    %scan3A_1408 = arith.constant 1 : i32
    scf.for %scan3A_1632 = %scan3A_1405 to %scan3A_1407 step %scan3A_1408  : i32 {
      %get3A = arith.constant 1 : i32
      %get3A_1633 = arith.index_cast %get3A : i32 to index
      %get3A_1634 = arith.index_cast %scan3A_1632 : i32 to index
      %get3A_1635 = arith.constant 896 : index
      %get3A_1636 = tpu.vector_load %arg6[%get3A_1633, %get3A_1634, %get3A_1635] {strides = array<i32>} : memref<3x32x1024xf32, #tpu.memory_space<vmem>>, vector<1x1x16xf32>,
      %get3A_1637 = vector.shape_cast %get3A_1636 : vector<1x1x16xf32> to vector<16xf32>
      %swap3A = arith.constant 1 : i32
      %swap3A_1638 = arith.index_cast %swap3A : i32 to index
      %swap3A_1639 = arith.index_cast %scan3A_1632 : i32 to index
      %swap3A_1640 = arith.constant 0 : index
      %swap3A_1641 = tpu.vector_load %arg7[%swap3A_1638, %swap3A_1639, %swap3A_1640] {strides = array<i32>} : memref<3x32x104xf32, #tpu.memory_space<vmem>>, vector<1x1x16xf32>,
      %swap3A_1642 = vector.shape_cast %swap3A_1641 : vector<1x1x16xf32> to vector<16xf32>
      %swap3A_1643 = vector.shape_cast %get3A_1637 : vector<16xf32> to vector<1x1x16xf32>
      tpu.vector_store %arg7[%swap3A_1638, %swap3A_1639, %swap3A_1640], %swap3A_1643 {strides = array<i32>} : memref<3x32x104xf32, #tpu.memory_space<vmem>>, vector<1x1x16xf32>,
      %get3A_1644 = arith.constant 1 : i32
      %get3A_1645 = arith.index_cast %get3A_1644 : i32 to index
      %get3A_1646 = arith.index_cast %scan3A_1632 : i32 to index
      %get3A_1647 = arith.constant 912 : index
      %get3A_1648 = tpu.vector_load %arg6[%get3A_1645, %get3A_1646, %get3A_1647] {strides = array<i32>} : memref<3x32x1024xf32, #tpu.memory_space<vmem>>, vector<1x1x16xf32>,
      %get3A_1649 = vector.shape_cast %get3A_1648 : vector<1x1x16xf32> to vector<16xf32>
      %swap3A_1650 = arith.constant 1 : i32
      %swap3A_1651 = arith.index_cast %swap3A_1650 : i32 to index
      %swap3A_1652 = arith.index_cast %scan3A_1632 : i32 to index
      %swap3A_1653 = arith.constant 16 : index
      %swap3A_1654 = tpu.vector_load %arg7[%swap3A_1651, %swap3A_1652, %swap3A_1653] {strides = array<i32>} : memref<3x32x104xf32, #tpu.memory_space<vmem>>, vector<1x1x16xf32>,
      %swap3A_1655 = vector.shape_cast %swap3A_1654 : vector<1x1x16xf32> to vector<16xf32>
      %swap3A_1656 = vector.shape_cast %get3A_1649 : vector<16xf32> to vector<1x1x16xf32>
      tpu.vector_store %arg7[%swap3A_1651, %swap3A_1652, %swap3A_1653], %swap3A_1656 {strides = array<i32>} : memref<3x32x104xf32, #tpu.memory_space<vmem>>, vector<1x1x16xf32>,
      %get3A_1657 = arith.constant 1 : i32
      %get3A_1658 = arith.index_cast %get3A_1657 : i32 to index
      %get3A_1659 = arith.index_cast %scan3A_1632 : i32 to index
      %get3A_1660 = arith.constant 928 : index
      %get3A_1661 = tpu.vector_load %arg6[%get3A_1658, %get3A_1659, %get3A_1660] {strides = array<i32>} : memref<3x32x1024xf32, #tpu.memory_space<vmem>>, vector<1x1x16xf32>,
      %get3A_1662 = vector.shape_cast %get3A_1661 : vector<1x1x16xf32> to vector<16xf32>
      %swap3A_1663 = arith.constant 1 : i32
      %swap3A_1664 = arith.index_cast %swap3A_1663 : i32 to index
      %swap3A_1665 = arith.index_cast %scan3A_1632 : i32 to index
      %swap3A_1666 = arith.constant 32 : index
      %swap3A_1667 = tpu.vector_load %arg7[%swap3A_1664, %swap3A_1665, %swap3A_1666] {strides = array<i32>} : memref<3x32x104xf32, #tpu.memory_space<vmem>>, vector<1x1x16xf32>,
      %swap3A_1668 = vector.shape_cast %swap3A_1667 : vector<1x1x16xf32> to vector<16xf32>
      %swap3A_1669 = vector.shape_cast %get3A_1662 : vector<16xf32> to vector<1x1x16xf32>
      tpu.vector_store %arg7[%swap3A_1664, %swap3A_1665, %swap3A_1666], %swap3A_1669 {strides = array<i32>} : memref<3x32x104xf32, #tpu.memory_space<vmem>>, vector<1x1x16xf32>,
      %get3A_1670 = arith.constant 1 : i32
      %get3A_1671 = arith.index_cast %get3A_1670 : i32 to index
      %get3A_1672 = arith.index_cast %scan3A_1632 : i32 to index
      %get3A_1673 = arith.constant 944 : index
      %get3A_1674 = tpu.vector_load %arg6[%get3A_1671, %get3A_1672, %get3A_1673] {strides = array<i32>} : memref<3x32x1024xf32, #tpu.memory_space<vmem>>, vector<1x1x16xf32>,
      %get3A_1675 = vector.shape_cast %get3A_1674 : vector<1x1x16xf32> to vector<16xf32>
      %swap3A_1676 = arith.constant 1 : i32
      %swap3A_1677 = arith.index_cast %swap3A_1676 : i32 to index
      %swap3A_1678 = arith.index_cast %scan3A_1632 : i32 to index
      %swap3A_1679 = arith.constant 48 : index
      %swap3A_1680 = tpu.vector_load %arg7[%swap3A_1677, %swap3A_1678, %swap3A_1679] {strides = array<i32>} : memref<3x32x104xf32, #tpu.memory_space<vmem>>, vector<1x1x16xf32>,
      %swap3A_1681 = vector.shape_cast %swap3A_1680 : vector<1x1x16xf32> to vector<16xf32>
      %swap3A_1682 = vector.shape_cast %get3A_1675 : vector<16xf32> to vector<1x1x16xf32>
      tpu.vector_store %arg7[%swap3A_1677, %swap3A_1678, %swap3A_1679], %swap3A_1682 {strides = array<i32>} : memref<3x32x104xf32, #tpu.memory_space<vmem>>, vector<1x1x16xf32>,
      %get3A_1683 = arith.constant 1 : i32
      %get3A_1684 = arith.index_cast %get3A_1683 : i32 to index
      %get3A_1685 = arith.index_cast %scan3A_1632 : i32 to index
      %get3A_1686 = arith.constant 960 : index
      %get3A_1687 = tpu.vector_load %arg6[%get3A_1684, %get3A_1685, %get3A_1686] {strides = array<i32>} : memref<3x32x1024xf32, #tpu.memory_space<vmem>>, vector<1x1x16xf32>,
      %get3A_1688 = vector.shape_cast %get3A_1687 : vector<1x1x16xf32> to vector<16xf32>
      %swap3A_1689 = arith.constant 1 : i32
      %swap3A_1690 = arith.index_cast %swap3A_1689 : i32 to index
      %swap3A_1691 = arith.index_cast %scan3A_1632 : i32 to index
      %swap3A_1692 = arith.constant 64 : index
      %swap3A_1693 = tpu.vector_load %arg7[%swap3A_1690, %swap3A_1691, %swap3A_1692] {strides = array<i32>} : memref<3x32x104xf32, #tpu.memory_space<vmem>>, vector<1x1x16xf32>,
      %swap3A_1694 = vector.shape_cast %swap3A_1693 : vector<1x1x16xf32> to vector<16xf32>
      %swap3A_1695 = vector.shape_cast %get3A_1688 : vector<16xf32> to vector<1x1x16xf32>
      tpu.vector_store %arg7[%swap3A_1690, %swap3A_1691, %swap3A_1692], %swap3A_1695 {strides = array<i32>} : memref<3x32x104xf32, #tpu.memory_space<vmem>>, vector<1x1x16xf32>,
      %get3A_1696 = arith.constant 1 : i32
      %get3A_1697 = arith.index_cast %get3A_1696 : i32 to index
      %get3A_1698 = arith.index_cast %scan3A_1632 : i32 to index
      %get3A_1699 = arith.constant 976 : index
      %get3A_1700 = tpu.vector_load %arg6[%get3A_1697, %get3A_1698, %get3A_1699] {strides = array<i32>} : memref<3x32x1024xf32, #tpu.memory_space<vmem>>, vector<1x1x16xf32>,
      %get3A_1701 = vector.shape_cast %get3A_1700 : vector<1x1x16xf32> to vector<16xf32>
      %swap3A_1702 = arith.constant 1 : i32
      %swap3A_1703 = arith.index_cast %swap3A_1702 : i32 to index
      %swap3A_1704 = arith.index_cast %scan3A_1632 : i32 to index
      %swap3A_1705 = arith.constant 80 : index
      %swap3A_1706 = tpu.vector_load %arg7[%swap3A_1703, %swap3A_1704, %swap3A_1705] {strides = array<i32>} : memref<3x32x104xf32, #tpu.memory_space<vmem>>, vector<1x1x16xf32>,
      %swap3A_1707 = vector.shape_cast %swap3A_1706 : vector<1x1x16xf32> to vector<16xf32>
      %swap3A_1708 = vector.shape_cast %get3A_1701 : vector<16xf32> to vector<1x1x16xf32>
      tpu.vector_store %arg7[%swap3A_1703, %swap3A_1704, %swap3A_1705], %swap3A_1708 {strides = array<i32>} : memref<3x32x104xf32, #tpu.memory_space<vmem>>, vector<1x1x16xf32>,
      %get3A_1709 = arith.constant 1 : i32
      %get3A_1710 = arith.index_cast %get3A_1709 : i32 to index
      %get3A_1711 = arith.index_cast %scan3A_1632 : i32 to index
      %get3A_1712 = arith.constant 984 : index
      %get3A_1713 = tpu.vector_load %arg6[%get3A_1710, %get3A_1711, %get3A_1712] {strides = array<i32>} : memref<3x32x1024xf32, #tpu.memory_space<vmem>>, vector<1x1x16xf32>,
      %get3A_1714 = vector.shape_cast %get3A_1713 : vector<1x1x16xf32> to vector<16xf32>
      %swap3A_1715 = arith.constant 1 : i32
      %swap3A_1716 = arith.index_cast %swap3A_1715 : i32 to index
      %swap3A_1717 = arith.index_cast %scan3A_1632 : i32 to index
      %swap3A_1718 = arith.constant 88 : index
      %swap3A_1719 = tpu.vector_load %arg7[%swap3A_1716, %swap3A_1717, %swap3A_1718] {strides = array<i32>} : memref<3x32x104xf32, #tpu.memory_space<vmem>>, vector<1x1x16xf32>,
      %swap3A_1720 = vector.shape_cast %swap3A_1719 : vector<1x1x16xf32> to vector<16xf32>
      %swap3A_1721 = vector.shape_cast %get3A_1714 : vector<16xf32> to vector<1x1x16xf32>
      tpu.vector_store %arg7[%swap3A_1716, %swap3A_1717, %swap3A_1718], %swap3A_1721 {strides = array<i32>} : memref<3x32x104xf32, #tpu.memory_space<vmem>>, vector<1x1x16xf32>,
    }
    %scan3A_1409 = arith.constant 32 : i32
    %dma_start3A_1410 = arith.constant 1 : i32
    %dma_start3A_1411 = arith.constant 1 : i32
    %dma_start3A_1412 = arith.constant 0 : i32
    %dma_start3A_1413 = arith.constant 0 : i32
    %dma_start3A_1414 = tpu.memref_slice %arg7[%dma_start3A_1410, %dma_start3A_1412, %dma_start3A_1413] : memref<3x32x104xf32, #tpu.memory_space<vmem>> -> memref<1x32x104xf32, #tpu.memory_space<vmem>>
    %dma_start3A_1415 = tpu.memref_squeeze %dma_start3A_1414 : memref<1x32x104xf32, #tpu.memory_space<vmem>> -> memref<32x104xf32, #tpu.memory_space<vmem>>
    %dma_start3A_1416 = arith.constant 896 : i32
    %dma_start3A_1417 = tpu.memref_slice %arg4[%add3A_1372, %dma_start3A_1416] : memref<16384x1000xf32, #tpu.memory_space<hbm>> -> memref<32x104xf32, #tpu.memory_space<hbm>>
    %dma_start3A_1418 = tpu.memref_slice %arg10[%dma_start3A_1411] : memref<3x!tpu.dma_semaphore, #tpu.memory_space<semaphore_mem>> -> memref<1x!tpu.dma_semaphore, #tpu.memory_space<semaphore_mem>>
    %dma_start3A_1419 = tpu.memref_squeeze %dma_start3A_1418 : memref<1x!tpu.dma_semaphore, #tpu.memory_space<semaphore_mem>> -> memref<!tpu.dma_semaphore, #tpu.memory_space<semaphore_mem>>
    %dma_start3A_1420 = arith.constant 896 : i32
    %dma_start3A_1421 = tpu.memref_slice %arg4[%add3A_1372, %dma_start3A_1420] : memref<16384x1000xf32, #tpu.memory_space<hbm>> -> memref<32x104xf32, #tpu.memory_space<hbm>>
    %dma_start3A_1422 = arith.constant 0 : i32
    %dma_start3A_1423 = arith.constant 0 : i32
    %dma_start3A_1424 = tpu.memref_slice %arg7[%dma_start3A_1410, %dma_start3A_1422, %dma_start3A_1423] : memref<3x32x104xf32, #tpu.memory_space<vmem>> -> memref<1x32x104xf32, #tpu.memory_space<vmem>>
    %dma_start3A_1425 = tpu.memref_squeeze %dma_start3A_1424 : memref<1x32x104xf32, #tpu.memory_space<vmem>> -> memref<32x104xf32, #tpu.memory_space<vmem>>
    tpu.enqueue_dma source(%dma_start3A_1425 : memref<32x104xf32, #tpu.memory_space<vmem>>) target(%dma_start3A_1421 : memref<32x104xf32, #tpu.memory_space<hbm>>) target_semaphore(%dma_start3A_1419 : memref<!tpu.dma_semaphore, #tpu.memory_space<semaphore_mem>>)
    %add3A_1426 = arith.constant 448 : i32
    %add3A_1427 = arith.addi %mul3A_2, %add3A_1426 : i32
    %dma_wait3A_1428 = arith.constant 14 : i32
    %dma_wait3A_1429 = arith.constant 2 : i32
    %dma_wait3A_1430 = arith.constant 2 : i32
    %dma_wait3A_1431 = arith.constant 0 : i32
    %dma_wait3A_1432 = arith.constant 0 : i32
    %dma_wait3A_1433 = tpu.memref_slice %arg6[%dma_wait3A_1429, %dma_wait3A_1431, %dma_wait3A_1432] : memref<3x32x1024xf32, #tpu.memory_space<vmem>> -> memref<1x32x1024xf32, #tpu.memory_space<vmem>>
    %dma_wait3A_1434 = tpu.memref_squeeze %dma_wait3A_1433 : memref<1x32x1024xf32, #tpu.memory_space<vmem>> -> memref<32x1024xf32, #tpu.memory_space<vmem>>
    %dma_wait3A_1435 = arith.constant 0 : i32
    %dma_wait3A_1436 = tpu.memref_slice %arg5[%dma_wait3A_1428, %dma_wait3A_1435] : memref<16x32xi32, #tpu.memory_space<vmem>> -> memref<1x32xi32, #tpu.memory_space<vmem>>
    %dma_wait3A_1437 = tpu.memref_squeeze %dma_wait3A_1436 : memref<1x32xi32, #tpu.memory_space<vmem>> -> memref<32xi32, #tpu.memory_space<vmem>>
    %dma_wait3A_1438 = arith.constant 0 : i32
    %dma_wait3A_1439 = arith.constant 0 : i32
    %dma_wait3A_1440 = tpu.memref_slice %arg3[%dma_wait3A_1438, %dma_wait3A_1439] : memref<1000x1024xf32, #tpu.memory_space<hbm>> -> memref<1000x1024xf32, #tpu.memory_space<hbm>>
    %dma_wait3A_1441 = tpu.memref_slice %arg8[%dma_wait3A_1430] : memref<3x!tpu.dma_semaphore, #tpu.memory_space<semaphore_mem>> -> memref<1x!tpu.dma_semaphore, #tpu.memory_space<semaphore_mem>>
    %dma_wait3A_1442 = tpu.memref_squeeze %dma_wait3A_1441 : memref<1x!tpu.dma_semaphore, #tpu.memory_space<semaphore_mem>> -> memref<!tpu.dma_semaphore, #tpu.memory_space<semaphore_mem>>
    tpu.wait_indirect_dma semaphore(%dma_wait3A_1442 : memref<!tpu.dma_semaphore, #tpu.memory_space<semaphore_mem>>) src(%dma_wait3A_1440 : memref<1000x1024xf32, #tpu.memory_space<hbm>>) dst(%dma_wait3A_1434 : memref<32x1024xf32, #tpu.memory_space<vmem>>)
    %dma_start3A_1443 = arith.constant 2 : i32
    %dma_start3A_1444 = arith.constant 2 : i32
    %dma_start3A_1445 = arith.constant 0 : i32
    %dma_start3A_1446 = arith.constant 0 : i32
    %dma_start3A_1447 = tpu.memref_slice %arg6[%dma_start3A_1443, %dma_start3A_1445, %dma_start3A_1446] : memref<3x32x1024xf32, #tpu.memory_space<vmem>> -> memref<1x32x896xf32, #tpu.memory_space<vmem>>
    %dma_start3A_1448 = tpu.memref_squeeze %dma_start3A_1447 : memref<1x32x896xf32, #tpu.memory_space<vmem>> -> memref<32x896xf32, #tpu.memory_space<vmem>>
    %dma_start3A_1449 = arith.constant 0 : i32
    %dma_start3A_1450 = tpu.memref_slice %arg4[%add3A_1427, %dma_start3A_1449] : memref<16384x1000xf32, #tpu.memory_space<hbm>> -> memref<32x896xf32, #tpu.memory_space<hbm>>
    %dma_start3A_1451 = tpu.memref_slice %arg9[%dma_start3A_1444] : memref<3x!tpu.dma_semaphore, #tpu.memory_space<semaphore_mem>> -> memref<1x!tpu.dma_semaphore, #tpu.memory_space<semaphore_mem>>
    %dma_start3A_1452 = tpu.memref_squeeze %dma_start3A_1451 : memref<1x!tpu.dma_semaphore, #tpu.memory_space<semaphore_mem>> -> memref<!tpu.dma_semaphore, #tpu.memory_space<semaphore_mem>>
    %dma_start3A_1453 = arith.constant 0 : i32
    %dma_start3A_1454 = tpu.memref_slice %arg4[%add3A_1427, %dma_start3A_1453] : memref<16384x1000xf32, #tpu.memory_space<hbm>> -> memref<32x896xf32, #tpu.memory_space<hbm>>
    %dma_start3A_1455 = arith.constant 0 : i32
    %dma_start3A_1456 = arith.constant 0 : i32
    %dma_start3A_1457 = tpu.memref_slice %arg6[%dma_start3A_1443, %dma_start3A_1455, %dma_start3A_1456] : memref<3x32x1024xf32, #tpu.memory_space<vmem>> -> memref<1x32x896xf32, #tpu.memory_space<vmem>>
    %dma_start3A_1458 = tpu.memref_squeeze %dma_start3A_1457 : memref<1x32x896xf32, #tpu.memory_space<vmem>> -> memref<32x896xf32, #tpu.memory_space<vmem>>
    tpu.enqueue_dma source(%dma_start3A_1458 : memref<32x896xf32, #tpu.memory_space<vmem>>) target(%dma_start3A_1454 : memref<32x896xf32, #tpu.memory_space<hbm>>) target_semaphore(%dma_start3A_1452 : memref<!tpu.dma_semaphore, #tpu.memory_space<semaphore_mem>>)
    %scan3A_1459 = arith.constant 0 : i32
    %scan3A_1460 = arith.constant 0 : i32
    %scan3A_1461 = arith.constant 32 : i32
    %scan3A_1462 = arith.addi %scan3A_1460, %scan3A_1461 : i32
    %scan3A_1463 = arith.constant 1 : i32
    scf.for %scan3A_1632 = %scan3A_1460 to %scan3A_1462 step %scan3A_1463  : i32 {
      %get3A = arith.constant 2 : i32
      %get3A_1633 = arith.index_cast %get3A : i32 to index
      %get3A_1634 = arith.index_cast %scan3A_1632 : i32 to index
      %get3A_1635 = arith.constant 896 : index
      %get3A_1636 = tpu.vector_load %arg6[%get3A_1633, %get3A_1634, %get3A_1635] {strides = array<i32>} : memref<3x32x1024xf32, #tpu.memory_space<vmem>>, vector<1x1x16xf32>,
      %get3A_1637 = vector.shape_cast %get3A_1636 : vector<1x1x16xf32> to vector<16xf32>
      %swap3A = arith.constant 2 : i32
      %swap3A_1638 = arith.index_cast %swap3A : i32 to index
      %swap3A_1639 = arith.index_cast %scan3A_1632 : i32 to index
      %swap3A_1640 = arith.constant 0 : index
      %swap3A_1641 = tpu.vector_load %arg7[%swap3A_1638, %swap3A_1639, %swap3A_1640] {strides = array<i32>} : memref<3x32x104xf32, #tpu.memory_space<vmem>>, vector<1x1x16xf32>,
      %swap3A_1642 = vector.shape_cast %swap3A_1641 : vector<1x1x16xf32> to vector<16xf32>
      %swap3A_1643 = vector.shape_cast %get3A_1637 : vector<16xf32> to vector<1x1x16xf32>
      tpu.vector_store %arg7[%swap3A_1638, %swap3A_1639, %swap3A_1640], %swap3A_1643 {strides = array<i32>} : memref<3x32x104xf32, #tpu.memory_space<vmem>>, vector<1x1x16xf32>,
      %get3A_1644 = arith.constant 2 : i32
      %get3A_1645 = arith.index_cast %get3A_1644 : i32 to index
      %get3A_1646 = arith.index_cast %scan3A_1632 : i32 to index
      %get3A_1647 = arith.constant 912 : index
      %get3A_1648 = tpu.vector_load %arg6[%get3A_1645, %get3A_1646, %get3A_1647] {strides = array<i32>} : memref<3x32x1024xf32, #tpu.memory_space<vmem>>, vector<1x1x16xf32>,
      %get3A_1649 = vector.shape_cast %get3A_1648 : vector<1x1x16xf32> to vector<16xf32>
      %swap3A_1650 = arith.constant 2 : i32
      %swap3A_1651 = arith.index_cast %swap3A_1650 : i32 to index
      %swap3A_1652 = arith.index_cast %scan3A_1632 : i32 to index
      %swap3A_1653 = arith.constant 16 : index
      %swap3A_1654 = tpu.vector_load %arg7[%swap3A_1651, %swap3A_1652, %swap3A_1653] {strides = array<i32>} : memref<3x32x104xf32, #tpu.memory_space<vmem>>, vector<1x1x16xf32>,
      %swap3A_1655 = vector.shape_cast %swap3A_1654 : vector<1x1x16xf32> to vector<16xf32>
      %swap3A_1656 = vector.shape_cast %get3A_1649 : vector<16xf32> to vector<1x1x16xf32>
      tpu.vector_store %arg7[%swap3A_1651, %swap3A_1652, %swap3A_1653], %swap3A_1656 {strides = array<i32>} : memref<3x32x104xf32, #tpu.memory_space<vmem>>, vector<1x1x16xf32>,
      %get3A_1657 = arith.constant 2 : i32
      %get3A_1658 = arith.index_cast %get3A_1657 : i32 to index
      %get3A_1659 = arith.index_cast %scan3A_1632 : i32 to index
      %get3A_1660 = arith.constant 928 : index
      %get3A_1661 = tpu.vector_load %arg6[%get3A_1658, %get3A_1659, %get3A_1660] {strides = array<i32>} : memref<3x32x1024xf32, #tpu.memory_space<vmem>>, vector<1x1x16xf32>,
      %get3A_1662 = vector.shape_cast %get3A_1661 : vector<1x1x16xf32> to vector<16xf32>
      %swap3A_1663 = arith.constant 2 : i32
      %swap3A_1664 = arith.index_cast %swap3A_1663 : i32 to index
      %swap3A_1665 = arith.index_cast %scan3A_1632 : i32 to index
      %swap3A_1666 = arith.constant 32 : index
      %swap3A_1667 = tpu.vector_load %arg7[%swap3A_1664, %swap3A_1665, %swap3A_1666] {strides = array<i32>} : memref<3x32x104xf32, #tpu.memory_space<vmem>>, vector<1x1x16xf32>,
      %swap3A_1668 = vector.shape_cast %swap3A_1667 : vector<1x1x16xf32> to vector<16xf32>
      %swap3A_1669 = vector.shape_cast %get3A_1662 : vector<16xf32> to vector<1x1x16xf32>
      tpu.vector_store %arg7[%swap3A_1664, %swap3A_1665, %swap3A_1666], %swap3A_1669 {strides = array<i32>} : memref<3x32x104xf32, #tpu.memory_space<vmem>>, vector<1x1x16xf32>,
      %get3A_1670 = arith.constant 2 : i32
      %get3A_1671 = arith.index_cast %get3A_1670 : i32 to index
      %get3A_1672 = arith.index_cast %scan3A_1632 : i32 to index
      %get3A_1673 = arith.constant 944 : index
      %get3A_1674 = tpu.vector_load %arg6[%get3A_1671, %get3A_1672, %get3A_1673] {strides = array<i32>} : memref<3x32x1024xf32, #tpu.memory_space<vmem>>, vector<1x1x16xf32>,
      %get3A_1675 = vector.shape_cast %get3A_1674 : vector<1x1x16xf32> to vector<16xf32>
      %swap3A_1676 = arith.constant 2 : i32
      %swap3A_1677 = arith.index_cast %swap3A_1676 : i32 to index
      %swap3A_1678 = arith.index_cast %scan3A_1632 : i32 to index
      %swap3A_1679 = arith.constant 48 : index
      %swap3A_1680 = tpu.vector_load %arg7[%swap3A_1677, %swap3A_1678, %swap3A_1679] {strides = array<i32>} : memref<3x32x104xf32, #tpu.memory_space<vmem>>, vector<1x1x16xf32>,
      %swap3A_1681 = vector.shape_cast %swap3A_1680 : vector<1x1x16xf32> to vector<16xf32>
      %swap3A_1682 = vector.shape_cast %get3A_1675 : vector<16xf32> to vector<1x1x16xf32>
      tpu.vector_store %arg7[%swap3A_1677, %swap3A_1678, %swap3A_1679], %swap3A_1682 {strides = array<i32>} : memref<3x32x104xf32, #tpu.memory_space<vmem>>, vector<1x1x16xf32>,
      %get3A_1683 = arith.constant 2 : i32
      %get3A_1684 = arith.index_cast %get3A_1683 : i32 to index
      %get3A_1685 = arith.index_cast %scan3A_1632 : i32 to index
      %get3A_1686 = arith.constant 960 : index
      %get3A_1687 = tpu.vector_load %arg6[%get3A_1684, %get3A_1685, %get3A_1686] {strides = array<i32>} : memref<3x32x1024xf32, #tpu.memory_space<vmem>>, vector<1x1x16xf32>,
      %get3A_1688 = vector.shape_cast %get3A_1687 : vector<1x1x16xf32> to vector<16xf32>
      %swap3A_1689 = arith.constant 2 : i32
      %swap3A_1690 = arith.index_cast %swap3A_1689 : i32 to index
      %swap3A_1691 = arith.index_cast %scan3A_1632 : i32 to index
      %swap3A_1692 = arith.constant 64 : index
      %swap3A_1693 = tpu.vector_load %arg7[%swap3A_1690, %swap3A_1691, %swap3A_1692] {strides = array<i32>} : memref<3x32x104xf32, #tpu.memory_space<vmem>>, vector<1x1x16xf32>,
      %swap3A_1694 = vector.shape_cast %swap3A_1693 : vector<1x1x16xf32> to vector<16xf32>
      %swap3A_1695 = vector.shape_cast %get3A_1688 : vector<16xf32> to vector<1x1x16xf32>
      tpu.vector_store %arg7[%swap3A_1690, %swap3A_1691, %swap3A_1692], %swap3A_1695 {strides = array<i32>} : memref<3x32x104xf32, #tpu.memory_space<vmem>>, vector<1x1x16xf32>,
      %get3A_1696 = arith.constant 2 : i32
      %get3A_1697 = arith.index_cast %get3A_1696 : i32 to index
      %get3A_1698 = arith.index_cast %scan3A_1632 : i32 to index
      %get3A_1699 = arith.constant 976 : index
      %get3A_1700 = tpu.vector_load %arg6[%get3A_1697, %get3A_1698, %get3A_1699] {strides = array<i32>} : memref<3x32x1024xf32, #tpu.memory_space<vmem>>, vector<1x1x16xf32>,
      %get3A_1701 = vector.shape_cast %get3A_1700 : vector<1x1x16xf32> to vector<16xf32>
      %swap3A_1702 = arith.constant 2 : i32
      %swap3A_1703 = arith.index_cast %swap3A_1702 : i32 to index
      %swap3A_1704 = arith.index_cast %scan3A_1632 : i32 to index
      %swap3A_1705 = arith.constant 80 : index
      %swap3A_1706 = tpu.vector_load %arg7[%swap3A_1703, %swap3A_1704, %swap3A_1705] {strides = array<i32>} : memref<3x32x104xf32, #tpu.memory_space<vmem>>, vector<1x1x16xf32>,
      %swap3A_1707 = vector.shape_cast %swap3A_1706 : vector<1x1x16xf32> to vector<16xf32>
      %swap3A_1708 = vector.shape_cast %get3A_1701 : vector<16xf32> to vector<1x1x16xf32>
      tpu.vector_store %arg7[%swap3A_1703, %swap3A_1704, %swap3A_1705], %swap3A_1708 {strides = array<i32>} : memref<3x32x104xf32, #tpu.memory_space<vmem>>, vector<1x1x16xf32>,
      %get3A_1709 = arith.constant 2 : i32
      %get3A_1710 = arith.index_cast %get3A_1709 : i32 to index
      %get3A_1711 = arith.index_cast %scan3A_1632 : i32 to index
      %get3A_1712 = arith.constant 984 : index
      %get3A_1713 = tpu.vector_load %arg6[%get3A_1710, %get3A_1711, %get3A_1712] {strides = array<i32>} : memref<3x32x1024xf32, #tpu.memory_space<vmem>>, vector<1x1x16xf32>,
      %get3A_1714 = vector.shape_cast %get3A_1713 : vector<1x1x16xf32> to vector<16xf32>
      %swap3A_1715 = arith.constant 2 : i32
      %swap3A_1716 = arith.index_cast %swap3A_1715 : i32 to index
      %swap3A_1717 = arith.index_cast %scan3A_1632 : i32 to index
      %swap3A_1718 = arith.constant 88 : index
      %swap3A_1719 = tpu.vector_load %arg7[%swap3A_1716, %swap3A_1717, %swap3A_1718] {strides = array<i32>} : memref<3x32x104xf32, #tpu.memory_space<vmem>>, vector<1x1x16xf32>,
      %swap3A_1720 = vector.shape_cast %swap3A_1719 : vector<1x1x16xf32> to vector<16xf32>
      %swap3A_1721 = vector.shape_cast %get3A_1714 : vector<16xf32> to vector<1x1x16xf32>
      tpu.vector_store %arg7[%swap3A_1716, %swap3A_1717, %swap3A_1718], %swap3A_1721 {strides = array<i32>} : memref<3x32x104xf32, #tpu.memory_space<vmem>>, vector<1x1x16xf32>,
    }
    %scan3A_1464 = arith.constant 32 : i32
    %dma_start3A_1465 = arith.constant 2 : i32
    %dma_start3A_1466 = arith.constant 2 : i32
    %dma_start3A_1467 = arith.constant 0 : i32
    %dma_start3A_1468 = arith.constant 0 : i32
    %dma_start3A_1469 = tpu.memref_slice %arg7[%dma_start3A_1465, %dma_start3A_1467, %dma_start3A_1468] : memref<3x32x104xf32, #tpu.memory_space<vmem>> -> memref<1x32x104xf32, #tpu.memory_space<vmem>>
    %dma_start3A_1470 = tpu.memref_squeeze %dma_start3A_1469 : memref<1x32x104xf32, #tpu.memory_space<vmem>> -> memref<32x104xf32, #tpu.memory_space<vmem>>
    %dma_start3A_1471 = arith.constant 896 : i32
    %dma_start3A_1472 = tpu.memref_slice %arg4[%add3A_1427, %dma_start3A_1471] : memref<16384x1000xf32, #tpu.memory_space<hbm>> -> memref<32x104xf32, #tpu.memory_space<hbm>>
    %dma_start3A_1473 = tpu.memref_slice %arg10[%dma_start3A_1466] : memref<3x!tpu.dma_semaphore, #tpu.memory_space<semaphore_mem>> -> memref<1x!tpu.dma_semaphore, #tpu.memory_space<semaphore_mem>>
    %dma_start3A_1474 = tpu.memref_squeeze %dma_start3A_1473 : memref<1x!tpu.dma_semaphore, #tpu.memory_space<semaphore_mem>> -> memref<!tpu.dma_semaphore, #tpu.memory_space<semaphore_mem>>
    %dma_start3A_1475 = arith.constant 896 : i32
    %dma_start3A_1476 = tpu.memref_slice %arg4[%add3A_1427, %dma_start3A_1475] : memref<16384x1000xf32, #tpu.memory_space<hbm>> -> memref<32x104xf32, #tpu.memory_space<hbm>>
    %dma_start3A_1477 = arith.constant 0 : i32
    %dma_start3A_1478 = arith.constant 0 : i32
    %dma_start3A_1479 = tpu.memref_slice %arg7[%dma_start3A_1465, %dma_start3A_1477, %dma_start3A_1478] : memref<3x32x104xf32, #tpu.memory_space<vmem>> -> memref<1x32x104xf32, #tpu.memory_space<vmem>>
    %dma_start3A_1480 = tpu.memref_squeeze %dma_start3A_1479 : memref<1x32x104xf32, #tpu.memory_space<vmem>> -> memref<32x104xf32, #tpu.memory_space<vmem>>
    tpu.enqueue_dma source(%dma_start3A_1480 : memref<32x104xf32, #tpu.memory_space<vmem>>) target(%dma_start3A_1476 : memref<32x104xf32, #tpu.memory_space<hbm>>) target_semaphore(%dma_start3A_1474 : memref<!tpu.dma_semaphore, #tpu.memory_space<semaphore_mem>>)
    %add3A_1481 = arith.constant 480 : i32
    %add3A_1482 = arith.addi %mul3A_2, %add3A_1481 : i32
    %dma_wait3A_1483 = arith.constant 15 : i32
    %dma_wait3A_1484 = arith.constant 0 : i32
    %dma_wait3A_1485 = arith.constant 0 : i32
    %dma_wait3A_1486 = arith.constant 0 : i32
    %dma_wait3A_1487 = arith.constant 0 : i32
    %dma_wait3A_1488 = tpu.memref_slice %arg6[%dma_wait3A_1484, %dma_wait3A_1486, %dma_wait3A_1487] : memref<3x32x1024xf32, #tpu.memory_space<vmem>> -> memref<1x32x1024xf32, #tpu.memory_space<vmem>>
    %dma_wait3A_1489 = tpu.memref_squeeze %dma_wait3A_1488 : memref<1x32x1024xf32, #tpu.memory_space<vmem>> -> memref<32x1024xf32, #tpu.memory_space<vmem>>
    %dma_wait3A_1490 = arith.constant 0 : i32
    %dma_wait3A_1491 = tpu.memref_slice %arg5[%dma_wait3A_1483, %dma_wait3A_1490] : memref<16x32xi32, #tpu.memory_space<vmem>> -> memref<1x32xi32, #tpu.memory_space<vmem>>
    %dma_wait3A_1492 = tpu.memref_squeeze %dma_wait3A_1491 : memref<1x32xi32, #tpu.memory_space<vmem>> -> memref<32xi32, #tpu.memory_space<vmem>>
    %dma_wait3A_1493 = arith.constant 0 : i32
    %dma_wait3A_1494 = arith.constant 0 : i32
    %dma_wait3A_1495 = tpu.memref_slice %arg3[%dma_wait3A_1493, %dma_wait3A_1494] : memref<1000x1024xf32, #tpu.memory_space<hbm>> -> memref<1000x1024xf32, #tpu.memory_space<hbm>>
    %dma_wait3A_1496 = tpu.memref_slice %arg8[%dma_wait3A_1485] : memref<3x!tpu.dma_semaphore, #tpu.memory_space<semaphore_mem>> -> memref<1x!tpu.dma_semaphore, #tpu.memory_space<semaphore_mem>>
    %dma_wait3A_1497 = tpu.memref_squeeze %dma_wait3A_1496 : memref<1x!tpu.dma_semaphore, #tpu.memory_space<semaphore_mem>> -> memref<!tpu.dma_semaphore, #tpu.memory_space<semaphore_mem>>
    tpu.wait_indirect_dma semaphore(%dma_wait3A_1497 : memref<!tpu.dma_semaphore, #tpu.memory_space<semaphore_mem>>) src(%dma_wait3A_1495 : memref<1000x1024xf32, #tpu.memory_space<hbm>>) dst(%dma_wait3A_1489 : memref<32x1024xf32, #tpu.memory_space<vmem>>)
    %dma_start3A_1498 = arith.constant 0 : i32
    %dma_start3A_1499 = arith.constant 0 : i32
    %dma_start3A_1500 = arith.constant 0 : i32
    %dma_start3A_1501 = arith.constant 0 : i32
    %dma_start3A_1502 = tpu.memref_slice %arg6[%dma_start3A_1498, %dma_start3A_1500, %dma_start3A_1501] : memref<3x32x1024xf32, #tpu.memory_space<vmem>> -> memref<1x32x896xf32, #tpu.memory_space<vmem>>
    %dma_start3A_1503 = tpu.memref_squeeze %dma_start3A_1502 : memref<1x32x896xf32, #tpu.memory_space<vmem>> -> memref<32x896xf32, #tpu.memory_space<vmem>>
    %dma_start3A_1504 = arith.constant 0 : i32
    %dma_start3A_1505 = tpu.memref_slice %arg4[%add3A_1482, %dma_start3A_1504] : memref<16384x1000xf32, #tpu.memory_space<hbm>> -> memref<32x896xf32, #tpu.memory_space<hbm>>
    %dma_start3A_1506 = tpu.memref_slice %arg9[%dma_start3A_1499] : memref<3x!tpu.dma_semaphore, #tpu.memory_space<semaphore_mem>> -> memref<1x!tpu.dma_semaphore, #tpu.memory_space<semaphore_mem>>
    %dma_start3A_1507 = tpu.memref_squeeze %dma_start3A_1506 : memref<1x!tpu.dma_semaphore, #tpu.memory_space<semaphore_mem>> -> memref<!tpu.dma_semaphore, #tpu.memory_space<semaphore_mem>>
    %dma_start3A_1508 = arith.constant 0 : i32
    %dma_start3A_1509 = tpu.memref_slice %arg4[%add3A_1482, %dma_start3A_1508] : memref<16384x1000xf32, #tpu.memory_space<hbm>> -> memref<32x896xf32, #tpu.memory_space<hbm>>
    %dma_start3A_1510 = arith.constant 0 : i32
    %dma_start3A_1511 = arith.constant 0 : i32
    %dma_start3A_1512 = tpu.memref_slice %arg6[%dma_start3A_1498, %dma_start3A_1510, %dma_start3A_1511] : memref<3x32x1024xf32, #tpu.memory_space<vmem>> -> memref<1x32x896xf32, #tpu.memory_space<vmem>>
    %dma_start3A_1513 = tpu.memref_squeeze %dma_start3A_1512 : memref<1x32x896xf32, #tpu.memory_space<vmem>> -> memref<32x896xf32, #tpu.memory_space<vmem>>
    tpu.enqueue_dma source(%dma_start3A_1513 : memref<32x896xf32, #tpu.memory_space<vmem>>) target(%dma_start3A_1509 : memref<32x896xf32, #tpu.memory_space<hbm>>) target_semaphore(%dma_start3A_1507 : memref<!tpu.dma_semaphore, #tpu.memory_space<semaphore_mem>>)
    %scan3A_1514 = arith.constant 0 : i32
    %scan3A_1515 = arith.constant 0 : i32
    %scan3A_1516 = arith.constant 32 : i32
    %scan3A_1517 = arith.addi %scan3A_1515, %scan3A_1516 : i32
    %scan3A_1518 = arith.constant 1 : i32
    scf.for %scan3A_1632 = %scan3A_1515 to %scan3A_1517 step %scan3A_1518  : i32 {
      %get3A = arith.constant 0 : i32
      %get3A_1633 = arith.index_cast %get3A : i32 to index
      %get3A_1634 = arith.index_cast %scan3A_1632 : i32 to index
      %get3A_1635 = arith.constant 896 : index
      %get3A_1636 = tpu.vector_load %arg6[%get3A_1633, %get3A_1634, %get3A_1635] {strides = array<i32>} : memref<3x32x1024xf32, #tpu.memory_space<vmem>>, vector<1x1x16xf32>,
      %get3A_1637 = vector.shape_cast %get3A_1636 : vector<1x1x16xf32> to vector<16xf32>
      %swap3A = arith.constant 0 : i32
      %swap3A_1638 = arith.index_cast %swap3A : i32 to index
      %swap3A_1639 = arith.index_cast %scan3A_1632 : i32 to index
      %swap3A_1640 = arith.constant 0 : index
      %swap3A_1641 = tpu.vector_load %arg7[%swap3A_1638, %swap3A_1639, %swap3A_1640] {strides = array<i32>} : memref<3x32x104xf32, #tpu.memory_space<vmem>>, vector<1x1x16xf32>,
      %swap3A_1642 = vector.shape_cast %swap3A_1641 : vector<1x1x16xf32> to vector<16xf32>
      %swap3A_1643 = vector.shape_cast %get3A_1637 : vector<16xf32> to vector<1x1x16xf32>
      tpu.vector_store %arg7[%swap3A_1638, %swap3A_1639, %swap3A_1640], %swap3A_1643 {strides = array<i32>} : memref<3x32x104xf32, #tpu.memory_space<vmem>>, vector<1x1x16xf32>,
      %get3A_1644 = arith.constant 0 : i32
      %get3A_1645 = arith.index_cast %get3A_1644 : i32 to index
      %get3A_1646 = arith.index_cast %scan3A_1632 : i32 to index
      %get3A_1647 = arith.constant 912 : index
      %get3A_1648 = tpu.vector_load %arg6[%get3A_1645, %get3A_1646, %get3A_1647] {strides = array<i32>} : memref<3x32x1024xf32, #tpu.memory_space<vmem>>, vector<1x1x16xf32>,
      %get3A_1649 = vector.shape_cast %get3A_1648 : vector<1x1x16xf32> to vector<16xf32>
      %swap3A_1650 = arith.constant 0 : i32
      %swap3A_1651 = arith.index_cast %swap3A_1650 : i32 to index
      %swap3A_1652 = arith.index_cast %scan3A_1632 : i32 to index
      %swap3A_1653 = arith.constant 16 : index
      %swap3A_1654 = tpu.vector_load %arg7[%swap3A_1651, %swap3A_1652, %swap3A_1653] {strides = array<i32>} : memref<3x32x104xf32, #tpu.memory_space<vmem>>, vector<1x1x16xf32>,
      %swap3A_1655 = vector.shape_cast %swap3A_1654 : vector<1x1x16xf32> to vector<16xf32>
      %swap3A_1656 = vector.shape_cast %get3A_1649 : vector<16xf32> to vector<1x1x16xf32>
      tpu.vector_store %arg7[%swap3A_1651, %swap3A_1652, %swap3A_1653], %swap3A_1656 {strides = array<i32>} : memref<3x32x104xf32, #tpu.memory_space<vmem>>, vector<1x1x16xf32>,
      %get3A_1657 = arith.constant 0 : i32
      %get3A_1658 = arith.index_cast %get3A_1657 : i32 to index
      %get3A_1659 = arith.index_cast %scan3A_1632 : i32 to index
      %get3A_1660 = arith.constant 928 : index
      %get3A_1661 = tpu.vector_load %arg6[%get3A_1658, %get3A_1659, %get3A_1660] {strides = array<i32>} : memref<3x32x1024xf32, #tpu.memory_space<vmem>>, vector<1x1x16xf32>,
      %get3A_1662 = vector.shape_cast %get3A_1661 : vector<1x1x16xf32> to vector<16xf32>
      %swap3A_1663 = arith.constant 0 : i32
      %swap3A_1664 = arith.index_cast %swap3A_1663 : i32 to index
      %swap3A_1665 = arith.index_cast %scan3A_1632 : i32 to index
      %swap3A_1666 = arith.constant 32 : index
      %swap3A_1667 = tpu.vector_load %arg7[%swap3A_1664, %swap3A_1665, %swap3A_1666] {strides = array<i32>} : memref<3x32x104xf32, #tpu.memory_space<vmem>>, vector<1x1x16xf32>,
      %swap3A_1668 = vector.shape_cast %swap3A_1667 : vector<1x1x16xf32> to vector<16xf32>
      %swap3A_1669 = vector.shape_cast %get3A_1662 : vector<16xf32> to vector<1x1x16xf32>
      tpu.vector_store %arg7[%swap3A_1664, %swap3A_1665, %swap3A_1666], %swap3A_1669 {strides = array<i32>} : memref<3x32x104xf32, #tpu.memory_space<vmem>>, vector<1x1x16xf32>,
      %get3A_1670 = arith.constant 0 : i32
      %get3A_1671 = arith.index_cast %get3A_1670 : i32 to index
      %get3A_1672 = arith.index_cast %scan3A_1632 : i32 to index
      %get3A_1673 = arith.constant 944 : index
      %get3A_1674 = tpu.vector_load %arg6[%get3A_1671, %get3A_1672, %get3A_1673] {strides = array<i32>} : memref<3x32x1024xf32, #tpu.memory_space<vmem>>, vector<1x1x16xf32>,
      %get3A_1675 = vector.shape_cast %get3A_1674 : vector<1x1x16xf32> to vector<16xf32>
      %swap3A_1676 = arith.constant 0 : i32
      %swap3A_1677 = arith.index_cast %swap3A_1676 : i32 to index
      %swap3A_1678 = arith.index_cast %scan3A_1632 : i32 to index
      %swap3A_1679 = arith.constant 48 : index
      %swap3A_1680 = tpu.vector_load %arg7[%swap3A_1677, %swap3A_1678, %swap3A_1679] {strides = array<i32>} : memref<3x32x104xf32, #tpu.memory_space<vmem>>, vector<1x1x16xf32>,
      %swap3A_1681 = vector.shape_cast %swap3A_1680 : vector<1x1x16xf32> to vector<16xf32>
      %swap3A_1682 = vector.shape_cast %get3A_1675 : vector<16xf32> to vector<1x1x16xf32>
      tpu.vector_store %arg7[%swap3A_1677, %swap3A_1678, %swap3A_1679], %swap3A_1682 {strides = array<i32>} : memref<3x32x104xf32, #tpu.memory_space<vmem>>, vector<1x1x16xf32>,
      %get3A_1683 = arith.constant 0 : i32
      %get3A_1684 = arith.index_cast %get3A_1683 : i32 to index
      %get3A_1685 = arith.index_cast %scan3A_1632 : i32 to index
      %get3A_1686 = arith.constant 960 : index
      %get3A_1687 = tpu.vector_load %arg6[%get3A_1684, %get3A_1685, %get3A_1686] {strides = array<i32>} : memref<3x32x1024xf32, #tpu.memory_space<vmem>>, vector<1x1x16xf32>,
      %get3A_1688 = vector.shape_cast %get3A_1687 : vector<1x1x16xf32> to vector<16xf32>
      %swap3A_1689 = arith.constant 0 : i32
      %swap3A_1690 = arith.index_cast %swap3A_1689 : i32 to index
      %swap3A_1691 = arith.index_cast %scan3A_1632 : i32 to index
      %swap3A_1692 = arith.constant 64 : index
      %swap3A_1693 = tpu.vector_load %arg7[%swap3A_1690, %swap3A_1691, %swap3A_1692] {strides = array<i32>} : memref<3x32x104xf32, #tpu.memory_space<vmem>>, vector<1x1x16xf32>,
      %swap3A_1694 = vector.shape_cast %swap3A_1693 : vector<1x1x16xf32> to vector<16xf32>
      %swap3A_1695 = vector.shape_cast %get3A_1688 : vector<16xf32> to vector<1x1x16xf32>
      tpu.vector_store %arg7[%swap3A_1690, %swap3A_1691, %swap3A_1692], %swap3A_1695 {strides = array<i32>} : memref<3x32x104xf32, #tpu.memory_space<vmem>>, vector<1x1x16xf32>,
      %get3A_1696 = arith.constant 0 : i32
      %get3A_1697 = arith.index_cast %get3A_1696 : i32 to index
      %get3A_1698 = arith.index_cast %scan3A_1632 : i32 to index
      %get3A_1699 = arith.constant 976 : index
      %get3A_1700 = tpu.vector_load %arg6[%get3A_1697, %get3A_1698, %get3A_1699] {strides = array<i32>} : memref<3x32x1024xf32, #tpu.memory_space<vmem>>, vector<1x1x16xf32>,
      %get3A_1701 = vector.shape_cast %get3A_1700 : vector<1x1x16xf32> to vector<16xf32>
      %swap3A_1702 = arith.constant 0 : i32
      %swap3A_1703 = arith.index_cast %swap3A_1702 : i32 to index
      %swap3A_1704 = arith.index_cast %scan3A_1632 : i32 to index
      %swap3A_1705 = arith.constant 80 : index
      %swap3A_1706 = tpu.vector_load %arg7[%swap3A_1703, %swap3A_1704, %swap3A_1705] {strides = array<i32>} : memref<3x32x104xf32, #tpu.memory_space<vmem>>, vector<1x1x16xf32>,
      %swap3A_1707 = vector.shape_cast %swap3A_1706 : vector<1x1x16xf32> to vector<16xf32>
      %swap3A_1708 = vector.shape_cast %get3A_1701 : vector<16xf32> to vector<1x1x16xf32>
      tpu.vector_store %arg7[%swap3A_1703, %swap3A_1704, %swap3A_1705], %swap3A_1708 {strides = array<i32>} : memref<3x32x104xf32, #tpu.memory_space<vmem>>, vector<1x1x16xf32>,
      %get3A_1709 = arith.constant 0 : i32
      %get3A_1710 = arith.index_cast %get3A_1709 : i32 to index
      %get3A_1711 = arith.index_cast %scan3A_1632 : i32 to index
      %get3A_1712 = arith.constant 984 : index
      %get3A_1713 = tpu.vector_load %arg6[%get3A_1710, %get3A_1711, %get3A_1712] {strides = array<i32>} : memref<3x32x1024xf32, #tpu.memory_space<vmem>>, vector<1x1x16xf32>,
      %get3A_1714 = vector.shape_cast %get3A_1713 : vector<1x1x16xf32> to vector<16xf32>
      %swap3A_1715 = arith.constant 0 : i32
      %swap3A_1716 = arith.index_cast %swap3A_1715 : i32 to index
      %swap3A_1717 = arith.index_cast %scan3A_1632 : i32 to index
      %swap3A_1718 = arith.constant 88 : index
      %swap3A_1719 = tpu.vector_load %arg7[%swap3A_1716, %swap3A_1717, %swap3A_1718] {strides = array<i32>} : memref<3x32x104xf32, #tpu.memory_space<vmem>>, vector<1x1x16xf32>,
      %swap3A_1720 = vector.shape_cast %swap3A_1719 : vector<1x1x16xf32> to vector<16xf32>
      %swap3A_1721 = vector.shape_cast %get3A_1714 : vector<16xf32> to vector<1x1x16xf32>
      tpu.vector_store %arg7[%swap3A_1716, %swap3A_1717, %swap3A_1718], %swap3A_1721 {strides = array<i32>} : memref<3x32x104xf32, #tpu.memory_space<vmem>>, vector<1x1x16xf32>,
    }
    %scan3A_1519 = arith.constant 32 : i32
    %dma_start3A_1520 = arith.constant 0 : i32
    %dma_start3A_1521 = arith.constant 0 : i32
    %dma_start3A_1522 = arith.constant 0 : i32
    %dma_start3A_1523 = arith.constant 0 : i32
    %dma_start3A_1524 = tpu.memref_slice %arg7[%dma_start3A_1520, %dma_start3A_1522, %dma_start3A_1523] : memref<3x32x104xf32, #tpu.memory_space<vmem>> -> memref<1x32x104xf32, #tpu.memory_space<vmem>>
    %dma_start3A_1525 = tpu.memref_squeeze %dma_start3A_1524 : memref<1x32x104xf32, #tpu.memory_space<vmem>> -> memref<32x104xf32, #tpu.memory_space<vmem>>
    %dma_start3A_1526 = arith.constant 896 : i32
    %dma_start3A_1527 = tpu.memref_slice %arg4[%add3A_1482, %dma_start3A_1526] : memref<16384x1000xf32, #tpu.memory_space<hbm>> -> memref<32x104xf32, #tpu.memory_space<hbm>>
    %dma_start3A_1528 = tpu.memref_slice %arg10[%dma_start3A_1521] : memref<3x!tpu.dma_semaphore, #tpu.memory_space<semaphore_mem>> -> memref<1x!tpu.dma_semaphore, #tpu.memory_space<semaphore_mem>>
    %dma_start3A_1529 = tpu.memref_squeeze %dma_start3A_1528 : memref<1x!tpu.dma_semaphore, #tpu.memory_space<semaphore_mem>> -> memref<!tpu.dma_semaphore, #tpu.memory_space<semaphore_mem>>
    %dma_start3A_1530 = arith.constant 896 : i32
    %dma_start3A_1531 = tpu.memref_slice %arg4[%add3A_1482, %dma_start3A_1530] : memref<16384x1000xf32, #tpu.memory_space<hbm>> -> memref<32x104xf32, #tpu.memory_space<hbm>>
    %dma_start3A_1532 = arith.constant 0 : i32
    %dma_start3A_1533 = arith.constant 0 : i32
    %dma_start3A_1534 = tpu.memref_slice %arg7[%dma_start3A_1520, %dma_start3A_1532, %dma_start3A_1533] : memref<3x32x104xf32, #tpu.memory_space<vmem>> -> memref<1x32x104xf32, #tpu.memory_space<vmem>>
    %dma_start3A_1535 = tpu.memref_squeeze %dma_start3A_1534 : memref<1x32x104xf32, #tpu.memory_space<vmem>> -> memref<32x104xf32, #tpu.memory_space<vmem>>
    tpu.enqueue_dma source(%dma_start3A_1535 : memref<32x104xf32, #tpu.memory_space<vmem>>) target(%dma_start3A_1531 : memref<32x104xf32, #tpu.memory_space<hbm>>) target_semaphore(%dma_start3A_1529 : memref<!tpu.dma_semaphore, #tpu.memory_space<semaphore_mem>>)
    %dma_wait3A_1536 = arith.constant 0 : i32
    %dma_wait3A_1537 = arith.constant 0 : i32
    %dma_wait3A_1538 = arith.constant 0 : i32
    %dma_wait3A_1539 = arith.constant 0 : i32
    %dma_wait3A_1540 = tpu.memref_slice %arg6[%dma_wait3A_1536, %dma_wait3A_1538, %dma_wait3A_1539] : memref<3x32x1024xf32, #tpu.memory_space<vmem>> -> memref<1x32x896xf32, #tpu.memory_space<vmem>>
    %dma_wait3A_1541 = tpu.memref_squeeze %dma_wait3A_1540 : memref<1x32x896xf32, #tpu.memory_space<vmem>> -> memref<32x896xf32, #tpu.memory_space<vmem>>
    %dma_wait3A_1542 = arith.constant 0 : i32
    %dma_wait3A_1543 = tpu.memref_slice %arg4[%add3A_1482, %dma_wait3A_1542] : memref<16384x1000xf32, #tpu.memory_space<hbm>> -> memref<32x896xf32, #tpu.memory_space<hbm>>
    %dma_wait3A_1544 = tpu.memref_slice %arg9[%dma_wait3A_1537] : memref<3x!tpu.dma_semaphore, #tpu.memory_space<semaphore_mem>> -> memref<1x!tpu.dma_semaphore, #tpu.memory_space<semaphore_mem>>
    %dma_wait3A_1545 = tpu.memref_squeeze %dma_wait3A_1544 : memref<1x!tpu.dma_semaphore, #tpu.memory_space<semaphore_mem>> -> memref<!tpu.dma_semaphore, #tpu.memory_space<semaphore_mem>>
    %dma_wait3A_1546 = arith.constant 0 : i32
    %dma_wait3A_1547 = tpu.memref_slice %arg4[%add3A_1482, %dma_wait3A_1546] : memref<16384x1000xf32, #tpu.memory_space<hbm>> -> memref<32x896xf32, #tpu.memory_space<hbm>>
    %dma_wait3A_1548 = arith.constant 0 : i32
    %dma_wait3A_1549 = arith.constant 0 : i32
    %dma_wait3A_1550 = tpu.memref_slice %arg6[%dma_wait3A_1536, %dma_wait3A_1548, %dma_wait3A_1549] : memref<3x32x1024xf32, #tpu.memory_space<vmem>> -> memref<1x32x896xf32, #tpu.memory_space<vmem>>
    %dma_wait3A_1551 = tpu.memref_squeeze %dma_wait3A_1550 : memref<1x32x896xf32, #tpu.memory_space<vmem>> -> memref<32x896xf32, #tpu.memory_space<vmem>>
    tpu.wait_dma2 semaphore(%dma_wait3A_1545 : memref<!tpu.dma_semaphore, #tpu.memory_space<semaphore_mem>>) src(%dma_wait3A_1551 : memref<32x896xf32, #tpu.memory_space<vmem>>) dst(%dma_wait3A_1547 : memref<32x896xf32, #tpu.memory_space<hbm>>)
    %dma_wait3A_1552 = arith.constant 0 : i32
    %dma_wait3A_1553 = arith.constant 0 : i32
    %dma_wait3A_1554 = arith.constant 0 : i32
    %dma_wait3A_1555 = arith.constant 0 : i32
    %dma_wait3A_1556 = tpu.memref_slice %arg7[%dma_wait3A_1552, %dma_wait3A_1554, %dma_wait3A_1555] : memref<3x32x104xf32, #tpu.memory_space<vmem>> -> memref<1x32x104xf32, #tpu.memory_space<vmem>>
    %dma_wait3A_1557 = tpu.memref_squeeze %dma_wait3A_1556 : memref<1x32x104xf32, #tpu.memory_space<vmem>> -> memref<32x104xf32, #tpu.memory_space<vmem>>
    %dma_wait3A_1558 = arith.constant 896 : i32
    %dma_wait3A_1559 = tpu.memref_slice %arg4[%add3A_1482, %dma_wait3A_1558] : memref<16384x1000xf32, #tpu.memory_space<hbm>> -> memref<32x104xf32, #tpu.memory_space<hbm>>
    %dma_wait3A_1560 = tpu.memref_slice %arg10[%dma_wait3A_1553] : memref<3x!tpu.dma_semaphore, #tpu.memory_space<semaphore_mem>> -> memref<1x!tpu.dma_semaphore, #tpu.memory_space<semaphore_mem>>
    %dma_wait3A_1561 = tpu.memref_squeeze %dma_wait3A_1560 : memref<1x!tpu.dma_semaphore, #tpu.memory_space<semaphore_mem>> -> memref<!tpu.dma_semaphore, #tpu.memory_space<semaphore_mem>>
    %dma_wait3A_1562 = arith.constant 896 : i32
    %dma_wait3A_1563 = tpu.memref_slice %arg4[%add3A_1482, %dma_wait3A_1562] : memref<16384x1000xf32, #tpu.memory_space<hbm>> -> memref<32x104xf32, #tpu.memory_space<hbm>>
    %dma_wait3A_1564 = arith.constant 0 : i32
    %dma_wait3A_1565 = arith.constant 0 : i32
    %dma_wait3A_1566 = tpu.memref_slice %arg7[%dma_wait3A_1552, %dma_wait3A_1564, %dma_wait3A_1565] : memref<3x32x104xf32, #tpu.memory_space<vmem>> -> memref<1x32x104xf32, #tpu.memory_space<vmem>>
    %dma_wait3A_1567 = tpu.memref_squeeze %dma_wait3A_1566 : memref<1x32x104xf32, #tpu.memory_space<vmem>> -> memref<32x104xf32, #tpu.memory_space<vmem>>
    tpu.wait_dma2 semaphore(%dma_wait3A_1561 : memref<!tpu.dma_semaphore, #tpu.memory_space<semaphore_mem>>) src(%dma_wait3A_1567 : memref<32x104xf32, #tpu.memory_space<vmem>>) dst(%dma_wait3A_1563 : memref<32x104xf32, #tpu.memory_space<hbm>>)
    %dma_wait3A_1568 = arith.constant 1 : i32
    %dma_wait3A_1569 = arith.constant 1 : i32
    %dma_wait3A_1570 = arith.constant 0 : i32
    %dma_wait3A_1571 = arith.constant 0 : i32
    %dma_wait3A_1572 = tpu.memref_slice %arg6[%dma_wait3A_1568, %dma_wait3A_1570, %dma_wait3A_1571] : memref<3x32x1024xf32, #tpu.memory_space<vmem>> -> memref<1x32x896xf32, #tpu.memory_space<vmem>>
    %dma_wait3A_1573 = tpu.memref_squeeze %dma_wait3A_1572 : memref<1x32x896xf32, #tpu.memory_space<vmem>> -> memref<32x896xf32, #tpu.memory_space<vmem>>
    %dma_wait3A_1574 = arith.constant 0 : i32
    %dma_wait3A_1575 = tpu.memref_slice %arg4[%add3A_1372, %dma_wait3A_1574] : memref<16384x1000xf32, #tpu.memory_space<hbm>> -> memref<32x896xf32, #tpu.memory_space<hbm>>
    %dma_wait3A_1576 = tpu.memref_slice %arg9[%dma_wait3A_1569] : memref<3x!tpu.dma_semaphore, #tpu.memory_space<semaphore_mem>> -> memref<1x!tpu.dma_semaphore, #tpu.memory_space<semaphore_mem>>
    %dma_wait3A_1577 = tpu.memref_squeeze %dma_wait3A_1576 : memref<1x!tpu.dma_semaphore, #tpu.memory_space<semaphore_mem>> -> memref<!tpu.dma_semaphore, #tpu.memory_space<semaphore_mem>>
    %dma_wait3A_1578 = arith.constant 0 : i32
    %dma_wait3A_1579 = tpu.memref_slice %arg4[%add3A_1372, %dma_wait3A_1578] : memref<16384x1000xf32, #tpu.memory_space<hbm>> -> memref<32x896xf32, #tpu.memory_space<hbm>>
    %dma_wait3A_1580 = arith.constant 0 : i32
    %dma_wait3A_1581 = arith.constant 0 : i32
    %dma_wait3A_1582 = tpu.memref_slice %arg6[%dma_wait3A_1568, %dma_wait3A_1580, %dma_wait3A_1581] : memref<3x32x1024xf32, #tpu.memory_space<vmem>> -> memref<1x32x896xf32, #tpu.memory_space<vmem>>
    %dma_wait3A_1583 = tpu.memref_squeeze %dma_wait3A_1582 : memref<1x32x896xf32, #tpu.memory_space<vmem>> -> memref<32x896xf32, #tpu.memory_space<vmem>>
    tpu.wait_dma2 semaphore(%dma_wait3A_1577 : memref<!tpu.dma_semaphore, #tpu.memory_space<semaphore_mem>>) src(%dma_wait3A_1583 : memref<32x896xf32, #tpu.memory_space<vmem>>) dst(%dma_wait3A_1579 : memref<32x896xf32, #tpu.memory_space<hbm>>)
    %dma_wait3A_1584 = arith.constant 1 : i32
    %dma_wait3A_1585 = arith.constant 1 : i32
    %dma_wait3A_1586 = arith.constant 0 : i32
    %dma_wait3A_1587 = arith.constant 0 : i32
    %dma_wait3A_1588 = tpu.memref_slice %arg7[%dma_wait3A_1584, %dma_wait3A_1586, %dma_wait3A_1587] : memref<3x32x104xf32, #tpu.memory_space<vmem>> -> memref<1x32x104xf32, #tpu.memory_space<vmem>>
    %dma_wait3A_1589 = tpu.memref_squeeze %dma_wait3A_1588 : memref<1x32x104xf32, #tpu.memory_space<vmem>> -> memref<32x104xf32, #tpu.memory_space<vmem>>
    %dma_wait3A_1590 = arith.constant 896 : i32
    %dma_wait3A_1591 = tpu.memref_slice %arg4[%add3A_1372, %dma_wait3A_1590] : memref<16384x1000xf32, #tpu.memory_space<hbm>> -> memref<32x104xf32, #tpu.memory_space<hbm>>
    %dma_wait3A_1592 = tpu.memref_slice %arg10[%dma_wait3A_1585] : memref<3x!tpu.dma_semaphore, #tpu.memory_space<semaphore_mem>> -> memref<1x!tpu.dma_semaphore, #tpu.memory_space<semaphore_mem>>
    %dma_wait3A_1593 = tpu.memref_squeeze %dma_wait3A_1592 : memref<1x!tpu.dma_semaphore, #tpu.memory_space<semaphore_mem>> -> memref<!tpu.dma_semaphore, #tpu.memory_space<semaphore_mem>>
    %dma_wait3A_1594 = arith.constant 896 : i32
    %dma_wait3A_1595 = tpu.memref_slice %arg4[%add3A_1372, %dma_wait3A_1594] : memref<16384x1000xf32, #tpu.memory_space<hbm>> -> memref<32x104xf32, #tpu.memory_space<hbm>>
    %dma_wait3A_1596 = arith.constant 0 : i32
    %dma_wait3A_1597 = arith.constant 0 : i32
    %dma_wait3A_1598 = tpu.memref_slice %arg7[%dma_wait3A_1584, %dma_wait3A_1596, %dma_wait3A_1597] : memref<3x32x104xf32, #tpu.memory_space<vmem>> -> memref<1x32x104xf32, #tpu.memory_space<vmem>>
    %dma_wait3A_1599 = tpu.memref_squeeze %dma_wait3A_1598 : memref<1x32x104xf32, #tpu.memory_space<vmem>> -> memref<32x104xf32, #tpu.memory_space<vmem>>
    tpu.wait_dma2 semaphore(%dma_wait3A_1593 : memref<!tpu.dma_semaphore, #tpu.memory_space<semaphore_mem>>) src(%dma_wait3A_1599 : memref<32x104xf32, #tpu.memory_space<vmem>>) dst(%dma_wait3A_1595 : memref<32x104xf32, #tpu.memory_space<hbm>>)
    %dma_wait3A_1600 = arith.constant 2 : i32
    %dma_wait3A_1601 = arith.constant 2 : i32
    %dma_wait3A_1602 = arith.constant 0 : i32
    %dma_wait3A_1603 = arith.constant 0 : i32
    %dma_wait3A_1604 = tpu.memref_slice %arg6[%dma_wait3A_1600, %dma_wait3A_1602, %dma_wait3A_1603] : memref<3x32x1024xf32, #tpu.memory_space<vmem>> -> memref<1x32x896xf32, #tpu.memory_space<vmem>>
    %dma_wait3A_1605 = tpu.memref_squeeze %dma_wait3A_1604 : memref<1x32x896xf32, #tpu.memory_space<vmem>> -> memref<32x896xf32, #tpu.memory_space<vmem>>
    %dma_wait3A_1606 = arith.constant 0 : i32
    %dma_wait3A_1607 = tpu.memref_slice %arg4[%add3A_1427, %dma_wait3A_1606] : memref<16384x1000xf32, #tpu.memory_space<hbm>> -> memref<32x896xf32, #tpu.memory_space<hbm>>
    %dma_wait3A_1608 = tpu.memref_slice %arg9[%dma_wait3A_1601] : memref<3x!tpu.dma_semaphore, #tpu.memory_space<semaphore_mem>> -> memref<1x!tpu.dma_semaphore, #tpu.memory_space<semaphore_mem>>
    %dma_wait3A_1609 = tpu.memref_squeeze %dma_wait3A_1608 : memref<1x!tpu.dma_semaphore, #tpu.memory_space<semaphore_mem>> -> memref<!tpu.dma_semaphore, #tpu.memory_space<semaphore_mem>>
    %dma_wait3A_1610 = arith.constant 0 : i32
    %dma_wait3A_1611 = tpu.memref_slice %arg4[%add3A_1427, %dma_wait3A_1610] : memref<16384x1000xf32, #tpu.memory_space<hbm>> -> memref<32x896xf32, #tpu.memory_space<hbm>>
    %dma_wait3A_1612 = arith.constant 0 : i32
    %dma_wait3A_1613 = arith.constant 0 : i32
    %dma_wait3A_1614 = tpu.memref_slice %arg6[%dma_wait3A_1600, %dma_wait3A_1612, %dma_wait3A_1613] : memref<3x32x1024xf32, #tpu.memory_space<vmem>> -> memref<1x32x896xf32, #tpu.memory_space<vmem>>
    %dma_wait3A_1615 = tpu.memref_squeeze %dma_wait3A_1614 : memref<1x32x896xf32, #tpu.memory_space<vmem>> -> memref<32x896xf32, #tpu.memory_space<vmem>>
    tpu.wait_dma2 semaphore(%dma_wait3A_1609 : memref<!tpu.dma_semaphore, #tpu.memory_space<semaphore_mem>>) src(%dma_wait3A_1615 : memref<32x896xf32, #tpu.memory_space<vmem>>) dst(%dma_wait3A_1611 : memref<32x896xf32, #tpu.memory_space<hbm>>)
    %dma_wait3A_1616 = arith.constant 2 : i32
    %dma_wait3A_1617 = arith.constant 2 : i32
    %dma_wait3A_1618 = arith.constant 0 : i32
    %dma_wait3A_1619 = arith.constant 0 : i32
    %dma_wait3A_1620 = tpu.memref_slice %arg7[%dma_wait3A_1616, %dma_wait3A_1618, %dma_wait3A_1619] : memref<3x32x104xf32, #tpu.memory_space<vmem>> -> memref<1x32x104xf32, #tpu.memory_space<vmem>>
    %dma_wait3A_1621 = tpu.memref_squeeze %dma_wait3A_1620 : memref<1x32x104xf32, #tpu.memory_space<vmem>> -> memref<32x104xf32, #tpu.memory_space<vmem>>
    %dma_wait3A_1622 = arith.constant 896 : i32
    %dma_wait3A_1623 = tpu.memref_slice %arg4[%add3A_1427, %dma_wait3A_1622] : memref<16384x1000xf32, #tpu.memory_space<hbm>> -> memref<32x104xf32, #tpu.memory_space<hbm>>
    %dma_wait3A_1624 = tpu.memref_slice %arg10[%dma_wait3A_1617] : memref<3x!tpu.dma_semaphore, #tpu.memory_space<semaphore_mem>> -> memref<1x!tpu.dma_semaphore, #tpu.memory_space<semaphore_mem>>
    %dma_wait3A_1625 = tpu.memref_squeeze %dma_wait3A_1624 : memref<1x!tpu.dma_semaphore, #tpu.memory_space<semaphore_mem>> -> memref<!tpu.dma_semaphore, #tpu.memory_space<semaphore_mem>>
    %dma_wait3A_1626 = arith.constant 896 : i32
    %dma_wait3A_1627 = tpu.memref_slice %arg4[%add3A_1427, %dma_wait3A_1626] : memref<16384x1000xf32, #tpu.memory_space<hbm>> -> memref<32x104xf32, #tpu.memory_space<hbm>>
    %dma_wait3A_1628 = arith.constant 0 : i32
    %dma_wait3A_1629 = arith.constant 0 : i32
    %dma_wait3A_1630 = tpu.memref_slice %arg7[%dma_wait3A_1616, %dma_wait3A_1628, %dma_wait3A_1629] : memref<3x32x104xf32, #tpu.memory_space<vmem>> -> memref<1x32x104xf32, #tpu.memory_space<vmem>>
    %dma_wait3A_1631 = tpu.memref_squeeze %dma_wait3A_1630 : memref<1x32x104xf32, #tpu.memory_space<vmem>> -> memref<32x104xf32, #tpu.memory_space<vmem>>
    tpu.wait_dma2 semaphore(%dma_wait3A_1625 : memref<!tpu.dma_semaphore, #tpu.memory_space<semaphore_mem>>) src(%dma_wait3A_1631 : memref<32x104xf32, #tpu.memory_space<vmem>>) dst(%dma_wait3A_1627 : memref<32x104xf32, #tpu.memory_space<hbm>>)
    return
  }
}

</mosaic_0001>

<sc_bundles>
// kernel: kernel.3.cloned.1.call-start
scs
__scs_entry_jumppad:
0x0: {  	(pc) =	sbr.rel $0x88, $3  }
0x1: {  	(tag) =	ssettag $0x0;
	lr =	simm.s32 $0x1  }
0x2: {  	[smem:$0x3F9F] =	sst lr;
	_ =	strace $0xD0000000  }
0x3: {  	_ = 	snop  }
0x4: {  	_ = 	snop  }
0x5: {  	_ = 	snop  }
0x6: {  	_ = 	snop  }
0x7: {  	_ = 	snop  }
__scs_overlays_trampoline_lowered:
0x8: {  	[smem:$0x3FAE] =	sst s0  }
0x9: {  	[smem:$0x3FAF] =	sst s1  }
0xa: {  	[smem:$0x3FB0] =	sst s2  }
0xb: {  	[smem:$0x3FB1] =	sst s3  }
0xc: {  	[smem:$0x3FB2] =	sst s4  }
0xd: {  	[smem:$0x3FB3] =	sst s5  }
0xe: {  	[smem:$0x3FB4] =	sst s6  }
0xf: {  	[smem:$0x3FB5] =	sst s7  }
0x10: {  	[smem:$0x3FB6] =	sst s8  }
0x11: {  	[smem:$0x3FB7] =	sst s9;
	s0 =	simm.s32 @!p0 $0x0  }
0x12: {  	s1 =	sld [smem:$0x3F9D];
	s0 =	simm.s32 @p0 $0x1  }
0x13: {  	[smem:$0x3FB8] =	sst s0;
	s0 =	simm.s32 @!p1 $0x0  }
0x14: {  	s2 =	sld [smem:$0x3F9C];
	s0 =	simm.s32 @p1 $0x1  }
0x15: {  	[smem:$0x3FB9] =	sst s0;
	s0 =	simm.s32 @!p2 $0x0  }
0x16: {  	s3 =	sld [smem:$0x3FDB];
	s0 =	simm.s32 @p2 $0x1  }
0x17: {  	s4 =	simm.s32 $0x1BF5;
	[smem:$0x3FBB] =	sst s0  }
0x18: {  	s0 =	sld [smem:$0x3F9E];
	_ =	swait.ge [sflag:s4], $0x0  }
0x19: {  	s7 =	sld [smem:$0x3F9F]  }
0x1a: {  	s8 =	sadd.s32 $0xFFFFE003, lr  }
0x1b: {  	s9 =	sadd.s32 $0xFFFFFEF7, lr;
	s5 =	simm.s32 $0xFFFFFFFF;
	p2 =	slt.u32 s8, $0xFFFFF086  }
0x1c: {  	p1 =	slt.u32 s9, $0xF7A;
	s5 =	simm.s32 @!p2 $0x0  }
0x1d: {  	s5 =	simm.s32 @p1 $0x1;
	p0 =	seq.s32 s7, s2  }
0x1e: {  	s7 =	smul.u32 @!p0 $0xF7A, s2;
	p2 =	seq.s32 @!p0 s5, $0x0  }
0x1f: {  	s9 =	smul.u32 $0xF7A, s1;
	s8 =	simm.s32 @!p0 $0x1BF5;
	p2 =	por !p2, p0  }
0x20: {  	[sflag:s8] =	ssyncset.s32 @!p0 $0xFFFFF086;
	s6 =	sadd.s32 @!p0 s3, s7;
	s7 =	simm.s32 @!p0 $0x108  }
0x21: {  	s3 =	sadd.s32 s3, s9;
	s6 =	sadd.s32 @!p0 $0x88, s6;
	s7 =	simm.s32 @p2 $0x1082  }
0x22: {  	[simem:s7], [sflag:s8] =	dma.local @!p0 [hbm:s6], $0xF7A  }
0x23: {  	s9 =	sor.u32 $0xD0000000, s2;
	s6 =	simm.s32 $0x108;
	_ =	swait.ge @!p0 [sflag:s8], $0x0  }
0x24: {  	s3 =	sadd.s32 $0x88, s3;
	s6 =	simm.s32 @!p1 $0x1082;
	[sflag:s4] =	ssyncset.s32 $0xFFFFF086  }
0x25: {  	[simem:s6], [sflag:s4] =	dma.local [hbm:s3], $0xF7A  }
0x26: {  	[smem:$0x3F9F] =	sst s1;
	(tag) =	ssettag s2;
	_ =	strace s9  }
0x27: {  	s1 =	sld [smem:$0x3FAF]  }
0x28: {  	s2 =	sld [smem:$0x3FB0]  }
0x29: {  	s4 =	sld [smem:$0x3FB2]  }
0x2a: {  	p0 =	seq.s32 s5, $0x0;
	s5 =	sld [smem:$0x3FB3]  }
0x2b: {  	s6 =	sld [smem:$0x3FB4]  }
0x2c: {  	s7 =	sld [smem:$0x3FB5]  }
0x2d: {  	s3 =	simm.s32 $0x108;
	s8 =	sld [smem:$0x3FB6]  }
0x2e: {  	s3 =	simm.s32 @!p0 $0x1082;
	s9 =	sld [smem:$0x3FB7]  }
0x2f: {  	lr =	sadd.s32 s0, s3;
	s0 =	sld [smem:$0x3FAE]  }
0x30: {  	s3 =	sld [smem:$0x3FB1]  }
0x31: {  	[smem:$0x3FBA] =	sst s10  }
0x32: {  	s10 =	sld [smem:$0x3FB8];
	_ =	sdelay $0x3  }
0x33: {  	p0 =	seq.s32 s10, $0x1;
	s10 =	sld [smem:$0x3FBA];
	_ =	sdelay $0x3  }
0x34: {  	[smem:$0x3FBA] =	sst s10  }
0x35: {  	s10 =	sld [smem:$0x3FB9];
	_ =	sdelay $0x3  }
0x36: {  	p1 =	seq.s32 s10, $0x1;
	s10 =	sld [smem:$0x3FBA];
	_ =	sdelay $0x3  }
0x37: {  	[smem:$0x3FBA] =	sst s10  }
0x38: {  	s10 =	sld [smem:$0x3FBB]  }
0x39: {  	_ = 	snop;
	(pc) =	sbr.ind lr, $3  }
0x3a: {  	_ = 	snop  }
0x3b: {  	_ = 	snop  }
0x3c: {  	p2 =	seq.s32 s10, $0x1;
	s10 =	sld [smem:$0x3FBA]  }
0x3d: {  	_ =	shalt  }
0x3e: {  	_ =	shalt  }
0x3f: {  	_ =	shalt  }
0x40: {  	_ =	shalt  }
0x41: {  	_ =	shalt  }
0x42: {  	_ =	shalt  }
0x43: {  	_ =	shalt  }
0x44: {  	_ =	shalt  }
0x45: {  	_ =	shalt  }
0x46: {  	_ =	shalt  }
0x47: {  	_ =	shalt  }
0x48: {  	_ =	shalt  }
0x49: {  	_ =	shalt  }
0x4a: {  	_ =	shalt  }
0x4b: {  	_ =	shalt  }
0x4c: {  	_ =	shalt  }
0x4d: {  	_ =	shalt  }
0x4e: {  	_ =	shalt  }
0x4f: {  	_ =	shalt  }
0x50: {  	_ =	shalt  }
0x51: {  	_ =	shalt  }
0x52: {  	_ =	shalt  }
0x53: {  	_ =	shalt  }
0x54: {  	_ =	shalt  }
0x55: {  	_ =	shalt  }
0x56: {  	_ =	shalt  }
0x57: {  	_ =	shalt  }
0x58: {  	_ =	shalt  }
0x59: {  	_ =	shalt  }
0x5a: {  	_ =	shalt  }
0x5b: {  	_ =	shalt  }
0x5c: {  	_ =	shalt  }
0x5d: {  	_ =	shalt  }
0x5e: {  	_ =	shalt  }
0x5f: {  	_ =	shalt  }
0x60: {  	_ =	shalt  }
0x61: {  	_ =	shalt  }
0x62: {  	_ =	shalt  }
0x63: {  	_ =	shalt  }
0x64: {  	_ =	shalt  }
0x65: {  	_ =	shalt  }
0x66: {  	_ =	shalt  }
0x67: {  	_ =	shalt  }
0x68: {  	_ =	shalt  }
0x69: {  	_ =	shalt  }
0x6a: {  	_ =	shalt  }
0x6b: {  	_ =	shalt  }
0x6c: {  	_ =	shalt  }
0x6d: {  	_ =	shalt  }
0x6e: {  	_ =	shalt  }
0x6f: {  	_ =	shalt  }
0x70: {  	_ =	shalt  }
0x71: {  	_ =	shalt  }
0x72: {  	_ =	shalt  }
0x73: {  	_ =	shalt  }
0x74: {  	_ =	shalt  }
0x75: {  	_ =	shalt  }
0x76: {  	_ =	shalt  }
0x77: {  	_ =	shalt  }
0x78: {  	_ =	shalt  }
0x79: {  	_ =	shalt  }
0x7a: {  	_ =	shalt  }
0x7b: {  	_ =	shalt  }
0x7c: {  	_ =	shalt  }
0x7d: {  	_ =	shalt  }
0x7e: {  	_ =	shalt  }
0x7f: {  	_ =	shalt  }
0x80: {  	_ =	shalt  }
0x81: {  	_ =	shalt  }
0x82: {  	_ =	shalt  }
0x83: {  	_ =	shalt  }
0x84: {  	_ =	shalt  }
0x85: {  	_ =	shalt  }
0x86: {  	_ =	shalt  }
0x87: {  	_ =	shalt  }
.Lfunc_end0:
.L_simem_size_0:
called_computation_lowered:
.L_overlay_start_0:
0x88: {  	s2 =	sld [smem:$0x3FD9]  }
0x89: {  	s3 =	sld [smem:$0x3FFE];
	_ =	sdelay $0x1  }
0x8a: {  	s1 =	srdreg.scid  }
0x8b: {  	s0 =	sand.u32 $0x1, s1  }
0x8c: {  	s17 =	sshll.u32 s0, $0xA;
	s2 =	sadd.s32 s3, s2  }
0x8d: {  	s2 =	sadd.s32 s2, s17  }
0x8e: {  	[smem:$0x3FC6] =	sst s2  }
0x8f: {  	_ = 	snop  }
0x90: {  	s2 =	sld [smem:$0x3FD0];
	(tm) =	ssettm $0x1  }
0x91: {  	s18 =	sld [smem:$0x3FFB];
	_ =	sdelay $0x3  }
0x92: {  	_ =	strace s18  }
0x93: {  	s3 =	sld [smem:$0x3FFC];
	_ =	sdelay $0x3  }
0x94: {  	_ =	strace s3  }
0x95: {  	s3 =	sld [smem:$0x3FFD];
	_ =	sdelay $0x3  }
0x96: {  	_ =	strace s3  }
0x97: {  	_ =	strace $0x8FFFFFFF  }
0x98: {  	s19 =	sld [smem:$0x3FDB];
	_ =	sdelay $0x1  }
0x99: {  	s4 =	simm.s32 $_scs_section_size  }
0x9a: {  	s5 =	simm.s32 $_size__tile_overlayer_lowered;
	s6 =	simm.s32 $_tile_overlayer_lowered  }
0x9b: {  	s22 =	simm.s32 $0x1BFF;
	s21 =	sshll.u32 s6, $0x1;
	s3 =	sadd.s32 s4, s19  }
0x9c: {  	s7 =	simm.s32 $0x0;
	s20 =	sshll.u32 s5, $0x1;
	s5 =	sadd.s32 s21, s3  }
0x9d: {  	[timem:s7], [sflag:s22] =	dma.local [hbm:s5], s20  }
0x9e: {  	_ =	swait.ge [sflag:s22], s20  }
0x9f: {  	s4 =	ssub.s32 $0x0, s20;
	[sflag:s22] =	ssyncset.done $0x0  }
0xa0: {  	[sflag:s22] =	ssyncadd.s32 s4;
	_ =	sdelay $0x1  }
0xa1: {  	s23 =	simm.s32 $0x1B8B  }
0xa2: {  	_ =	swait.ge [sflag:s23], $0x1  }
0xa3: {  	[sflag:s23] =	ssyncset.done $0x0  }
0xa4: {  	s25 =	simm.s32 $0x1B8E;
	s24 =	sld [smem:$0x3FFE];
	[sflag:s23] =	ssyncadd.s32 $0xFFFFFFFF  }
0xa5: {  	s26 =	simm.s32 $execute0_lowered;
	[smem:$0x3FD2] =	sst s25  }
0xa6: {  	s5 =	sshll.u32 s26, $0x1;
	_ =	strace $0x80000046;
	[dreg:$0x1] =	wrdreg $0xFFFFFFFF  }
0xa7: {  	s28 =	simm.s32 $_size_execute0_lowered;
	s3 =	sadd.s32 s3, s5;
	[dreg:$0x0] =	wrdreg $0x0  }
0xa8: {  	s5 =	sshll.u32 s28, $0x1;
	[dreg:$0x2] =	wrdreg s3  }
0xa9: {  	[dreg:$0x3] =	wrdreg s5  }
0xaa: {  	[dreg:$0x4] =	wrdreg $0xC0  }
0xab: {  	_ =	task [dreg:s7], $0x5FFFF  }
0xac: {  	[dreg:$0x1] =	wrdreg $0xFFFFFFFF  }
0xad: {  	[dreg:$0x0] =	wrdreg $0x60  }
0xae: {  	[dreg:$0x2] =	wrdreg s24  }
0xaf: {  	[dreg:$0x3] =	wrdreg s2  }
0xb0: {  	[dreg:$0x4] =	wrdreg $0x9  }
0xb1: {  	_ =	task.clear_ibuf [dreg:s7], $0x5FFFF;
	_ =	strace $0x90000046  }
0xb2: {  	s29 =	simm.s32 $0x9;
	_ =	strace $0x80000048  }
0xb3: {  	_ =	swait.ge [sflag:s29], $0x1  }
0xb4: {  	[sflag:s29] =	ssyncadd.s32 $0xFFFFFFFF  }
0xb5: {  	_ =	strace $0x90000048  }
0xb6: {  	_ =	sfence  }
0xb7: {  	s30 =	sld [smem:$0x0];
	_ =	sdelay $0x2  }
0xb8: {  	s31 =	sshll.u32 s1, $0xD;
	s1 =	sshrl.u32 s1, $0x2  }
0xb9: {  	s3 =	sand.u32 $0x4000, s31;
	s1 =	sadd.s32 s1, s30  }
0xba: {  	s0 =	sor.u32 s3, s0;
	s1 =	sshll.u32 s1, $0x11  }
0xbb: {  	s0 =	sor.u32 s1, s0  }
0xbc: {  	s0 =	sadd.s32 $0x8F2B, s0  }
0xbd: {  	[sflag:s0] =	ssyncadd.remote.s32 $0x1  }
0xbe: {  	_ =	sfence.sel $0xFFFF  }
0xbf: {  	[dreg:$0x0] =	wrdreg $0xFFFFFFFF;
	(pc) =	sbr.abs _section_cstart, $3  }
0xc0: {  	[dreg:$0x1] =	wrdreg $0xFFFFFFFF  }
0xc1: {  	_ =	task.clear_ibuf [dreg:s7], $0x2FFFF;
	_ =	strace $0x9FFFFFFF  }
0xc2: {  	(tm) =	ssettm $0x7FFFFFFF  }
0xc3: {  	_ =	shalt  }
tec
execute0_lowered:
.L_overlay_start_1:
0x0: {  	(tag) =	ssettag $0x1  }
0x1: {  	s1 =	srdreg.scid;
	s4 =	stileid.u32  }
0x2: {  	s1 =	sand.u32 $0x1, s1;
	s4 =	sshll.u32 s4, $0x1  }
0x3: {  	s0 =	rddreg [dreg:$0x0];
	s4 =	sor.u32 s1, s4  }
0x4: {  	s2 =	rddreg [dreg:$0x1];
	s5 =	sshll.u32 s4, $0x8  }
0x5: {  	s3 =	simm.s32 $0x0;
	s4 =	sshll.u32 s4, $0x10;
	s5 =	sadd.s32 s5, s0  }
0x6: {  	[smem:$0x7FF] =	sst s3;
	s0 =	sadd.s32 s4, s0;
	s16 =	sadd.s32 $0x400, s5  }
0x7: {  	_ =	strace $0x80000047;
	s17 =	sadd.s32 $0x2400, s0;
	[dreg:$0x3] =	wrdreg s16  }
0x8: {  	s18 =	sadd.s32 $0x2780, s0;
	[dreg:$0x4] =	wrdreg s17  }
0x9: {  	s19 =	sadd.s32 $0x3400, s0;
	[dreg:$0x5] =	wrdreg s18  }
0xa: {  	s20 =	sadd.s32 $0x3780, s0;
	[dreg:$0x6] =	wrdreg s19  }
0xb: {  	s21 =	sadd.s32 $0x4400, s0;
	[dreg:$0x7] =	wrdreg s20  }
0xc: {  	s22 =	sadd.s32 $0x4780, s0;
	[dreg:$0x8] =	wrdreg s21  }
0xd: {  	s23 =	sadd.s32 $0x5400, s0;
	[dreg:$0x9] =	wrdreg s22  }
0xe: {  	s24 =	sadd.s32 $0x5780, s0;
	[dreg:$0xa] =	wrdreg s23  }
0xf: {  	s25 =	sadd.s32 $0x6400, s0;
	[dreg:$0xb] =	wrdreg s24  }
0x10: {  	s1 =	ssub.s32 $0x2, s1;
	s26 =	sadd.s32 $0x6780, s0;
	[dreg:$0xc] =	wrdreg s25  }
0x11: {  	s6 =	sshrl.u32 s1, $0x1;
	s5 =	sadd.s32 $0x7400, s0;
	[dreg:$0xd] =	wrdreg s26  }
0x12: {  	s1 =	ssub.s32 s1, s6;
	s6 =	sadd.s32 $0x7780, s0;
	[dreg:$0xe] =	wrdreg s5  }
0x13: {  	s7 =	sadd.s32 $0x8400, s0;
	[dreg:$0xf] =	wrdreg s6  }
0x14: {  	s8 =	sadd.s32 $0x8780, s0;
	[dreg:$0x10] =	wrdreg s7  }
0x15: {  	s9 =	sadd.s32 $0x9400, s0;
	[dreg:$0x11] =	wrdreg s8  }
0x16: {  	s10 =	sadd.s32 $0x9780, s0;
	[dreg:$0x12] =	wrdreg s9  }
0x17: {  	s11 =	sadd.s32 $0xA400, s0;
	[dreg:$0x13] =	wrdreg s10  }
0x18: {  	s12 =	sadd.s32 $0xA780, s0;
	[dreg:$0x14] =	wrdreg s11  }
0x19: {  	s13 =	sadd.s32 $0xB400, s0;
	[dreg:$0x15] =	wrdreg s12  }
0x1a: {  	s14 =	sadd.s32 $0xB780, s0;
	[dreg:$0x16] =	wrdreg s13  }
0x1b: {  	s15 =	sadd.s32 $0xC400, s0;
	[dreg:$0x17] =	wrdreg s14  }
0x1c: {  	s29 =	simm.s32 $0x2000;
	[dreg:$0x18] =	wrdreg s15;
	s16 =	sadd.s32 $0xC780, s0  }
0x1d: {  	s31 =	simm.s32 $0x2800;
	s17 =	sadd.s32 $0xD400, s0;
	[dreg:$0x19] =	wrdreg s16  }
0x1e: {  	s28 =	simm.s32 $0x6;
	s18 =	sadd.s32 $0xD780, s0;
	[dreg:$0x1a] =	wrdreg s17  }
0x1f: {  	s30 =	simm.s32 $0x9;
	s19 =	sadd.s32 $0xE400, s0;
	[dreg:$0x1b] =	wrdreg s18  }
0x20: {  	s20 =	sadd.s32 $0xE780, s0;
	s21 =	sadd.s32 $0xF400, s0;
	[dreg:$0x1c] =	wrdreg s19  }
0x21: {  	s22 =	sadd.s32 $0xF780, s0;
	s23 =	sadd.s32 $0x10400, s0;
	[dreg:$0x1d] =	wrdreg s20  }
0x22: {  	s24 =	sadd.s32 $0x10780, s0;
	s25 =	sadd.s32 $0x11400, s0;
	[dreg:$0x1e] =	wrdreg s21  }
0x23: {  	s0 =	sadd.s32 $0x11780, s0;
	s26 =	smax.u32 s1, $0x1;
	[dreg:$0x1f] =	wrdreg s22  }
0x24: {  	s14 =	sadd.s32 $0x100, s2;
	s12 =	simm.s32 $0x4800;
	[smem:$0x7F9] =	sst s23  }
0x25: {  	v0 =	vimm.s32 $0xFEDCBA98;
	s1 =	simm.s32 $0x6800;
	s5 =	simm.s32 $0x12800;
	[smem:$0x7FA] =	sst s24  }
0x26: {  	v1 =	vimm.s32 $0x76543210;
	v0 =	vunpack.c.l.s4.s8 v0;
	s7 =	simm.s32 $0x14800;
	s9 =	simm.s32 $0x16800;
	[smem:$0x7FB] =	sst s25  }
0x27: {  	v1 =	vunpack.c.l.s4.s8 v1;
	s11 =	simm.s32 $0x1;
	s13 =	simm.s32 $0x400;
	[smem:$0x7FC] =	sst s0  }
0x28: {  	v2 =	vlaneseq.u32;
	v3 =	vunpack.c.0.s8.s32 v0;
	s15 =	simm.s32 $0x4;
	[smem:$0x7FD] =	sst s26;
	s16 =	sadd.s32 $0x200, s2  }
0x29: {  	vm0 =	vmmov $0xffff;
	vm1 =	vmmov $0xff;
	v5 =	vunpack.c.0.s8.s32 v1;
	s18 =	sadd.s32 $0x300, s2;
	s22 =	simm.s32 $0x800;
	s20 =	simm.s32 $0x10800  }
0x2a: {  	v4 =	vshrl.u32 v2, $0x3;
	v0 =	vand.u32 $0x7, v2;
	v3 =	vand.u32 $0xF, v3;
	s17 =	simm.s32 $0x7;
	s19 =	simm.s32 $0x2;
	s21 =	simm.s32 $0x5  }
0x2b: {  	v1 =	vmul.u32 $0x8, v4;
	v2 =	vor.u32 $0x8, v2;
	v3 =	vcombine.low v3, v5;
	s23 =	simm.s32 $0x8;
	s25 =	simm.s32 $0x3;
	s0 =	simm.s32 $0x0  }
.LBB2_1:
0x2c: {  	s4 =	rddreg [dreg:$0x3];
	s26 =	simm.s32 $0xA  }
0x2d: {  	[tilespmem:s3], [sflag:$0xA] =	stream.linear.gather [hbm4b:s4+s3], $0x800, $0x38;
	[tilespmem:$0x1B800] =	vst v63  }
0x2e: {  	_ =	swait.ge [sflag:s26], $0x800  }
0x2f: {  	[sflag:s26] =	ssyncset.done $0x0  }
0x30: {  	[sflag:s26] =	ssyncadd.s32 $0xFFFFF800  }
0x31: {  	v4 =	vld [tilespmem:$0x0];
	_ =	sdelay $0x4  }
0x32: {  	v5 =	vshll.u32 v4, $0x3  }
0x33: {  	v4 =	vand.u32 $0x7, v4;
	v5 =	vand.u32 $0xFFFFFFC0, v5  }
0x34: {  	v4 =	vor.u32 v4, v5  }
0x35: {  	v5 =	vperm.xlane v4, v0;
	_ =	sdelay $0x1  }
0x36: {  	v5 =	vadd.s32 v1, v5;
	_ =	sdelay $0x4  }
0x37: {  	[tilespmem:s22], [sflag:$0x1] =	stream.indirect_vreg.gather [hbm4b:s2+s3], $0x80, v5, vm0, $0xb8;
	[tilespmem:$0x1B800] =	vst v63  }
0x38: {  	s6 =	simm.s32 $0x1000;
	v4 =	vperm.xlane v4, v2  }
0x39: {  	[tilespmem:s6], [sflag:$0x1] =	stream.indirect_vreg.gather [hbm4b:s14+s3], $0x80, v5, vm0, $0xb8;
	[tilespmem:$0x1B800] =	vst v63  }
0x3a: {  	s8 =	simm.s32 $0x1800;
	v4 =	vadd.s32 v1, v4  }
0x3b: {  	[tilespmem:s8], [sflag:$0x1] =	stream.indirect_vreg.gather [hbm4b:s16+s3], $0x80, v5, vm0, $0xb8;
	[tilespmem:$0x1B800] =	vst v63  }
0x3c: {  	_ = 	snop  }
0x3d: {  	[tilespmem:s29], [sflag:$0x1] =	stream.indirect_vreg.gather [hbm4b:s18+s3], $0x80, v5, vm0, $0xb8;
	[tilespmem:$0x1B800] =	vst v63  }
0x3e: {  	_ = 	snop  }
0x3f: {  	[tilespmem:s31], [sflag:$0x1] =	stream.indirect_vreg.gather [hbm4b:s2+s3], $0x80, v4, vm0, $0xb8;
	[tilespmem:$0x1B800] =	vst v63  }
0x40: {  	s10 =	simm.s32 $0x3000  }
0x41: {  	[tilespmem:s10], [sflag:$0x1] =	stream.indirect_vreg.gather [hbm4b:s14+s3], $0x80, v4, vm0, $0xb8;
	[tilespmem:$0x1B800] =	vst v63  }
0x42: {  	s24 =	simm.s32 $0x3800  }
0x43: {  	[tilespmem:s24], [sflag:$0x1] =	stream.indirect_vreg.gather [hbm4b:s16+s3], $0x80, v4, vm0, $0xb8;
	[tilespmem:$0x1B800] =	vst v63  }
0x44: {  	s26 =	simm.s32 $0x4000  }
0x45: {  	[tilespmem:s26], [sflag:$0x1] =	stream.indirect_vreg.gather [hbm4b:s18+s3], $0x80, v4, vm0, $0xb8;
	[tilespmem:$0x1B800] =	vst v63  }
0x46: {  	v4 =	vld [tilespmem:$0x10];
	_ =	sdelay $0x4  }
0x47: {  	v5 =	vshll.u32 v4, $0x3  }
0x48: {  	v4 =	vand.u32 $0x7, v4;
	v5 =	vand.u32 $0xFFFFFFC0, v5  }
0x49: {  	v4 =	vor.u32 v4, v5  }
0x4a: {  	v5 =	vperm.xlane v4, v0;
	_ =	sdelay $0x1  }
0x4b: {  	v5 =	vadd.s32 v1, v5;
	_ =	sdelay $0x4  }
0x4c: {  	[tilespmem:s12], [sflag:$0x1] =	stream.indirect_vreg.gather [hbm4b:s2+s3], $0x80, v5, vm0, $0xb8;
	[tilespmem:$0x1B800] =	vst v63  }
0x4d: {  	s6 =	simm.s32 $0x5000;
	v4 =	vperm.xlane v4, v2  }
0x4e: {  	[tilespmem:s6], [sflag:$0x1] =	stream.indirect_vreg.gather [hbm4b:s14+s3], $0x80, v5, vm0, $0xb8;
	[tilespmem:$0x1B800] =	vst v63  }
0x4f: {  	s8 =	simm.s32 $0x5800;
	v4 =	vadd.s32 v1, v4  }
0x50: {  	[tilespmem:s8], [sflag:$0x1] =	stream.indirect_vreg.gather [hbm4b:s16+s3], $0x80, v5, vm0, $0xb8;
	[tilespmem:$0x1B800] =	vst v63  }
0x51: {  	s10 =	simm.s32 $0x6000  }
0x52: {  	[tilespmem:s10], [sflag:$0x1] =	stream.indirect_vreg.gather [hbm4b:s18+s3], $0x80, v5, vm0, $0xb8;
	[tilespmem:$0x1B800] =	vst v63  }
0x53: {  	_ = 	snop  }
0x54: {  	[tilespmem:s1], [sflag:$0x1] =	stream.indirect_vreg.gather [hbm4b:s2+s3], $0x80, v4, vm0, $0xb8;
	[tilespmem:$0x1B800] =	vst v63  }
0x55: {  	s24 =	simm.s32 $0x7000  }
0x56: {  	[tilespmem:s24], [sflag:$0x1] =	stream.indirect_vreg.gather [hbm4b:s14+s3], $0x80, v4, vm0, $0xb8;
	[tilespmem:$0x1B800] =	vst v63  }
0x57: {  	s26 =	simm.s32 $0x7800  }
0x58: {  	[tilespmem:s26], [sflag:$0x1] =	stream.indirect_vreg.gather [hbm4b:s16+s3], $0x80, v4, vm0, $0xb8;
	[tilespmem:$0x1B800] =	vst v63  }
0x59: {  	s6 =	simm.s32 $0x8000  }
0x5a: {  	[tilespmem:s6], [sflag:$0x1] =	stream.indirect_vreg.gather [hbm4b:s18+s3], $0x80, v4, vm0, $0xb8;
	[tilespmem:$0x1B800] =	vst v63  }
0x5b: {  	v4 =	vld [tilespmem:$0x80];
	_ =	sdelay $0x4  }
0x5c: {  	v5 =	vshll.u32 v4, $0x3  }
0x5d: {  	v4 =	vand.u32 $0x7, v4;
	v5 =	vand.u32 $0xFFFFFFC0, v5  }
0x5e: {  	v4 =	vor.u32 v4, v5  }
0x5f: {  	v5 =	vperm.xlane v4, v0;
	_ =	sdelay $0x1  }
0x60: {  	v5 =	vadd.s32 v1, v5;
	_ =	sdelay $0x3  }
0x61: {  	s8 =	simm.s32 $0x8800  }
0x62: {  	[tilespmem:s8], [sflag:$0x2] =	stream.indirect_vreg.gather [hbm4b:s2+s3], $0x80, v5, vm0, $0xb8;
	[tilespmem:$0x1B800] =	vst v63  }
0x63: {  	s10 =	simm.s32 $0x9000;
	v4 =	vperm.xlane v4, v2  }
0x64: {  	[tilespmem:s10], [sflag:$0x2] =	stream.indirect_vreg.gather [hbm4b:s14+s3], $0x80, v5, vm0, $0xb8;
	[tilespmem:$0x1B800] =	vst v63  }
0x65: {  	s24 =	simm.s32 $0x9800;
	v4 =	vadd.s32 v1, v4  }
0x66: {  	[tilespmem:s24], [sflag:$0x2] =	stream.indirect_vreg.gather [hbm4b:s16+s3], $0x80, v5, vm0, $0xb8;
	[tilespmem:$0x1B800] =	vst v63  }
0x67: {  	s26 =	simm.s32 $0xA000  }
0x68: {  	[tilespmem:s26], [sflag:$0x2] =	stream.indirect_vreg.gather [hbm4b:s18+s3], $0x80, v5, vm0, $0xb8;
	[tilespmem:$0x1B800] =	vst v63  }
0x69: {  	s6 =	simm.s32 $0xA800  }
0x6a: {  	[tilespmem:s6], [sflag:$0x2] =	stream.indirect_vreg.gather [hbm4b:s2+s3], $0x80, v4, vm0, $0xb8;
	[tilespmem:$0x1B800] =	vst v63  }
0x6b: {  	s8 =	simm.s32 $0xB000  }
0x6c: {  	[tilespmem:s8], [sflag:$0x2] =	stream.indirect_vreg.gather [hbm4b:s14+s3], $0x80, v4, vm0, $0xb8;
	[tilespmem:$0x1B800] =	vst v63  }
0x6d: {  	s10 =	simm.s32 $0xB800  }
0x6e: {  	[tilespmem:s10], [sflag:$0x2] =	stream.indirect_vreg.gather [hbm4b:s16+s3], $0x80, v4, vm0, $0xb8;
	[tilespmem:$0x1B800] =	vst v63  }
0x6f: {  	s24 =	simm.s32 $0xC000  }
0x70: {  	[tilespmem:s24], [sflag:$0x2] =	stream.indirect_vreg.gather [hbm4b:s18+s3], $0x80, v4, vm0, $0xb8;
	[tilespmem:$0x1B800] =	vst v63  }
0x71: {  	v4 =	vld [tilespmem:$0x90];
	_ =	sdelay $0x4  }
0x72: {  	v5 =	vshll.u32 v4, $0x3  }
0x73: {  	v4 =	vand.u32 $0x7, v4;
	v5 =	vand.u32 $0xFFFFFFC0, v5  }
0x74: {  	v4 =	vor.u32 v4, v5  }
0x75: {  	v5 =	vperm.xlane v4, v0;
	_ =	sdelay $0x1  }
0x76: {  	v5 =	vadd.s32 v1, v5;
	_ =	sdelay $0x3  }
0x77: {  	s26 =	simm.s32 $0xC800  }
0x78: {  	[tilespmem:s26], [sflag:$0x2] =	stream.indirect_vreg.gather [hbm4b:s2+s3], $0x80, v5, vm0, $0xb8;
	[tilespmem:$0x1B800] =	vst v63  }
0x79: {  	s6 =	simm.s32 $0xD000;
	v4 =	vperm.xlane v4, v2  }
0x7a: {  	[tilespmem:s6], [sflag:$0x2] =	stream.indirect_vreg.gather [hbm4b:s14+s3], $0x80, v5, vm0, $0xb8;
	[tilespmem:$0x1B800] =	vst v63  }
0x7b: {  	s8 =	simm.s32 $0xD800;
	v4 =	vadd.s32 v1, v4  }
0x7c: {  	[tilespmem:s8], [sflag:$0x2] =	stream.indirect_vreg.gather [hbm4b:s16+s3], $0x80, v5, vm0, $0xb8;
	[tilespmem:$0x1B800] =	vst v63  }
0x7d: {  	s10 =	simm.s32 $0xE000  }
0x7e: {  	[tilespmem:s10], [sflag:$0x2] =	stream.indirect_vreg.gather [hbm4b:s18+s3], $0x80, v5, vm0, $0xb8;
	[tilespmem:$0x1B800] =	vst v63  }
0x7f: {  	s24 =	simm.s32 $0xE800  }
0x80: {  	[tilespmem:s24], [sflag:$0x2] =	stream.indirect_vreg.gather [hbm4b:s2+s3], $0x80, v4, vm0, $0xb8;
	[tilespmem:$0x1B800] =	vst v63  }
0x81: {  	s26 =	simm.s32 $0xF000  }
0x82: {  	[tilespmem:s26], [sflag:$0x2] =	stream.indirect_vreg.gather [hbm4b:s14+s3], $0x80, v4, vm0, $0xb8;
	[tilespmem:$0x1B800] =	vst v63  }
0x83: {  	s6 =	simm.s32 $0xF800  }
0x84: {  	[tilespmem:s6], [sflag:$0x2] =	stream.indirect_vreg.gather [hbm4b:s16+s3], $0x80, v4, vm0, $0xb8;
	[tilespmem:$0x1B800] =	vst v63  }
0x85: {  	s8 =	simm.s32 $0x10000  }
0x86: {  	[tilespmem:s8], [sflag:$0x2] =	stream.indirect_vreg.gather [hbm4b:s18+s3], $0x80, v4, vm0, $0xb8;
	[tilespmem:$0x1B800] =	vst v63  }
0x87: {  	v4 =	vld [tilespmem:$0x100];
	_ =	sdelay $0x4  }
0x88: {  	v5 =	vshll.u32 v4, $0x3  }
0x89: {  	v4 =	vand.u32 $0x7, v4;
	v5 =	vand.u32 $0xFFFFFFC0, v5  }
0x8a: {  	v4 =	vor.u32 v4, v5  }
0x8b: {  	v5 =	vperm.xlane v4, v0;
	_ =	sdelay $0x1  }
0x8c: {  	v5 =	vadd.s32 v1, v5;
	_ =	sdelay $0x4  }
0x8d: {  	[tilespmem:s20], [sflag:$0x3] =	stream.indirect_vreg.gather [hbm4b:s2+s3], $0x80, v5, vm0, $0xb8;
	[tilespmem:$0x1B800] =	vst v63  }
0x8e: {  	s10 =	simm.s32 $0x11000;
	v4 =	vperm.xlane v4, v2  }
0x8f: {  	[tilespmem:s10], [sflag:$0x3] =	stream.indirect_vreg.gather [hbm4b:s14+s3], $0x80, v5, vm0, $0xb8;
	[tilespmem:$0x1B800] =	vst v63  }
0x90: {  	s24 =	simm.s32 $0x11800;
	v4 =	vadd.s32 v1, v4  }
0x91: {  	[tilespmem:s24], [sflag:$0x3] =	stream.indirect_vreg.gather [hbm4b:s16+s3], $0x80, v5, vm0, $0xb8;
	[tilespmem:$0x1B800] =	vst v63  }
0x92: {  	s26 =	simm.s32 $0x12000  }
0x93: {  	[tilespmem:s26], [sflag:$0x3] =	stream.indirect_vreg.gather [hbm4b:s18+s3], $0x80, v5, vm0, $0xb8;
	[tilespmem:$0x1B800] =	vst v63  }
0x94: {  	_ = 	snop  }
0x95: {  	[tilespmem:s5], [sflag:$0x3] =	stream.indirect_vreg.gather [hbm4b:s2+s3], $0x80, v4, vm0, $0xb8;
	[tilespmem:$0x1B800] =	vst v63  }
0x96: {  	s6 =	simm.s32 $0x13000  }
0x97: {  	[tilespmem:s6], [sflag:$0x3] =	stream.indirect_vreg.gather [hbm4b:s14+s3], $0x80, v4, vm0, $0xb8;
	[tilespmem:$0x1B800] =	vst v63  }
0x98: {  	s8 =	simm.s32 $0x13800  }
0x99: {  	[tilespmem:s8], [sflag:$0x3] =	stream.indirect_vreg.gather [hbm4b:s16+s3], $0x80, v4, vm0, $0xb8;
	[tilespmem:$0x1B800] =	vst v63  }
0x9a: {  	s10 =	simm.s32 $0x14000  }
0x9b: {  	[tilespmem:s10], [sflag:$0x3] =	stream.indirect_vreg.gather [hbm4b:s18+s3], $0x80, v4, vm0, $0xb8;
	[tilespmem:$0x1B800] =	vst v63  }
0x9c: {  	v4 =	vld [tilespmem:$0x110];
	_ =	sdelay $0x4  }
0x9d: {  	v5 =	vshll.u32 v4, $0x3  }
0x9e: {  	v4 =	vand.u32 $0x7, v4;
	v5 =	vand.u32 $0xFFFFFFC0, v5  }
0x9f: {  	v4 =	vor.u32 v4, v5  }
0xa0: {  	v5 =	vperm.xlane v4, v0;
	_ =	sdelay $0x1  }
0xa1: {  	v5 =	vadd.s32 v1, v5;
	_ =	sdelay $0x4  }
0xa2: {  	[tilespmem:s7], [sflag:$0x3] =	stream.indirect_vreg.gather [hbm4b:s2+s3], $0x80, v5, vm0, $0xb8;
	[tilespmem:$0x1B800] =	vst v63  }
0xa3: {  	s24 =	simm.s32 $0x15000;
	v4 =	vperm.xlane v4, v2  }
0xa4: {  	[tilespmem:s24], [sflag:$0x3] =	stream.indirect_vreg.gather [hbm4b:s14+s3], $0x80, v5, vm0, $0xb8;
	[tilespmem:$0x1B800] =	vst v63  }
0xa5: {  	s26 =	simm.s32 $0x15800;
	v4 =	vadd.s32 v1, v4  }
0xa6: {  	[tilespmem:s26], [sflag:$0x3] =	stream.indirect_vreg.gather [hbm4b:s16+s3], $0x80, v5, vm0, $0xb8;
	[tilespmem:$0x1B800] =	vst v63  }
0xa7: {  	s6 =	simm.s32 $0x16000  }
0xa8: {  	[tilespmem:s6], [sflag:$0x3] =	stream.indirect_vreg.gather [hbm4b:s18+s3], $0x80, v5, vm0, $0xb8;
	[tilespmem:$0x1B800] =	vst v63  }
0xa9: {  	_ = 	snop  }
0xaa: {  	[tilespmem:s9], [sflag:$0x3] =	stream.indirect_vreg.gather [hbm4b:s2+s3], $0x80, v4, vm0, $0xb8;
	[tilespmem:$0x1B800] =	vst v63  }
0xab: {  	s8 =	simm.s32 $0x17000  }
0xac: {  	[tilespmem:s8], [sflag:$0x3] =	stream.indirect_vreg.gather [hbm4b:s14+s3], $0x80, v4, vm0, $0xb8;
	[tilespmem:$0x1B800] =	vst v63  }
0xad: {  	s10 =	simm.s32 $0x17800  }
0xae: {  	[tilespmem:s10], [sflag:$0x3] =	stream.indirect_vreg.gather [hbm4b:s16+s3], $0x80, v4, vm0, $0xb8;
	[tilespmem:$0x1B800] =	vst v63  }
0xaf: {  	s24 =	simm.s32 $0x18000  }
0xb0: {  	[tilespmem:s24], [sflag:$0x3] =	stream.indirect_vreg.gather [hbm4b:s18+s3], $0x80, v4, vm0, $0xb8;
	[tilespmem:$0x1B800] =	vst v63  }
0xb1: {  	_ =	swait.ge [sflag:s11], $0x8000  }
0xb2: {  	[sflag:s11] =	ssyncset.done $0x0  }
0xb3: {  	s24 =	sand.u32 $0x7, s3;
	s6 =	rddreg [dreg:$0x4];
	[sflag:s11] =	ssyncadd.s32 $0xFFFF8000  }
0xb4: {  	[hbm4b:s6+s3] =	stream.linear.scatter [tilespmem:s22], [sflag:$0x4], $0x1C00, $0x38;
	[tilespmem:$0x1B800] =	vst v63  }
0xb5: {  	s4 =	sshll.u32 s24, $0x7;
	s26 =	sadd.s32 $0x400, s6  }
0xb6: {  	[hbm4b:s26+s3] =	stream.linear.scatter [tilespmem:s31], [sflag:$0x4], $0x1C00, $0x38;
	[tilespmem:$0x1B800] =	vst v63  }
0xb7: {  	s8 =	sadd.s32 $0x800, s6;
	s10 =	sadd.s32 $0xC00, s6;
	s6 =	sadd.s32 $0x0, s4  }
0xb8: {  	[hbm4b:s8+s3] =	stream.linear.scatter [tilespmem:s12], [sflag:$0x4], $0x1C00, $0x38;
	[tilespmem:$0x1B800] =	vst v63  }
0xb9: {  	s4 =	sor.u32 $0x1C00, s6  }
0xba: {  	[hbm4b:s10+s3] =	stream.linear.scatter [tilespmem:s1], [sflag:$0x4], $0x1C00, $0x38;
	[tilespmem:$0x1B800] =	vst v63  }
0xbb: {  	v4 =	vld [tilespmem:s4+$0x800];
	_ =	sdelay $0x3  }
0xbc: {  	s4 =	simm.s32 $0x18830  }
0xbd: {  	s8 =	sor.u32 $0x1C10, s6;
	[tilespmem:s4+$0xFFFFFFD0] =	vst v4  }
0xbe: {  	v4 =	vld [tilespmem:s8+$0x800];
	_ =	sdelay $0x4  }
0xbf: {  	s26 =	sor.u32 $0x1C20, s6;
	[tilespmem:s4+$0xFFFFFFE0] =	vst v4  }
0xc0: {  	v4 =	vld [tilespmem:s26+$0x800];
	_ =	sdelay $0x4  }
0xc1: {  	s10 =	sor.u32 $0x1C30, s6;
	[tilespmem:s4+$0xFFFFFFF0] =	vst v4  }
0xc2: {  	v4 =	vld [tilespmem:s10+$0x800];
	_ =	sdelay $0x4  }
0xc3: {  	s24 =	sor.u32 $0x1C40, s6;
	[tilespmem:s4+$0x0] =	vst v4  }
0xc4: {  	v4 =	vld [tilespmem:s24+$0x800];
	_ =	sdelay $0x4  }
0xc5: {  	s26 =	sor.u32 $0x1C50, s6;
	[tilespmem:s4+$0x10] =	vst v4  }
0xc6: {  	v4 =	vld [tilespmem:s26+$0x800];
	_ =	sdelay $0x4  }
0xc7: {  	s6 =	sor.u32 $0x1C60, s6;
	[tilespmem:s4+$0x20] =	vst v4  }
0xc8: {  	v5 =	vld.msk [tilespmem:s6+$0x800], $0xff;
	_ =	sdelay $0x3  }
0xc9: {  	s8 =	simm.s32 $0x1  }
0xca: {  	s24 =	simm.s32 $0x0;
	s26 =	simm.s32 $0x100;
	v4 =	vperm.xlane v4, v3;
	s6 =	sand.u32 $0x7, s8;
	v5 =	vperm.xlane v5, v3  }
.LBB2_2:
0xcb: {  	p0 =	sne.s32 s26, $0xF80;
	s6 =	sshll.u32 s6, $0x7;
	s24 =	sadd.s32 $0x400, s24  }
0xcc: {  	s6 =	sadd.s32 s6, s24;
	v4 =	vsel vm1, v4, v5  }
0xcd: {  	s10 =	sor.u32 $0x1C00, s6;
	[tilespmem:s4+$0x28] =	vst v4  }
0xce: {  	v4 =	vld [tilespmem:s10+$0x800];
	_ =	sdelay $0x3  }
0xcf: {  	s4 =	sadd.s32 $0x80, s4  }
0xd0: {  	s10 =	sor.u32 $0x1C10, s6;
	[tilespmem:s4+$0xFFFFFFD0] =	vst v4  }
0xd1: {  	v4 =	vld [tilespmem:s10+$0x800];
	_ =	sdelay $0x4  }
0xd2: {  	s10 =	sor.u32 $0x1C20, s6;
	[tilespmem:s4+$0xFFFFFFE0] =	vst v4  }
0xd3: {  	v4 =	vld [tilespmem:s10+$0x800];
	_ =	sdelay $0x4  }
0xd4: {  	s10 =	sor.u32 $0x1C30, s6;
	[tilespmem:s4+$0xFFFFFFF0] =	vst v4  }
0xd5: {  	v4 =	vld [tilespmem:s10+$0x800];
	_ =	sdelay $0x4  }
0xd6: {  	s10 =	sor.u32 $0x1C40, s6;
	[tilespmem:s4+$0x0] =	vst v4  }
0xd7: {  	v4 =	vld [tilespmem:s10+$0x800];
	_ =	sdelay $0x4  }
0xd8: {  	s10 =	sor.u32 $0x1C50, s6;
	[tilespmem:s4+$0x10] =	vst v4  }
0xd9: {  	v4 =	vld [tilespmem:s10+$0x800];
	_ =	sdelay $0x4  }
0xda: {  	s6 =	sor.u32 $0x1C60, s6;
	[tilespmem:s4+$0x20] =	vst v4;
	v4 =	vperm.xlane v4, v3  }
0xdb: {  	v5 =	vld.msk [tilespmem:s6+$0x800], $0xff  }
.Ltmp0:
0xdc: {  	(pc) =	sbr.rel @p0 .LBB2_2-.Ltmp0, $3  }
0xdd: {  	_ =	sdelay $0x1  }
0xde: {  	s8 =	sadd.s32 $0x1, s8  }
0xdf: {  	s26 =	sadd.s32 $0x80, s26;
	s6 =	sand.u32 $0x7, s8;
	v5 =	vperm.xlane v5, v3  }
0xe0: {  	s6 =	sshll.u32 s6, $0x7;
	s8 =	sadd.s32 $0x400, s24  }
0xe1: {  	s6 =	sadd.s32 s6, s8;
	v4 =	vsel vm1, v4, v5  }
0xe2: {  	s8 =	sor.u32 $0x1C00, s6;
	[tilespmem:s4+$0x28] =	vst v4  }
0xe3: {  	v4 =	vld [tilespmem:s8+$0x800];
	_ =	sdelay $0x3  }
0xe4: {  	s4 =	sadd.s32 $0x80, s4  }
0xe5: {  	s24 =	sor.u32 $0x1C10, s6;
	[tilespmem:s4+$0xFFFFFFD0] =	vst v4  }
0xe6: {  	v4 =	vld [tilespmem:s24+$0x800];
	_ =	sdelay $0x4  }
0xe7: {  	s26 =	sor.u32 $0x1C20, s6;
	[tilespmem:s4+$0xFFFFFFE0] =	vst v4  }
0xe8: {  	v4 =	vld [tilespmem:s26+$0x800];
	_ =	sdelay $0x4  }
0xe9: {  	s10 =	sor.u32 $0x1C30, s6;
	[tilespmem:s4+$0xFFFFFFF0] =	vst v4  }
0xea: {  	v4 =	vld [tilespmem:s10+$0x800];
	_ =	sdelay $0x4  }
0xeb: {  	s24 =	sor.u32 $0x1C40, s6;
	[tilespmem:s4+$0x0] =	vst v4  }
0xec: {  	v4 =	vld [tilespmem:s24+$0x800];
	_ =	sdelay $0x4  }
0xed: {  	s26 =	sor.u32 $0x1C50, s6;
	[tilespmem:s4+$0x10] =	vst v4  }
0xee: {  	v4 =	vld [tilespmem:s26+$0x800];
	_ =	sdelay $0x4  }
0xef: {  	s6 =	sor.u32 $0x1C60, s6;
	[tilespmem:s4+$0x20] =	vst v4  }
0xf0: {  	v5 =	vld.msk [tilespmem:s6+$0x800], $0xff;
	_ =	sdelay $0x4  }
0xf1: {  	v4 =	vperm.xlane v4, v3;
	v5 =	vperm.xlane v5, v3;
	_ =	sdelay $0x1  }
0xf2: {  	v4 =	vsel vm1, v4, v5  }
0xf3: {  	s10 =	rddreg [dreg:$0x5];
	s24 =	simm.s32 $0x18800;
	[tilespmem:s4+$0x28] =	vst v4  }
0xf4: {  	[hbm4b:s10+s13] =	stream.strided.scatter [tilespmem:s24], [sflag:$0x7], $0x1000, s29, s13, $0x38;
	[tilespmem:$0x1B800] =	vst v63  }
0xf5: {  	_ =	swait.ge [sflag:s15], $0x7000  }
0xf6: {  	[sflag:s15] =	ssyncset.done $0x0  }
0xf7: {  	[sflag:s15] =	ssyncadd.s32 $0xFFFF9000  }
0xf8: {  	_ =	swait.ge [sflag:s17], $0x1000  }
0xf9: {  	[sflag:s17] =	ssyncset.done $0x0  }
0xfa: {  	[sflag:s17] =	ssyncadd.s32 $0xFFFFF000  }
0xfb: {  	v4 =	vld [tilespmem:$0x180];
	_ =	sdelay $0x4  }
0xfc: {  	v5 =	vshll.u32 v4, $0x3  }
0xfd: {  	v4 =	vand.u32 $0x7, v4;
	v5 =	vand.u32 $0xFFFFFFC0, v5  }
0xfe: {  	v4 =	vor.u32 v4, v5  }
0xff: {  	v5 =	vperm.xlane v4, v0;
	_ =	sdelay $0x1  }
0x100: {  	v5 =	vadd.s32 v1, v5;
	_ =	sdelay $0x3  }
0x101: {  	s4 =	simm.s32 $0x0  }
0x102: {  	[tilespmem:s22], [sflag:$0x1] =	stream.indirect_vreg.gather [hbm4b:s2+s4], $0x80, v5, vm0, $0xb8;
	[tilespmem:$0x1B800] =	vst v63  }
0x103: {  	s26 =	simm.s32 $0x1000;
	v4 =	vperm.xlane v4, v2  }
0x104: {  	[tilespmem:s26], [sflag:$0x1] =	stream.indirect_vreg.gather [hbm4b:s14+s4], $0x80, v5, vm0, $0xb8;
	[tilespmem:$0x1B800] =	vst v63  }
0x105: {  	s8 =	simm.s32 $0x1800;
	v4 =	vadd.s32 v1, v4  }
0x106: {  	[tilespmem:s8], [sflag:$0x1] =	stream.indirect_vreg.gather [hbm4b:s16+s4], $0x80, v5, vm0, $0xb8;
	[tilespmem:$0x1B800] =	vst v63  }
0x107: {  	_ = 	snop  }
0x108: {  	[tilespmem:s29], [sflag:$0x1] =	stream.indirect_vreg.gather [hbm4b:s18+s4], $0x80, v5, vm0, $0xb8;
	[tilespmem:$0x1B800] =	vst v63  }
0x109: {  	_ = 	snop  }
0x10a: {  	[tilespmem:s31], [sflag:$0x1] =	stream.indirect_vreg.gather [hbm4b:s2+s4], $0x80, v4, vm0, $0xb8;
	[tilespmem:$0x1B800] =	vst v63  }
0x10b: {  	s10 =	simm.s32 $0x3000  }
0x10c: {  	[tilespmem:s10], [sflag:$0x1] =	stream.indirect_vreg.gather [hbm4b:s14+s4], $0x80, v4, vm0, $0xb8;
	[tilespmem:$0x1B800] =	vst v63  }
0x10d: {  	s24 =	simm.s32 $0x3800  }
0x10e: {  	[tilespmem:s24], [sflag:$0x1] =	stream.indirect_vreg.gather [hbm4b:s16+s4], $0x80, v4, vm0, $0xb8;
	[tilespmem:$0x1B800] =	vst v63  }
0x10f: {  	s26 =	simm.s32 $0x4000  }
0x110: {  	[tilespmem:s26], [sflag:$0x1] =	stream.indirect_vreg.gather [hbm4b:s18+s4], $0x80, v4, vm0, $0xb8;
	[tilespmem:$0x1B800] =	vst v63  }
0x111: {  	v4 =	vld [tilespmem:$0x190];
	_ =	sdelay $0x4  }
0x112: {  	v5 =	vshll.u32 v4, $0x3  }
0x113: {  	v4 =	vand.u32 $0x7, v4;
	v5 =	vand.u32 $0xFFFFFFC0, v5  }
0x114: {  	v4 =	vor.u32 v4, v5  }
0x115: {  	v5 =	vperm.xlane v4, v0;
	_ =	sdelay $0x1  }
0x116: {  	v5 =	vadd.s32 v1, v5;
	_ =	sdelay $0x4  }
0x117: {  	[tilespmem:s12], [sflag:$0x1] =	stream.indirect_vreg.gather [hbm4b:s2+s4], $0x80, v5, vm0, $0xb8;
	[tilespmem:$0x1B800] =	vst v63  }
0x118: {  	s8 =	simm.s32 $0x5000;
	v4 =	vperm.xlane v4, v2  }
0x119: {  	[tilespmem:s8], [sflag:$0x1] =	stream.indirect_vreg.gather [hbm4b:s14+s4], $0x80, v5, vm0, $0xb8;
	[tilespmem:$0x1B800] =	vst v63  }
0x11a: {  	s10 =	simm.s32 $0x5800;
	v4 =	vadd.s32 v1, v4  }
0x11b: {  	[tilespmem:s10], [sflag:$0x1] =	stream.indirect_vreg.gather [hbm4b:s16+s4], $0x80, v5, vm0, $0xb8;
	[tilespmem:$0x1B800] =	vst v63  }
0x11c: {  	s24 =	simm.s32 $0x6000  }
0x11d: {  	[tilespmem:s24], [sflag:$0x1] =	stream.indirect_vreg.gather [hbm4b:s18+s4], $0x80, v5, vm0, $0xb8;
	[tilespmem:$0x1B800] =	vst v63  }
0x11e: {  	_ = 	snop  }
0x11f: {  	[tilespmem:s1], [sflag:$0x1] =	stream.indirect_vreg.gather [hbm4b:s2+s4], $0x80, v4, vm0, $0xb8;
	[tilespmem:$0x1B800] =	vst v63  }
0x120: {  	s26 =	simm.s32 $0x7000  }
0x121: {  	[tilespmem:s26], [sflag:$0x1] =	stream.indirect_vreg.gather [hbm4b:s14+s4], $0x80, v4, vm0, $0xb8;
	[tilespmem:$0x1B800] =	vst v63  }
0x122: {  	s8 =	simm.s32 $0x7800  }
0x123: {  	[tilespmem:s8], [sflag:$0x1] =	stream.indirect_vreg.gather [hbm4b:s16+s4], $0x80, v4, vm0, $0xb8;
	[tilespmem:$0x1B800] =	vst v63  }
0x124: {  	s10 =	simm.s32 $0x8000  }
0x125: {  	[tilespmem:s10], [sflag:$0x1] =	stream.indirect_vreg.gather [hbm4b:s18+s4], $0x80, v4, vm0, $0xb8;
	[tilespmem:$0x1B800] =	vst v63  }
0x126: {  	_ =	swait.ge [sflag:s19], $0x8000  }
0x127: {  	[sflag:s19] =	ssyncset.done $0x0  }
0x128: {  	s24 =	simm.s32 $0x8800;
	s8 =	rddreg [dreg:$0x6];
	[sflag:s19] =	ssyncadd.s32 $0xFFFF8000  }
0x129: {  	[hbm4b:s8+s4] =	stream.linear.scatter [tilespmem:s24], [sflag:$0x5], $0x1C00, $0x38;
	[tilespmem:$0x1B800] =	vst v63  }
0x12a: {  	s10 =	simm.s32 $0xA800;
	s26 =	sadd.s32 $0x400, s8  }
0x12b: {  	[hbm4b:s26+s4] =	stream.linear.scatter [tilespmem:s10], [sflag:$0x5], $0x1C00, $0x38;
	[tilespmem:$0x1B800] =	vst v63  }
0x12c: {  	s24 =	sadd.s32 $0x800, s8;
	s26 =	simm.s32 $0xC800  }
0x12d: {  	[hbm4b:s24+s4] =	stream.linear.scatter [tilespmem:s26], [sflag:$0x5], $0x1C00, $0x38;
	[tilespmem:$0x1B800] =	vst v63  }
0x12e: {  	s8 =	sadd.s32 $0xC00, s8;
	s10 =	simm.s32 $0xE800  }
0x12f: {  	[hbm4b:s8+s4] =	stream.linear.scatter [tilespmem:s10], [sflag:$0x5], $0x1C00, $0x38;
	[tilespmem:$0x1B800] =	vst v63  }
0x130: {  	s4 =	sor.u32 s4, s4  }
0x131: {  	s24 =	sor.u32 $0x9C00, s4  }
0x132: {  	v4 =	vld [tilespmem:s24+$0x800];
	_ =	sdelay $0x3  }
0x133: {  	s4 =	simm.s32 $0x19858  }
0x134: {  	[tilespmem:s4+$0xFFFFFFA8] =	vst v4  }
0x135: {  	v4 =	vld [tilespmem:s24+$0x810];
	_ =	sdelay $0x4  }
0x136: {  	[tilespmem:s4+$0xFFFFFFB8] =	vst v4  }
0x137: {  	v4 =	vld [tilespmem:s24+$0x820];
	_ =	sdelay $0x4  }
0x138: {  	[tilespmem:s4+$0xFFFFFFC8] =	vst v4  }
0x139: {  	v4 =	vld [tilespmem:s24+$0x830];
	_ =	sdelay $0x4  }
0x13a: {  	[tilespmem:s4+$0xFFFFFFD8] =	vst v4  }
0x13b: {  	v4 =	vld [tilespmem:s24+$0x840];
	_ =	sdelay $0x4  }
0x13c: {  	[tilespmem:s4+$0xFFFFFFE8] =	vst v4  }
0x13d: {  	v4 =	vld [tilespmem:s24+$0x850];
	_ =	sdelay $0x4  }
0x13e: {  	[tilespmem:s4+$0xFFFFFFF8] =	vst v4  }
0x13f: {  	v5 =	vld.msk [tilespmem:s24+$0x860], $0xff;
	_ =	sdelay $0x4  }
0x140: {  	v4 =	vperm.xlane v4, v3;
	v5 =	vperm.xlane v5, v3  }
0x141: {  	s26 =	simm.s32 $0x400;
	s8 =	simm.s32 $0x80  }
0x142: {  	s6 =	sor.u32 s26, s8;
	s24 =	simm.s32 $0x800;
	v4 =	vsel vm1, v4, v5  }
.LBB2_4:
0x143: {  	p0 =	sne.s32 s24, $0x7C00;
	s6 =	sor.u32 $0x9C00, s6;
	[tilespmem:s4+$0x0] =	vst v4  }
0x144: {  	v4 =	vld [tilespmem:s6+$0x800];
	_ =	sdelay $0x3  }
0x145: {  	s4 =	sadd.s32 $0x80, s4  }
0x146: {  	[tilespmem:s4+$0xFFFFFFA8] =	vst v4  }
0x147: {  	v4 =	vld [tilespmem:s6+$0x810];
	_ =	sdelay $0x4  }
0x148: {  	[tilespmem:s4+$0xFFFFFFB8] =	vst v4  }
0x149: {  	v4 =	vld [tilespmem:s6+$0x820];
	_ =	sdelay $0x4  }
0x14a: {  	[tilespmem:s4+$0xFFFFFFC8] =	vst v4  }
0x14b: {  	v4 =	vld [tilespmem:s6+$0x830];
	_ =	sdelay $0x4  }
0x14c: {  	[tilespmem:s4+$0xFFFFFFD8] =	vst v4  }
0x14d: {  	v4 =	vld [tilespmem:s6+$0x840];
	_ =	sdelay $0x4  }
0x14e: {  	[tilespmem:s4+$0xFFFFFFE8] =	vst v4  }
0x14f: {  	v4 =	vld [tilespmem:s6+$0x850];
	_ =	sdelay $0x4  }
0x150: {  	[tilespmem:s4+$0xFFFFFFF8] =	vst v4;
	v4 =	vperm.xlane v4, v3  }
0x151: {  	v5 =	vld.msk [tilespmem:s6+$0x860], $0xff;
	_ =	sdelay $0x2  }
.Ltmp1:
0x152: {  	(pc) =	sbr.rel @p0 .LBB2_4-.Ltmp1, $4  }
0x153: {  	_ = 	snop  }
0x154: {  	v5 =	vperm.xlane v5, v3  }
0x155: {  	s8 =	sadd.s32 $0x80, s8  }
0x156: {  	s6 =	sor.u32 s24, s8;
	s24 =	sadd.s32 $0x400, s24;
	v4 =	vsel vm1, v4, v5  }
0x157: {  	s6 =	sor.u32 $0x9C00, s6;
	[tilespmem:s4+$0x0] =	vst v4  }
0x158: {  	v4 =	vld [tilespmem:s6+$0x800];
	_ =	sdelay $0x3  }
0x159: {  	s26 =	sadd.s32 $0x80, s4  }
0x15a: {  	[tilespmem:s26+$0xFFFFFFA8] =	vst v4  }
0x15b: {  	v4 =	vld [tilespmem:s6+$0x810];
	_ =	sdelay $0x4  }
0x15c: {  	[tilespmem:s26+$0xFFFFFFB8] =	vst v4  }
0x15d: {  	v4 =	vld [tilespmem:s6+$0x820];
	_ =	sdelay $0x4  }
0x15e: {  	[tilespmem:s26+$0xFFFFFFC8] =	vst v4  }
0x15f: {  	v4 =	vld [tilespmem:s6+$0x830];
	_ =	sdelay $0x4  }
0x160: {  	[tilespmem:s26+$0xFFFFFFD8] =	vst v4  }
0x161: {  	v4 =	vld [tilespmem:s6+$0x840];
	_ =	sdelay $0x4  }
0x162: {  	[tilespmem:s26+$0xFFFFFFE8] =	vst v4  }
0x163: {  	v4 =	vld [tilespmem:s6+$0x850];
	_ =	sdelay $0x4  }
0x164: {  	[tilespmem:s26+$0xFFFFFFF8] =	vst v4  }
0x165: {  	v5 =	vld.msk [tilespmem:s6+$0x860], $0xff;
	_ =	sdelay $0x4  }
0x166: {  	v4 =	vperm.xlane v4, v3;
	v5 =	vperm.xlane v5, v3;
	_ =	sdelay $0x1  }
0x167: {  	v4 =	vsel vm1, v4, v5  }
0x168: {  	s8 =	rddreg [dreg:$0x7];
	s10 =	simm.s32 $0x19800;
	[tilespmem:s26+$0x0] =	vst v4  }
0x169: {  	[hbm4b:s8+s13] =	stream.strided.scatter [tilespmem:s10], [sflag:$0x8], $0x1000, s29, s13, $0x38;
	[tilespmem:$0x1B800] =	vst v63  }
0x16a: {  	_ =	swait.ge [sflag:s21], $0x7000  }
0x16b: {  	[sflag:s21] =	ssyncset.done $0x0  }
0x16c: {  	[sflag:s21] =	ssyncadd.s32 $0xFFFF9000  }
0x16d: {  	_ =	swait.ge [sflag:s23], $0x1000  }
0x16e: {  	[sflag:s23] =	ssyncset.done $0x0  }
0x16f: {  	[sflag:s23] =	ssyncadd.s32 $0xFFFFF000  }
0x170: {  	v4 =	vld [tilespmem:$0x200];
	_ =	sdelay $0x4  }
0x171: {  	v5 =	vshll.u32 v4, $0x3  }
0x172: {  	v4 =	vand.u32 $0x7, v4;
	v5 =	vand.u32 $0xFFFFFFC0, v5  }
0x173: {  	v4 =	vor.u32 v4, v5  }
0x174: {  	v5 =	vperm.xlane v4, v0;
	_ =	sdelay $0x1  }
0x175: {  	v5 =	vadd.s32 v1, v5;
	_ =	sdelay $0x3  }
0x176: {  	s4 =	simm.s32 $0x0;
	s24 =	simm.s32 $0x8800  }
0x177: {  	[tilespmem:s24], [sflag:$0x2] =	stream.indirect_vreg.gather [hbm4b:s2+s4], $0x80, v5, vm0, $0xb8;
	[tilespmem:$0x1B800] =	vst v63  }
0x178: {  	s26 =	simm.s32 $0x9000;
	v4 =	vperm.xlane v4, v2  }
0x179: {  	[tilespmem:s26], [sflag:$0x2] =	stream.indirect_vreg.gather [hbm4b:s14+s4], $0x80, v5, vm0, $0xb8;
	[tilespmem:$0x1B800] =	vst v63  }
0x17a: {  	s8 =	simm.s32 $0x9800;
	v4 =	vadd.s32 v1, v4  }
0x17b: {  	[tilespmem:s8], [sflag:$0x2] =	stream.indirect_vreg.gather [hbm4b:s16+s4], $0x80, v5, vm0, $0xb8;
	[tilespmem:$0x1B800] =	vst v63  }
0x17c: {  	s10 =	simm.s32 $0xA000  }
0x17d: {  	[tilespmem:s10], [sflag:$0x2] =	stream.indirect_vreg.gather [hbm4b:s18+s4], $0x80, v5, vm0, $0xb8;
	[tilespmem:$0x1B800] =	vst v63  }
0x17e: {  	s24 =	simm.s32 $0xA800  }
0x17f: {  	[tilespmem:s24], [sflag:$0x2] =	stream.indirect_vreg.gather [hbm4b:s2+s4], $0x80, v4, vm0, $0xb8;
	[tilespmem:$0x1B800] =	vst v63  }
0x180: {  	s26 =	simm.s32 $0xB000  }
0x181: {  	[tilespmem:s26], [sflag:$0x2] =	stream.indirect_vreg.gather [hbm4b:s14+s4], $0x80, v4, vm0, $0xb8;
	[tilespmem:$0x1B800] =	vst v63  }
0x182: {  	s8 =	simm.s32 $0xB800  }
0x183: {  	[tilespmem:s8], [sflag:$0x2] =	stream.indirect_vreg.gather [hbm4b:s16+s4], $0x80, v4, vm0, $0xb8;
	[tilespmem:$0x1B800] =	vst v63  }
0x184: {  	s10 =	simm.s32 $0xC000  }
0x185: {  	[tilespmem:s10], [sflag:$0x2] =	stream.indirect_vreg.gather [hbm4b:s18+s4], $0x80, v4, vm0, $0xb8;
	[tilespmem:$0x1B800] =	vst v63  }
0x186: {  	v4 =	vld [tilespmem:$0x210];
	_ =	sdelay $0x4  }
0x187: {  	v5 =	vshll.u32 v4, $0x3  }
0x188: {  	v4 =	vand.u32 $0x7, v4;
	v5 =	vand.u32 $0xFFFFFFC0, v5  }
0x189: {  	v4 =	vor.u32 v4, v5  }
0x18a: {  	v5 =	vperm.xlane v4, v0;
	_ =	sdelay $0x1  }
0x18b: {  	v5 =	vadd.s32 v1, v5;
	_ =	sdelay $0x3  }
0x18c: {  	s24 =	simm.s32 $0xC800  }
0x18d: {  	[tilespmem:s24], [sflag:$0x2] =	stream.indirect_vreg.gather [hbm4b:s2+s4], $0x80, v5, vm0, $0xb8;
	[tilespmem:$0x1B800] =	vst v63  }
0x18e: {  	s26 =	simm.s32 $0xD000;
	v4 =	vperm.xlane v4, v2  }
0x18f: {  	[tilespmem:s26], [sflag:$0x2] =	stream.indirect_vreg.gather [hbm4b:s14+s4], $0x80, v5, vm0, $0xb8;
	[tilespmem:$0x1B800] =	vst v63  }
0x190: {  	s8 =	simm.s32 $0xD800;
	v4 =	vadd.s32 v1, v4  }
0x191: {  	[tilespmem:s8], [sflag:$0x2] =	stream.indirect_vreg.gather [hbm4b:s16+s4], $0x80, v5, vm0, $0xb8;
	[tilespmem:$0x1B800] =	vst v63  }
0x192: {  	s10 =	simm.s32 $0xE000  }
0x193: {  	[tilespmem:s10], [sflag:$0x2] =	stream.indirect_vreg.gather [hbm4b:s18+s4], $0x80, v5, vm0, $0xb8;
	[tilespmem:$0x1B800] =	vst v63  }
0x194: {  	s24 =	simm.s32 $0xE800  }
0x195: {  	[tilespmem:s24], [sflag:$0x2] =	stream.indirect_vreg.gather [hbm4b:s2+s4], $0x80, v4, vm0, $0xb8;
	[tilespmem:$0x1B800] =	vst v63  }
0x196: {  	s26 =	simm.s32 $0xF000  }
0x197: {  	[tilespmem:s26], [sflag:$0x2] =	stream.indirect_vreg.gather [hbm4b:s14+s4], $0x80, v4, vm0, $0xb8;
	[tilespmem:$0x1B800] =	vst v63  }
0x198: {  	s8 =	simm.s32 $0xF800  }
0x199: {  	[tilespmem:s8], [sflag:$0x2] =	stream.indirect_vreg.gather [hbm4b:s16+s4], $0x80, v4, vm0, $0xb8;
	[tilespmem:$0x1B800] =	vst v63  }
0x19a: {  	s10 =	simm.s32 $0x10000  }
0x19b: {  	[tilespmem:s10], [sflag:$0x2] =	stream.indirect_vreg.gather [hbm4b:s18+s4], $0x80, v4, vm0, $0xb8;
	[tilespmem:$0x1B800] =	vst v63  }
0x19c: {  	_ =	swait.ge [sflag:s25], $0x8000  }
0x19d: {  	[sflag:s25] =	ssyncset.done $0x0  }
0x19e: {  	s8 =	rddreg [dreg:$0x8];
	[sflag:s25] =	ssyncadd.s32 $0xFFFF8000  }
0x19f: {  	[hbm4b:s8+s4] =	stream.linear.scatter [tilespmem:s20], [sflag:$0x6], $0x1C00, $0x38;
	[tilespmem:$0x1B800] =	vst v63  }
0x1a0: {  	s24 =	sadd.s32 $0x400, s8  }
0x1a1: {  	[hbm4b:s24+s4] =	stream.linear.scatter [tilespmem:s5], [sflag:$0x6], $0x1C00, $0x38;
	[tilespmem:$0x1B800] =	vst v63  }
0x1a2: {  	s26 =	sadd.s32 $0x800, s8  }
0x1a3: {  	[hbm4b:s26+s4] =	stream.linear.scatter [tilespmem:s7], [sflag:$0x6], $0x1C00, $0x38;
	[tilespmem:$0x1B800] =	vst v63  }
0x1a4: {  	s10 =	sadd.s32 $0xC00, s8  }
0x1a5: {  	[hbm4b:s10+s4] =	stream.linear.scatter [tilespmem:s9], [sflag:$0x6], $0x1C00, $0x38;
	[tilespmem:$0x1B800] =	vst v63  }
0x1a6: {  	s4 =	sor.u32 s4, s4  }
0x1a7: {  	s24 =	sor.u32 $0x11C00, s4  }
0x1a8: {  	v4 =	vld [tilespmem:s24+$0x800];
	_ =	sdelay $0x3  }
0x1a9: {  	s4 =	simm.s32 $0x1A858  }
0x1aa: {  	[tilespmem:s4+$0xFFFFFFA8] =	vst v4  }
0x1ab: {  	v4 =	vld [tilespmem:s24+$0x810];
	_ =	sdelay $0x4  }
0x1ac: {  	[tilespmem:s4+$0xFFFFFFB8] =	vst v4  }
0x1ad: {  	v4 =	vld [tilespmem:s24+$0x820];
	_ =	sdelay $0x4  }
0x1ae: {  	[tilespmem:s4+$0xFFFFFFC8] =	vst v4  }
0x1af: {  	v4 =	vld [tilespmem:s24+$0x830];
	_ =	sdelay $0x4  }
0x1b0: {  	[tilespmem:s4+$0xFFFFFFD8] =	vst v4  }
0x1b1: {  	v4 =	vld [tilespmem:s24+$0x840];
	_ =	sdelay $0x4  }
0x1b2: {  	[tilespmem:s4+$0xFFFFFFE8] =	vst v4  }
0x1b3: {  	v4 =	vld [tilespmem:s24+$0x850];
	_ =	sdelay $0x4  }
0x1b4: {  	[tilespmem:s4+$0xFFFFFFF8] =	vst v4  }
0x1b5: {  	v5 =	vld.msk [tilespmem:s24+$0x860], $0xff;
	_ =	sdelay $0x4  }
0x1b6: {  	v4 =	vperm.xlane v4, v3;
	v5 =	vperm.xlane v5, v3  }
0x1b7: {  	s8 =	simm.s32 $0x80;
	s26 =	simm.s32 $0x400  }
0x1b8: {  	s6 =	sor.u32 s26, s8;
	s24 =	simm.s32 $0x800;
	v4 =	vsel vm1, v4, v5  }
.LBB2_6:
0x1b9: {  	p0 =	sne.s32 s24, $0x7C00;
	s6 =	sor.u32 $0x11C00, s6;
	[tilespmem:s4+$0x0] =	vst v4  }
0x1ba: {  	v4 =	vld [tilespmem:s6+$0x800];
	_ =	sdelay $0x3  }
0x1bb: {  	s4 =	sadd.s32 $0x80, s4  }
0x1bc: {  	[tilespmem:s4+$0xFFFFFFA8] =	vst v4  }
0x1bd: {  	v4 =	vld [tilespmem:s6+$0x810];
	_ =	sdelay $0x4  }
0x1be: {  	[tilespmem:s4+$0xFFFFFFB8] =	vst v4  }
0x1bf: {  	v4 =	vld [tilespmem:s6+$0x820];
	_ =	sdelay $0x4  }
0x1c0: {  	[tilespmem:s4+$0xFFFFFFC8] =	vst v4  }
0x1c1: {  	v4 =	vld [tilespmem:s6+$0x830];
	_ =	sdelay $0x4  }
0x1c2: {  	[tilespmem:s4+$0xFFFFFFD8] =	vst v4  }
0x1c3: {  	v4 =	vld [tilespmem:s6+$0x840];
	_ =	sdelay $0x4  }
0x1c4: {  	[tilespmem:s4+$0xFFFFFFE8] =	vst v4  }
0x1c5: {  	v4 =	vld [tilespmem:s6+$0x850];
	_ =	sdelay $0x4  }
0x1c6: {  	[tilespmem:s4+$0xFFFFFFF8] =	vst v4;
	v4 =	vperm.xlane v4, v3  }
0x1c7: {  	v5 =	vld.msk [tilespmem:s6+$0x860], $0xff;
	_ =	sdelay $0x2  }
.Ltmp2:
0x1c8: {  	(pc) =	sbr.rel @p0 .LBB2_6-.Ltmp2, $4  }
0x1c9: {  	_ = 	snop  }
0x1ca: {  	v5 =	vperm.xlane v5, v3  }
0x1cb: {  	s8 =	sadd.s32 $0x80, s8  }
0x1cc: {  	s6 =	sor.u32 s24, s8;
	s24 =	sadd.s32 $0x400, s24;
	v4 =	vsel vm1, v4, v5  }
0x1cd: {  	s6 =	sor.u32 $0x11C00, s6;
	[tilespmem:s4+$0x0] =	vst v4  }
0x1ce: {  	v4 =	vld [tilespmem:s6+$0x800];
	_ =	sdelay $0x3  }
0x1cf: {  	s26 =	sadd.s32 $0x80, s4  }
0x1d0: {  	[tilespmem:s26+$0xFFFFFFA8] =	vst v4  }
0x1d1: {  	v4 =	vld [tilespmem:s6+$0x810];
	_ =	sdelay $0x4  }
0x1d2: {  	[tilespmem:s26+$0xFFFFFFB8] =	vst v4  }
0x1d3: {  	v4 =	vld [tilespmem:s6+$0x820];
	_ =	sdelay $0x4  }
0x1d4: {  	[tilespmem:s26+$0xFFFFFFC8] =	vst v4  }
0x1d5: {  	v4 =	vld [tilespmem:s6+$0x830];
	_ =	sdelay $0x4  }
0x1d6: {  	[tilespmem:s26+$0xFFFFFFD8] =	vst v4  }
0x1d7: {  	v4 =	vld [tilespmem:s6+$0x840];
	_ =	sdelay $0x4  }
0x1d8: {  	[tilespmem:s26+$0xFFFFFFE8] =	vst v4  }
0x1d9: {  	v4 =	vld [tilespmem:s6+$0x850];
	_ =	sdelay $0x4  }
0x1da: {  	[tilespmem:s26+$0xFFFFFFF8] =	vst v4  }
0x1db: {  	v5 =	vld.msk [tilespmem:s6+$0x860], $0xff;
	_ =	sdelay $0x4  }
0x1dc: {  	v4 =	vperm.xlane v4, v3;
	v5 =	vperm.xlane v5, v3;
	_ =	sdelay $0x1  }
0x1dd: {  	v4 =	vsel vm1, v4, v5  }
0x1de: {  	s8 =	simm.s32 $0x1A800;
	s6 =	rddreg [dreg:$0x9];
	[tilespmem:s26+$0x0] =	vst v4  }
0x1df: {  	[hbm4b:s6+s13] =	stream.strided.scatter [tilespmem:s8], [sflag:$0x9], $0x1000, s29, s13, $0x38;
	[tilespmem:$0x1B800] =	vst v63  }
0x1e0: {  	_ =	swait.ge [sflag:s28], $0x7000  }
0x1e1: {  	[sflag:s28] =	ssyncset.done $0x0  }
0x1e2: {  	[sflag:s28] =	ssyncadd.s32 $0xFFFF9000  }
0x1e3: {  	_ =	swait.ge [sflag:s30], $0x1000  }
0x1e4: {  	[sflag:s30] =	ssyncset.done $0x0  }
0x1e5: {  	[sflag:s30] =	ssyncadd.s32 $0xFFFFF000  }
0x1e6: {  	v4 =	vld [tilespmem:$0x280];
	_ =	sdelay $0x4  }
0x1e7: {  	v5 =	vshll.u32 v4, $0x3  }
0x1e8: {  	v4 =	vand.u32 $0x7, v4;
	v5 =	vand.u32 $0xFFFFFFC0, v5  }
0x1e9: {  	v4 =	vor.u32 v4, v5  }
0x1ea: {  	v5 =	vperm.xlane v4, v0;
	_ =	sdelay $0x1  }
0x1eb: {  	v5 =	vadd.s32 v1, v5;
	_ =	sdelay $0x3  }
0x1ec: {  	s4 =	simm.s32 $0x0  }
0x1ed: {  	[tilespmem:s20], [sflag:$0x3] =	stream.indirect_vreg.gather [hbm4b:s2+s4], $0x80, v5, vm0, $0xb8;
	[tilespmem:$0x1B800] =	vst v63  }
0x1ee: {  	s10 =	simm.s32 $0x11000;
	v4 =	vperm.xlane v4, v2  }
0x1ef: {  	[tilespmem:s10], [sflag:$0x3] =	stream.indirect_vreg.gather [hbm4b:s14+s4], $0x80, v5, vm0, $0xb8;
	[tilespmem:$0x1B800] =	vst v63  }
0x1f0: {  	s24 =	simm.s32 $0x11800;
	v4 =	vadd.s32 v1, v4  }
0x1f1: {  	[tilespmem:s24], [sflag:$0x3] =	stream.indirect_vreg.gather [hbm4b:s16+s4], $0x80, v5, vm0, $0xb8;
	[tilespmem:$0x1B800] =	vst v63  }
0x1f2: {  	s26 =	simm.s32 $0x12000  }
0x1f3: {  	[tilespmem:s26], [sflag:$0x3] =	stream.indirect_vreg.gather [hbm4b:s18+s4], $0x80, v5, vm0, $0xb8;
	[tilespmem:$0x1B800] =	vst v63  }
0x1f4: {  	_ = 	snop  }
0x1f5: {  	[tilespmem:s5], [sflag:$0x3] =	stream.indirect_vreg.gather [hbm4b:s2+s4], $0x80, v4, vm0, $0xb8;
	[tilespmem:$0x1B800] =	vst v63  }
0x1f6: {  	s8 =	simm.s32 $0x13000  }
0x1f7: {  	[tilespmem:s8], [sflag:$0x3] =	stream.indirect_vreg.gather [hbm4b:s14+s4], $0x80, v4, vm0, $0xb8;
	[tilespmem:$0x1B800] =	vst v63  }
0x1f8: {  	s10 =	simm.s32 $0x13800  }
0x1f9: {  	[tilespmem:s10], [sflag:$0x3] =	stream.indirect_vreg.gather [hbm4b:s16+s4], $0x80, v4, vm0, $0xb8;
	[tilespmem:$0x1B800] =	vst v63  }
0x1fa: {  	s24 =	simm.s32 $0x14000  }
0x1fb: {  	[tilespmem:s24], [sflag:$0x3] =	stream.indirect_vreg.gather [hbm4b:s18+s4], $0x80, v4, vm0, $0xb8;
	[tilespmem:$0x1B800] =	vst v63  }
0x1fc: {  	v4 =	vld [tilespmem:$0x290];
	_ =	sdelay $0x4  }
0x1fd: {  	v5 =	vshll.u32 v4, $0x3  }
0x1fe: {  	v4 =	vand.u32 $0x7, v4;
	v5 =	vand.u32 $0xFFFFFFC0, v5  }
0x1ff: {  	v4 =	vor.u32 v4, v5  }
0x200: {  	v5 =	vperm.xlane v4, v0;
	_ =	sdelay $0x1  }
0x201: {  	v5 =	vadd.s32 v1, v5;
	_ =	sdelay $0x4  }
0x202: {  	[tilespmem:s7], [sflag:$0x3] =	stream.indirect_vreg.gather [hbm4b:s2+s4], $0x80, v5, vm0, $0xb8;
	[tilespmem:$0x1B800] =	vst v63  }
0x203: {  	s26 =	simm.s32 $0x15000;
	v4 =	vperm.xlane v4, v2  }
0x204: {  	[tilespmem:s26], [sflag:$0x3] =	stream.indirect_vreg.gather [hbm4b:s14+s4], $0x80, v5, vm0, $0xb8;
	[tilespmem:$0x1B800] =	vst v63  }
0x205: {  	s8 =	simm.s32 $0x15800;
	v4 =	vadd.s32 v1, v4  }
0x206: {  	[tilespmem:s8], [sflag:$0x3] =	stream.indirect_vreg.gather [hbm4b:s16+s4], $0x80, v5, vm0, $0xb8;
	[tilespmem:$0x1B800] =	vst v63  }
0x207: {  	s10 =	simm.s32 $0x16000  }
0x208: {  	[tilespmem:s10], [sflag:$0x3] =	stream.indirect_vreg.gather [hbm4b:s18+s4], $0x80, v5, vm0, $0xb8;
	[tilespmem:$0x1B800] =	vst v63  }
0x209: {  	_ = 	snop  }
0x20a: {  	[tilespmem:s9], [sflag:$0x3] =	stream.indirect_vreg.gather [hbm4b:s2+s4], $0x80, v4, vm0, $0xb8;
	[tilespmem:$0x1B800] =	vst v63  }
0x20b: {  	s24 =	simm.s32 $0x17000  }
0x20c: {  	[tilespmem:s24], [sflag:$0x3] =	stream.indirect_vreg.gather [hbm4b:s14+s4], $0x80, v4, vm0, $0xb8;
	[tilespmem:$0x1B800] =	vst v63  }
0x20d: {  	s26 =	simm.s32 $0x17800  }
0x20e: {  	[tilespmem:s26], [sflag:$0x3] =	stream.indirect_vreg.gather [hbm4b:s16+s4], $0x80, v4, vm0, $0xb8;
	[tilespmem:$0x1B800] =	vst v63  }
0x20f: {  	s8 =	simm.s32 $0x18000  }
0x210: {  	[tilespmem:s8], [sflag:$0x3] =	stream.indirect_vreg.gather [hbm4b:s18+s4], $0x80, v4, vm0, $0xb8;
	[tilespmem:$0x1B800] =	vst v63  }
0x211: {  	_ =	swait.ge [sflag:s11], $0x8000  }
0x212: {  	[sflag:s11] =	ssyncset.done $0x0;
	s8 =	rddreg [dreg:$0xa]  }
0x213: {  	[sflag:s11] =	ssyncadd.s32 $0xFFFF8000;
	s10 =	sadd.s32 $0x400, s8  }
0x214: {  	[hbm4b:s8+s4] =	stream.linear.scatter [tilespmem:s22], [sflag:$0x4], $0x1C00, $0x38;
	[tilespmem:$0x1B800] =	vst v63  }
0x215: {  	s24 =	sadd.s32 $0x800, s8;
	s26 =	sadd.s32 $0xC00, s8;
	s8 =	sand.u32 $0x7, s4  }
0x216: {  	s6 =	sshll.u32 s8, $0x7  }
0x217: {  	[hbm4b:s10+s4] =	stream.linear.scatter [tilespmem:s31], [sflag:$0x4], $0x1C00, $0x38;
	[tilespmem:$0x1B800] =	vst v63  }
0x218: {  	s6 =	sadd.s32 $0x0, s6  }
0x219: {  	[hbm4b:s24+s4] =	stream.linear.scatter [tilespmem:s12], [sflag:$0x4], $0x1C00, $0x38;
	[tilespmem:$0x1B800] =	vst v63  }
0x21a: {  	s10 =	sor.u32 $0x1C00, s6  }
0x21b: {  	[hbm4b:s26+s4] =	stream.linear.scatter [tilespmem:s1], [sflag:$0x4], $0x1C00, $0x38;
	[tilespmem:$0x1B800] =	vst v63  }
0x21c: {  	v4 =	vld [tilespmem:s10+$0x800];
	_ =	sdelay $0x3  }
0x21d: {  	s8 =	simm.s32 $0x18830  }
0x21e: {  	s10 =	sor.u32 $0x1C10, s6;
	[tilespmem:s8+$0xFFFFFFD0] =	vst v4  }
0x21f: {  	v4 =	vld [tilespmem:s10+$0x800];
	_ =	sdelay $0x4  }
0x220: {  	s24 =	sor.u32 $0x1C20, s6;
	[tilespmem:s8+$0xFFFFFFE0] =	vst v4  }
0x221: {  	v4 =	vld [tilespmem:s24+$0x800];
	_ =	sdelay $0x4  }
0x222: {  	s26 =	sor.u32 $0x1C30, s6;
	[tilespmem:s8+$0xFFFFFFF0] =	vst v4  }
0x223: {  	v4 =	vld [tilespmem:s26+$0x800];
	_ =	sdelay $0x4  }
0x224: {  	s24 =	sor.u32 $0x1C40, s6;
	[tilespmem:s8+$0x0] =	vst v4  }
0x225: {  	v4 =	vld [tilespmem:s24+$0x800];
	_ =	sdelay $0x4  }
0x226: {  	s26 =	sor.u32 $0x1C50, s6;
	[tilespmem:s8+$0x10] =	vst v4  }
0x227: {  	v4 =	vld [tilespmem:s26+$0x800];
	_ =	sdelay $0x4  }
0x228: {  	s6 =	sor.u32 $0x1C60, s6;
	[tilespmem:s8+$0x20] =	vst v4  }
0x229: {  	v5 =	vld.msk [tilespmem:s6+$0x800], $0xff;
	_ =	sdelay $0x3  }
0x22a: {  	s24 =	simm.s32 $0x1  }
0x22b: {  	s26 =	simm.s32 $0x100;
	v4 =	vperm.xlane v4, v3;
	s6 =	sand.u32 $0x7, s24;
	v5 =	vperm.xlane v5, v3  }
.LBB2_8:
0x22c: {  	p0 =	sne.s32 s26, $0xF80;
	s6 =	sshll.u32 s6, $0x7;
	s4 =	sadd.s32 $0x400, s4  }
0x22d: {  	s6 =	sadd.s32 s6, s4;
	v4 =	vsel vm1, v4, v5  }
0x22e: {  	s10 =	sor.u32 $0x1C00, s6;
	[tilespmem:s8+$0x28] =	vst v4  }
0x22f: {  	v4 =	vld [tilespmem:s10+$0x800];
	_ =	sdelay $0x3  }
0x230: {  	s8 =	sadd.s32 $0x80, s8  }
0x231: {  	s10 =	sor.u32 $0x1C10, s6;
	[tilespmem:s8+$0xFFFFFFD0] =	vst v4  }
0x232: {  	v4 =	vld [tilespmem:s10+$0x800];
	_ =	sdelay $0x4  }
0x233: {  	s10 =	sor.u32 $0x1C20, s6;
	[tilespmem:s8+$0xFFFFFFE0] =	vst v4  }
0x234: {  	v4 =	vld [tilespmem:s10+$0x800];
	_ =	sdelay $0x4  }
0x235: {  	s10 =	sor.u32 $0x1C30, s6;
	[tilespmem:s8+$0xFFFFFFF0] =	vst v4  }
0x236: {  	v4 =	vld [tilespmem:s10+$0x800];
	_ =	sdelay $0x4  }
0x237: {  	s10 =	sor.u32 $0x1C40, s6;
	[tilespmem:s8+$0x0] =	vst v4  }
0x238: {  	v4 =	vld [tilespmem:s10+$0x800];
	_ =	sdelay $0x4  }
0x239: {  	s10 =	sor.u32 $0x1C50, s6;
	[tilespmem:s8+$0x10] =	vst v4  }
0x23a: {  	v4 =	vld [tilespmem:s10+$0x800];
	_ =	sdelay $0x4  }
0x23b: {  	s6 =	sor.u32 $0x1C60, s6;
	[tilespmem:s8+$0x20] =	vst v4;
	v4 =	vperm.xlane v4, v3  }
0x23c: {  	v5 =	vld.msk [tilespmem:s6+$0x800], $0xff  }
.Ltmp3:
0x23d: {  	(pc) =	sbr.rel @p0 .LBB2_8-.Ltmp3, $3  }
0x23e: {  	_ =	sdelay $0x1  }
0x23f: {  	s24 =	sadd.s32 $0x1, s24  }
0x240: {  	s26 =	sadd.s32 $0x80, s26;
	s6 =	sand.u32 $0x7, s24;
	v5 =	vperm.xlane v5, v3  }
0x241: {  	s6 =	sshll.u32 s6, $0x7;
	s4 =	sadd.s32 $0x400, s4  }
0x242: {  	s4 =	sadd.s32 s6, s4;
	v4 =	vsel vm1, v4, v5  }
0x243: {  	s6 =	sor.u32 $0x1C00, s4;
	[tilespmem:s8+$0x28] =	vst v4  }
0x244: {  	v4 =	vld [tilespmem:s6+$0x800];
	_ =	sdelay $0x3  }
0x245: {  	s6 =	sadd.s32 $0x80, s8  }
0x246: {  	s24 =	sor.u32 $0x1C10, s4;
	[tilespmem:s6+$0xFFFFFFD0] =	vst v4  }
0x247: {  	v4 =	vld [tilespmem:s24+$0x800];
	_ =	sdelay $0x4  }
0x248: {  	s26 =	sor.u32 $0x1C20, s4;
	[tilespmem:s6+$0xFFFFFFE0] =	vst v4  }
0x249: {  	v4 =	vld [tilespmem:s26+$0x800];
	_ =	sdelay $0x4  }
0x24a: {  	s10 =	sor.u32 $0x1C30, s4;
	[tilespmem:s6+$0xFFFFFFF0] =	vst v4  }
0x24b: {  	v4 =	vld [tilespmem:s10+$0x800];
	_ =	sdelay $0x4  }
0x24c: {  	s24 =	sor.u32 $0x1C40, s4;
	[tilespmem:s6+$0x0] =	vst v4  }
0x24d: {  	v4 =	vld [tilespmem:s24+$0x800];
	_ =	sdelay $0x4  }
0x24e: {  	s26 =	sor.u32 $0x1C50, s4;
	[tilespmem:s6+$0x10] =	vst v4  }
0x24f: {  	v4 =	vld [tilespmem:s26+$0x800];
	_ =	sdelay $0x4  }
0x250: {  	s4 =	sor.u32 $0x1C60, s4;
	[tilespmem:s6+$0x20] =	vst v4  }
0x251: {  	v5 =	vld.msk [tilespmem:s4+$0x800], $0xff;
	_ =	sdelay $0x4  }
0x252: {  	v4 =	vperm.xlane v4, v3;
	v5 =	vperm.xlane v5, v3;
	_ =	sdelay $0x1  }
0x253: {  	v4 =	vsel vm1, v4, v5  }
0x254: {  	s10 =	rddreg [dreg:$0xb];
	s24 =	simm.s32 $0x18800;
	[tilespmem:s6+$0x28] =	vst v4  }
0x255: {  	[hbm4b:s10+s13] =	stream.strided.scatter [tilespmem:s24], [sflag:$0x7], $0x1000, s29, s13, $0x38;
	[tilespmem:$0x1B800] =	vst v63  }
0x256: {  	_ =	swait.ge [sflag:s15], $0x7000  }
0x257: {  	[sflag:s15] =	ssyncset.done $0x0  }
0x258: {  	[sflag:s15] =	ssyncadd.s32 $0xFFFF9000  }
0x259: {  	_ =	swait.ge [sflag:s17], $0x1000  }
0x25a: {  	[sflag:s17] =	ssyncset.done $0x0  }
0x25b: {  	[sflag:s17] =	ssyncadd.s32 $0xFFFFF000  }
0x25c: {  	v4 =	vld [tilespmem:$0x300];
	_ =	sdelay $0x4  }
0x25d: {  	v5 =	vshll.u32 v4, $0x3  }
0x25e: {  	v4 =	vand.u32 $0x7, v4;
	v5 =	vand.u32 $0xFFFFFFC0, v5  }
0x25f: {  	v4 =	vor.u32 v4, v5  }
0x260: {  	v5 =	vperm.xlane v4, v0;
	_ =	sdelay $0x1  }
0x261: {  	v5 =	vadd.s32 v1, v5;
	_ =	sdelay $0x3  }
0x262: {  	s4 =	simm.s32 $0x0  }
0x263: {  	[tilespmem:s22], [sflag:$0x1] =	stream.indirect_vreg.gather [hbm4b:s2+s4], $0x80, v5, vm0, $0xb8;
	[tilespmem:$0x1B800] =	vst v63  }
0x264: {  	s26 =	simm.s32 $0x1000;
	v4 =	vperm.xlane v4, v2  }
0x265: {  	[tilespmem:s26], [sflag:$0x1] =	stream.indirect_vreg.gather [hbm4b:s14+s4], $0x80, v5, vm0, $0xb8;
	[tilespmem:$0x1B800] =	vst v63  }
0x266: {  	s8 =	simm.s32 $0x1800;
	v4 =	vadd.s32 v1, v4  }
0x267: {  	[tilespmem:s8], [sflag:$0x1] =	stream.indirect_vreg.gather [hbm4b:s16+s4], $0x80, v5, vm0, $0xb8;
	[tilespmem:$0x1B800] =	vst v63  }
0x268: {  	_ = 	snop  }
0x269: {  	[tilespmem:s29], [sflag:$0x1] =	stream.indirect_vreg.gather [hbm4b:s18+s4], $0x80, v5, vm0, $0xb8;
	[tilespmem:$0x1B800] =	vst v63  }
0x26a: {  	_ = 	snop  }
0x26b: {  	[tilespmem:s31], [sflag:$0x1] =	stream.indirect_vreg.gather [hbm4b:s2+s4], $0x80, v4, vm0, $0xb8;
	[tilespmem:$0x1B800] =	vst v63  }
0x26c: {  	s10 =	simm.s32 $0x3000  }
0x26d: {  	[tilespmem:s10], [sflag:$0x1] =	stream.indirect_vreg.gather [hbm4b:s14+s4], $0x80, v4, vm0, $0xb8;
	[tilespmem:$0x1B800] =	vst v63  }
0x26e: {  	s24 =	simm.s32 $0x3800  }
0x26f: {  	[tilespmem:s24], [sflag:$0x1] =	stream.indirect_vreg.gather [hbm4b:s16+s4], $0x80, v4, vm0, $0xb8;
	[tilespmem:$0x1B800] =	vst v63  }
0x270: {  	s26 =	simm.s32 $0x4000  }
0x271: {  	[tilespmem:s26], [sflag:$0x1] =	stream.indirect_vreg.gather [hbm4b:s18+s4], $0x80, v4, vm0, $0xb8;
	[tilespmem:$0x1B800] =	vst v63  }
0x272: {  	v4 =	vld [tilespmem:$0x310];
	_ =	sdelay $0x4  }
0x273: {  	v5 =	vshll.u32 v4, $0x3  }
0x274: {  	v4 =	vand.u32 $0x7, v4;
	v5 =	vand.u32 $0xFFFFFFC0, v5  }
0x275: {  	v4 =	vor.u32 v4, v5  }
0x276: {  	v5 =	vperm.xlane v4, v0;
	_ =	sdelay $0x1  }
0x277: {  	v5 =	vadd.s32 v1, v5;
	_ =	sdelay $0x4  }
0x278: {  	[tilespmem:s12], [sflag:$0x1] =	stream.indirect_vreg.gather [hbm4b:s2+s4], $0x80, v5, vm0, $0xb8;
	[tilespmem:$0x1B800] =	vst v63  }
0x279: {  	s8 =	simm.s32 $0x5000;
	v4 =	vperm.xlane v4, v2  }
0x27a: {  	[tilespmem:s8], [sflag:$0x1] =	stream.indirect_vreg.gather [hbm4b:s14+s4], $0x80, v5, vm0, $0xb8;
	[tilespmem:$0x1B800] =	vst v63  }
0x27b: {  	s10 =	simm.s32 $0x5800;
	v4 =	vadd.s32 v1, v4  }
0x27c: {  	[tilespmem:s10], [sflag:$0x1] =	stream.indirect_vreg.gather [hbm4b:s16+s4], $0x80, v5, vm0, $0xb8;
	[tilespmem:$0x1B800] =	vst v63  }
0x27d: {  	s24 =	simm.s32 $0x6000  }
0x27e: {  	[tilespmem:s24], [sflag:$0x1] =	stream.indirect_vreg.gather [hbm4b:s18+s4], $0x80, v5, vm0, $0xb8;
	[tilespmem:$0x1B800] =	vst v63  }
0x27f: {  	_ = 	snop  }
0x280: {  	[tilespmem:s1], [sflag:$0x1] =	stream.indirect_vreg.gather [hbm4b:s2+s4], $0x80, v4, vm0, $0xb8;
	[tilespmem:$0x1B800] =	vst v63  }
0x281: {  	s26 =	simm.s32 $0x7000  }
0x282: {  	[tilespmem:s26], [sflag:$0x1] =	stream.indirect_vreg.gather [hbm4b:s14+s4], $0x80, v4, vm0, $0xb8;
	[tilespmem:$0x1B800] =	vst v63  }
0x283: {  	s8 =	simm.s32 $0x7800  }
0x284: {  	[tilespmem:s8], [sflag:$0x1] =	stream.indirect_vreg.gather [hbm4b:s16+s4], $0x80, v4, vm0, $0xb8;
	[tilespmem:$0x1B800] =	vst v63  }
0x285: {  	s10 =	simm.s32 $0x8000  }
0x286: {  	[tilespmem:s10], [sflag:$0x1] =	stream.indirect_vreg.gather [hbm4b:s18+s4], $0x80, v4, vm0, $0xb8;
	[tilespmem:$0x1B800] =	vst v63  }
0x287: {  	_ =	swait.ge [sflag:s19], $0x8000  }
0x288: {  	[sflag:s19] =	ssyncset.done $0x0  }
0x289: {  	s24 =	simm.s32 $0x8800;
	s8 =	rddreg [dreg:$0xc];
	[sflag:s19] =	ssyncadd.s32 $0xFFFF8000  }
0x28a: {  	[hbm4b:s8+s4] =	stream.linear.scatter [tilespmem:s24], [sflag:$0x5], $0x1C00, $0x38;
	[tilespmem:$0x1B800] =	vst v63  }
0x28b: {  	s10 =	simm.s32 $0xA800;
	s26 =	sadd.s32 $0x400, s8  }
0x28c: {  	[hbm4b:s26+s4] =	stream.linear.scatter [tilespmem:s10], [sflag:$0x5], $0x1C00, $0x38;
	[tilespmem:$0x1B800] =	vst v63  }
0x28d: {  	s24 =	sadd.s32 $0x800, s8;
	s26 =	simm.s32 $0xC800  }
0x28e: {  	[hbm4b:s24+s4] =	stream.linear.scatter [tilespmem:s26], [sflag:$0x5], $0x1C00, $0x38;
	[tilespmem:$0x1B800] =	vst v63  }
0x28f: {  	s8 =	sadd.s32 $0xC00, s8;
	s10 =	simm.s32 $0xE800  }
0x290: {  	[hbm4b:s8+s4] =	stream.linear.scatter [tilespmem:s10], [sflag:$0x5], $0x1C00, $0x38;
	[tilespmem:$0x1B800] =	vst v63  }
0x291: {  	s4 =	sor.u32 s4, s4  }
0x292: {  	s24 =	sor.u32 $0x9C00, s4  }
0x293: {  	v4 =	vld [tilespmem:s24+$0x800];
	_ =	sdelay $0x3  }
0x294: {  	s4 =	simm.s32 $0x19858  }
0x295: {  	[tilespmem:s4+$0xFFFFFFA8] =	vst v4  }
0x296: {  	v4 =	vld [tilespmem:s24+$0x810];
	_ =	sdelay $0x4  }
0x297: {  	[tilespmem:s4+$0xFFFFFFB8] =	vst v4  }
0x298: {  	v4 =	vld [tilespmem:s24+$0x820];
	_ =	sdelay $0x4  }
0x299: {  	[tilespmem:s4+$0xFFFFFFC8] =	vst v4  }
0x29a: {  	v4 =	vld [tilespmem:s24+$0x830];
	_ =	sdelay $0x4  }
0x29b: {  	[tilespmem:s4+$0xFFFFFFD8] =	vst v4  }
0x29c: {  	v4 =	vld [tilespmem:s24+$0x840];
	_ =	sdelay $0x4  }
0x29d: {  	[tilespmem:s4+$0xFFFFFFE8] =	vst v4  }
0x29e: {  	v4 =	vld [tilespmem:s24+$0x850];
	_ =	sdelay $0x4  }
0x29f: {  	[tilespmem:s4+$0xFFFFFFF8] =	vst v4  }
0x2a0: {  	v5 =	vld.msk [tilespmem:s24+$0x860], $0xff;
	_ =	sdelay $0x4  }
0x2a1: {  	v4 =	vperm.xlane v4, v3;
	v5 =	vperm.xlane v5, v3  }
0x2a2: {  	s26 =	simm.s32 $0x400;
	s8 =	simm.s32 $0x80  }
0x2a3: {  	s6 =	sor.u32 s26, s8;
	s24 =	simm.s32 $0x800;
	v4 =	vsel vm1, v4, v5  }
.LBB2_10:
0x2a4: {  	p0 =	sne.s32 s24, $0x7C00;
	s6 =	sor.u32 $0x9C00, s6;
	[tilespmem:s4+$0x0] =	vst v4  }
0x2a5: {  	v4 =	vld [tilespmem:s6+$0x800];
	_ =	sdelay $0x3  }
0x2a6: {  	s4 =	sadd.s32 $0x80, s4  }
0x2a7: {  	[tilespmem:s4+$0xFFFFFFA8] =	vst v4  }
0x2a8: {  	v4 =	vld [tilespmem:s6+$0x810];
	_ =	sdelay $0x4  }
0x2a9: {  	[tilespmem:s4+$0xFFFFFFB8] =	vst v4  }
0x2aa: {  	v4 =	vld [tilespmem:s6+$0x820];
	_ =	sdelay $0x4  }
0x2ab: {  	[tilespmem:s4+$0xFFFFFFC8] =	vst v4  }
0x2ac: {  	v4 =	vld [tilespmem:s6+$0x830];
	_ =	sdelay $0x4  }
0x2ad: {  	[tilespmem:s4+$0xFFFFFFD8] =	vst v4  }
0x2ae: {  	v4 =	vld [tilespmem:s6+$0x840];
	_ =	sdelay $0x4  }
0x2af: {  	[tilespmem:s4+$0xFFFFFFE8] =	vst v4  }
0x2b0: {  	v4 =	vld [tilespmem:s6+$0x850];
	_ =	sdelay $0x4  }
0x2b1: {  	[tilespmem:s4+$0xFFFFFFF8] =	vst v4;
	v4 =	vperm.xlane v4, v3  }
0x2b2: {  	v5 =	vld.msk [tilespmem:s6+$0x860], $0xff;
	_ =	sdelay $0x2  }
.Ltmp4:
0x2b3: {  	(pc) =	sbr.rel @p0 .LBB2_10-.Ltmp4, $4  }
0x2b4: {  	_ = 	snop  }
0x2b5: {  	v5 =	vperm.xlane v5, v3  }
0x2b6: {  	s8 =	sadd.s32 $0x80, s8  }
0x2b7: {  	s6 =	sor.u32 s24, s8;
	s24 =	sadd.s32 $0x400, s24;
	v4 =	vsel vm1, v4, v5  }
0x2b8: {  	s6 =	sor.u32 $0x9C00, s6;
	[tilespmem:s4+$0x0] =	vst v4  }
0x2b9: {  	v4 =	vld [tilespmem:s6+$0x800];
	_ =	sdelay $0x3  }
0x2ba: {  	s26 =	sadd.s32 $0x80, s4  }
0x2bb: {  	[tilespmem:s26+$0xFFFFFFA8] =	vst v4  }
0x2bc: {  	v4 =	vld [tilespmem:s6+$0x810];
	_ =	sdelay $0x4  }
0x2bd: {  	[tilespmem:s26+$0xFFFFFFB8] =	vst v4  }
0x2be: {  	v4 =	vld [tilespmem:s6+$0x820];
	_ =	sdelay $0x4  }
0x2bf: {  	[tilespmem:s26+$0xFFFFFFC8] =	vst v4  }
0x2c0: {  	v4 =	vld [tilespmem:s6+$0x830];
	_ =	sdelay $0x4  }
0x2c1: {  	[tilespmem:s26+$0xFFFFFFD8] =	vst v4  }
0x2c2: {  	v4 =	vld [tilespmem:s6+$0x840];
	_ =	sdelay $0x4  }
0x2c3: {  	[tilespmem:s26+$0xFFFFFFE8] =	vst v4  }
0x2c4: {  	v4 =	vld [tilespmem:s6+$0x850];
	_ =	sdelay $0x4  }
0x2c5: {  	[tilespmem:s26+$0xFFFFFFF8] =	vst v4  }
0x2c6: {  	v5 =	vld.msk [tilespmem:s6+$0x860], $0xff;
	_ =	sdelay $0x4  }
0x2c7: {  	v4 =	vperm.xlane v4, v3;
	v5 =	vperm.xlane v5, v3;
	_ =	sdelay $0x1  }
0x2c8: {  	v4 =	vsel vm1, v4, v5  }
0x2c9: {  	s8 =	rddreg [dreg:$0xd];
	s10 =	simm.s32 $0x19800;
	[tilespmem:s26+$0x0] =	vst v4  }
0x2ca: {  	[hbm4b:s8+s13] =	stream.strided.scatter [tilespmem:s10], [sflag:$0x8], $0x1000, s29, s13, $0x38;
	[tilespmem:$0x1B800] =	vst v63  }
0x2cb: {  	_ =	swait.ge [sflag:s21], $0x7000  }
0x2cc: {  	[sflag:s21] =	ssyncset.done $0x0  }
0x2cd: {  	[sflag:s21] =	ssyncadd.s32 $0xFFFF9000  }
0x2ce: {  	_ =	swait.ge [sflag:s23], $0x1000  }
0x2cf: {  	[sflag:s23] =	ssyncset.done $0x0  }
0x2d0: {  	[sflag:s23] =	ssyncadd.s32 $0xFFFFF000  }
0x2d1: {  	v4 =	vld [tilespmem:$0x380];
	_ =	sdelay $0x4  }
0x2d2: {  	v5 =	vshll.u32 v4, $0x3  }
0x2d3: {  	v4 =	vand.u32 $0x7, v4;
	v5 =	vand.u32 $0xFFFFFFC0, v5  }
0x2d4: {  	v4 =	vor.u32 v4, v5  }
0x2d5: {  	v5 =	vperm.xlane v4, v0;
	_ =	sdelay $0x1  }
0x2d6: {  	v5 =	vadd.s32 v1, v5;
	_ =	sdelay $0x3  }
0x2d7: {  	s4 =	simm.s32 $0x0;
	s24 =	simm.s32 $0x8800  }
0x2d8: {  	[tilespmem:s24], [sflag:$0x2] =	stream.indirect_vreg.gather [hbm4b:s2+s4], $0x80, v5, vm0, $0xb8;
	[tilespmem:$0x1B800] =	vst v63  }
0x2d9: {  	s26 =	simm.s32 $0x9000;
	v4 =	vperm.xlane v4, v2  }
0x2da: {  	[tilespmem:s26], [sflag:$0x2] =	stream.indirect_vreg.gather [hbm4b:s14+s4], $0x80, v5, vm0, $0xb8;
	[tilespmem:$0x1B800] =	vst v63  }
0x2db: {  	s8 =	simm.s32 $0x9800;
	v4 =	vadd.s32 v1, v4  }
0x2dc: {  	[tilespmem:s8], [sflag:$0x2] =	stream.indirect_vreg.gather [hbm4b:s16+s4], $0x80, v5, vm0, $0xb8;
	[tilespmem:$0x1B800] =	vst v63  }
0x2dd: {  	s10 =	simm.s32 $0xA000  }
0x2de: {  	[tilespmem:s10], [sflag:$0x2] =	stream.indirect_vreg.gather [hbm4b:s18+s4], $0x80, v5, vm0, $0xb8;
	[tilespmem:$0x1B800] =	vst v63  }
0x2df: {  	s24 =	simm.s32 $0xA800  }
0x2e0: {  	[tilespmem:s24], [sflag:$0x2] =	stream.indirect_vreg.gather [hbm4b:s2+s4], $0x80, v4, vm0, $0xb8;
	[tilespmem:$0x1B800] =	vst v63  }
0x2e1: {  	s26 =	simm.s32 $0xB000  }
0x2e2: {  	[tilespmem:s26], [sflag:$0x2] =	stream.indirect_vreg.gather [hbm4b:s14+s4], $0x80, v4, vm0, $0xb8;
	[tilespmem:$0x1B800] =	vst v63  }
0x2e3: {  	s8 =	simm.s32 $0xB800  }
0x2e4: {  	[tilespmem:s8], [sflag:$0x2] =	stream.indirect_vreg.gather [hbm4b:s16+s4], $0x80, v4, vm0, $0xb8;
	[tilespmem:$0x1B800] =	vst v63  }
0x2e5: {  	s10 =	simm.s32 $0xC000  }
0x2e6: {  	[tilespmem:s10], [sflag:$0x2] =	stream.indirect_vreg.gather [hbm4b:s18+s4], $0x80, v4, vm0, $0xb8;
	[tilespmem:$0x1B800] =	vst v63  }
0x2e7: {  	v4 =	vld [tilespmem:$0x390];
	_ =	sdelay $0x4  }
0x2e8: {  	v5 =	vshll.u32 v4, $0x3  }
0x2e9: {  	v4 =	vand.u32 $0x7, v4;
	v5 =	vand.u32 $0xFFFFFFC0, v5  }
0x2ea: {  	v4 =	vor.u32 v4, v5  }
0x2eb: {  	v5 =	vperm.xlane v4, v0;
	_ =	sdelay $0x1  }
0x2ec: {  	v5 =	vadd.s32 v1, v5;
	_ =	sdelay $0x3  }
0x2ed: {  	s24 =	simm.s32 $0xC800  }
0x2ee: {  	[tilespmem:s24], [sflag:$0x2] =	stream.indirect_vreg.gather [hbm4b:s2+s4], $0x80, v5, vm0, $0xb8;
	[tilespmem:$0x1B800] =	vst v63  }
0x2ef: {  	s26 =	simm.s32 $0xD000;
	v4 =	vperm.xlane v4, v2  }
0x2f0: {  	[tilespmem:s26], [sflag:$0x2] =	stream.indirect_vreg.gather [hbm4b:s14+s4], $0x80, v5, vm0, $0xb8;
	[tilespmem:$0x1B800] =	vst v63  }
0x2f1: {  	s8 =	simm.s32 $0xD800;
	v4 =	vadd.s32 v1, v4  }
0x2f2: {  	[tilespmem:s8], [sflag:$0x2] =	stream.indirect_vreg.gather [hbm4b:s16+s4], $0x80, v5, vm0, $0xb8;
	[tilespmem:$0x1B800] =	vst v63  }
0x2f3: {  	s10 =	simm.s32 $0xE000  }
0x2f4: {  	[tilespmem:s10], [sflag:$0x2] =	stream.indirect_vreg.gather [hbm4b:s18+s4], $0x80, v5, vm0, $0xb8;
	[tilespmem:$0x1B800] =	vst v63  }
0x2f5: {  	s24 =	simm.s32 $0xE800  }
0x2f6: {  	[tilespmem:s24], [sflag:$0x2] =	stream.indirect_vreg.gather [hbm4b:s2+s4], $0x80, v4, vm0, $0xb8;
	[tilespmem:$0x1B800] =	vst v63  }
0x2f7: {  	s26 =	simm.s32 $0xF000  }
0x2f8: {  	[tilespmem:s26], [sflag:$0x2] =	stream.indirect_vreg.gather [hbm4b:s14+s4], $0x80, v4, vm0, $0xb8;
	[tilespmem:$0x1B800] =	vst v63  }
0x2f9: {  	s8 =	simm.s32 $0xF800  }
0x2fa: {  	[tilespmem:s8], [sflag:$0x2] =	stream.indirect_vreg.gather [hbm4b:s16+s4], $0x80, v4, vm0, $0xb8;
	[tilespmem:$0x1B800] =	vst v63  }
0x2fb: {  	s10 =	simm.s32 $0x10000  }
0x2fc: {  	[tilespmem:s10], [sflag:$0x2] =	stream.indirect_vreg.gather [hbm4b:s18+s4], $0x80, v4, vm0, $0xb8;
	[tilespmem:$0x1B800] =	vst v63  }
0x2fd: {  	_ =	swait.ge [sflag:s25], $0x8000  }
0x2fe: {  	[sflag:s25] =	ssyncset.done $0x0  }
0x2ff: {  	s8 =	rddreg [dreg:$0xe];
	[sflag:s25] =	ssyncadd.s32 $0xFFFF8000  }
0x300: {  	[hbm4b:s8+s4] =	stream.linear.scatter [tilespmem:s20], [sflag:$0x6], $0x1C00, $0x38;
	[tilespmem:$0x1B800] =	vst v63  }
0x301: {  	s24 =	sadd.s32 $0x400, s8  }
0x302: {  	[hbm4b:s24+s4] =	stream.linear.scatter [tilespmem:s5], [sflag:$0x6], $0x1C00, $0x38;
	[tilespmem:$0x1B800] =	vst v63  }
0x303: {  	s26 =	sadd.s32 $0x800, s8  }
0x304: {  	[hbm4b:s26+s4] =	stream.linear.scatter [tilespmem:s7], [sflag:$0x6], $0x1C00, $0x38;
	[tilespmem:$0x1B800] =	vst v63  }
0x305: {  	s10 =	sadd.s32 $0xC00, s8  }
0x306: {  	[hbm4b:s10+s4] =	stream.linear.scatter [tilespmem:s9], [sflag:$0x6], $0x1C00, $0x38;
	[tilespmem:$0x1B800] =	vst v63  }
0x307: {  	s4 =	sor.u32 s4, s4  }
0x308: {  	s24 =	sor.u32 $0x11C00, s4  }
0x309: {  	v4 =	vld [tilespmem:s24+$0x800];
	_ =	sdelay $0x3  }
0x30a: {  	s4 =	simm.s32 $0x1A858  }
0x30b: {  	[tilespmem:s4+$0xFFFFFFA8] =	vst v4  }
0x30c: {  	v4 =	vld [tilespmem:s24+$0x810];
	_ =	sdelay $0x4  }
0x30d: {  	[tilespmem:s4+$0xFFFFFFB8] =	vst v4  }
0x30e: {  	v4 =	vld [tilespmem:s24+$0x820];
	_ =	sdelay $0x4  }
0x30f: {  	[tilespmem:s4+$0xFFFFFFC8] =	vst v4  }
0x310: {  	v4 =	vld [tilespmem:s24+$0x830];
	_ =	sdelay $0x4  }
0x311: {  	[tilespmem:s4+$0xFFFFFFD8] =	vst v4  }
0x312: {  	v4 =	vld [tilespmem:s24+$0x840];
	_ =	sdelay $0x4  }
0x313: {  	[tilespmem:s4+$0xFFFFFFE8] =	vst v4  }
0x314: {  	v4 =	vld [tilespmem:s24+$0x850];
	_ =	sdelay $0x4  }
0x315: {  	[tilespmem:s4+$0xFFFFFFF8] =	vst v4  }
0x316: {  	v5 =	vld.msk [tilespmem:s24+$0x860], $0xff;
	_ =	sdelay $0x4  }
0x317: {  	v4 =	vperm.xlane v4, v3;
	v5 =	vperm.xlane v5, v3  }
0x318: {  	s8 =	simm.s32 $0x80;
	s26 =	simm.s32 $0x400  }
0x319: {  	s6 =	sor.u32 s26, s8;
	s24 =	simm.s32 $0x800;
	v4 =	vsel vm1, v4, v5  }
.LBB2_12:
0x31a: {  	p0 =	sne.s32 s24, $0x7C00;
	s6 =	sor.u32 $0x11C00, s6;
	[tilespmem:s4+$0x0] =	vst v4  }
0x31b: {  	v4 =	vld [tilespmem:s6+$0x800];
	_ =	sdelay $0x3  }
0x31c: {  	s4 =	sadd.s32 $0x80, s4  }
0x31d: {  	[tilespmem:s4+$0xFFFFFFA8] =	vst v4  }
0x31e: {  	v4 =	vld [tilespmem:s6+$0x810];
	_ =	sdelay $0x4  }
0x31f: {  	[tilespmem:s4+$0xFFFFFFB8] =	vst v4  }
0x320: {  	v4 =	vld [tilespmem:s6+$0x820];
	_ =	sdelay $0x4  }
0x321: {  	[tilespmem:s4+$0xFFFFFFC8] =	vst v4  }
0x322: {  	v4 =	vld [tilespmem:s6+$0x830];
	_ =	sdelay $0x4  }
0x323: {  	[tilespmem:s4+$0xFFFFFFD8] =	vst v4  }
0x324: {  	v4 =	vld [tilespmem:s6+$0x840];
	_ =	sdelay $0x4  }
0x325: {  	[tilespmem:s4+$0xFFFFFFE8] =	vst v4  }
0x326: {  	v4 =	vld [tilespmem:s6+$0x850];
	_ =	sdelay $0x4  }
0x327: {  	[tilespmem:s4+$0xFFFFFFF8] =	vst v4;
	v4 =	vperm.xlane v4, v3  }
0x328: {  	v5 =	vld.msk [tilespmem:s6+$0x860], $0xff;
	_ =	sdelay $0x2  }
.Ltmp5:
0x329: {  	(pc) =	sbr.rel @p0 .LBB2_12-.Ltmp5, $4  }
0x32a: {  	_ = 	snop  }
0x32b: {  	v5 =	vperm.xlane v5, v3  }
0x32c: {  	s8 =	sadd.s32 $0x80, s8  }
0x32d: {  	s6 =	sor.u32 s24, s8;
	s24 =	sadd.s32 $0x400, s24;
	v4 =	vsel vm1, v4, v5  }
0x32e: {  	s6 =	sor.u32 $0x11C00, s6;
	[tilespmem:s4+$0x0] =	vst v4  }
0x32f: {  	v4 =	vld [tilespmem:s6+$0x800];
	_ =	sdelay $0x3  }
0x330: {  	s26 =	sadd.s32 $0x80, s4  }
0x331: {  	[tilespmem:s26+$0xFFFFFFA8] =	vst v4  }
0x332: {  	v4 =	vld [tilespmem:s6+$0x810];
	_ =	sdelay $0x4  }
0x333: {  	[tilespmem:s26+$0xFFFFFFB8] =	vst v4  }
0x334: {  	v4 =	vld [tilespmem:s6+$0x820];
	_ =	sdelay $0x4  }
0x335: {  	[tilespmem:s26+$0xFFFFFFC8] =	vst v4  }
0x336: {  	v4 =	vld [tilespmem:s6+$0x830];
	_ =	sdelay $0x4  }
0x337: {  	[tilespmem:s26+$0xFFFFFFD8] =	vst v4  }
0x338: {  	v4 =	vld [tilespmem:s6+$0x840];
	_ =	sdelay $0x4  }
0x339: {  	[tilespmem:s26+$0xFFFFFFE8] =	vst v4  }
0x33a: {  	v4 =	vld [tilespmem:s6+$0x850];
	_ =	sdelay $0x4  }
0x33b: {  	[tilespmem:s26+$0xFFFFFFF8] =	vst v4  }
0x33c: {  	v5 =	vld.msk [tilespmem:s6+$0x860], $0xff;
	_ =	sdelay $0x4  }
0x33d: {  	v4 =	vperm.xlane v4, v3;
	v5 =	vperm.xlane v5, v3;
	_ =	sdelay $0x1  }
0x33e: {  	v4 =	vsel vm1, v4, v5  }
0x33f: {  	s8 =	simm.s32 $0x1A800;
	s6 =	rddreg [dreg:$0xf];
	[tilespmem:s26+$0x0] =	vst v4  }
0x340: {  	[hbm4b:s6+s13] =	stream.strided.scatter [tilespmem:s8], [sflag:$0x9], $0x1000, s29, s13, $0x38;
	[tilespmem:$0x1B800] =	vst v63  }
0x341: {  	_ =	swait.ge [sflag:s28], $0x7000  }
0x342: {  	[sflag:s28] =	ssyncset.done $0x0  }
0x343: {  	[sflag:s28] =	ssyncadd.s32 $0xFFFF9000  }
0x344: {  	_ =	swait.ge [sflag:s30], $0x1000  }
0x345: {  	[sflag:s30] =	ssyncset.done $0x0  }
0x346: {  	[sflag:s30] =	ssyncadd.s32 $0xFFFFF000  }
0x347: {  	v4 =	vld [tilespmem:$0x400];
	_ =	sdelay $0x4  }
0x348: {  	v5 =	vshll.u32 v4, $0x3  }
0x349: {  	v4 =	vand.u32 $0x7, v4;
	v5 =	vand.u32 $0xFFFFFFC0, v5  }
0x34a: {  	v4 =	vor.u32 v4, v5  }
0x34b: {  	v5 =	vperm.xlane v4, v0;
	_ =	sdelay $0x1  }
0x34c: {  	v5 =	vadd.s32 v1, v5;
	_ =	sdelay $0x3  }
0x34d: {  	s4 =	simm.s32 $0x0  }
0x34e: {  	[tilespmem:s20], [sflag:$0x3] =	stream.indirect_vreg.gather [hbm4b:s2+s4], $0x80, v5, vm0, $0xb8;
	[tilespmem:$0x1B800] =	vst v63  }
0x34f: {  	s10 =	simm.s32 $0x11000;
	v4 =	vperm.xlane v4, v2  }
0x350: {  	[tilespmem:s10], [sflag:$0x3] =	stream.indirect_vreg.gather [hbm4b:s14+s4], $0x80, v5, vm0, $0xb8;
	[tilespmem:$0x1B800] =	vst v63  }
0x351: {  	s24 =	simm.s32 $0x11800;
	v4 =	vadd.s32 v1, v4  }
0x352: {  	[tilespmem:s24], [sflag:$0x3] =	stream.indirect_vreg.gather [hbm4b:s16+s4], $0x80, v5, vm0, $0xb8;
	[tilespmem:$0x1B800] =	vst v63  }
0x353: {  	s26 =	simm.s32 $0x12000  }
0x354: {  	[tilespmem:s26], [sflag:$0x3] =	stream.indirect_vreg.gather [hbm4b:s18+s4], $0x80, v5, vm0, $0xb8;
	[tilespmem:$0x1B800] =	vst v63  }
0x355: {  	_ = 	snop  }
0x356: {  	[tilespmem:s5], [sflag:$0x3] =	stream.indirect_vreg.gather [hbm4b:s2+s4], $0x80, v4, vm0, $0xb8;
	[tilespmem:$0x1B800] =	vst v63  }
0x357: {  	s8 =	simm.s32 $0x13000  }
0x358: {  	[tilespmem:s8], [sflag:$0x3] =	stream.indirect_vreg.gather [hbm4b:s14+s4], $0x80, v4, vm0, $0xb8;
	[tilespmem:$0x1B800] =	vst v63  }
0x359: {  	s10 =	simm.s32 $0x13800  }
0x35a: {  	[tilespmem:s10], [sflag:$0x3] =	stream.indirect_vreg.gather [hbm4b:s16+s4], $0x80, v4, vm0, $0xb8;
	[tilespmem:$0x1B800] =	vst v63  }
0x35b: {  	s24 =	simm.s32 $0x14000  }
0x35c: {  	[tilespmem:s24], [sflag:$0x3] =	stream.indirect_vreg.gather [hbm4b:s18+s4], $0x80, v4, vm0, $0xb8;
	[tilespmem:$0x1B800] =	vst v63  }
0x35d: {  	v4 =	vld [tilespmem:$0x410];
	_ =	sdelay $0x4  }
0x35e: {  	v5 =	vshll.u32 v4, $0x3  }
0x35f: {  	v4 =	vand.u32 $0x7, v4;
	v5 =	vand.u32 $0xFFFFFFC0, v5  }
0x360: {  	v4 =	vor.u32 v4, v5  }
0x361: {  	v5 =	vperm.xlane v4, v0;
	_ =	sdelay $0x1  }
0x362: {  	v5 =	vadd.s32 v1, v5;
	_ =	sdelay $0x4  }
0x363: {  	[tilespmem:s7], [sflag:$0x3] =	stream.indirect_vreg.gather [hbm4b:s2+s4], $0x80, v5, vm0, $0xb8;
	[tilespmem:$0x1B800] =	vst v63  }
0x364: {  	s26 =	simm.s32 $0x15000;
	v4 =	vperm.xlane v4, v2  }
0x365: {  	[tilespmem:s26], [sflag:$0x3] =	stream.indirect_vreg.gather [hbm4b:s14+s4], $0x80, v5, vm0, $0xb8;
	[tilespmem:$0x1B800] =	vst v63  }
0x366: {  	s8 =	simm.s32 $0x15800;
	v4 =	vadd.s32 v1, v4  }
0x367: {  	[tilespmem:s8], [sflag:$0x3] =	stream.indirect_vreg.gather [hbm4b:s16+s4], $0x80, v5, vm0, $0xb8;
	[tilespmem:$0x1B800] =	vst v63  }
0x368: {  	s10 =	simm.s32 $0x16000  }
0x369: {  	[tilespmem:s10], [sflag:$0x3] =	stream.indirect_vreg.gather [hbm4b:s18+s4], $0x80, v5, vm0, $0xb8;
	[tilespmem:$0x1B800] =	vst v63  }
0x36a: {  	_ = 	snop  }
0x36b: {  	[tilespmem:s9], [sflag:$0x3] =	stream.indirect_vreg.gather [hbm4b:s2+s4], $0x80, v4, vm0, $0xb8;
	[tilespmem:$0x1B800] =	vst v63  }
0x36c: {  	s24 =	simm.s32 $0x17000  }
0x36d: {  	[tilespmem:s24], [sflag:$0x3] =	stream.indirect_vreg.gather [hbm4b:s14+s4], $0x80, v4, vm0, $0xb8;
	[tilespmem:$0x1B800] =	vst v63  }
0x36e: {  	s26 =	simm.s32 $0x17800  }
0x36f: {  	[tilespmem:s26], [sflag:$0x3] =	stream.indirect_vreg.gather [hbm4b:s16+s4], $0x80, v4, vm0, $0xb8;
	[tilespmem:$0x1B800] =	vst v63  }
0x370: {  	s8 =	simm.s32 $0x18000  }
0x371: {  	[tilespmem:s8], [sflag:$0x3] =	stream.indirect_vreg.gather [hbm4b:s18+s4], $0x80, v4, vm0, $0xb8;
	[tilespmem:$0x1B800] =	vst v63  }
0x372: {  	_ =	swait.ge [sflag:s11], $0x8000  }
0x373: {  	[sflag:s11] =	ssyncset.done $0x0;
	s8 =	rddreg [dreg:$0x10]  }
0x374: {  	[sflag:s11] =	ssyncadd.s32 $0xFFFF8000;
	s10 =	sadd.s32 $0x400, s8  }
0x375: {  	[hbm4b:s8+s4] =	stream.linear.scatter [tilespmem:s22], [sflag:$0x4], $0x1C00, $0x38;
	[tilespmem:$0x1B800] =	vst v63  }
0x376: {  	s24 =	sadd.s32 $0x800, s8;
	s26 =	sadd.s32 $0xC00, s8;
	s8 =	sand.u32 $0x7, s4  }
0x377: {  	s6 =	sshll.u32 s8, $0x7  }
0x378: {  	[hbm4b:s10+s4] =	stream.linear.scatter [tilespmem:s31], [sflag:$0x4], $0x1C00, $0x38;
	[tilespmem:$0x1B800] =	vst v63  }
0x379: {  	s6 =	sadd.s32 $0x0, s6  }
0x37a: {  	[hbm4b:s24+s4] =	stream.linear.scatter [tilespmem:s12], [sflag:$0x4], $0x1C00, $0x38;
	[tilespmem:$0x1B800] =	vst v63  }
0x37b: {  	s10 =	sor.u32 $0x1C00, s6  }
0x37c: {  	[hbm4b:s26+s4] =	stream.linear.scatter [tilespmem:s1], [sflag:$0x4], $0x1C00, $0x38;
	[tilespmem:$0x1B800] =	vst v63  }
0x37d: {  	v4 =	vld [tilespmem:s10+$0x800];
	_ =	sdelay $0x3  }
0x37e: {  	s8 =	simm.s32 $0x18830  }
0x37f: {  	s10 =	sor.u32 $0x1C10, s6;
	[tilespmem:s8+$0xFFFFFFD0] =	vst v4  }
0x380: {  	v4 =	vld [tilespmem:s10+$0x800];
	_ =	sdelay $0x4  }
0x381: {  	s24 =	sor.u32 $0x1C20, s6;
	[tilespmem:s8+$0xFFFFFFE0] =	vst v4  }
0x382: {  	v4 =	vld [tilespmem:s24+$0x800];
	_ =	sdelay $0x4  }
0x383: {  	s26 =	sor.u32 $0x1C30, s6;
	[tilespmem:s8+$0xFFFFFFF0] =	vst v4  }
0x384: {  	v4 =	vld [tilespmem:s26+$0x800];
	_ =	sdelay $0x4  }
0x385: {  	s24 =	sor.u32 $0x1C40, s6;
	[tilespmem:s8+$0x0] =	vst v4  }
0x386: {  	v4 =	vld [tilespmem:s24+$0x800];
	_ =	sdelay $0x4  }
0x387: {  	s26 =	sor.u32 $0x1C50, s6;
	[tilespmem:s8+$0x10] =	vst v4  }
0x388: {  	v4 =	vld [tilespmem:s26+$0x800];
	_ =	sdelay $0x4  }
0x389: {  	s6 =	sor.u32 $0x1C60, s6;
	[tilespmem:s8+$0x20] =	vst v4  }
0x38a: {  	v5 =	vld.msk [tilespmem:s6+$0x800], $0xff;
	_ =	sdelay $0x3  }
0x38b: {  	s24 =	simm.s32 $0x1  }
0x38c: {  	s26 =	simm.s32 $0x100;
	v4 =	vperm.xlane v4, v3;
	s6 =	sand.u32 $0x7, s24;
	v5 =	vperm.xlane v5, v3  }
.LBB2_14:
0x38d: {  	p0 =	sne.s32 s26, $0xF80;
	s6 =	sshll.u32 s6, $0x7;
	s4 =	sadd.s32 $0x400, s4  }
0x38e: {  	s6 =	sadd.s32 s6, s4;
	v4 =	vsel vm1, v4, v5  }
0x38f: {  	s10 =	sor.u32 $0x1C00, s6;
	[tilespmem:s8+$0x28] =	vst v4  }
0x390: {  	v4 =	vld [tilespmem:s10+$0x800];
	_ =	sdelay $0x3  }
0x391: {  	s8 =	sadd.s32 $0x80, s8  }
0x392: {  	s10 =	sor.u32 $0x1C10, s6;
	[tilespmem:s8+$0xFFFFFFD0] =	vst v4  }
0x393: {  	v4 =	vld [tilespmem:s10+$0x800];
	_ =	sdelay $0x4  }
0x394: {  	s10 =	sor.u32 $0x1C20, s6;
	[tilespmem:s8+$0xFFFFFFE0] =	vst v4  }
0x395: {  	v4 =	vld [tilespmem:s10+$0x800];
	_ =	sdelay $0x4  }
0x396: {  	s10 =	sor.u32 $0x1C30, s6;
	[tilespmem:s8+$0xFFFFFFF0] =	vst v4  }
0x397: {  	v4 =	vld [tilespmem:s10+$0x800];
	_ =	sdelay $0x4  }
0x398: {  	s10 =	sor.u32 $0x1C40, s6;
	[tilespmem:s8+$0x0] =	vst v4  }
0x399: {  	v4 =	vld [tilespmem:s10+$0x800];
	_ =	sdelay $0x4  }
0x39a: {  	s10 =	sor.u32 $0x1C50, s6;
	[tilespmem:s8+$0x10] =	vst v4  }
0x39b: {  	v4 =	vld [tilespmem:s10+$0x800];
	_ =	sdelay $0x4  }
0x39c: {  	s6 =	sor.u32 $0x1C60, s6;
	[tilespmem:s8+$0x20] =	vst v4;
	v4 =	vperm.xlane v4, v3  }
0x39d: {  	v5 =	vld.msk [tilespmem:s6+$0x800], $0xff  }
.Ltmp6:
0x39e: {  	(pc) =	sbr.rel @p0 .LBB2_14-.Ltmp6, $3  }
0x39f: {  	_ =	sdelay $0x1  }
0x3a0: {  	s24 =	sadd.s32 $0x1, s24  }
0x3a1: {  	s26 =	sadd.s32 $0x80, s26;
	s6 =	sand.u32 $0x7, s24;
	v5 =	vperm.xlane v5, v3  }
0x3a2: {  	s6 =	sshll.u32 s6, $0x7;
	s4 =	sadd.s32 $0x400, s4  }
0x3a3: {  	s4 =	sadd.s32 s6, s4;
	v4 =	vsel vm1, v4, v5  }
0x3a4: {  	s6 =	sor.u32 $0x1C00, s4;
	[tilespmem:s8+$0x28] =	vst v4  }
0x3a5: {  	v4 =	vld [tilespmem:s6+$0x800];
	_ =	sdelay $0x3  }
0x3a6: {  	s6 =	sadd.s32 $0x80, s8  }
0x3a7: {  	s24 =	sor.u32 $0x1C10, s4;
	[tilespmem:s6+$0xFFFFFFD0] =	vst v4  }
0x3a8: {  	v4 =	vld [tilespmem:s24+$0x800];
	_ =	sdelay $0x4  }
0x3a9: {  	s26 =	sor.u32 $0x1C20, s4;
	[tilespmem:s6+$0xFFFFFFE0] =	vst v4  }
0x3aa: {  	v4 =	vld [tilespmem:s26+$0x800];
	_ =	sdelay $0x4  }
0x3ab: {  	s10 =	sor.u32 $0x1C30, s4;
	[tilespmem:s6+$0xFFFFFFF0] =	vst v4  }
0x3ac: {  	v4 =	vld [tilespmem:s10+$0x800];
	_ =	sdelay $0x4  }
0x3ad: {  	s24 =	sor.u32 $0x1C40, s4;
	[tilespmem:s6+$0x0] =	vst v4  }
0x3ae: {  	v4 =	vld [tilespmem:s24+$0x800];
	_ =	sdelay $0x4  }
0x3af: {  	s26 =	sor.u32 $0x1C50, s4;
	[tilespmem:s6+$0x10] =	vst v4  }
0x3b0: {  	v4 =	vld [tilespmem:s26+$0x800];
	_ =	sdelay $0x4  }
0x3b1: {  	s4 =	sor.u32 $0x1C60, s4;
	[tilespmem:s6+$0x20] =	vst v4  }
0x3b2: {  	v5 =	vld.msk [tilespmem:s4+$0x800], $0xff;
	_ =	sdelay $0x4  }
0x3b3: {  	v4 =	vperm.xlane v4, v3;
	v5 =	vperm.xlane v5, v3;
	_ =	sdelay $0x1  }
0x3b4: {  	v4 =	vsel vm1, v4, v5  }
0x3b5: {  	s10 =	rddreg [dreg:$0x11];
	s24 =	simm.s32 $0x18800;
	[tilespmem:s6+$0x28] =	vst v4  }
0x3b6: {  	[hbm4b:s10+s13] =	stream.strided.scatter [tilespmem:s24], [sflag:$0x7], $0x1000, s29, s13, $0x38;
	[tilespmem:$0x1B800] =	vst v63  }
0x3b7: {  	_ =	swait.ge [sflag:s15], $0x7000  }
0x3b8: {  	[sflag:s15] =	ssyncset.done $0x0  }
0x3b9: {  	[sflag:s15] =	ssyncadd.s32 $0xFFFF9000  }
0x3ba: {  	_ =	swait.ge [sflag:s17], $0x1000  }
0x3bb: {  	[sflag:s17] =	ssyncset.done $0x0  }
0x3bc: {  	[sflag:s17] =	ssyncadd.s32 $0xFFFFF000  }
0x3bd: {  	v4 =	vld [tilespmem:$0x480];
	_ =	sdelay $0x4  }
0x3be: {  	v5 =	vshll.u32 v4, $0x3  }
0x3bf: {  	v4 =	vand.u32 $0x7, v4;
	v5 =	vand.u32 $0xFFFFFFC0, v5  }
0x3c0: {  	v4 =	vor.u32 v4, v5  }
0x3c1: {  	v5 =	vperm.xlane v4, v0;
	_ =	sdelay $0x1  }
0x3c2: {  	v5 =	vadd.s32 v1, v5;
	_ =	sdelay $0x3  }
0x3c3: {  	s4 =	simm.s32 $0x0  }
0x3c4: {  	[tilespmem:s22], [sflag:$0x1] =	stream.indirect_vreg.gather [hbm4b:s2+s4], $0x80, v5, vm0, $0xb8;
	[tilespmem:$0x1B800] =	vst v63  }
0x3c5: {  	s26 =	simm.s32 $0x1000;
	v4 =	vperm.xlane v4, v2  }
0x3c6: {  	[tilespmem:s26], [sflag:$0x1] =	stream.indirect_vreg.gather [hbm4b:s14+s4], $0x80, v5, vm0, $0xb8;
	[tilespmem:$0x1B800] =	vst v63  }
0x3c7: {  	s8 =	simm.s32 $0x1800;
	v4 =	vadd.s32 v1, v4  }
0x3c8: {  	[tilespmem:s8], [sflag:$0x1] =	stream.indirect_vreg.gather [hbm4b:s16+s4], $0x80, v5, vm0, $0xb8;
	[tilespmem:$0x1B800] =	vst v63  }
0x3c9: {  	_ = 	snop  }
0x3ca: {  	[tilespmem:s29], [sflag:$0x1] =	stream.indirect_vreg.gather [hbm4b:s18+s4], $0x80, v5, vm0, $0xb8;
	[tilespmem:$0x1B800] =	vst v63  }
0x3cb: {  	_ = 	snop  }
0x3cc: {  	[tilespmem:s31], [sflag:$0x1] =	stream.indirect_vreg.gather [hbm4b:s2+s4], $0x80, v4, vm0, $0xb8;
	[tilespmem:$0x1B800] =	vst v63  }
0x3cd: {  	s10 =	simm.s32 $0x3000  }
0x3ce: {  	[tilespmem:s10], [sflag:$0x1] =	stream.indirect_vreg.gather [hbm4b:s14+s4], $0x80, v4, vm0, $0xb8;
	[tilespmem:$0x1B800] =	vst v63  }
0x3cf: {  	s24 =	simm.s32 $0x3800  }
0x3d0: {  	[tilespmem:s24], [sflag:$0x1] =	stream.indirect_vreg.gather [hbm4b:s16+s4], $0x80, v4, vm0, $0xb8;
	[tilespmem:$0x1B800] =	vst v63  }
0x3d1: {  	s26 =	simm.s32 $0x4000  }
0x3d2: {  	[tilespmem:s26], [sflag:$0x1] =	stream.indirect_vreg.gather [hbm4b:s18+s4], $0x80, v4, vm0, $0xb8;
	[tilespmem:$0x1B800] =	vst v63  }
0x3d3: {  	v4 =	vld [tilespmem:$0x490];
	_ =	sdelay $0x4  }
0x3d4: {  	v5 =	vshll.u32 v4, $0x3  }
0x3d5: {  	v4 =	vand.u32 $0x7, v4;
	v5 =	vand.u32 $0xFFFFFFC0, v5  }
0x3d6: {  	v4 =	vor.u32 v4, v5  }
0x3d7: {  	v5 =	vperm.xlane v4, v0;
	_ =	sdelay $0x1  }
0x3d8: {  	v5 =	vadd.s32 v1, v5;
	_ =	sdelay $0x4  }
0x3d9: {  	[tilespmem:s12], [sflag:$0x1] =	stream.indirect_vreg.gather [hbm4b:s2+s4], $0x80, v5, vm0, $0xb8;
	[tilespmem:$0x1B800] =	vst v63  }
0x3da: {  	s8 =	simm.s32 $0x5000;
	v4 =	vperm.xlane v4, v2  }
0x3db: {  	[tilespmem:s8], [sflag:$0x1] =	stream.indirect_vreg.gather [hbm4b:s14+s4], $0x80, v5, vm0, $0xb8;
	[tilespmem:$0x1B800] =	vst v63  }
0x3dc: {  	s10 =	simm.s32 $0x5800;
	v4 =	vadd.s32 v1, v4  }
0x3dd: {  	[tilespmem:s10], [sflag:$0x1] =	stream.indirect_vreg.gather [hbm4b:s16+s4], $0x80, v5, vm0, $0xb8;
	[tilespmem:$0x1B800] =	vst v63  }
0x3de: {  	s24 =	simm.s32 $0x6000  }
0x3df: {  	[tilespmem:s24], [sflag:$0x1] =	stream.indirect_vreg.gather [hbm4b:s18+s4], $0x80, v5, vm0, $0xb8;
	[tilespmem:$0x1B800] =	vst v63  }
0x3e0: {  	_ = 	snop  }
0x3e1: {  	[tilespmem:s1], [sflag:$0x1] =	stream.indirect_vreg.gather [hbm4b:s2+s4], $0x80, v4, vm0, $0xb8;
	[tilespmem:$0x1B800] =	vst v63  }
0x3e2: {  	s26 =	simm.s32 $0x7000  }
0x3e3: {  	[tilespmem:s26], [sflag:$0x1] =	stream.indirect_vreg.gather [hbm4b:s14+s4], $0x80, v4, vm0, $0xb8;
	[tilespmem:$0x1B800] =	vst v63  }
0x3e4: {  	s8 =	simm.s32 $0x7800  }
0x3e5: {  	[tilespmem:s8], [sflag:$0x1] =	stream.indirect_vreg.gather [hbm4b:s16+s4], $0x80, v4, vm0, $0xb8;
	[tilespmem:$0x1B800] =	vst v63  }
0x3e6: {  	s10 =	simm.s32 $0x8000  }
0x3e7: {  	[tilespmem:s10], [sflag:$0x1] =	stream.indirect_vreg.gather [hbm4b:s18+s4], $0x80, v4, vm0, $0xb8;
	[tilespmem:$0x1B800] =	vst v63  }
0x3e8: {  	_ =	swait.ge [sflag:s19], $0x8000  }
0x3e9: {  	[sflag:s19] =	ssyncset.done $0x0  }
0x3ea: {  	s24 =	simm.s32 $0x8800;
	s8 =	rddreg [dreg:$0x12];
	[sflag:s19] =	ssyncadd.s32 $0xFFFF8000  }
0x3eb: {  	[hbm4b:s8+s4] =	stream.linear.scatter [tilespmem:s24], [sflag:$0x5], $0x1C00, $0x38;
	[tilespmem:$0x1B800] =	vst v63  }
0x3ec: {  	s10 =	simm.s32 $0xA800;
	s26 =	sadd.s32 $0x400, s8  }
0x3ed: {  	[hbm4b:s26+s4] =	stream.linear.scatter [tilespmem:s10], [sflag:$0x5], $0x1C00, $0x38;
	[tilespmem:$0x1B800] =	vst v63  }
0x3ee: {  	s24 =	sadd.s32 $0x800, s8;
	s26 =	simm.s32 $0xC800  }
0x3ef: {  	[hbm4b:s24+s4] =	stream.linear.scatter [tilespmem:s26], [sflag:$0x5], $0x1C00, $0x38;
	[tilespmem:$0x1B800] =	vst v63  }
0x3f0: {  	s8 =	sadd.s32 $0xC00, s8;
	s10 =	simm.s32 $0xE800  }
0x3f1: {  	[hbm4b:s8+s4] =	stream.linear.scatter [tilespmem:s10], [sflag:$0x5], $0x1C00, $0x38;
	[tilespmem:$0x1B800] =	vst v63  }
0x3f2: {  	s4 =	sor.u32 s4, s4  }
0x3f3: {  	s24 =	sor.u32 $0x9C00, s4  }
0x3f4: {  	v4 =	vld [tilespmem:s24+$0x800];
	_ =	sdelay $0x3  }
0x3f5: {  	s4 =	simm.s32 $0x19858  }
0x3f6: {  	[tilespmem:s4+$0xFFFFFFA8] =	vst v4  }
0x3f7: {  	v4 =	vld [tilespmem:s24+$0x810];
	_ =	sdelay $0x4  }
0x3f8: {  	[tilespmem:s4+$0xFFFFFFB8] =	vst v4  }
0x3f9: {  	v4 =	vld [tilespmem:s24+$0x820];
	_ =	sdelay $0x4  }
0x3fa: {  	[tilespmem:s4+$0xFFFFFFC8] =	vst v4  }
0x3fb: {  	v4 =	vld [tilespmem:s24+$0x830];
	_ =	sdelay $0x4  }
0x3fc: {  	[tilespmem:s4+$0xFFFFFFD8] =	vst v4  }
0x3fd: {  	v4 =	vld [tilespmem:s24+$0x840];
	_ =	sdelay $0x4  }
0x3fe: {  	[tilespmem:s4+$0xFFFFFFE8] =	vst v4  }
0x3ff: {  	v4 =	vld [tilespmem:s24+$0x850];
	_ =	sdelay $0x4  }
0x400: {  	[tilespmem:s4+$0xFFFFFFF8] =	vst v4  }
0x401: {  	v5 =	vld.msk [tilespmem:s24+$0x860], $0xff;
	_ =	sdelay $0x4  }
0x402: {  	v4 =	vperm.xlane v4, v3;
	v5 =	vperm.xlane v5, v3  }
0x403: {  	s26 =	simm.s32 $0x400;
	s8 =	simm.s32 $0x80  }
0x404: {  	s6 =	sor.u32 s26, s8;
	s24 =	simm.s32 $0x800;
	v4 =	vsel vm1, v4, v5  }
.LBB2_16:
0x405: {  	p0 =	sne.s32 s24, $0x7C00;
	s6 =	sor.u32 $0x9C00, s6;
	[tilespmem:s4+$0x0] =	vst v4  }
0x406: {  	v4 =	vld [tilespmem:s6+$0x800];
	_ =	sdelay $0x3  }
0x407: {  	s4 =	sadd.s32 $0x80, s4  }
0x408: {  	[tilespmem:s4+$0xFFFFFFA8] =	vst v4  }
0x409: {  	v4 =	vld [tilespmem:s6+$0x810];
	_ =	sdelay $0x4  }
0x40a: {  	[tilespmem:s4+$0xFFFFFFB8] =	vst v4  }
0x40b: {  	v4 =	vld [tilespmem:s6+$0x820];
	_ =	sdelay $0x4  }
0x40c: {  	[tilespmem:s4+$0xFFFFFFC8] =	vst v4  }
0x40d: {  	v4 =	vld [tilespmem:s6+$0x830];
	_ =	sdelay $0x4  }
0x40e: {  	[tilespmem:s4+$0xFFFFFFD8] =	vst v4  }
0x40f: {  	v4 =	vld [tilespmem:s6+$0x840];
	_ =	sdelay $0x4  }
0x410: {  	[tilespmem:s4+$0xFFFFFFE8] =	vst v4  }
0x411: {  	v4 =	vld [tilespmem:s6+$0x850];
	_ =	sdelay $0x4  }
0x412: {  	[tilespmem:s4+$0xFFFFFFF8] =	vst v4;
	v4 =	vperm.xlane v4, v3  }
0x413: {  	v5 =	vld.msk [tilespmem:s6+$0x860], $0xff;
	_ =	sdelay $0x2  }
.Ltmp7:
0x414: {  	(pc) =	sbr.rel @p0 .LBB2_16-.Ltmp7, $4  }
0x415: {  	_ = 	snop  }
0x416: {  	v5 =	vperm.xlane v5, v3  }
0x417: {  	s8 =	sadd.s32 $0x80, s8  }
0x418: {  	s6 =	sor.u32 s24, s8;
	s24 =	sadd.s32 $0x400, s24;
	v4 =	vsel vm1, v4, v5  }
0x419: {  	s6 =	sor.u32 $0x9C00, s6;
	[tilespmem:s4+$0x0] =	vst v4  }
0x41a: {  	v4 =	vld [tilespmem:s6+$0x800];
	_ =	sdelay $0x3  }
0x41b: {  	s26 =	sadd.s32 $0x80, s4  }
0x41c: {  	[tilespmem:s26+$0xFFFFFFA8] =	vst v4  }
0x41d: {  	v4 =	vld [tilespmem:s6+$0x810];
	_ =	sdelay $0x4  }
0x41e: {  	[tilespmem:s26+$0xFFFFFFB8] =	vst v4  }
0x41f: {  	v4 =	vld [tilespmem:s6+$0x820];
	_ =	sdelay $0x4  }
0x420: {  	[tilespmem:s26+$0xFFFFFFC8] =	vst v4  }
0x421: {  	v4 =	vld [tilespmem:s6+$0x830];
	_ =	sdelay $0x4  }
0x422: {  	[tilespmem:s26+$0xFFFFFFD8] =	vst v4  }
0x423: {  	v4 =	vld [tilespmem:s6+$0x840];
	_ =	sdelay $0x4  }
0x424: {  	[tilespmem:s26+$0xFFFFFFE8] =	vst v4  }
0x425: {  	v4 =	vld [tilespmem:s6+$0x850];
	_ =	sdelay $0x4  }
0x426: {  	[tilespmem:s26+$0xFFFFFFF8] =	vst v4  }
0x427: {  	v5 =	vld.msk [tilespmem:s6+$0x860], $0xff;
	_ =	sdelay $0x4  }
0x428: {  	v4 =	vperm.xlane v4, v3;
	v5 =	vperm.xlane v5, v3;
	_ =	sdelay $0x1  }
0x429: {  	v4 =	vsel vm1, v4, v5  }
0x42a: {  	s8 =	rddreg [dreg:$0x13];
	s10 =	simm.s32 $0x19800;
	[tilespmem:s26+$0x0] =	vst v4  }
0x42b: {  	[hbm4b:s8+s13] =	stream.strided.scatter [tilespmem:s10], [sflag:$0x8], $0x1000, s29, s13, $0x38;
	[tilespmem:$0x1B800] =	vst v63  }
0x42c: {  	_ =	swait.ge [sflag:s21], $0x7000  }
0x42d: {  	[sflag:s21] =	ssyncset.done $0x0  }
0x42e: {  	[sflag:s21] =	ssyncadd.s32 $0xFFFF9000  }
0x42f: {  	_ =	swait.ge [sflag:s23], $0x1000  }
0x430: {  	[sflag:s23] =	ssyncset.done $0x0  }
0x431: {  	[sflag:s23] =	ssyncadd.s32 $0xFFFFF000  }
0x432: {  	v4 =	vld [tilespmem:$0x500];
	_ =	sdelay $0x4  }
0x433: {  	v5 =	vshll.u32 v4, $0x3  }
0x434: {  	v4 =	vand.u32 $0x7, v4;
	v5 =	vand.u32 $0xFFFFFFC0, v5  }
0x435: {  	v4 =	vor.u32 v4, v5  }
0x436: {  	v5 =	vperm.xlane v4, v0;
	_ =	sdelay $0x1  }
0x437: {  	v5 =	vadd.s32 v1, v5;
	_ =	sdelay $0x3  }
0x438: {  	s4 =	simm.s32 $0x0;
	s24 =	simm.s32 $0x8800  }
0x439: {  	[tilespmem:s24], [sflag:$0x2] =	stream.indirect_vreg.gather [hbm4b:s2+s4], $0x80, v5, vm0, $0xb8;
	[tilespmem:$0x1B800] =	vst v63  }
0x43a: {  	s26 =	simm.s32 $0x9000;
	v4 =	vperm.xlane v4, v2  }
0x43b: {  	[tilespmem:s26], [sflag:$0x2] =	stream.indirect_vreg.gather [hbm4b:s14+s4], $0x80, v5, vm0, $0xb8;
	[tilespmem:$0x1B800] =	vst v63  }
0x43c: {  	s8 =	simm.s32 $0x9800;
	v4 =	vadd.s32 v1, v4  }
0x43d: {  	[tilespmem:s8], [sflag:$0x2] =	stream.indirect_vreg.gather [hbm4b:s16+s4], $0x80, v5, vm0, $0xb8;
	[tilespmem:$0x1B800] =	vst v63  }
0x43e: {  	s10 =	simm.s32 $0xA000  }
0x43f: {  	[tilespmem:s10], [sflag:$0x2] =	stream.indirect_vreg.gather [hbm4b:s18+s4], $0x80, v5, vm0, $0xb8;
	[tilespmem:$0x1B800] =	vst v63  }
0x440: {  	s24 =	simm.s32 $0xA800  }
0x441: {  	[tilespmem:s24], [sflag:$0x2] =	stream.indirect_vreg.gather [hbm4b:s2+s4], $0x80, v4, vm0, $0xb8;
	[tilespmem:$0x1B800] =	vst v63  }
0x442: {  	s26 =	simm.s32 $0xB000  }
0x443: {  	[tilespmem:s26], [sflag:$0x2] =	stream.indirect_vreg.gather [hbm4b:s14+s4], $0x80, v4, vm0, $0xb8;
	[tilespmem:$0x1B800] =	vst v63  }
0x444: {  	s8 =	simm.s32 $0xB800  }
0x445: {  	[tilespmem:s8], [sflag:$0x2] =	stream.indirect_vreg.gather [hbm4b:s16+s4], $0x80, v4, vm0, $0xb8;
	[tilespmem:$0x1B800] =	vst v63  }
0x446: {  	s10 =	simm.s32 $0xC000  }
0x447: {  	[tilespmem:s10], [sflag:$0x2] =	stream.indirect_vreg.gather [hbm4b:s18+s4], $0x80, v4, vm0, $0xb8;
	[tilespmem:$0x1B800] =	vst v63  }
0x448: {  	v4 =	vld [tilespmem:$0x510];
	_ =	sdelay $0x4  }
0x449: {  	v5 =	vshll.u32 v4, $0x3  }
0x44a: {  	v4 =	vand.u32 $0x7, v4;
	v5 =	vand.u32 $0xFFFFFFC0, v5  }
0x44b: {  	v4 =	vor.u32 v4, v5  }
0x44c: {  	v5 =	vperm.xlane v4, v0;
	_ =	sdelay $0x1  }
0x44d: {  	v5 =	vadd.s32 v1, v5;
	_ =	sdelay $0x3  }
0x44e: {  	s24 =	simm.s32 $0xC800  }
0x44f: {  	[tilespmem:s24], [sflag:$0x2] =	stream.indirect_vreg.gather [hbm4b:s2+s4], $0x80, v5, vm0, $0xb8;
	[tilespmem:$0x1B800] =	vst v63  }
0x450: {  	s26 =	simm.s32 $0xD000;
	v4 =	vperm.xlane v4, v2  }
0x451: {  	[tilespmem:s26], [sflag:$0x2] =	stream.indirect_vreg.gather [hbm4b:s14+s4], $0x80, v5, vm0, $0xb8;
	[tilespmem:$0x1B800] =	vst v63  }
0x452: {  	s8 =	simm.s32 $0xD800;
	v4 =	vadd.s32 v1, v4  }
0x453: {  	[tilespmem:s8], [sflag:$0x2] =	stream.indirect_vreg.gather [hbm4b:s16+s4], $0x80, v5, vm0, $0xb8;
	[tilespmem:$0x1B800] =	vst v63  }
0x454: {  	s10 =	simm.s32 $0xE000  }
0x455: {  	[tilespmem:s10], [sflag:$0x2] =	stream.indirect_vreg.gather [hbm4b:s18+s4], $0x80, v5, vm0, $0xb8;
	[tilespmem:$0x1B800] =	vst v63  }
0x456: {  	s24 =	simm.s32 $0xE800  }
0x457: {  	[tilespmem:s24], [sflag:$0x2] =	stream.indirect_vreg.gather [hbm4b:s2+s4], $0x80, v4, vm0, $0xb8;
	[tilespmem:$0x1B800] =	vst v63  }
0x458: {  	s26 =	simm.s32 $0xF000  }
0x459: {  	[tilespmem:s26], [sflag:$0x2] =	stream.indirect_vreg.gather [hbm4b:s14+s4], $0x80, v4, vm0, $0xb8;
	[tilespmem:$0x1B800] =	vst v63  }
0x45a: {  	s8 =	simm.s32 $0xF800  }
0x45b: {  	[tilespmem:s8], [sflag:$0x2] =	stream.indirect_vreg.gather [hbm4b:s16+s4], $0x80, v4, vm0, $0xb8;
	[tilespmem:$0x1B800] =	vst v63  }
0x45c: {  	s10 =	simm.s32 $0x10000  }
0x45d: {  	[tilespmem:s10], [sflag:$0x2] =	stream.indirect_vreg.gather [hbm4b:s18+s4], $0x80, v4, vm0, $0xb8;
	[tilespmem:$0x1B800] =	vst v63  }
0x45e: {  	_ =	swait.ge [sflag:s25], $0x8000  }
0x45f: {  	[sflag:s25] =	ssyncset.done $0x0  }
0x460: {  	s8 =	rddreg [dreg:$0x14];
	[sflag:s25] =	ssyncadd.s32 $0xFFFF8000  }
0x461: {  	[hbm4b:s8+s4] =	stream.linear.scatter [tilespmem:s20], [sflag:$0x6], $0x1C00, $0x38;
	[tilespmem:$0x1B800] =	vst v63  }
0x462: {  	s24 =	sadd.s32 $0x400, s8  }
0x463: {  	[hbm4b:s24+s4] =	stream.linear.scatter [tilespmem:s5], [sflag:$0x6], $0x1C00, $0x38;
	[tilespmem:$0x1B800] =	vst v63  }
0x464: {  	s26 =	sadd.s32 $0x800, s8  }
0x465: {  	[hbm4b:s26+s4] =	stream.linear.scatter [tilespmem:s7], [sflag:$0x6], $0x1C00, $0x38;
	[tilespmem:$0x1B800] =	vst v63  }
0x466: {  	s10 =	sadd.s32 $0xC00, s8  }
0x467: {  	[hbm4b:s10+s4] =	stream.linear.scatter [tilespmem:s9], [sflag:$0x6], $0x1C00, $0x38;
	[tilespmem:$0x1B800] =	vst v63  }
0x468: {  	s4 =	sor.u32 s4, s4  }
0x469: {  	s24 =	sor.u32 $0x11C00, s4  }
0x46a: {  	v4 =	vld [tilespmem:s24+$0x800];
	_ =	sdelay $0x3  }
0x46b: {  	s4 =	simm.s32 $0x1A858  }
0x46c: {  	[tilespmem:s4+$0xFFFFFFA8] =	vst v4  }
0x46d: {  	v4 =	vld [tilespmem:s24+$0x810];
	_ =	sdelay $0x4  }
0x46e: {  	[tilespmem:s4+$0xFFFFFFB8] =	vst v4  }
0x46f: {  	v4 =	vld [tilespmem:s24+$0x820];
	_ =	sdelay $0x4  }
0x470: {  	[tilespmem:s4+$0xFFFFFFC8] =	vst v4  }
0x471: {  	v4 =	vld [tilespmem:s24+$0x830];
	_ =	sdelay $0x4  }
0x472: {  	[tilespmem:s4+$0xFFFFFFD8] =	vst v4  }
0x473: {  	v4 =	vld [tilespmem:s24+$0x840];
	_ =	sdelay $0x4  }
0x474: {  	[tilespmem:s4+$0xFFFFFFE8] =	vst v4  }
0x475: {  	v4 =	vld [tilespmem:s24+$0x850];
	_ =	sdelay $0x4  }
0x476: {  	[tilespmem:s4+$0xFFFFFFF8] =	vst v4  }
0x477: {  	v5 =	vld.msk [tilespmem:s24+$0x860], $0xff;
	_ =	sdelay $0x4  }
0x478: {  	v4 =	vperm.xlane v4, v3;
	v5 =	vperm.xlane v5, v3  }
0x479: {  	s8 =	simm.s32 $0x80;
	s26 =	simm.s32 $0x400  }
0x47a: {  	s6 =	sor.u32 s26, s8;
	s24 =	simm.s32 $0x800;
	v4 =	vsel vm1, v4, v5  }
.LBB2_18:
0x47b: {  	p0 =	sne.s32 s24, $0x7C00;
	s6 =	sor.u32 $0x11C00, s6;
	[tilespmem:s4+$0x0] =	vst v4  }
0x47c: {  	v4 =	vld [tilespmem:s6+$0x800];
	_ =	sdelay $0x3  }
0x47d: {  	s4 =	sadd.s32 $0x80, s4  }
0x47e: {  	[tilespmem:s4+$0xFFFFFFA8] =	vst v4  }
0x47f: {  	v4 =	vld [tilespmem:s6+$0x810];
	_ =	sdelay $0x4  }
0x480: {  	[tilespmem:s4+$0xFFFFFFB8] =	vst v4  }
0x481: {  	v4 =	vld [tilespmem:s6+$0x820];
	_ =	sdelay $0x4  }
0x482: {  	[tilespmem:s4+$0xFFFFFFC8] =	vst v4  }
0x483: {  	v4 =	vld [tilespmem:s6+$0x830];
	_ =	sdelay $0x4  }
0x484: {  	[tilespmem:s4+$0xFFFFFFD8] =	vst v4  }
0x485: {  	v4 =	vld [tilespmem:s6+$0x840];
	_ =	sdelay $0x4  }
0x486: {  	[tilespmem:s4+$0xFFFFFFE8] =	vst v4  }
0x487: {  	v4 =	vld [tilespmem:s6+$0x850];
	_ =	sdelay $0x4  }
0x488: {  	[tilespmem:s4+$0xFFFFFFF8] =	vst v4;
	v4 =	vperm.xlane v4, v3  }
0x489: {  	v5 =	vld.msk [tilespmem:s6+$0x860], $0xff;
	_ =	sdelay $0x2  }
.Ltmp8:
0x48a: {  	(pc) =	sbr.rel @p0 .LBB2_18-.Ltmp8, $4  }
0x48b: {  	_ = 	snop  }
0x48c: {  	v5 =	vperm.xlane v5, v3  }
0x48d: {  	s8 =	sadd.s32 $0x80, s8  }
0x48e: {  	s6 =	sor.u32 s24, s8;
	s24 =	sadd.s32 $0x400, s24;
	v4 =	vsel vm1, v4, v5  }
0x48f: {  	s6 =	sor.u32 $0x11C00, s6;
	[tilespmem:s4+$0x0] =	vst v4  }
0x490: {  	v4 =	vld [tilespmem:s6+$0x800];
	_ =	sdelay $0x3  }
0x491: {  	s26 =	sadd.s32 $0x80, s4  }
0x492: {  	[tilespmem:s26+$0xFFFFFFA8] =	vst v4  }
0x493: {  	v4 =	vld [tilespmem:s6+$0x810];
	_ =	sdelay $0x4  }
0x494: {  	[tilespmem:s26+$0xFFFFFFB8] =	vst v4  }
0x495: {  	v4 =	vld [tilespmem:s6+$0x820];
	_ =	sdelay $0x4  }
0x496: {  	[tilespmem:s26+$0xFFFFFFC8] =	vst v4  }
0x497: {  	v4 =	vld [tilespmem:s6+$0x830];
	_ =	sdelay $0x4  }
0x498: {  	[tilespmem:s26+$0xFFFFFFD8] =	vst v4  }
0x499: {  	v4 =	vld [tilespmem:s6+$0x840];
	_ =	sdelay $0x4  }
0x49a: {  	[tilespmem:s26+$0xFFFFFFE8] =	vst v4  }
0x49b: {  	v4 =	vld [tilespmem:s6+$0x850];
	_ =	sdelay $0x4  }
0x49c: {  	[tilespmem:s26+$0xFFFFFFF8] =	vst v4  }
0x49d: {  	v5 =	vld.msk [tilespmem:s6+$0x860], $0xff;
	_ =	sdelay $0x4  }
0x49e: {  	v4 =	vperm.xlane v4, v3;
	v5 =	vperm.xlane v5, v3;
	_ =	sdelay $0x1  }
0x49f: {  	v4 =	vsel vm1, v4, v5  }
0x4a0: {  	s8 =	simm.s32 $0x1A800;
	s6 =	rddreg [dreg:$0x15];
	[tilespmem:s26+$0x0] =	vst v4  }
0x4a1: {  	[hbm4b:s6+s13] =	stream.strided.scatter [tilespmem:s8], [sflag:$0x9], $0x1000, s29, s13, $0x38;
	[tilespmem:$0x1B800] =	vst v63  }
0x4a2: {  	_ =	swait.ge [sflag:s28], $0x7000  }
0x4a3: {  	[sflag:s28] =	ssyncset.done $0x0  }
0x4a4: {  	[sflag:s28] =	ssyncadd.s32 $0xFFFF9000  }
0x4a5: {  	_ =	swait.ge [sflag:s30], $0x1000  }
0x4a6: {  	[sflag:s30] =	ssyncset.done $0x0  }
0x4a7: {  	[sflag:s30] =	ssyncadd.s32 $0xFFFFF000  }
0x4a8: {  	v4 =	vld [tilespmem:$0x580];
	_ =	sdelay $0x4  }
0x4a9: {  	v5 =	vshll.u32 v4, $0x3  }
0x4aa: {  	v4 =	vand.u32 $0x7, v4;
	v5 =	vand.u32 $0xFFFFFFC0, v5  }
0x4ab: {  	v4 =	vor.u32 v4, v5  }
0x4ac: {  	v5 =	vperm.xlane v4, v0;
	_ =	sdelay $0x1  }
0x4ad: {  	v5 =	vadd.s32 v1, v5;
	_ =	sdelay $0x3  }
0x4ae: {  	s4 =	simm.s32 $0x0  }
0x4af: {  	[tilespmem:s20], [sflag:$0x3] =	stream.indirect_vreg.gather [hbm4b:s2+s4], $0x80, v5, vm0, $0xb8;
	[tilespmem:$0x1B800] =	vst v63  }
0x4b0: {  	s10 =	simm.s32 $0x11000;
	v4 =	vperm.xlane v4, v2  }
0x4b1: {  	[tilespmem:s10], [sflag:$0x3] =	stream.indirect_vreg.gather [hbm4b:s14+s4], $0x80, v5, vm0, $0xb8;
	[tilespmem:$0x1B800] =	vst v63  }
0x4b2: {  	s24 =	simm.s32 $0x11800;
	v4 =	vadd.s32 v1, v4  }
0x4b3: {  	[tilespmem:s24], [sflag:$0x3] =	stream.indirect_vreg.gather [hbm4b:s16+s4], $0x80, v5, vm0, $0xb8;
	[tilespmem:$0x1B800] =	vst v63  }
0x4b4: {  	s26 =	simm.s32 $0x12000  }
0x4b5: {  	[tilespmem:s26], [sflag:$0x3] =	stream.indirect_vreg.gather [hbm4b:s18+s4], $0x80, v5, vm0, $0xb8;
	[tilespmem:$0x1B800] =	vst v63  }
0x4b6: {  	_ = 	snop  }
0x4b7: {  	[tilespmem:s5], [sflag:$0x3] =	stream.indirect_vreg.gather [hbm4b:s2+s4], $0x80, v4, vm0, $0xb8;
	[tilespmem:$0x1B800] =	vst v63  }
0x4b8: {  	s8 =	simm.s32 $0x13000  }
0x4b9: {  	[tilespmem:s8], [sflag:$0x3] =	stream.indirect_vreg.gather [hbm4b:s14+s4], $0x80, v4, vm0, $0xb8;
	[tilespmem:$0x1B800] =	vst v63  }
0x4ba: {  	s10 =	simm.s32 $0x13800  }
0x4bb: {  	[tilespmem:s10], [sflag:$0x3] =	stream.indirect_vreg.gather [hbm4b:s16+s4], $0x80, v4, vm0, $0xb8;
	[tilespmem:$0x1B800] =	vst v63  }
0x4bc: {  	s24 =	simm.s32 $0x14000  }
0x4bd: {  	[tilespmem:s24], [sflag:$0x3] =	stream.indirect_vreg.gather [hbm4b:s18+s4], $0x80, v4, vm0, $0xb8;
	[tilespmem:$0x1B800] =	vst v63  }
0x4be: {  	v4 =	vld [tilespmem:$0x590];
	_ =	sdelay $0x4  }
0x4bf: {  	v5 =	vshll.u32 v4, $0x3  }
0x4c0: {  	v4 =	vand.u32 $0x7, v4;
	v5 =	vand.u32 $0xFFFFFFC0, v5  }
0x4c1: {  	v4 =	vor.u32 v4, v5  }
0x4c2: {  	v5 =	vperm.xlane v4, v0;
	_ =	sdelay $0x1  }
0x4c3: {  	v5 =	vadd.s32 v1, v5;
	_ =	sdelay $0x4  }
0x4c4: {  	[tilespmem:s7], [sflag:$0x3] =	stream.indirect_vreg.gather [hbm4b:s2+s4], $0x80, v5, vm0, $0xb8;
	[tilespmem:$0x1B800] =	vst v63  }
0x4c5: {  	s26 =	simm.s32 $0x15000;
	v4 =	vperm.xlane v4, v2  }
0x4c6: {  	[tilespmem:s26], [sflag:$0x3] =	stream.indirect_vreg.gather [hbm4b:s14+s4], $0x80, v5, vm0, $0xb8;
	[tilespmem:$0x1B800] =	vst v63  }
0x4c7: {  	s8 =	simm.s32 $0x15800;
	v4 =	vadd.s32 v1, v4  }
0x4c8: {  	[tilespmem:s8], [sflag:$0x3] =	stream.indirect_vreg.gather [hbm4b:s16+s4], $0x80, v5, vm0, $0xb8;
	[tilespmem:$0x1B800] =	vst v63  }
0x4c9: {  	s10 =	simm.s32 $0x16000  }
0x4ca: {  	[tilespmem:s10], [sflag:$0x3] =	stream.indirect_vreg.gather [hbm4b:s18+s4], $0x80, v5, vm0, $0xb8;
	[tilespmem:$0x1B800] =	vst v63  }
0x4cb: {  	_ = 	snop  }
0x4cc: {  	[tilespmem:s9], [sflag:$0x3] =	stream.indirect_vreg.gather [hbm4b:s2+s4], $0x80, v4, vm0, $0xb8;
	[tilespmem:$0x1B800] =	vst v63  }
0x4cd: {  	s24 =	simm.s32 $0x17000  }
0x4ce: {  	[tilespmem:s24], [sflag:$0x3] =	stream.indirect_vreg.gather [hbm4b:s14+s4], $0x80, v4, vm0, $0xb8;
	[tilespmem:$0x1B800] =	vst v63  }
0x4cf: {  	s26 =	simm.s32 $0x17800  }
0x4d0: {  	[tilespmem:s26], [sflag:$0x3] =	stream.indirect_vreg.gather [hbm4b:s16+s4], $0x80, v4, vm0, $0xb8;
	[tilespmem:$0x1B800] =	vst v63  }
0x4d1: {  	s8 =	simm.s32 $0x18000  }
0x4d2: {  	[tilespmem:s8], [sflag:$0x3] =	stream.indirect_vreg.gather [hbm4b:s18+s4], $0x80, v4, vm0, $0xb8;
	[tilespmem:$0x1B800] =	vst v63  }
0x4d3: {  	_ =	swait.ge [sflag:s11], $0x8000  }
0x4d4: {  	[sflag:s11] =	ssyncset.done $0x0;
	s8 =	rddreg [dreg:$0x16]  }
0x4d5: {  	[sflag:s11] =	ssyncadd.s32 $0xFFFF8000;
	s10 =	sadd.s32 $0x400, s8  }
0x4d6: {  	[hbm4b:s8+s4] =	stream.linear.scatter [tilespmem:s22], [sflag:$0x4], $0x1C00, $0x38;
	[tilespmem:$0x1B800] =	vst v63  }
0x4d7: {  	s24 =	sadd.s32 $0x800, s8;
	s26 =	sadd.s32 $0xC00, s8;
	s8 =	sand.u32 $0x7, s4  }
0x4d8: {  	s6 =	sshll.u32 s8, $0x7  }
0x4d9: {  	[hbm4b:s10+s4] =	stream.linear.scatter [tilespmem:s31], [sflag:$0x4], $0x1C00, $0x38;
	[tilespmem:$0x1B800] =	vst v63  }
0x4da: {  	s6 =	sadd.s32 $0x0, s6  }
0x4db: {  	[hbm4b:s24+s4] =	stream.linear.scatter [tilespmem:s12], [sflag:$0x4], $0x1C00, $0x38;
	[tilespmem:$0x1B800] =	vst v63  }
0x4dc: {  	s10 =	sor.u32 $0x1C00, s6  }
0x4dd: {  	[hbm4b:s26+s4] =	stream.linear.scatter [tilespmem:s1], [sflag:$0x4], $0x1C00, $0x38;
	[tilespmem:$0x1B800] =	vst v63  }
0x4de: {  	v4 =	vld [tilespmem:s10+$0x800];
	_ =	sdelay $0x3  }
0x4df: {  	s8 =	simm.s32 $0x18830  }
0x4e0: {  	s10 =	sor.u32 $0x1C10, s6;
	[tilespmem:s8+$0xFFFFFFD0] =	vst v4  }
0x4e1: {  	v4 =	vld [tilespmem:s10+$0x800];
	_ =	sdelay $0x4  }
0x4e2: {  	s24 =	sor.u32 $0x1C20, s6;
	[tilespmem:s8+$0xFFFFFFE0] =	vst v4  }
0x4e3: {  	v4 =	vld [tilespmem:s24+$0x800];
	_ =	sdelay $0x4  }
0x4e4: {  	s26 =	sor.u32 $0x1C30, s6;
	[tilespmem:s8+$0xFFFFFFF0] =	vst v4  }
0x4e5: {  	v4 =	vld [tilespmem:s26+$0x800];
	_ =	sdelay $0x4  }
0x4e6: {  	s24 =	sor.u32 $0x1C40, s6;
	[tilespmem:s8+$0x0] =	vst v4  }
0x4e7: {  	v4 =	vld [tilespmem:s24+$0x800];
	_ =	sdelay $0x4  }
0x4e8: {  	s26 =	sor.u32 $0x1C50, s6;
	[tilespmem:s8+$0x10] =	vst v4  }
0x4e9: {  	v4 =	vld [tilespmem:s26+$0x800];
	_ =	sdelay $0x4  }
0x4ea: {  	s6 =	sor.u32 $0x1C60, s6;
	[tilespmem:s8+$0x20] =	vst v4  }
0x4eb: {  	v5 =	vld.msk [tilespmem:s6+$0x800], $0xff;
	_ =	sdelay $0x3  }
0x4ec: {  	s24 =	simm.s32 $0x1  }
0x4ed: {  	s26 =	simm.s32 $0x100;
	v4 =	vperm.xlane v4, v3;
	s6 =	sand.u32 $0x7, s24;
	v5 =	vperm.xlane v5, v3  }
.LBB2_20:
0x4ee: {  	p0 =	sne.s32 s26, $0xF80;
	s6 =	sshll.u32 s6, $0x7;
	s4 =	sadd.s32 $0x400, s4  }
0x4ef: {  	s6 =	sadd.s32 s6, s4;
	v4 =	vsel vm1, v4, v5  }
0x4f0: {  	s10 =	sor.u32 $0x1C00, s6;
	[tilespmem:s8+$0x28] =	vst v4  }
0x4f1: {  	v4 =	vld [tilespmem:s10+$0x800];
	_ =	sdelay $0x3  }
0x4f2: {  	s8 =	sadd.s32 $0x80, s8  }
0x4f3: {  	s10 =	sor.u32 $0x1C10, s6;
	[tilespmem:s8+$0xFFFFFFD0] =	vst v4  }
0x4f4: {  	v4 =	vld [tilespmem:s10+$0x800];
	_ =	sdelay $0x4  }
0x4f5: {  	s10 =	sor.u32 $0x1C20, s6;
	[tilespmem:s8+$0xFFFFFFE0] =	vst v4  }
0x4f6: {  	v4 =	vld [tilespmem:s10+$0x800];
	_ =	sdelay $0x4  }
0x4f7: {  	s10 =	sor.u32 $0x1C30, s6;
	[tilespmem:s8+$0xFFFFFFF0] =	vst v4  }
0x4f8: {  	v4 =	vld [tilespmem:s10+$0x800];
	_ =	sdelay $0x4  }
0x4f9: {  	s10 =	sor.u32 $0x1C40, s6;
	[tilespmem:s8+$0x0] =	vst v4  }
0x4fa: {  	v4 =	vld [tilespmem:s10+$0x800];
	_ =	sdelay $0x4  }
0x4fb: {  	s10 =	sor.u32 $0x1C50, s6;
	[tilespmem:s8+$0x10] =	vst v4  }
0x4fc: {  	v4 =	vld [tilespmem:s10+$0x800];
	_ =	sdelay $0x4  }
0x4fd: {  	s6 =	sor.u32 $0x1C60, s6;
	[tilespmem:s8+$0x20] =	vst v4;
	v4 =	vperm.xlane v4, v3  }
0x4fe: {  	v5 =	vld.msk [tilespmem:s6+$0x800], $0xff  }
.Ltmp9:
0x4ff: {  	(pc) =	sbr.rel @p0 .LBB2_20-.Ltmp9, $3  }
0x500: {  	_ =	sdelay $0x1  }
0x501: {  	s24 =	sadd.s32 $0x1, s24  }
0x502: {  	s26 =	sadd.s32 $0x80, s26;
	s6 =	sand.u32 $0x7, s24;
	v5 =	vperm.xlane v5, v3  }
0x503: {  	s6 =	sshll.u32 s6, $0x7;
	s4 =	sadd.s32 $0x400, s4  }
0x504: {  	s4 =	sadd.s32 s6, s4;
	v4 =	vsel vm1, v4, v5  }
0x505: {  	s6 =	sor.u32 $0x1C00, s4;
	[tilespmem:s8+$0x28] =	vst v4  }
0x506: {  	v4 =	vld [tilespmem:s6+$0x800];
	_ =	sdelay $0x3  }
0x507: {  	s6 =	sadd.s32 $0x80, s8  }
0x508: {  	s24 =	sor.u32 $0x1C10, s4;
	[tilespmem:s6+$0xFFFFFFD0] =	vst v4  }
0x509: {  	v4 =	vld [tilespmem:s24+$0x800];
	_ =	sdelay $0x4  }
0x50a: {  	s26 =	sor.u32 $0x1C20, s4;
	[tilespmem:s6+$0xFFFFFFE0] =	vst v4  }
0x50b: {  	v4 =	vld [tilespmem:s26+$0x800];
	_ =	sdelay $0x4  }
0x50c: {  	s10 =	sor.u32 $0x1C30, s4;
	[tilespmem:s6+$0xFFFFFFF0] =	vst v4  }
0x50d: {  	v4 =	vld [tilespmem:s10+$0x800];
	_ =	sdelay $0x4  }
0x50e: {  	s24 =	sor.u32 $0x1C40, s4;
	[tilespmem:s6+$0x0] =	vst v4  }
0x50f: {  	v4 =	vld [tilespmem:s24+$0x800];
	_ =	sdelay $0x4  }
0x510: {  	s26 =	sor.u32 $0x1C50, s4;
	[tilespmem:s6+$0x10] =	vst v4  }
0x511: {  	v4 =	vld [tilespmem:s26+$0x800];
	_ =	sdelay $0x4  }
0x512: {  	s4 =	sor.u32 $0x1C60, s4;
	[tilespmem:s6+$0x20] =	vst v4  }
0x513: {  	v5 =	vld.msk [tilespmem:s4+$0x800], $0xff;
	_ =	sdelay $0x4  }
0x514: {  	v4 =	vperm.xlane v4, v3;
	v5 =	vperm.xlane v5, v3;
	_ =	sdelay $0x1  }
0x515: {  	v4 =	vsel vm1, v4, v5  }
0x516: {  	s10 =	rddreg [dreg:$0x17];
	s24 =	simm.s32 $0x18800;
	[tilespmem:s6+$0x28] =	vst v4  }
0x517: {  	[hbm4b:s10+s13] =	stream.strided.scatter [tilespmem:s24], [sflag:$0x7], $0x1000, s29, s13, $0x38;
	[tilespmem:$0x1B800] =	vst v63  }
0x518: {  	_ =	swait.ge [sflag:s15], $0x7000  }
0x519: {  	[sflag:s15] =	ssyncset.done $0x0  }
0x51a: {  	[sflag:s15] =	ssyncadd.s32 $0xFFFF9000  }
0x51b: {  	_ =	swait.ge [sflag:s17], $0x1000  }
0x51c: {  	[sflag:s17] =	ssyncset.done $0x0  }
0x51d: {  	[sflag:s17] =	ssyncadd.s32 $0xFFFFF000  }
0x51e: {  	v4 =	vld [tilespmem:$0x600];
	_ =	sdelay $0x4  }
0x51f: {  	v5 =	vshll.u32 v4, $0x3  }
0x520: {  	v4 =	vand.u32 $0x7, v4;
	v5 =	vand.u32 $0xFFFFFFC0, v5  }
0x521: {  	v4 =	vor.u32 v4, v5  }
0x522: {  	v5 =	vperm.xlane v4, v0;
	_ =	sdelay $0x1  }
0x523: {  	v5 =	vadd.s32 v1, v5;
	_ =	sdelay $0x3  }
0x524: {  	s4 =	simm.s32 $0x0  }
0x525: {  	[tilespmem:s22], [sflag:$0x1] =	stream.indirect_vreg.gather [hbm4b:s2+s4], $0x80, v5, vm0, $0xb8;
	[tilespmem:$0x1B800] =	vst v63  }
0x526: {  	s26 =	simm.s32 $0x1000;
	v4 =	vperm.xlane v4, v2  }
0x527: {  	[tilespmem:s26], [sflag:$0x1] =	stream.indirect_vreg.gather [hbm4b:s14+s4], $0x80, v5, vm0, $0xb8;
	[tilespmem:$0x1B800] =	vst v63  }
0x528: {  	s8 =	simm.s32 $0x1800;
	v4 =	vadd.s32 v1, v4  }
0x529: {  	[tilespmem:s8], [sflag:$0x1] =	stream.indirect_vreg.gather [hbm4b:s16+s4], $0x80, v5, vm0, $0xb8;
	[tilespmem:$0x1B800] =	vst v63  }
0x52a: {  	_ = 	snop  }
0x52b: {  	[tilespmem:s29], [sflag:$0x1] =	stream.indirect_vreg.gather [hbm4b:s18+s4], $0x80, v5, vm0, $0xb8;
	[tilespmem:$0x1B800] =	vst v63  }
0x52c: {  	_ = 	snop  }
0x52d: {  	[tilespmem:s31], [sflag:$0x1] =	stream.indirect_vreg.gather [hbm4b:s2+s4], $0x80, v4, vm0, $0xb8;
	[tilespmem:$0x1B800] =	vst v63  }
0x52e: {  	s10 =	simm.s32 $0x3000  }
0x52f: {  	[tilespmem:s10], [sflag:$0x1] =	stream.indirect_vreg.gather [hbm4b:s14+s4], $0x80, v4, vm0, $0xb8;
	[tilespmem:$0x1B800] =	vst v63  }
0x530: {  	s24 =	simm.s32 $0x3800  }
0x531: {  	[tilespmem:s24], [sflag:$0x1] =	stream.indirect_vreg.gather [hbm4b:s16+s4], $0x80, v4, vm0, $0xb8;
	[tilespmem:$0x1B800] =	vst v63  }
0x532: {  	s26 =	simm.s32 $0x4000  }
0x533: {  	[tilespmem:s26], [sflag:$0x1] =	stream.indirect_vreg.gather [hbm4b:s18+s4], $0x80, v4, vm0, $0xb8;
	[tilespmem:$0x1B800] =	vst v63  }
0x534: {  	v4 =	vld [tilespmem:$0x610];
	_ =	sdelay $0x4  }
0x535: {  	v5 =	vshll.u32 v4, $0x3  }
0x536: {  	v4 =	vand.u32 $0x7, v4;
	v5 =	vand.u32 $0xFFFFFFC0, v5  }
0x537: {  	v4 =	vor.u32 v4, v5  }
0x538: {  	v5 =	vperm.xlane v4, v0;
	_ =	sdelay $0x1  }
0x539: {  	v5 =	vadd.s32 v1, v5;
	_ =	sdelay $0x4  }
0x53a: {  	[tilespmem:s12], [sflag:$0x1] =	stream.indirect_vreg.gather [hbm4b:s2+s4], $0x80, v5, vm0, $0xb8;
	[tilespmem:$0x1B800] =	vst v63  }
0x53b: {  	s8 =	simm.s32 $0x5000;
	v4 =	vperm.xlane v4, v2  }
0x53c: {  	[tilespmem:s8], [sflag:$0x1] =	stream.indirect_vreg.gather [hbm4b:s14+s4], $0x80, v5, vm0, $0xb8;
	[tilespmem:$0x1B800] =	vst v63  }
0x53d: {  	s10 =	simm.s32 $0x5800;
	v4 =	vadd.s32 v1, v4  }
0x53e: {  	[tilespmem:s10], [sflag:$0x1] =	stream.indirect_vreg.gather [hbm4b:s16+s4], $0x80, v5, vm0, $0xb8;
	[tilespmem:$0x1B800] =	vst v63  }
0x53f: {  	s24 =	simm.s32 $0x6000  }
0x540: {  	[tilespmem:s24], [sflag:$0x1] =	stream.indirect_vreg.gather [hbm4b:s18+s4], $0x80, v5, vm0, $0xb8;
	[tilespmem:$0x1B800] =	vst v63  }
0x541: {  	_ = 	snop  }
0x542: {  	[tilespmem:s1], [sflag:$0x1] =	stream.indirect_vreg.gather [hbm4b:s2+s4], $0x80, v4, vm0, $0xb8;
	[tilespmem:$0x1B800] =	vst v63  }
0x543: {  	s26 =	simm.s32 $0x7000  }
0x544: {  	[tilespmem:s26], [sflag:$0x1] =	stream.indirect_vreg.gather [hbm4b:s14+s4], $0x80, v4, vm0, $0xb8;
	[tilespmem:$0x1B800] =	vst v63  }
0x545: {  	s8 =	simm.s32 $0x7800  }
0x546: {  	[tilespmem:s8], [sflag:$0x1] =	stream.indirect_vreg.gather [hbm4b:s16+s4], $0x80, v4, vm0, $0xb8;
	[tilespmem:$0x1B800] =	vst v63  }
0x547: {  	s10 =	simm.s32 $0x8000  }
0x548: {  	[tilespmem:s10], [sflag:$0x1] =	stream.indirect_vreg.gather [hbm4b:s18+s4], $0x80, v4, vm0, $0xb8;
	[tilespmem:$0x1B800] =	vst v63  }
0x549: {  	_ =	swait.ge [sflag:s19], $0x8000  }
0x54a: {  	[sflag:s19] =	ssyncset.done $0x0  }
0x54b: {  	s24 =	simm.s32 $0x8800;
	s8 =	rddreg [dreg:$0x18];
	[sflag:s19] =	ssyncadd.s32 $0xFFFF8000  }
0x54c: {  	[hbm4b:s8+s4] =	stream.linear.scatter [tilespmem:s24], [sflag:$0x5], $0x1C00, $0x38;
	[tilespmem:$0x1B800] =	vst v63  }
0x54d: {  	s10 =	simm.s32 $0xA800;
	s26 =	sadd.s32 $0x400, s8  }
0x54e: {  	[hbm4b:s26+s4] =	stream.linear.scatter [tilespmem:s10], [sflag:$0x5], $0x1C00, $0x38;
	[tilespmem:$0x1B800] =	vst v63  }
0x54f: {  	s24 =	sadd.s32 $0x800, s8;
	s26 =	simm.s32 $0xC800  }
0x550: {  	[hbm4b:s24+s4] =	stream.linear.scatter [tilespmem:s26], [sflag:$0x5], $0x1C00, $0x38;
	[tilespmem:$0x1B800] =	vst v63  }
0x551: {  	s8 =	sadd.s32 $0xC00, s8;
	s10 =	simm.s32 $0xE800  }
0x552: {  	[hbm4b:s8+s4] =	stream.linear.scatter [tilespmem:s10], [sflag:$0x5], $0x1C00, $0x38;
	[tilespmem:$0x1B800] =	vst v63  }
0x553: {  	s4 =	sor.u32 s4, s4  }
0x554: {  	s24 =	sor.u32 $0x9C00, s4  }
0x555: {  	v4 =	vld [tilespmem:s24+$0x800];
	_ =	sdelay $0x3  }
0x556: {  	s4 =	simm.s32 $0x19858  }
0x557: {  	[tilespmem:s4+$0xFFFFFFA8] =	vst v4  }
0x558: {  	v4 =	vld [tilespmem:s24+$0x810];
	_ =	sdelay $0x4  }
0x559: {  	[tilespmem:s4+$0xFFFFFFB8] =	vst v4  }
0x55a: {  	v4 =	vld [tilespmem:s24+$0x820];
	_ =	sdelay $0x4  }
0x55b: {  	[tilespmem:s4+$0xFFFFFFC8] =	vst v4  }
0x55c: {  	v4 =	vld [tilespmem:s24+$0x830];
	_ =	sdelay $0x4  }
0x55d: {  	[tilespmem:s4+$0xFFFFFFD8] =	vst v4  }
0x55e: {  	v4 =	vld [tilespmem:s24+$0x840];
	_ =	sdelay $0x4  }
0x55f: {  	[tilespmem:s4+$0xFFFFFFE8] =	vst v4  }
0x560: {  	v4 =	vld [tilespmem:s24+$0x850];
	_ =	sdelay $0x4  }
0x561: {  	[tilespmem:s4+$0xFFFFFFF8] =	vst v4  }
0x562: {  	v5 =	vld.msk [tilespmem:s24+$0x860], $0xff;
	_ =	sdelay $0x4  }
0x563: {  	v4 =	vperm.xlane v4, v3;
	v5 =	vperm.xlane v5, v3  }
0x564: {  	s26 =	simm.s32 $0x400;
	s8 =	simm.s32 $0x80  }
0x565: {  	s6 =	sor.u32 s26, s8;
	s24 =	simm.s32 $0x800;
	v4 =	vsel vm1, v4, v5  }
.LBB2_22:
0x566: {  	p0 =	sne.s32 s24, $0x7C00;
	s6 =	sor.u32 $0x9C00, s6;
	[tilespmem:s4+$0x0] =	vst v4  }
0x567: {  	v4 =	vld [tilespmem:s6+$0x800];
	_ =	sdelay $0x3  }
0x568: {  	s4 =	sadd.s32 $0x80, s4  }
0x569: {  	[tilespmem:s4+$0xFFFFFFA8] =	vst v4  }
0x56a: {  	v4 =	vld [tilespmem:s6+$0x810];
	_ =	sdelay $0x4  }
0x56b: {  	[tilespmem:s4+$0xFFFFFFB8] =	vst v4  }
0x56c: {  	v4 =	vld [tilespmem:s6+$0x820];
	_ =	sdelay $0x4  }
0x56d: {  	[tilespmem:s4+$0xFFFFFFC8] =	vst v4  }
0x56e: {  	v4 =	vld [tilespmem:s6+$0x830];
	_ =	sdelay $0x4  }
0x56f: {  	[tilespmem:s4+$0xFFFFFFD8] =	vst v4  }
0x570: {  	v4 =	vld [tilespmem:s6+$0x840];
	_ =	sdelay $0x4  }
0x571: {  	[tilespmem:s4+$0xFFFFFFE8] =	vst v4  }
0x572: {  	v4 =	vld [tilespmem:s6+$0x850];
	_ =	sdelay $0x4  }
0x573: {  	[tilespmem:s4+$0xFFFFFFF8] =	vst v4;
	v4 =	vperm.xlane v4, v3  }
0x574: {  	v5 =	vld.msk [tilespmem:s6+$0x860], $0xff;
	_ =	sdelay $0x2  }
.Ltmp10:
0x575: {  	(pc) =	sbr.rel @p0 .LBB2_22-.Ltmp10, $4  }
0x576: {  	_ = 	snop  }
0x577: {  	v5 =	vperm.xlane v5, v3  }
0x578: {  	s8 =	sadd.s32 $0x80, s8  }
0x579: {  	s6 =	sor.u32 s24, s8;
	s24 =	sadd.s32 $0x400, s24;
	v4 =	vsel vm1, v4, v5  }
0x57a: {  	s6 =	sor.u32 $0x9C00, s6;
	[tilespmem:s4+$0x0] =	vst v4  }
0x57b: {  	v4 =	vld [tilespmem:s6+$0x800];
	_ =	sdelay $0x3  }
0x57c: {  	s26 =	sadd.s32 $0x80, s4  }
0x57d: {  	[tilespmem:s26+$0xFFFFFFA8] =	vst v4  }
0x57e: {  	v4 =	vld [tilespmem:s6+$0x810];
	_ =	sdelay $0x4  }
0x57f: {  	[tilespmem:s26+$0xFFFFFFB8] =	vst v4  }
0x580: {  	v4 =	vld [tilespmem:s6+$0x820];
	_ =	sdelay $0x4  }
0x581: {  	[tilespmem:s26+$0xFFFFFFC8] =	vst v4  }
0x582: {  	v4 =	vld [tilespmem:s6+$0x830];
	_ =	sdelay $0x4  }
0x583: {  	[tilespmem:s26+$0xFFFFFFD8] =	vst v4  }
0x584: {  	v4 =	vld [tilespmem:s6+$0x840];
	_ =	sdelay $0x4  }
0x585: {  	[tilespmem:s26+$0xFFFFFFE8] =	vst v4  }
0x586: {  	v4 =	vld [tilespmem:s6+$0x850];
	_ =	sdelay $0x4  }
0x587: {  	[tilespmem:s26+$0xFFFFFFF8] =	vst v4  }
0x588: {  	v5 =	vld.msk [tilespmem:s6+$0x860], $0xff;
	_ =	sdelay $0x4  }
0x589: {  	v4 =	vperm.xlane v4, v3;
	v5 =	vperm.xlane v5, v3;
	_ =	sdelay $0x1  }
0x58a: {  	v4 =	vsel vm1, v4, v5  }
0x58b: {  	s8 =	rddreg [dreg:$0x19];
	s10 =	simm.s32 $0x19800;
	[tilespmem:s26+$0x0] =	vst v4  }
0x58c: {  	[hbm4b:s8+s13] =	stream.strided.scatter [tilespmem:s10], [sflag:$0x8], $0x1000, s29, s13, $0x38;
	[tilespmem:$0x1B800] =	vst v63  }
0x58d: {  	_ =	swait.ge [sflag:s21], $0x7000  }
0x58e: {  	[sflag:s21] =	ssyncset.done $0x0  }
0x58f: {  	[sflag:s21] =	ssyncadd.s32 $0xFFFF9000  }
0x590: {  	_ =	swait.ge [sflag:s23], $0x1000  }
0x591: {  	[sflag:s23] =	ssyncset.done $0x0  }
0x592: {  	[sflag:s23] =	ssyncadd.s32 $0xFFFFF000  }
0x593: {  	v4 =	vld [tilespmem:$0x680];
	_ =	sdelay $0x4  }
0x594: {  	v5 =	vshll.u32 v4, $0x3  }
0x595: {  	v4 =	vand.u32 $0x7, v4;
	v5 =	vand.u32 $0xFFFFFFC0, v5  }
0x596: {  	v4 =	vor.u32 v4, v5  }
0x597: {  	v5 =	vperm.xlane v4, v0;
	_ =	sdelay $0x1  }
0x598: {  	v5 =	vadd.s32 v1, v5;
	_ =	sdelay $0x3  }
0x599: {  	s4 =	simm.s32 $0x0;
	s24 =	simm.s32 $0x8800  }
0x59a: {  	[tilespmem:s24], [sflag:$0x2] =	stream.indirect_vreg.gather [hbm4b:s2+s4], $0x80, v5, vm0, $0xb8;
	[tilespmem:$0x1B800] =	vst v63  }
0x59b: {  	s26 =	simm.s32 $0x9000;
	v4 =	vperm.xlane v4, v2  }
0x59c: {  	[tilespmem:s26], [sflag:$0x2] =	stream.indirect_vreg.gather [hbm4b:s14+s4], $0x80, v5, vm0, $0xb8;
	[tilespmem:$0x1B800] =	vst v63  }
0x59d: {  	s8 =	simm.s32 $0x9800;
	v4 =	vadd.s32 v1, v4  }
0x59e: {  	[tilespmem:s8], [sflag:$0x2] =	stream.indirect_vreg.gather [hbm4b:s16+s4], $0x80, v5, vm0, $0xb8;
	[tilespmem:$0x1B800] =	vst v63  }
0x59f: {  	s10 =	simm.s32 $0xA000  }
0x5a0: {  	[tilespmem:s10], [sflag:$0x2] =	stream.indirect_vreg.gather [hbm4b:s18+s4], $0x80, v5, vm0, $0xb8;
	[tilespmem:$0x1B800] =	vst v63  }
0x5a1: {  	s24 =	simm.s32 $0xA800  }
0x5a2: {  	[tilespmem:s24], [sflag:$0x2] =	stream.indirect_vreg.gather [hbm4b:s2+s4], $0x80, v4, vm0, $0xb8;
	[tilespmem:$0x1B800] =	vst v63  }
0x5a3: {  	s26 =	simm.s32 $0xB000  }
0x5a4: {  	[tilespmem:s26], [sflag:$0x2] =	stream.indirect_vreg.gather [hbm4b:s14+s4], $0x80, v4, vm0, $0xb8;
	[tilespmem:$0x1B800] =	vst v63  }
0x5a5: {  	s8 =	simm.s32 $0xB800  }
0x5a6: {  	[tilespmem:s8], [sflag:$0x2] =	stream.indirect_vreg.gather [hbm4b:s16+s4], $0x80, v4, vm0, $0xb8;
	[tilespmem:$0x1B800] =	vst v63  }
0x5a7: {  	s10 =	simm.s32 $0xC000  }
0x5a8: {  	[tilespmem:s10], [sflag:$0x2] =	stream.indirect_vreg.gather [hbm4b:s18+s4], $0x80, v4, vm0, $0xb8;
	[tilespmem:$0x1B800] =	vst v63  }
0x5a9: {  	v4 =	vld [tilespmem:$0x690];
	_ =	sdelay $0x4  }
0x5aa: {  	v5 =	vshll.u32 v4, $0x3  }
0x5ab: {  	v4 =	vand.u32 $0x7, v4;
	v5 =	vand.u32 $0xFFFFFFC0, v5  }
0x5ac: {  	v4 =	vor.u32 v4, v5  }
0x5ad: {  	v5 =	vperm.xlane v4, v0;
	_ =	sdelay $0x1  }
0x5ae: {  	v5 =	vadd.s32 v1, v5;
	_ =	sdelay $0x3  }
0x5af: {  	s24 =	simm.s32 $0xC800  }
0x5b0: {  	[tilespmem:s24], [sflag:$0x2] =	stream.indirect_vreg.gather [hbm4b:s2+s4], $0x80, v5, vm0, $0xb8;
	[tilespmem:$0x1B800] =	vst v63  }
0x5b1: {  	s26 =	simm.s32 $0xD000;
	v4 =	vperm.xlane v4, v2  }
0x5b2: {  	[tilespmem:s26], [sflag:$0x2] =	stream.indirect_vreg.gather [hbm4b:s14+s4], $0x80, v5, vm0, $0xb8;
	[tilespmem:$0x1B800] =	vst v63  }
0x5b3: {  	s8 =	simm.s32 $0xD800;
	v4 =	vadd.s32 v1, v4  }
0x5b4: {  	[tilespmem:s8], [sflag:$0x2] =	stream.indirect_vreg.gather [hbm4b:s16+s4], $0x80, v5, vm0, $0xb8;
	[tilespmem:$0x1B800] =	vst v63  }
0x5b5: {  	s10 =	simm.s32 $0xE000  }
0x5b6: {  	[tilespmem:s10], [sflag:$0x2] =	stream.indirect_vreg.gather [hbm4b:s18+s4], $0x80, v5, vm0, $0xb8;
	[tilespmem:$0x1B800] =	vst v63  }
0x5b7: {  	s24 =	simm.s32 $0xE800  }
0x5b8: {  	[tilespmem:s24], [sflag:$0x2] =	stream.indirect_vreg.gather [hbm4b:s2+s4], $0x80, v4, vm0, $0xb8;
	[tilespmem:$0x1B800] =	vst v63  }
0x5b9: {  	s26 =	simm.s32 $0xF000  }
0x5ba: {  	[tilespmem:s26], [sflag:$0x2] =	stream.indirect_vreg.gather [hbm4b:s14+s4], $0x80, v4, vm0, $0xb8;
	[tilespmem:$0x1B800] =	vst v63  }
0x5bb: {  	s8 =	simm.s32 $0xF800  }
0x5bc: {  	[tilespmem:s8], [sflag:$0x2] =	stream.indirect_vreg.gather [hbm4b:s16+s4], $0x80, v4, vm0, $0xb8;
	[tilespmem:$0x1B800] =	vst v63  }
0x5bd: {  	s10 =	simm.s32 $0x10000  }
0x5be: {  	[tilespmem:s10], [sflag:$0x2] =	stream.indirect_vreg.gather [hbm4b:s18+s4], $0x80, v4, vm0, $0xb8;
	[tilespmem:$0x1B800] =	vst v63  }
0x5bf: {  	_ =	swait.ge [sflag:s25], $0x8000  }
0x5c0: {  	[sflag:s25] =	ssyncset.done $0x0  }
0x5c1: {  	s8 =	rddreg [dreg:$0x1a];
	[sflag:s25] =	ssyncadd.s32 $0xFFFF8000  }
0x5c2: {  	[hbm4b:s8+s4] =	stream.linear.scatter [tilespmem:s20], [sflag:$0x6], $0x1C00, $0x38;
	[tilespmem:$0x1B800] =	vst v63  }
0x5c3: {  	s24 =	sadd.s32 $0x400, s8  }
0x5c4: {  	[hbm4b:s24+s4] =	stream.linear.scatter [tilespmem:s5], [sflag:$0x6], $0x1C00, $0x38;
	[tilespmem:$0x1B800] =	vst v63  }
0x5c5: {  	s26 =	sadd.s32 $0x800, s8  }
0x5c6: {  	[hbm4b:s26+s4] =	stream.linear.scatter [tilespmem:s7], [sflag:$0x6], $0x1C00, $0x38;
	[tilespmem:$0x1B800] =	vst v63  }
0x5c7: {  	s10 =	sadd.s32 $0xC00, s8  }
0x5c8: {  	[hbm4b:s10+s4] =	stream.linear.scatter [tilespmem:s9], [sflag:$0x6], $0x1C00, $0x38;
	[tilespmem:$0x1B800] =	vst v63  }
0x5c9: {  	s4 =	sor.u32 s4, s4  }
0x5ca: {  	s24 =	sor.u32 $0x11C00, s4  }
0x5cb: {  	v4 =	vld [tilespmem:s24+$0x800];
	_ =	sdelay $0x3  }
0x5cc: {  	s4 =	simm.s32 $0x1A858  }
0x5cd: {  	[tilespmem:s4+$0xFFFFFFA8] =	vst v4  }
0x5ce: {  	v4 =	vld [tilespmem:s24+$0x810];
	_ =	sdelay $0x4  }
0x5cf: {  	[tilespmem:s4+$0xFFFFFFB8] =	vst v4  }
0x5d0: {  	v4 =	vld [tilespmem:s24+$0x820];
	_ =	sdelay $0x4  }
0x5d1: {  	[tilespmem:s4+$0xFFFFFFC8] =	vst v4  }
0x5d2: {  	v4 =	vld [tilespmem:s24+$0x830];
	_ =	sdelay $0x4  }
0x5d3: {  	[tilespmem:s4+$0xFFFFFFD8] =	vst v4  }
0x5d4: {  	v4 =	vld [tilespmem:s24+$0x840];
	_ =	sdelay $0x4  }
0x5d5: {  	[tilespmem:s4+$0xFFFFFFE8] =	vst v4  }
0x5d6: {  	v4 =	vld [tilespmem:s24+$0x850];
	_ =	sdelay $0x4  }
0x5d7: {  	[tilespmem:s4+$0xFFFFFFF8] =	vst v4  }
0x5d8: {  	v5 =	vld.msk [tilespmem:s24+$0x860], $0xff;
	_ =	sdelay $0x4  }
0x5d9: {  	v4 =	vperm.xlane v4, v3;
	v5 =	vperm.xlane v5, v3  }
0x5da: {  	s8 =	simm.s32 $0x80;
	s26 =	simm.s32 $0x400  }
0x5db: {  	s6 =	sor.u32 s26, s8;
	s24 =	simm.s32 $0x800;
	v4 =	vsel vm1, v4, v5  }
.LBB2_24:
0x5dc: {  	p0 =	sne.s32 s24, $0x7C00;
	s6 =	sor.u32 $0x11C00, s6;
	[tilespmem:s4+$0x0] =	vst v4  }
0x5dd: {  	v4 =	vld [tilespmem:s6+$0x800];
	_ =	sdelay $0x3  }
0x5de: {  	s4 =	sadd.s32 $0x80, s4  }
0x5df: {  	[tilespmem:s4+$0xFFFFFFA8] =	vst v4  }
0x5e0: {  	v4 =	vld [tilespmem:s6+$0x810];
	_ =	sdelay $0x4  }
0x5e1: {  	[tilespmem:s4+$0xFFFFFFB8] =	vst v4  }
0x5e2: {  	v4 =	vld [tilespmem:s6+$0x820];
	_ =	sdelay $0x4  }
0x5e3: {  	[tilespmem:s4+$0xFFFFFFC8] =	vst v4  }
0x5e4: {  	v4 =	vld [tilespmem:s6+$0x830];
	_ =	sdelay $0x4  }
0x5e5: {  	[tilespmem:s4+$0xFFFFFFD8] =	vst v4  }
0x5e6: {  	v4 =	vld [tilespmem:s6+$0x840];
	_ =	sdelay $0x4  }
0x5e7: {  	[tilespmem:s4+$0xFFFFFFE8] =	vst v4  }
0x5e8: {  	v4 =	vld [tilespmem:s6+$0x850];
	_ =	sdelay $0x4  }
0x5e9: {  	[tilespmem:s4+$0xFFFFFFF8] =	vst v4;
	v4 =	vperm.xlane v4, v3  }
0x5ea: {  	v5 =	vld.msk [tilespmem:s6+$0x860], $0xff;
	_ =	sdelay $0x2  }
.Ltmp11:
0x5eb: {  	(pc) =	sbr.rel @p0 .LBB2_24-.Ltmp11, $4  }
0x5ec: {  	_ = 	snop  }
0x5ed: {  	v5 =	vperm.xlane v5, v3  }
0x5ee: {  	s8 =	sadd.s32 $0x80, s8  }
0x5ef: {  	s6 =	sor.u32 s24, s8;
	s24 =	sadd.s32 $0x400, s24;
	v4 =	vsel vm1, v4, v5  }
0x5f0: {  	s6 =	sor.u32 $0x11C00, s6;
	[tilespmem:s4+$0x0] =	vst v4  }
0x5f1: {  	v4 =	vld [tilespmem:s6+$0x800];
	_ =	sdelay $0x3  }
0x5f2: {  	s26 =	sadd.s32 $0x80, s4  }
0x5f3: {  	[tilespmem:s26+$0xFFFFFFA8] =	vst v4  }
0x5f4: {  	v4 =	vld [tilespmem:s6+$0x810];
	_ =	sdelay $0x4  }
0x5f5: {  	[tilespmem:s26+$0xFFFFFFB8] =	vst v4  }
0x5f6: {  	v4 =	vld [tilespmem:s6+$0x820];
	_ =	sdelay $0x4  }
0x5f7: {  	[tilespmem:s26+$0xFFFFFFC8] =	vst v4  }
0x5f8: {  	v4 =	vld [tilespmem:s6+$0x830];
	_ =	sdelay $0x4  }
0x5f9: {  	[tilespmem:s26+$0xFFFFFFD8] =	vst v4  }
0x5fa: {  	v4 =	vld [tilespmem:s6+$0x840];
	_ =	sdelay $0x4  }
0x5fb: {  	[tilespmem:s26+$0xFFFFFFE8] =	vst v4  }
0x5fc: {  	v4 =	vld [tilespmem:s6+$0x850];
	_ =	sdelay $0x4  }
0x5fd: {  	[tilespmem:s26+$0xFFFFFFF8] =	vst v4  }
0x5fe: {  	v5 =	vld.msk [tilespmem:s6+$0x860], $0xff;
	_ =	sdelay $0x4  }
0x5ff: {  	v4 =	vperm.xlane v4, v3;
	v5 =	vperm.xlane v5, v3;
	_ =	sdelay $0x1  }
0x600: {  	v4 =	vsel vm1, v4, v5  }
0x601: {  	s8 =	simm.s32 $0x1A800;
	s6 =	rddreg [dreg:$0x1b];
	[tilespmem:s26+$0x0] =	vst v4  }
0x602: {  	[hbm4b:s6+s13] =	stream.strided.scatter [tilespmem:s8], [sflag:$0x9], $0x1000, s29, s13, $0x38;
	[tilespmem:$0x1B800] =	vst v63  }
0x603: {  	_ =	swait.ge [sflag:s28], $0x7000  }
0x604: {  	[sflag:s28] =	ssyncset.done $0x0  }
0x605: {  	[sflag:s28] =	ssyncadd.s32 $0xFFFF9000  }
0x606: {  	_ =	swait.ge [sflag:s30], $0x1000  }
0x607: {  	[sflag:s30] =	ssyncset.done $0x0  }
0x608: {  	[sflag:s30] =	ssyncadd.s32 $0xFFFFF000  }
0x609: {  	v4 =	vld [tilespmem:$0x700];
	_ =	sdelay $0x4  }
0x60a: {  	v5 =	vshll.u32 v4, $0x3  }
0x60b: {  	v4 =	vand.u32 $0x7, v4;
	v5 =	vand.u32 $0xFFFFFFC0, v5  }
0x60c: {  	v4 =	vor.u32 v4, v5  }
0x60d: {  	v5 =	vperm.xlane v4, v0;
	_ =	sdelay $0x1  }
0x60e: {  	v5 =	vadd.s32 v1, v5;
	_ =	sdelay $0x3  }
0x60f: {  	s4 =	simm.s32 $0x0  }
0x610: {  	[tilespmem:s20], [sflag:$0x3] =	stream.indirect_vreg.gather [hbm4b:s2+s4], $0x80, v5, vm0, $0xb8;
	[tilespmem:$0x1B800] =	vst v63  }
0x611: {  	s10 =	simm.s32 $0x11000;
	v4 =	vperm.xlane v4, v2  }
0x612: {  	[tilespmem:s10], [sflag:$0x3] =	stream.indirect_vreg.gather [hbm4b:s14+s4], $0x80, v5, vm0, $0xb8;
	[tilespmem:$0x1B800] =	vst v63  }
0x613: {  	s24 =	simm.s32 $0x11800;
	v4 =	vadd.s32 v1, v4  }
0x614: {  	[tilespmem:s24], [sflag:$0x3] =	stream.indirect_vreg.gather [hbm4b:s16+s4], $0x80, v5, vm0, $0xb8;
	[tilespmem:$0x1B800] =	vst v63  }
0x615: {  	s26 =	simm.s32 $0x12000  }
0x616: {  	[tilespmem:s26], [sflag:$0x3] =	stream.indirect_vreg.gather [hbm4b:s18+s4], $0x80, v5, vm0, $0xb8;
	[tilespmem:$0x1B800] =	vst v63  }
0x617: {  	_ = 	snop  }
0x618: {  	[tilespmem:s5], [sflag:$0x3] =	stream.indirect_vreg.gather [hbm4b:s2+s4], $0x80, v4, vm0, $0xb8;
	[tilespmem:$0x1B800] =	vst v63  }
0x619: {  	s8 =	simm.s32 $0x13000  }
0x61a: {  	[tilespmem:s8], [sflag:$0x3] =	stream.indirect_vreg.gather [hbm4b:s14+s4], $0x80, v4, vm0, $0xb8;
	[tilespmem:$0x1B800] =	vst v63  }
0x61b: {  	s10 =	simm.s32 $0x13800  }
0x61c: {  	[tilespmem:s10], [sflag:$0x3] =	stream.indirect_vreg.gather [hbm4b:s16+s4], $0x80, v4, vm0, $0xb8;
	[tilespmem:$0x1B800] =	vst v63  }
0x61d: {  	s24 =	simm.s32 $0x14000  }
0x61e: {  	[tilespmem:s24], [sflag:$0x3] =	stream.indirect_vreg.gather [hbm4b:s18+s4], $0x80, v4, vm0, $0xb8;
	[tilespmem:$0x1B800] =	vst v63  }
0x61f: {  	v4 =	vld [tilespmem:$0x710];
	_ =	sdelay $0x4  }
0x620: {  	v5 =	vshll.u32 v4, $0x3  }
0x621: {  	v4 =	vand.u32 $0x7, v4;
	v5 =	vand.u32 $0xFFFFFFC0, v5  }
0x622: {  	v4 =	vor.u32 v4, v5  }
0x623: {  	v5 =	vperm.xlane v4, v0;
	_ =	sdelay $0x1  }
0x624: {  	v5 =	vadd.s32 v1, v5;
	_ =	sdelay $0x4  }
0x625: {  	[tilespmem:s7], [sflag:$0x3] =	stream.indirect_vreg.gather [hbm4b:s2+s4], $0x80, v5, vm0, $0xb8;
	[tilespmem:$0x1B800] =	vst v63  }
0x626: {  	s26 =	simm.s32 $0x15000;
	v4 =	vperm.xlane v4, v2  }
0x627: {  	[tilespmem:s26], [sflag:$0x3] =	stream.indirect_vreg.gather [hbm4b:s14+s4], $0x80, v5, vm0, $0xb8;
	[tilespmem:$0x1B800] =	vst v63  }
0x628: {  	s8 =	simm.s32 $0x15800;
	v4 =	vadd.s32 v1, v4  }
0x629: {  	[tilespmem:s8], [sflag:$0x3] =	stream.indirect_vreg.gather [hbm4b:s16+s4], $0x80, v5, vm0, $0xb8;
	[tilespmem:$0x1B800] =	vst v63  }
0x62a: {  	s10 =	simm.s32 $0x16000  }
0x62b: {  	[tilespmem:s10], [sflag:$0x3] =	stream.indirect_vreg.gather [hbm4b:s18+s4], $0x80, v5, vm0, $0xb8;
	[tilespmem:$0x1B800] =	vst v63  }
0x62c: {  	_ = 	snop  }
0x62d: {  	[tilespmem:s9], [sflag:$0x3] =	stream.indirect_vreg.gather [hbm4b:s2+s4], $0x80, v4, vm0, $0xb8;
	[tilespmem:$0x1B800] =	vst v63  }
0x62e: {  	s24 =	simm.s32 $0x17000  }
0x62f: {  	[tilespmem:s24], [sflag:$0x3] =	stream.indirect_vreg.gather [hbm4b:s14+s4], $0x80, v4, vm0, $0xb8;
	[tilespmem:$0x1B800] =	vst v63  }
0x630: {  	s26 =	simm.s32 $0x17800  }
0x631: {  	[tilespmem:s26], [sflag:$0x3] =	stream.indirect_vreg.gather [hbm4b:s16+s4], $0x80, v4, vm0, $0xb8;
	[tilespmem:$0x1B800] =	vst v63  }
0x632: {  	s8 =	simm.s32 $0x18000  }
0x633: {  	[tilespmem:s8], [sflag:$0x3] =	stream.indirect_vreg.gather [hbm4b:s18+s4], $0x80, v4, vm0, $0xb8;
	[tilespmem:$0x1B800] =	vst v63  }
0x634: {  	_ =	swait.ge [sflag:s11], $0x8000  }
0x635: {  	[sflag:s11] =	ssyncset.done $0x0;
	s8 =	rddreg [dreg:$0x1c]  }
0x636: {  	[sflag:s11] =	ssyncadd.s32 $0xFFFF8000;
	s10 =	sadd.s32 $0x400, s8  }
0x637: {  	[hbm4b:s8+s4] =	stream.linear.scatter [tilespmem:s22], [sflag:$0x4], $0x1C00, $0x38;
	[tilespmem:$0x1B800] =	vst v63  }
0x638: {  	s24 =	sadd.s32 $0x800, s8;
	s26 =	sadd.s32 $0xC00, s8;
	s8 =	sand.u32 $0x7, s4  }
0x639: {  	s6 =	sshll.u32 s8, $0x7  }
0x63a: {  	[hbm4b:s10+s4] =	stream.linear.scatter [tilespmem:s31], [sflag:$0x4], $0x1C00, $0x38;
	[tilespmem:$0x1B800] =	vst v63  }
0x63b: {  	s6 =	sadd.s32 $0x0, s6  }
0x63c: {  	[hbm4b:s24+s4] =	stream.linear.scatter [tilespmem:s12], [sflag:$0x4], $0x1C00, $0x38;
	[tilespmem:$0x1B800] =	vst v63  }
0x63d: {  	s10 =	sor.u32 $0x1C00, s6  }
0x63e: {  	[hbm4b:s26+s4] =	stream.linear.scatter [tilespmem:s1], [sflag:$0x4], $0x1C00, $0x38;
	[tilespmem:$0x1B800] =	vst v63  }
0x63f: {  	v4 =	vld [tilespmem:s10+$0x800];
	_ =	sdelay $0x3  }
0x640: {  	s8 =	simm.s32 $0x18830  }
0x641: {  	s10 =	sor.u32 $0x1C10, s6;
	[tilespmem:s8+$0xFFFFFFD0] =	vst v4  }
0x642: {  	v4 =	vld [tilespmem:s10+$0x800];
	_ =	sdelay $0x4  }
0x643: {  	s24 =	sor.u32 $0x1C20, s6;
	[tilespmem:s8+$0xFFFFFFE0] =	vst v4  }
0x644: {  	v4 =	vld [tilespmem:s24+$0x800];
	_ =	sdelay $0x4  }
0x645: {  	s26 =	sor.u32 $0x1C30, s6;
	[tilespmem:s8+$0xFFFFFFF0] =	vst v4  }
0x646: {  	v4 =	vld [tilespmem:s26+$0x800];
	_ =	sdelay $0x4  }
0x647: {  	s24 =	sor.u32 $0x1C40, s6;
	[tilespmem:s8+$0x0] =	vst v4  }
0x648: {  	v4 =	vld [tilespmem:s24+$0x800];
	_ =	sdelay $0x4  }
0x649: {  	s26 =	sor.u32 $0x1C50, s6;
	[tilespmem:s8+$0x10] =	vst v4  }
0x64a: {  	v4 =	vld [tilespmem:s26+$0x800];
	_ =	sdelay $0x4  }
0x64b: {  	s6 =	sor.u32 $0x1C60, s6;
	[tilespmem:s8+$0x20] =	vst v4  }
0x64c: {  	v5 =	vld.msk [tilespmem:s6+$0x800], $0xff;
	_ =	sdelay $0x3  }
0x64d: {  	s24 =	simm.s32 $0x1  }
0x64e: {  	s26 =	simm.s32 $0x100;
	v4 =	vperm.xlane v4, v3;
	s6 =	sand.u32 $0x7, s24;
	v5 =	vperm.xlane v5, v3  }
.LBB2_26:
0x64f: {  	p0 =	sne.s32 s26, $0xF80;
	s6 =	sshll.u32 s6, $0x7;
	s4 =	sadd.s32 $0x400, s4  }
0x650: {  	s6 =	sadd.s32 s6, s4;
	v4 =	vsel vm1, v4, v5  }
0x651: {  	s10 =	sor.u32 $0x1C00, s6;
	[tilespmem:s8+$0x28] =	vst v4  }
0x652: {  	v4 =	vld [tilespmem:s10+$0x800];
	_ =	sdelay $0x3  }
0x653: {  	s8 =	sadd.s32 $0x80, s8  }
0x654: {  	s10 =	sor.u32 $0x1C10, s6;
	[tilespmem:s8+$0xFFFFFFD0] =	vst v4  }
0x655: {  	v4 =	vld [tilespmem:s10+$0x800];
	_ =	sdelay $0x4  }
0x656: {  	s10 =	sor.u32 $0x1C20, s6;
	[tilespmem:s8+$0xFFFFFFE0] =	vst v4  }
0x657: {  	v4 =	vld [tilespmem:s10+$0x800];
	_ =	sdelay $0x4  }
0x658: {  	s10 =	sor.u32 $0x1C30, s6;
	[tilespmem:s8+$0xFFFFFFF0] =	vst v4  }
0x659: {  	v4 =	vld [tilespmem:s10+$0x800];
	_ =	sdelay $0x4  }
0x65a: {  	s10 =	sor.u32 $0x1C40, s6;
	[tilespmem:s8+$0x0] =	vst v4  }
0x65b: {  	v4 =	vld [tilespmem:s10+$0x800];
	_ =	sdelay $0x4  }
0x65c: {  	s10 =	sor.u32 $0x1C50, s6;
	[tilespmem:s8+$0x10] =	vst v4  }
0x65d: {  	v4 =	vld [tilespmem:s10+$0x800];
	_ =	sdelay $0x4  }
0x65e: {  	s6 =	sor.u32 $0x1C60, s6;
	[tilespmem:s8+$0x20] =	vst v4;
	v4 =	vperm.xlane v4, v3  }
0x65f: {  	v5 =	vld.msk [tilespmem:s6+$0x800], $0xff  }
.Ltmp12:
0x660: {  	(pc) =	sbr.rel @p0 .LBB2_26-.Ltmp12, $3  }
0x661: {  	_ =	sdelay $0x1  }
0x662: {  	s24 =	sadd.s32 $0x1, s24  }
0x663: {  	s26 =	sadd.s32 $0x80, s26;
	s6 =	sand.u32 $0x7, s24;
	v5 =	vperm.xlane v5, v3  }
0x664: {  	s6 =	sshll.u32 s6, $0x7;
	s4 =	sadd.s32 $0x400, s4  }
0x665: {  	s4 =	sadd.s32 s6, s4;
	v4 =	vsel vm1, v4, v5  }
0x666: {  	s6 =	sor.u32 $0x1C00, s4;
	[tilespmem:s8+$0x28] =	vst v4  }
0x667: {  	v4 =	vld [tilespmem:s6+$0x800];
	_ =	sdelay $0x3  }
0x668: {  	s6 =	sadd.s32 $0x80, s8  }
0x669: {  	s24 =	sor.u32 $0x1C10, s4;
	[tilespmem:s6+$0xFFFFFFD0] =	vst v4  }
0x66a: {  	v4 =	vld [tilespmem:s24+$0x800];
	_ =	sdelay $0x4  }
0x66b: {  	s26 =	sor.u32 $0x1C20, s4;
	[tilespmem:s6+$0xFFFFFFE0] =	vst v4  }
0x66c: {  	v4 =	vld [tilespmem:s26+$0x800];
	_ =	sdelay $0x4  }
0x66d: {  	s10 =	sor.u32 $0x1C30, s4;
	[tilespmem:s6+$0xFFFFFFF0] =	vst v4  }
0x66e: {  	v4 =	vld [tilespmem:s10+$0x800];
	_ =	sdelay $0x4  }
0x66f: {  	s24 =	sor.u32 $0x1C40, s4;
	[tilespmem:s6+$0x0] =	vst v4  }
0x670: {  	v4 =	vld [tilespmem:s24+$0x800];
	_ =	sdelay $0x4  }
0x671: {  	s26 =	sor.u32 $0x1C50, s4;
	[tilespmem:s6+$0x10] =	vst v4  }
0x672: {  	v4 =	vld [tilespmem:s26+$0x800];
	_ =	sdelay $0x4  }
0x673: {  	s4 =	sor.u32 $0x1C60, s4;
	[tilespmem:s6+$0x20] =	vst v4  }
0x674: {  	v5 =	vld.msk [tilespmem:s4+$0x800], $0xff;
	_ =	sdelay $0x4  }
0x675: {  	v4 =	vperm.xlane v4, v3;
	v5 =	vperm.xlane v5, v3;
	_ =	sdelay $0x1  }
0x676: {  	v4 =	vsel vm1, v4, v5  }
0x677: {  	s10 =	rddreg [dreg:$0x1d];
	s24 =	simm.s32 $0x18800;
	[tilespmem:s6+$0x28] =	vst v4  }
0x678: {  	[hbm4b:s10+s13] =	stream.strided.scatter [tilespmem:s24], [sflag:$0x7], $0x1000, s29, s13, $0x38;
	[tilespmem:$0x1B800] =	vst v63  }
0x679: {  	_ =	swait.ge [sflag:s15], $0x7000  }
0x67a: {  	[sflag:s15] =	ssyncset.done $0x0  }
0x67b: {  	[sflag:s15] =	ssyncadd.s32 $0xFFFF9000  }
0x67c: {  	_ =	swait.ge [sflag:s17], $0x1000  }
0x67d: {  	[sflag:s17] =	ssyncset.done $0x0  }
0x67e: {  	[sflag:s17] =	ssyncadd.s32 $0xFFFFF000  }
0x67f: {  	v4 =	vld [tilespmem:$0x780];
	_ =	sdelay $0x4  }
0x680: {  	v5 =	vshll.u32 v4, $0x3  }
0x681: {  	v4 =	vand.u32 $0x7, v4;
	v5 =	vand.u32 $0xFFFFFFC0, v5  }
0x682: {  	v4 =	vor.u32 v4, v5  }
0x683: {  	v5 =	vperm.xlane v4, v0;
	_ =	sdelay $0x1  }
0x684: {  	v5 =	vadd.s32 v1, v5;
	_ =	sdelay $0x3  }
0x685: {  	s4 =	simm.s32 $0x0  }
0x686: {  	[tilespmem:s22], [sflag:$0x1] =	stream.indirect_vreg.gather [hbm4b:s2+s4], $0x80, v5, vm0, $0xb8;
	[tilespmem:$0x1B800] =	vst v63  }
0x687: {  	s26 =	simm.s32 $0x1000;
	v4 =	vperm.xlane v4, v2  }
0x688: {  	[tilespmem:s26], [sflag:$0x1] =	stream.indirect_vreg.gather [hbm4b:s14+s4], $0x80, v5, vm0, $0xb8;
	[tilespmem:$0x1B800] =	vst v63  }
0x689: {  	s8 =	simm.s32 $0x1800;
	v4 =	vadd.s32 v1, v4  }
0x68a: {  	[tilespmem:s8], [sflag:$0x1] =	stream.indirect_vreg.gather [hbm4b:s16+s4], $0x80, v5, vm0, $0xb8;
	[tilespmem:$0x1B800] =	vst v63  }
0x68b: {  	_ = 	snop  }
0x68c: {  	[tilespmem:s29], [sflag:$0x1] =	stream.indirect_vreg.gather [hbm4b:s18+s4], $0x80, v5, vm0, $0xb8;
	[tilespmem:$0x1B800] =	vst v63  }
0x68d: {  	_ = 	snop  }
0x68e: {  	[tilespmem:s31], [sflag:$0x1] =	stream.indirect_vreg.gather [hbm4b:s2+s4], $0x80, v4, vm0, $0xb8;
	[tilespmem:$0x1B800] =	vst v63  }
0x68f: {  	s10 =	simm.s32 $0x3000  }
0x690: {  	[tilespmem:s10], [sflag:$0x1] =	stream.indirect_vreg.gather [hbm4b:s14+s4], $0x80, v4, vm0, $0xb8;
	[tilespmem:$0x1B800] =	vst v63  }
0x691: {  	s24 =	simm.s32 $0x3800  }
0x692: {  	[tilespmem:s24], [sflag:$0x1] =	stream.indirect_vreg.gather [hbm4b:s16+s4], $0x80, v4, vm0, $0xb8;
	[tilespmem:$0x1B800] =	vst v63  }
0x693: {  	s26 =	simm.s32 $0x4000  }
0x694: {  	[tilespmem:s26], [sflag:$0x1] =	stream.indirect_vreg.gather [hbm4b:s18+s4], $0x80, v4, vm0, $0xb8;
	[tilespmem:$0x1B800] =	vst v63  }
0x695: {  	v4 =	vld [tilespmem:$0x790];
	_ =	sdelay $0x4  }
0x696: {  	v5 =	vshll.u32 v4, $0x3  }
0x697: {  	v4 =	vand.u32 $0x7, v4;
	v5 =	vand.u32 $0xFFFFFFC0, v5  }
0x698: {  	v4 =	vor.u32 v4, v5  }
0x699: {  	v5 =	vperm.xlane v4, v0;
	_ =	sdelay $0x1  }
0x69a: {  	v5 =	vadd.s32 v1, v5;
	_ =	sdelay $0x4  }
0x69b: {  	[tilespmem:s12], [sflag:$0x1] =	stream.indirect_vreg.gather [hbm4b:s2+s4], $0x80, v5, vm0, $0xb8;
	[tilespmem:$0x1B800] =	vst v63  }
0x69c: {  	s8 =	simm.s32 $0x5000;
	v4 =	vperm.xlane v4, v2  }
0x69d: {  	[tilespmem:s8], [sflag:$0x1] =	stream.indirect_vreg.gather [hbm4b:s14+s4], $0x80, v5, vm0, $0xb8;
	[tilespmem:$0x1B800] =	vst v63  }
0x69e: {  	s10 =	simm.s32 $0x5800;
	v4 =	vadd.s32 v1, v4  }
0x69f: {  	[tilespmem:s10], [sflag:$0x1] =	stream.indirect_vreg.gather [hbm4b:s16+s4], $0x80, v5, vm0, $0xb8;
	[tilespmem:$0x1B800] =	vst v63  }
0x6a0: {  	s24 =	simm.s32 $0x6000  }
0x6a1: {  	[tilespmem:s24], [sflag:$0x1] =	stream.indirect_vreg.gather [hbm4b:s18+s4], $0x80, v5, vm0, $0xb8;
	[tilespmem:$0x1B800] =	vst v63  }
0x6a2: {  	_ = 	snop  }
0x6a3: {  	[tilespmem:s1], [sflag:$0x1] =	stream.indirect_vreg.gather [hbm4b:s2+s4], $0x80, v4, vm0, $0xb8;
	[tilespmem:$0x1B800] =	vst v63  }
0x6a4: {  	s26 =	simm.s32 $0x7000  }
0x6a5: {  	[tilespmem:s26], [sflag:$0x1] =	stream.indirect_vreg.gather [hbm4b:s14+s4], $0x80, v4, vm0, $0xb8;
	[tilespmem:$0x1B800] =	vst v63  }
0x6a6: {  	s8 =	simm.s32 $0x7800  }
0x6a7: {  	[tilespmem:s8], [sflag:$0x1] =	stream.indirect_vreg.gather [hbm4b:s16+s4], $0x80, v4, vm0, $0xb8;
	[tilespmem:$0x1B800] =	vst v63  }
0x6a8: {  	s10 =	simm.s32 $0x8000  }
0x6a9: {  	[tilespmem:s10], [sflag:$0x1] =	stream.indirect_vreg.gather [hbm4b:s18+s4], $0x80, v4, vm0, $0xb8;
	[tilespmem:$0x1B800] =	vst v63  }
0x6aa: {  	_ =	swait.ge [sflag:s19], $0x8000  }
0x6ab: {  	[sflag:s19] =	ssyncset.done $0x0  }
0x6ac: {  	s24 =	simm.s32 $0x8800;
	s8 =	rddreg [dreg:$0x1e];
	[sflag:s19] =	ssyncadd.s32 $0xFFFF8000  }
0x6ad: {  	[hbm4b:s8+s4] =	stream.linear.scatter [tilespmem:s24], [sflag:$0x5], $0x1C00, $0x38;
	[tilespmem:$0x1B800] =	vst v63  }
0x6ae: {  	s10 =	simm.s32 $0xA800;
	s26 =	sadd.s32 $0x400, s8  }
0x6af: {  	[hbm4b:s26+s4] =	stream.linear.scatter [tilespmem:s10], [sflag:$0x5], $0x1C00, $0x38;
	[tilespmem:$0x1B800] =	vst v63  }
0x6b0: {  	s24 =	sadd.s32 $0x800, s8;
	s26 =	simm.s32 $0xC800  }
0x6b1: {  	[hbm4b:s24+s4] =	stream.linear.scatter [tilespmem:s26], [sflag:$0x5], $0x1C00, $0x38;
	[tilespmem:$0x1B800] =	vst v63  }
0x6b2: {  	s8 =	sadd.s32 $0xC00, s8;
	s10 =	simm.s32 $0xE800  }
0x6b3: {  	[hbm4b:s8+s4] =	stream.linear.scatter [tilespmem:s10], [sflag:$0x5], $0x1C00, $0x38;
	[tilespmem:$0x1B800] =	vst v63  }
0x6b4: {  	s4 =	sor.u32 s4, s4  }
0x6b5: {  	s24 =	sor.u32 $0x9C00, s4  }
0x6b6: {  	v4 =	vld [tilespmem:s24+$0x800];
	_ =	sdelay $0x3  }
0x6b7: {  	s4 =	simm.s32 $0x19858  }
0x6b8: {  	[tilespmem:s4+$0xFFFFFFA8] =	vst v4  }
0x6b9: {  	v4 =	vld [tilespmem:s24+$0x810];
	_ =	sdelay $0x4  }
0x6ba: {  	[tilespmem:s4+$0xFFFFFFB8] =	vst v4  }
0x6bb: {  	v4 =	vld [tilespmem:s24+$0x820];
	_ =	sdelay $0x4  }
0x6bc: {  	[tilespmem:s4+$0xFFFFFFC8] =	vst v4  }
0x6bd: {  	v4 =	vld [tilespmem:s24+$0x830];
	_ =	sdelay $0x4  }
0x6be: {  	[tilespmem:s4+$0xFFFFFFD8] =	vst v4  }
0x6bf: {  	v4 =	vld [tilespmem:s24+$0x840];
	_ =	sdelay $0x4  }
0x6c0: {  	[tilespmem:s4+$0xFFFFFFE8] =	vst v4  }
0x6c1: {  	v4 =	vld [tilespmem:s24+$0x850];
	_ =	sdelay $0x4  }
0x6c2: {  	[tilespmem:s4+$0xFFFFFFF8] =	vst v4  }
0x6c3: {  	v5 =	vld.msk [tilespmem:s24+$0x860], $0xff;
	_ =	sdelay $0x4  }
0x6c4: {  	v4 =	vperm.xlane v4, v3;
	v5 =	vperm.xlane v5, v3  }
0x6c5: {  	s26 =	simm.s32 $0x400;
	s8 =	simm.s32 $0x80  }
0x6c6: {  	s6 =	sor.u32 s26, s8;
	s24 =	simm.s32 $0x800;
	v4 =	vsel vm1, v4, v5  }
.LBB2_28:
0x6c7: {  	p0 =	sne.s32 s24, $0x7C00;
	s6 =	sor.u32 $0x9C00, s6;
	[tilespmem:s4+$0x0] =	vst v4  }
0x6c8: {  	v4 =	vld [tilespmem:s6+$0x800];
	_ =	sdelay $0x3  }
0x6c9: {  	s4 =	sadd.s32 $0x80, s4  }
0x6ca: {  	[tilespmem:s4+$0xFFFFFFA8] =	vst v4  }
0x6cb: {  	v4 =	vld [tilespmem:s6+$0x810];
	_ =	sdelay $0x4  }
0x6cc: {  	[tilespmem:s4+$0xFFFFFFB8] =	vst v4  }
0x6cd: {  	v4 =	vld [tilespmem:s6+$0x820];
	_ =	sdelay $0x4  }
0x6ce: {  	[tilespmem:s4+$0xFFFFFFC8] =	vst v4  }
0x6cf: {  	v4 =	vld [tilespmem:s6+$0x830];
	_ =	sdelay $0x4  }
0x6d0: {  	[tilespmem:s4+$0xFFFFFFD8] =	vst v4  }
0x6d1: {  	v4 =	vld [tilespmem:s6+$0x840];
	_ =	sdelay $0x4  }
0x6d2: {  	[tilespmem:s4+$0xFFFFFFE8] =	vst v4  }
0x6d3: {  	v4 =	vld [tilespmem:s6+$0x850];
	_ =	sdelay $0x4  }
0x6d4: {  	[tilespmem:s4+$0xFFFFFFF8] =	vst v4;
	v4 =	vperm.xlane v4, v3  }
0x6d5: {  	v5 =	vld.msk [tilespmem:s6+$0x860], $0xff;
	_ =	sdelay $0x2  }
.Ltmp13:
0x6d6: {  	(pc) =	sbr.rel @p0 .LBB2_28-.Ltmp13, $4  }
0x6d7: {  	_ = 	snop  }
0x6d8: {  	v5 =	vperm.xlane v5, v3  }
0x6d9: {  	s8 =	sadd.s32 $0x80, s8  }
0x6da: {  	s6 =	sor.u32 s24, s8;
	s24 =	sadd.s32 $0x400, s24;
	v4 =	vsel vm1, v4, v5  }
0x6db: {  	s6 =	sor.u32 $0x9C00, s6;
	[tilespmem:s4+$0x0] =	vst v4  }
0x6dc: {  	v4 =	vld [tilespmem:s6+$0x800];
	_ =	sdelay $0x3  }
0x6dd: {  	s26 =	sadd.s32 $0x80, s4  }
0x6de: {  	[tilespmem:s26+$0xFFFFFFA8] =	vst v4  }
0x6df: {  	v4 =	vld [tilespmem:s6+$0x810];
	_ =	sdelay $0x4  }
0x6e0: {  	[tilespmem:s26+$0xFFFFFFB8] =	vst v4  }
0x6e1: {  	v4 =	vld [tilespmem:s6+$0x820];
	_ =	sdelay $0x4  }
0x6e2: {  	[tilespmem:s26+$0xFFFFFFC8] =	vst v4  }
0x6e3: {  	v4 =	vld [tilespmem:s6+$0x830];
	_ =	sdelay $0x4  }
0x6e4: {  	[tilespmem:s26+$0xFFFFFFD8] =	vst v4  }
0x6e5: {  	v4 =	vld [tilespmem:s6+$0x840];
	_ =	sdelay $0x4  }
0x6e6: {  	[tilespmem:s26+$0xFFFFFFE8] =	vst v4  }
0x6e7: {  	v4 =	vld [tilespmem:s6+$0x850];
	_ =	sdelay $0x4  }
0x6e8: {  	[tilespmem:s26+$0xFFFFFFF8] =	vst v4  }
0x6e9: {  	v5 =	vld.msk [tilespmem:s6+$0x860], $0xff;
	_ =	sdelay $0x4  }
0x6ea: {  	v4 =	vperm.xlane v4, v3;
	v5 =	vperm.xlane v5, v3;
	_ =	sdelay $0x1  }
0x6eb: {  	v4 =	vsel vm1, v4, v5  }
0x6ec: {  	s8 =	rddreg [dreg:$0x1f];
	s10 =	simm.s32 $0x19800;
	[tilespmem:s26+$0x0] =	vst v4  }
0x6ed: {  	[hbm4b:s8+s13] =	stream.strided.scatter [tilespmem:s10], [sflag:$0x8], $0x1000, s29, s13, $0x38;
	[tilespmem:$0x1B800] =	vst v63  }
0x6ee: {  	_ =	swait.ge [sflag:s25], $0x8000  }
0x6ef: {  	s8 =	sld [smem:$0x7F9]  }
0x6f0: {  	[sflag:s25] =	ssyncset.done $0x0  }
0x6f1: {  	s4 =	simm.s32 $0x0;
	[sflag:s25] =	ssyncadd.s32 $0xFFFF8000  }
0x6f2: {  	[hbm4b:s8+s4] =	stream.linear.scatter [tilespmem:s20], [sflag:$0x6], $0x1C00, $0x38;
	[tilespmem:$0x1B800] =	vst v63  }
0x6f3: {  	s24 =	sadd.s32 $0x400, s8  }
0x6f4: {  	[hbm4b:s24+s4] =	stream.linear.scatter [tilespmem:s5], [sflag:$0x6], $0x1C00, $0x38;
	[tilespmem:$0x1B800] =	vst v63  }
0x6f5: {  	s26 =	sadd.s32 $0x800, s8  }
0x6f6: {  	[hbm4b:s26+s4] =	stream.linear.scatter [tilespmem:s7], [sflag:$0x6], $0x1C00, $0x38;
	[tilespmem:$0x1B800] =	vst v63  }
0x6f7: {  	s10 =	sadd.s32 $0xC00, s8  }
0x6f8: {  	[hbm4b:s10+s4] =	stream.linear.scatter [tilespmem:s9], [sflag:$0x6], $0x1C00, $0x38;
	[tilespmem:$0x1B800] =	vst v63  }
0x6f9: {  	s4 =	sor.u32 s4, s4  }
0x6fa: {  	s24 =	sor.u32 $0x11C00, s4  }
0x6fb: {  	v4 =	vld [tilespmem:s24+$0x800];
	_ =	sdelay $0x3  }
0x6fc: {  	s4 =	simm.s32 $0x1A858  }
0x6fd: {  	[tilespmem:s4+$0xFFFFFFA8] =	vst v4  }
0x6fe: {  	v4 =	vld [tilespmem:s24+$0x810];
	_ =	sdelay $0x4  }
0x6ff: {  	[tilespmem:s4+$0xFFFFFFB8] =	vst v4  }
0x700: {  	v4 =	vld [tilespmem:s24+$0x820];
	_ =	sdelay $0x4  }
0x701: {  	[tilespmem:s4+$0xFFFFFFC8] =	vst v4  }
0x702: {  	v4 =	vld [tilespmem:s24+$0x830];
	_ =	sdelay $0x4  }
0x703: {  	[tilespmem:s4+$0xFFFFFFD8] =	vst v4  }
0x704: {  	v4 =	vld [tilespmem:s24+$0x840];
	_ =	sdelay $0x4  }
0x705: {  	[tilespmem:s4+$0xFFFFFFE8] =	vst v4  }
0x706: {  	v4 =	vld [tilespmem:s24+$0x850];
	_ =	sdelay $0x4  }
0x707: {  	[tilespmem:s4+$0xFFFFFFF8] =	vst v4  }
0x708: {  	v5 =	vld.msk [tilespmem:s24+$0x860], $0xff;
	_ =	sdelay $0x4  }
0x709: {  	v4 =	vperm.xlane v4, v3;
	v5 =	vperm.xlane v5, v3  }
0x70a: {  	s8 =	simm.s32 $0x80;
	s26 =	simm.s32 $0x400  }
0x70b: {  	s6 =	sor.u32 s26, s8;
	s24 =	simm.s32 $0x800;
	v4 =	vsel vm1, v4, v5  }
.LBB2_30:
0x70c: {  	p0 =	sne.s32 s24, $0x7C00;
	s6 =	sor.u32 $0x11C00, s6;
	[tilespmem:s4+$0x0] =	vst v4  }
0x70d: {  	v4 =	vld [tilespmem:s6+$0x800];
	_ =	sdelay $0x3  }
0x70e: {  	s4 =	sadd.s32 $0x80, s4  }
0x70f: {  	[tilespmem:s4+$0xFFFFFFA8] =	vst v4  }
0x710: {  	v4 =	vld [tilespmem:s6+$0x810];
	_ =	sdelay $0x4  }
0x711: {  	[tilespmem:s4+$0xFFFFFFB8] =	vst v4  }
0x712: {  	v4 =	vld [tilespmem:s6+$0x820];
	_ =	sdelay $0x4  }
0x713: {  	[tilespmem:s4+$0xFFFFFFC8] =	vst v4  }
0x714: {  	v4 =	vld [tilespmem:s6+$0x830];
	_ =	sdelay $0x4  }
0x715: {  	[tilespmem:s4+$0xFFFFFFD8] =	vst v4  }
0x716: {  	v4 =	vld [tilespmem:s6+$0x840];
	_ =	sdelay $0x4  }
0x717: {  	[tilespmem:s4+$0xFFFFFFE8] =	vst v4  }
0x718: {  	v4 =	vld [tilespmem:s6+$0x850];
	_ =	sdelay $0x4  }
0x719: {  	[tilespmem:s4+$0xFFFFFFF8] =	vst v4;
	v4 =	vperm.xlane v4, v3  }
0x71a: {  	v5 =	vld.msk [tilespmem:s6+$0x860], $0xff;
	_ =	sdelay $0x2  }
.Ltmp14:
0x71b: {  	(pc) =	sbr.rel @p0 .LBB2_30-.Ltmp14, $4  }
0x71c: {  	_ = 	snop  }
0x71d: {  	v5 =	vperm.xlane v5, v3  }
0x71e: {  	s8 =	sadd.s32 $0x80, s8  }
0x71f: {  	s6 =	sor.u32 s24, s8;
	s24 =	sadd.s32 $0x400, s24;
	v4 =	vsel vm1, v4, v5  }
0x720: {  	s6 =	sor.u32 $0x11C00, s6;
	[tilespmem:s4+$0x0] =	vst v4  }
0x721: {  	v4 =	vld [tilespmem:s6+$0x800];
	_ =	sdelay $0x3  }
0x722: {  	s26 =	sadd.s32 $0x80, s4  }
0x723: {  	[tilespmem:s26+$0xFFFFFFA8] =	vst v4  }
0x724: {  	v4 =	vld [tilespmem:s6+$0x810];
	_ =	sdelay $0x4  }
0x725: {  	[tilespmem:s26+$0xFFFFFFB8] =	vst v4  }
0x726: {  	v4 =	vld [tilespmem:s6+$0x820];
	_ =	sdelay $0x4  }
0x727: {  	[tilespmem:s26+$0xFFFFFFC8] =	vst v4  }
0x728: {  	v4 =	vld [tilespmem:s6+$0x830];
	_ =	sdelay $0x4  }
0x729: {  	[tilespmem:s26+$0xFFFFFFD8] =	vst v4  }
0x72a: {  	v4 =	vld [tilespmem:s6+$0x840];
	_ =	sdelay $0x4  }
0x72b: {  	[tilespmem:s26+$0xFFFFFFE8] =	vst v4  }
0x72c: {  	v4 =	vld [tilespmem:s6+$0x850];
	_ =	sdelay $0x4  }
0x72d: {  	[tilespmem:s26+$0xFFFFFFF8] =	vst v4  }
0x72e: {  	v5 =	vld.msk [tilespmem:s6+$0x860], $0xff;
	_ =	sdelay $0x4  }
0x72f: {  	v4 =	vperm.xlane v4, v3;
	v5 =	vperm.xlane v5, v3  }
0x730: {  	s6 =	sld [smem:$0x7FA]  }
0x731: {  	v4 =	vsel vm1, v4, v5  }
0x732: {  	s8 =	simm.s32 $0x1A800;
	[tilespmem:s26+$0x0] =	vst v4  }
0x733: {  	[hbm4b:s6+s13] =	stream.strided.scatter [tilespmem:s8], [sflag:$0x9], $0x1000, s29, s13, $0x38;
	[tilespmem:$0x1B800] =	vst v63  }
0x734: {  	_ =	swait.ge [sflag:s11], $0x8000  }
0x735: {  	s8 =	sld [smem:$0x7FB]  }
0x736: {  	[sflag:s11] =	ssyncset.done $0x0  }
0x737: {  	s4 =	simm.s32 $0x0;
	[sflag:s11] =	ssyncadd.s32 $0xFFFF8000  }
0x738: {  	[hbm4b:s8+s4] =	stream.linear.scatter [tilespmem:s22], [sflag:$0x4], $0x1C00, $0x38;
	[tilespmem:$0x1B800] =	vst v63  }
0x739: {  	s10 =	sadd.s32 $0x400, s8  }
0x73a: {  	s24 =	sadd.s32 $0x800, s8;
	s26 =	sadd.s32 $0xC00, s8;
	s8 =	sand.u32 $0x7, s4  }
0x73b: {  	s6 =	sshll.u32 s8, $0x7  }
0x73c: {  	[hbm4b:s10+s4] =	stream.linear.scatter [tilespmem:s31], [sflag:$0x4], $0x1C00, $0x38;
	[tilespmem:$0x1B800] =	vst v63  }
0x73d: {  	s6 =	sadd.s32 $0x0, s6  }
0x73e: {  	[hbm4b:s24+s4] =	stream.linear.scatter [tilespmem:s12], [sflag:$0x4], $0x1C00, $0x38;
	[tilespmem:$0x1B800] =	vst v63  }
0x73f: {  	s10 =	sor.u32 $0x1C00, s6  }
0x740: {  	[hbm4b:s26+s4] =	stream.linear.scatter [tilespmem:s1], [sflag:$0x4], $0x1C00, $0x38;
	[tilespmem:$0x1B800] =	vst v63  }
0x741: {  	v4 =	vld [tilespmem:s10+$0x800];
	_ =	sdelay $0x3  }
0x742: {  	s8 =	simm.s32 $0x18830  }
0x743: {  	s10 =	sor.u32 $0x1C10, s6;
	[tilespmem:s8+$0xFFFFFFD0] =	vst v4  }
0x744: {  	v4 =	vld [tilespmem:s10+$0x800];
	_ =	sdelay $0x4  }
0x745: {  	s24 =	sor.u32 $0x1C20, s6;
	[tilespmem:s8+$0xFFFFFFE0] =	vst v4  }
0x746: {  	v4 =	vld [tilespmem:s24+$0x800];
	_ =	sdelay $0x4  }
0x747: {  	s26 =	sor.u32 $0x1C30, s6;
	[tilespmem:s8+$0xFFFFFFF0] =	vst v4  }
0x748: {  	v4 =	vld [tilespmem:s26+$0x800];
	_ =	sdelay $0x4  }
0x749: {  	s24 =	sor.u32 $0x1C40, s6;
	[tilespmem:s8+$0x0] =	vst v4  }
0x74a: {  	v4 =	vld [tilespmem:s24+$0x800];
	_ =	sdelay $0x4  }
0x74b: {  	s26 =	sor.u32 $0x1C50, s6;
	[tilespmem:s8+$0x10] =	vst v4  }
0x74c: {  	v4 =	vld [tilespmem:s26+$0x800];
	_ =	sdelay $0x4  }
0x74d: {  	s6 =	sor.u32 $0x1C60, s6;
	[tilespmem:s8+$0x20] =	vst v4  }
0x74e: {  	v5 =	vld.msk [tilespmem:s6+$0x800], $0xff;
	_ =	sdelay $0x3  }
0x74f: {  	s24 =	simm.s32 $0x1  }
0x750: {  	s26 =	simm.s32 $0x100;
	v4 =	vperm.xlane v4, v3;
	s6 =	sand.u32 $0x7, s24;
	v5 =	vperm.xlane v5, v3  }
.LBB2_32:
0x751: {  	p0 =	sne.s32 s26, $0xF80;
	s6 =	sshll.u32 s6, $0x7;
	s4 =	sadd.s32 $0x400, s4  }
0x752: {  	s6 =	sadd.s32 s6, s4;
	v4 =	vsel vm1, v4, v5  }
0x753: {  	s10 =	sor.u32 $0x1C00, s6;
	[tilespmem:s8+$0x28] =	vst v4  }
0x754: {  	v4 =	vld [tilespmem:s10+$0x800];
	_ =	sdelay $0x3  }
0x755: {  	s8 =	sadd.s32 $0x80, s8  }
0x756: {  	s10 =	sor.u32 $0x1C10, s6;
	[tilespmem:s8+$0xFFFFFFD0] =	vst v4  }
0x757: {  	v4 =	vld [tilespmem:s10+$0x800];
	_ =	sdelay $0x4  }
0x758: {  	s10 =	sor.u32 $0x1C20, s6;
	[tilespmem:s8+$0xFFFFFFE0] =	vst v4  }
0x759: {  	v4 =	vld [tilespmem:s10+$0x800];
	_ =	sdelay $0x4  }
0x75a: {  	s10 =	sor.u32 $0x1C30, s6;
	[tilespmem:s8+$0xFFFFFFF0] =	vst v4  }
0x75b: {  	v4 =	vld [tilespmem:s10+$0x800];
	_ =	sdelay $0x4  }
0x75c: {  	s10 =	sor.u32 $0x1C40, s6;
	[tilespmem:s8+$0x0] =	vst v4  }
0x75d: {  	v4 =	vld [tilespmem:s10+$0x800];
	_ =	sdelay $0x4  }
0x75e: {  	s10 =	sor.u32 $0x1C50, s6;
	[tilespmem:s8+$0x10] =	vst v4  }
0x75f: {  	v4 =	vld [tilespmem:s10+$0x800];
	_ =	sdelay $0x4  }
0x760: {  	s6 =	sor.u32 $0x1C60, s6;
	[tilespmem:s8+$0x20] =	vst v4;
	v4 =	vperm.xlane v4, v3  }
0x761: {  	v5 =	vld.msk [tilespmem:s6+$0x800], $0xff  }
.Ltmp15:
0x762: {  	(pc) =	sbr.rel @p0 .LBB2_32-.Ltmp15, $3  }
0x763: {  	_ =	sdelay $0x1  }
0x764: {  	s24 =	sadd.s32 $0x1, s24  }
0x765: {  	s26 =	sadd.s32 $0x80, s26;
	s6 =	sand.u32 $0x7, s24;
	v5 =	vperm.xlane v5, v3  }
0x766: {  	s6 =	sshll.u32 s6, $0x7;
	s4 =	sadd.s32 $0x400, s4  }
0x767: {  	s4 =	sadd.s32 s6, s4;
	v4 =	vsel vm1, v4, v5  }
0x768: {  	s6 =	sor.u32 $0x1C00, s4;
	[tilespmem:s8+$0x28] =	vst v4  }
0x769: {  	v4 =	vld [tilespmem:s6+$0x800];
	_ =	sdelay $0x3  }
0x76a: {  	s6 =	sadd.s32 $0x80, s8  }
0x76b: {  	s24 =	sor.u32 $0x1C10, s4;
	[tilespmem:s6+$0xFFFFFFD0] =	vst v4  }
0x76c: {  	v4 =	vld [tilespmem:s24+$0x800];
	_ =	sdelay $0x4  }
0x76d: {  	s26 =	sor.u32 $0x1C20, s4;
	[tilespmem:s6+$0xFFFFFFE0] =	vst v4  }
0x76e: {  	v4 =	vld [tilespmem:s26+$0x800];
	_ =	sdelay $0x4  }
0x76f: {  	s10 =	sor.u32 $0x1C30, s4;
	[tilespmem:s6+$0xFFFFFFF0] =	vst v4  }
0x770: {  	v4 =	vld [tilespmem:s10+$0x800];
	_ =	sdelay $0x4  }
0x771: {  	s24 =	sor.u32 $0x1C40, s4;
	[tilespmem:s6+$0x0] =	vst v4  }
0x772: {  	v4 =	vld [tilespmem:s24+$0x800];
	_ =	sdelay $0x4  }
0x773: {  	s26 =	sor.u32 $0x1C50, s4;
	[tilespmem:s6+$0x10] =	vst v4  }
0x774: {  	v4 =	vld [tilespmem:s26+$0x800];
	_ =	sdelay $0x4  }
0x775: {  	s4 =	sor.u32 $0x1C60, s4;
	[tilespmem:s6+$0x20] =	vst v4  }
0x776: {  	v5 =	vld.msk [tilespmem:s4+$0x800], $0xff;
	_ =	sdelay $0x4  }
0x777: {  	v4 =	vperm.xlane v4, v3;
	v5 =	vperm.xlane v5, v3  }
0x778: {  	s10 =	sld [smem:$0x7FC]  }
0x779: {  	v4 =	vsel vm1, v4, v5  }
0x77a: {  	s24 =	simm.s32 $0x18800;
	[tilespmem:s6+$0x28] =	vst v4  }
0x77b: {  	[hbm4b:s10+s13] =	stream.strided.scatter [tilespmem:s24], [sflag:$0x7], $0x1000, s29, s13, $0x38;
	[tilespmem:$0x1B800] =	vst v63  }
0x77c: {  	_ =	swait.ge [sflag:s15], $0x7000  }
0x77d: {  	[sflag:s15] =	ssyncset.done $0x0  }
0x77e: {  	[sflag:s15] =	ssyncadd.s32 $0xFFFF9000  }
0x77f: {  	_ =	swait.ge [sflag:s17], $0x1000  }
0x780: {  	[sflag:s17] =	ssyncset.done $0x0  }
0x781: {  	[sflag:s17] =	ssyncadd.s32 $0xFFFFF000  }
0x782: {  	_ =	swait.ge [sflag:s21], $0x7000  }
0x783: {  	[sflag:s21] =	ssyncset.done $0x0  }
0x784: {  	[sflag:s21] =	ssyncadd.s32 $0xFFFF9000  }
0x785: {  	_ =	swait.ge [sflag:s23], $0x1000  }
0x786: {  	[sflag:s23] =	ssyncset.done $0x0  }
0x787: {  	[sflag:s23] =	ssyncadd.s32 $0xFFFFF000  }
0x788: {  	_ =	swait.ge [sflag:s28], $0x7000  }
0x789: {  	[sflag:s28] =	ssyncset.done $0x0  }
0x78a: {  	[sflag:s28] =	ssyncadd.s32 $0xFFFF9000  }
0x78b: {  	_ =	swait.ge [sflag:s30], $0x1000  }
0x78c: {  	s26 =	sld [smem:$0x7FD];
	_ =	sdelay $0x1  }
0x78d: {  	s0 =	sadd.s32 $0x1, s0  }
0x78e: {  	p0 =	sne.s32 s0, s26  }
.Ltmp16:
0x78f: {  	_ = 	snop;
	(pc) =	sbr.rel @p0 .LBB2_1-.Ltmp16, $3  }
0x790: {  	_ =	sdelay $0x1  }
0x791: {  	[sflag:s30] =	ssyncset.done $0x0  }
0x792: {  	[sflag:s30] =	ssyncadd.s32 $0xFFFFF000  }
0x793: {  	_ =	sfence.sel $0x180000  }
0x794: {  	[bflag:$0x0] =	sbarrier.arrive $0xFFFF  }
0x795: {  	_ =	strace $0x90000047  }
0x796: {  	s0 =	stileid.u32;
	[bflag:$0x2] =	sbarrier.arrive $0xFFFF  }
0x797: {  	p0 =	sne.s32 s0, $0x0;
	s0 =	rddreg [dreg:$0x2]  }
0x798: {  	s0 =	sadd.s32 @!p0 $0x100000, s0  }
0x799: {  	[sflag:s0] =	ssyncadd.tile.s32 @!p0 $0x1;
	_ =	shalt  }
.Lfunc_end2:
_tile_overlayer_lowered:
.L_overlay_start_2:
0x79a: {  	(tag) =	ssettag $0x2  }
0x79b: {  	s0 =	rddreg [dreg:$0x0];
	s2 =	stileid.u32  }
0x79c: {  	s1 =	rddreg [dreg:$0x1];
	p0 =	sne.s32 s2, $0x0  }
0x79d: {  	s3 =	rddreg [dreg:$0x2];
	[bflag:$0x3] =	sbarrier.arrive $0xFFFF;
	s2 =	simm.s32 @!p0 $0x1C0A  }
0x79e: {  	[timem:s3], [sflag:s2] =	dma.local @!p0 [hbm:s0], s1  }
0x79f: {  	s0 =	simm.s32 @!p0 $0xA  }
0x7a0: {  	_ =	swait.ge @!p0 [sflag:s0], s1  }
0x7a1: {  	s1 =	ssub.s32 @!p0 $0x0, s1;
	[sflag:s0] =	ssyncset.done @!p0 $0x0  }
0x7a2: {  	[sflag:s0] =	ssyncadd.s32 @!p0 s1  }
0x7a3: {  	[bflag:$0x3] =	sbarrier.arrive $0xFFFF  }
0x7a4: {  	_ =	shalt  }

</sc_bundles>
